<compile_context>
chip_gen: v7x
topology: tpu7x:2x2x1
jax: 0.10.2.dev20260603
libtpu: 0.0.44.dev20260713+nightly
codegen_flags: <defaults>
</compile_context>

<pallas_src>
import functools

import jax
import jax.numpy as jnp
from jax import lax
from jax.experimental import pallas as pl
from jax.experimental.pallas import tpu as pltpu
from jax.experimental.pallas import tpu_sc as plsc

N = 10000
E = 320000
DF = 128
DH = 128
DEF = 20
NC, NS = 2, 16
NW = NC * NS
EPW = E // NW
K = 40
NBLK = EPW // K
KC = 80
NPAD = 10240
RPT = NPAD // NS



def _tc_pre_body(child_ref, exists_ref, wct_ref, bc_ref, w1t_ref, w2t_ref,
                 a_ref, b_ref, psum_ref, esum_ref):
    i = pl.program_id(0)
    x = child_ref[...]
    cf = jnp.maximum(
        jnp.dot(x, wct_ref[...], preferred_element_type=jnp.float32)
        + bc_ref[...], 0.0) * exists_ref[...]
    a_ref[...] = jnp.dot(cf, w1t_ref[...], preferred_element_type=jnp.float32)
    b_ref[...] = jnp.dot(cf, w2t_ref[...], preferred_element_type=jnp.float32)
    ps = jnp.sum(cf, axis=0, keepdims=True)
    es = jnp.sum(exists_ref[...], axis=0, keepdims=True)

    @pl.when(i == 0)
    def _():
        psum_ref[...] = ps
        esum_ref[...] = es

    @pl.when(i > 0)
    def _():
        psum_ref[...] += ps
        esum_ref[...] += es


def _tc_pre(child, exists, wct, bc, w1t, w2t):
    blk = 2000
    grid = (N // blk,)
    return pl.pallas_call(
        _tc_pre_body,
        grid=grid,
        in_specs=[
            pl.BlockSpec((blk, DF), lambda i: (i, 0)),
            pl.BlockSpec((blk, 1), lambda i: (i, 0)),
            pl.BlockSpec((DF, DH), lambda i: (0, 0)),
            pl.BlockSpec((1, DH), lambda i: (0, 0)),
            pl.BlockSpec((DH, DH), lambda i: (0, 0)),
            pl.BlockSpec((DH, DH), lambda i: (0, 0)),
        ],
        out_specs=[
            pl.BlockSpec((blk, DH), lambda i: (i, 0)),
            pl.BlockSpec((blk, DH), lambda i: (i, 0)),
            pl.BlockSpec((1, DH), lambda i: (0, 0)),
            pl.BlockSpec((1, 1), lambda i: (0, 0)),
        ],
        out_shape=[
            jax.ShapeDtypeStruct((N, DH), jnp.float32),
            jax.ShapeDtypeStruct((N, DH), jnp.float32),
            jax.ShapeDtypeStruct((1, DH), jnp.float32),
            jax.ShapeDtypeStruct((1, 1), jnp.float32),
        ],
    )(child, exists, wct, bc, w1t, w2t)


def _tc_edgeproj_body(ef_ref, w3t_ref, bne_ref, c_ref):
    c_ref[...] = (
        jnp.dot(ef_ref[...], w3t_ref[...], preferred_element_type=jnp.float32)
        + bne_ref[...])


def _tc_edgeproj(ef, w3t, bne):
    blk = 8000
    return pl.pallas_call(
        _tc_edgeproj_body,
        grid=(E // blk,),
        in_specs=[
            pl.BlockSpec((blk, DEF), lambda i: (i, 0)),
            pl.BlockSpec((DEF, DH), lambda i: (0, 0)),
            pl.BlockSpec((1, DH), lambda i: (0, 0)),
        ],
        out_specs=pl.BlockSpec((blk, DH), lambda i: (i, 0)),
        out_shape=jax.ShapeDtypeStruct((E, DH), jnp.float32),
    )(ef, w3t, bne)


def _tc_mid_body(p0_ref, p1_ref, cnt_ref, ones_ref, w1t_ref, w2t_ref,
                 a_ref, b_ref, psum_ref):
    i = pl.program_id(0)
    counts = lax.dot_general(cnt_ref[...], ones_ref[...],
                             (((0,), (0,)), ((), ())),
                             preferred_element_type=jnp.float32)
    cf = (p0_ref[...] + p1_ref[...]) / jnp.maximum(counts, 1.0)
    a_ref[...] = jnp.dot(cf, w1t_ref[...], preferred_element_type=jnp.float32)
    b_ref[...] = jnp.dot(cf, w2t_ref[...], preferred_element_type=jnp.float32)
    ps = jnp.sum(cf, axis=0, keepdims=True)

    @pl.when(i == 0)
    def _():
        psum_ref[...] = ps

    @pl.when(i > 0)
    def _():
        psum_ref[...] += ps


def _tc_mid(p0, p1, cnts, ones, w1t, w2t):
    blk = 2048
    return pl.pallas_call(
        _tc_mid_body,
        grid=(NPAD // blk,),
        in_specs=[
            pl.BlockSpec((blk, DH), lambda i: (i, 0)),
            pl.BlockSpec((blk, DH), lambda i: (i, 0)),
            pl.BlockSpec((NW, blk), lambda i: (0, i)),
            pl.BlockSpec((NW, 1), lambda i: (0, 0)),
            pl.BlockSpec((DH, DH), lambda i: (0, 0)),
            pl.BlockSpec((DH, DH), lambda i: (0, 0)),
        ],
        out_specs=[
            pl.BlockSpec((blk, DH), lambda i: (i, 0)),
            pl.BlockSpec((blk, DH), lambda i: (i, 0)),
            pl.BlockSpec((1, DH), lambda i: (0, 0)),
        ],
        out_shape=[
            jax.ShapeDtypeStruct((NPAD, DH), jnp.float32),
            jax.ShapeDtypeStruct((NPAD, DH), jnp.float32),
            jax.ShapeDtypeStruct((1, DH), jnp.float32),
        ],
    )(p0, p1, cnts, ones, w1t, w2t)


def _tc_head_body(p0_ref, p1_ref, p2_ref, esum_ref, wt0_ref, wt1_ref, wt2_ref,
                  bp_ref, out_ref):
    acc = (jnp.dot(p0_ref[...], wt0_ref[...], preferred_element_type=jnp.float32)
           + jnp.dot(p1_ref[...], wt1_ref[...], preferred_element_type=jnp.float32)
           + jnp.dot(p2_ref[...], wt2_ref[...], preferred_element_type=jnp.float32))
    out_ref[...] = jnp.maximum(acc / esum_ref[0, 0] + bp_ref[...], 0.0)


def _tc_head(p0, p1, p2, esum, wt0, wt1, wt2, bp):
    return pl.pallas_call(
        _tc_head_body,
        out_shape=jax.ShapeDtypeStruct((1, DF), jnp.float32),
    )(p0, p1, p2, esum, wt0, wt1, wt2, bp)



_sc_mesh = plsc.VectorSubcoreMesh(
    core_axis_name="c", subcore_axis_name="s", num_cores=NC, num_subcores=NS)


@functools.partial(
    pl.kernel,
    out_type=jax.ShapeDtypeStruct((NW * NPAD,), jnp.float32),
    mesh=_sc_mesh,
    compiler_params=pltpu.CompilerParams(needs_layout_passes=False),
    scratch_types=[
        pltpu.VMEM((KC,), jnp.int32),
        pltpu.VMEM((NPAD,), jnp.float32),
    ],
)
def _sc_count(src_hbm, outc_hbm, src_v, cnt_v):
    cid = lax.axis_index("c")
    sid = lax.axis_index("s")
    wid = cid * NS + sid

    zero16 = jnp.zeros((16,), jnp.float32)
    one16 = jnp.ones((16,), jnp.float32)

    def _zcnt(r, carry):
        cnt_v[pl.ds(r * 16, 16)] = zero16
        return carry

    lax.fori_loop(0, NPAD // 16, _zcnt, 0)

    ebase = wid * EPW

    def _block(j, carry):
        pltpu.sync_copy(src_hbm.at[pl.ds(ebase + j * KC, KC)], src_v)
        for q in range(KC // 16):
            plsc.addupdate_scatter(cnt_v, [src_v[pl.ds(q * 16, 16)]], one16)
        return carry

    lax.fori_loop(0, EPW // KC, _block, 0)
    pltpu.sync_copy(cnt_v, outc_hbm.at[pl.ds(wid * NPAD, NPAD)])


@functools.partial(
    pl.kernel,
    out_type=jax.ShapeDtypeStruct((NC * NPAD, DH), jnp.float32),
    mesh=_sc_mesh,
    compiler_params=pltpu.CompilerParams(needs_layout_passes=False),
    scratch_types=[
        pltpu.VMEM((K,), jnp.int32),
        pltpu.VMEM((K,), jnp.int32),
        pltpu.VMEM((K, DH), jnp.float32),
        pltpu.VMEM((K, DH), jnp.float32),
        pltpu.VMEM((K, DH), jnp.float32),
        pltpu.VMEM((K,), jnp.int32),
        pltpu.VMEM((K,), jnp.int32),
        pltpu.VMEM((K, DH), jnp.float32),
        pltpu.VMEM((K, DH), jnp.float32),
        pltpu.VMEM((K, DH), jnp.float32),
        pltpu.VMEM((K, DH), jnp.float32),
        pltpu.VMEM((K, DH), jnp.float32),
        pltpu.VMEM((K,), jnp.int32),
        pltpu.VMEM((K,), jnp.int32),
        pltpu.VMEM_SHARED((NPAD, DH), jnp.float32),
        pltpu.SemaphoreType.DMA,
        pltpu.SemaphoreType.DMA,
        pltpu.SemaphoreType.DMA,
        pltpu.SemaphoreType.DMA,
        pltpu.SemaphoreType.DMA,
        pltpu.SemaphoreType.DMA,
        pltpu.SemaphoreType.DMA,
        pltpu.SemaphoreType.DMA,
        pltpu.SemaphoreType.DMA,
        pltpu.SemaphoreType.DMA,
        pltpu.SemaphoreType.DMA,
        pltpu.SemaphoreType.DMA,
    ],
)
def _sc_edge(a_hbm, b_hbm, c_hbm, src_hbm, dst_hbm, out_hbm,
             src0, dst0, ra0, rb0, rc0, src1, dst1, ra1, rb1, rc1,
             ov0, ov1, sx0, sx1, acc_sh,
             sa0, sb0, sc0, sa1, sb1, sc1, si0, si1, sd0, sd1, ss0, ss1):
    cid = lax.axis_index("c")
    sid = lax.axis_index("s")
    wid = cid * NS + sid

    srcs = (src0, src1)
    dsts = (dst0, dst1)
    ras = (ra0, ra1)
    rbs = (rb0, rb1)
    rcs = (rc0, rc1)
    ovs = (ov0, ov1)
    sxs = (sx0, sx1)
    sss = (ss0, ss1)
    sas = (sa0, sa1)
    sbs = (sb0, sb1)
    scs = (sc0, sc1)
    sis = (si0, si1)
    sds = (sd0, sd1)

    zero16 = jnp.zeros((16,), jnp.float32)

    def _zrow(r, carry):
        for c in range(DH // 16):
            ov0[r, pl.ds(c * 16, 16)] = zero16
        return carry

    lax.fori_loop(0, K, _zrow, 0)
    for z in range(RPT // K):
        pltpu.sync_copy(ov0, acc_sh.at[pl.ds(sid * RPT + z * K, K)])
    plsc.subcore_barrier()

    ebase = wid * EPW

    def _issue_idx(j, b):
        eb = ebase + j * K
        pltpu.async_copy(src_hbm.at[pl.ds(eb, K)], srcs[b], sis[b])
        pltpu.async_copy(dst_hbm.at[pl.ds(eb, K)], dsts[b], sds[b])

    def _wait_idx(b):
        pltpu.make_async_copy(src_hbm.at[pl.ds(0, K)], srcs[b], sis[b]).wait()
        pltpu.make_async_copy(dst_hbm.at[pl.ds(0, K)], dsts[b], sds[b]).wait()

    def _issue_rows(j, b):
        eb = ebase + j * K
        pltpu.async_copy(a_hbm.at[srcs[b]], ras[b], sas[b])
        pltpu.async_copy(b_hbm.at[dsts[b]], rbs[b], sbs[b])
        pltpu.async_copy(c_hbm.at[pl.ds(eb, K)], rcs[b], scs[b])

    def _copy_sidx(b):
        sxs[b][pl.ds(0, 16)] = srcs[b][pl.ds(0, 16)]
        sxs[b][pl.ds(16, 16)] = srcs[b][pl.ds(16, 16)]
        sxs[b][pl.ds(24, 16)] = srcs[b][pl.ds(24, 16)]

    for b in range(2):
        _issue_idx(b, b)
        _wait_idx(b)
        _copy_sidx(b)
        _issue_rows(b, b)

    def _round(g, carry):
        for b in range(2):
            j = 2 * g + b
            pltpu.make_async_copy(a_hbm.at[srcs[b]], ras[b], sas[b]).wait()
            pltpu.make_async_copy(b_hbm.at[dsts[b]], rbs[b], sbs[b]).wait()
            pltpu.make_async_copy(c_hbm.at[pl.ds(0, K)], rcs[b],
                                  scs[b]).wait()

            @pl.when(j + 2 < NBLK)
            def _():
                _issue_idx(j + 2, b)

            @pl.when(g >= 1)
            def _():
                pltpu.make_async_copy(ovs[b], acc_sh.at[sxs[b]],
                                      sss[b]).wait()

            ra, rb, rc, ov = ras[b], rbs[b], rcs[b], ovs[b]

            def _row(r, rc_):
                for c in range(DH // 16):
                    s = pl.ds(c * 16, 16)
                    ov[r, s] = jnp.maximum(
                        ra[r, s] + rb[r, s] + rc[r, s], 0.0)
                return rc_

            lax.fori_loop(0, K, _row, 0)
            pltpu.async_copy(ov, acc_sh.at[sxs[b]], sss[b], add=True)

            @pl.when(j + 2 < NBLK)
            def _():
                _wait_idx(b)
                _copy_sidx(b)
                _issue_rows(j + 2, b)
        return carry

    lax.fori_loop(0, NBLK // 2, _round, 0)
    for b in range(2):
        pltpu.make_async_copy(ovs[b], acc_sh.at[sxs[b]], sss[b]).wait()
    plsc.subcore_barrier()

    for z in range(RPT // K):
        rs = sid * RPT + z * K
        pltpu.sync_copy(acc_sh.at[pl.ds(rs, K)], ov0)
        pltpu.sync_copy(ov0, out_hbm.at[pl.ds(cid * NPAD + rs, K)])




def kernel(child_feats, child_exists, edge_type_onehot, edge_feats,
           edge_indices, W_child, b_child, W_ne, b_ne, W_parent, b_parent):
    child = child_feats[0]
    exists = child_exists[0]
    ef = jnp.concatenate([edge_type_onehot[0], edge_feats[0]], axis=1)
    src = edge_indices[0, :, 0]
    dst = edge_indices[0, :, 1]

    wct = W_child.T
    w1t = W_ne[:, 0:DH].T
    w2t = W_ne[:, DH:2 * DH].T
    w3t = W_ne[:, 2 * DH:2 * DH + DEF].T
    bc = b_child.reshape(1, DH)
    bne = b_ne.reshape(1, DH)
    wt0 = W_parent[:, 0:DH].T
    wt1 = W_parent[:, DH:2 * DH].T
    wt2 = W_parent[:, 2 * DH:3 * DH].T
    bp = b_parent.reshape(1, DF)

    a0, b0, psum0, esum = _tc_pre(child, exists, wct, bc, w1t, w2t)
    c = _tc_edgeproj(ef, w3t, bne)

    ones_nw = jnp.ones((NW, 1), jnp.float32)
    cnts = _sc_count(src).reshape(NW, NPAD)

    sums1 = _sc_edge(a0, b0, c, src, dst)
    a1, b1, psum1 = _tc_mid(sums1[0:NPAD], sums1[NPAD:2 * NPAD],
                            cnts, ones_nw, w1t, w2t)

    sums2 = _sc_edge(a1, b1, c, src, dst)
    _, _, psum2 = _tc_mid(sums2[0:NPAD], sums2[NPAD:2 * NPAD],
                          cnts, ones_nw, w1t, w2t)

    return _tc_head(psum0, psum1, psum2, esum, wt0, wt1, wt2, bp)

# --- scband reference (transcript-rebuilt; emitter-appended) ---
"""Pipeline reference for scband-recursive-encoder-31233002176701 (READ-ONLY COPY).

The authoritative reference and input builder live on the scoring server;
editing this copy changes nothing except your own understanding.
"""

import jax, jax.numpy as jnp
import numpy as np

N = 10000        # max_childs (nodes)
E = 320000       # num_edges
DF = 128         # node_feat_size (num_sem assumed 0)
DH = 128         # node_hidden_size
DE = 16          # edge_feat_size
ET = 4           # edge_type_num
ITERS = 2        # num_iterations


def setup_inputs(seed: int = 0):
    key = jax.random.key(seed)
    ks = jax.random.split(key, 10)
    child_feats = jax.random.normal(ks[0], (1, N, DF), dtype=jnp.float32)
    child_exists = jnp.ones((1, N, 1), dtype=jnp.float32)
    edge_type_onehot = jax.random.uniform(ks[1], (1, E, ET), dtype=jnp.float32)
    edge_feats = jax.random.normal(ks[2], (1, E, DE), dtype=jnp.float32)
    edge_indices = jax.random.randint(ks[3], (1, E, 2), 0, N, dtype=jnp.int32)
    # learned params (nn.Linear: y = x @ W.T + b)
    W_child = jax.random.normal(ks[4], (DH, DF), dtype=jnp.float32) / np.sqrt(DF)
    b_child = jnp.zeros((DH,), dtype=jnp.float32)
    ne_in = DH * 2 + DE + ET
    W_ne = jax.random.normal(ks[5], (DH, ne_in), dtype=jnp.float32) / np.sqrt(ne_in)
    b_ne = jnp.zeros((DH,), dtype=jnp.float32)
    p_in = DH * (ITERS + 1)
    W_parent = jax.random.normal(ks[6], (DF, p_in), dtype=jnp.float32) / np.sqrt(p_in)
    b_parent = jnp.zeros((DF,), dtype=jnp.float32)
    return {
        'child_feats': child_feats,
        'child_exists': child_exists,
        'edge_type_onehot': edge_type_onehot,
        'edge_feats': edge_feats,
        'edge_indices': edge_indices,
        'W_child': W_child, 'b_child': b_child,
        'W_ne': W_ne, 'b_ne': b_ne,
        'W_parent': W_parent, 'b_parent': b_parent,
    }


def reference(child_feats, child_exists, edge_type_onehot, edge_feats, edge_indices,
              W_child, b_child, W_ne, b_ne, W_parent, b_parent):
    max_childs = child_feats.shape[1]
    num_edges = edge_indices.shape[1]
    # child_op + relu
    cf = jax.nn.relu(jnp.einsum('bnf,hf->bnh', child_feats, W_child) + b_child)
    cf = cf * child_exists
    cf = cf.reshape(1, max_childs, -1)
    node_hidden_size = cf.shape[-1]
    exists_sum = child_exists.sum(axis=1)  # [1, 1]
    iter_parent_feats = [cf.sum(axis=1) / exists_sum]  # symmetric_type == 'avg'
    # edge features with type onehot prepended
    ef = jnp.concatenate([edge_type_onehot, edge_feats], axis=2)  # [1, E, ET+DE]
    src = edge_indices[0, :, 0]
    dst = edge_indices[0, :, 1]
    for _ in range(ITERS):
        # gather endpoint features and concat edge features
        nef = jnp.concatenate([cf[0][src], cf[0][dst], ef[0]], axis=1)  # [E, 2*DH+ET+DE]
        nef = jax.nn.relu(nef @ W_ne.T + b_ne)  # shared_iterations -> same weights
        # edge_symmetric_type == 'avg' -> scatter_mean onto zero-initialized output
        sums = jax.ops.segment_sum(nef, src, num_segments=max_childs)
        counts = jax.ops.segment_sum(jnp.ones((num_edges,), dtype=nef.dtype), src,
                                     num_segments=max_childs)
        new_cf = sums / jnp.maximum(counts, 1.0)[:, None]
        cf = new_cf.reshape(1, max_childs, node_hidden_size)
        iter_parent_feats.append(cf.sum(axis=1) / exists_sum)
    parent_feat = jnp.concatenate(iter_parent_feats, axis=1)  # [1, DH*(ITERS+1)]
    parent_feat = jax.nn.relu(parent_feat @ W_parent.T + b_parent)  # [1, DF]
    return parent_feat


if False:  # reference __main__ guard neutralized (emitter)
    out = reference(**setup_inputs())
    print(out.shape)

if __name__ == "__main__":
    import jax
    _d = setup_inputs()
    print(jax.jit(kernel)(*tuple(_d.values())))

</pallas_src>

<mosaic_0001>
#map = affine_map<(d0, d1) -> (0, 0)>
#map1 = affine_map<(d0, d1) -> (0)>
module attributes {stable_mosaic.version = 14 : i64} {
  func.func @_sc_edge(%arg0: i32, %arg1: i32, %arg2: memref<10000x128xf32, #tpu.memory_space<hbm>>, %arg3: memref<10000x128xf32, #tpu.memory_space<hbm>>, %arg4: memref<320000x128xf32, #tpu.memory_space<hbm>>, %arg5: memref<320000xi32, #tpu.memory_space<hbm>>, %arg6: memref<320000xi32, #tpu.memory_space<hbm>>, %arg7: memref<20480x128xf32, #tpu.memory_space<hbm>>, %arg8: memref<40xi32, #tpu.memory_space<vmem>>, %arg9: memref<40xi32, #tpu.memory_space<vmem>>, %arg10: memref<40x128xf32, #tpu.memory_space<vmem>>, %arg11: memref<40x128xf32, #tpu.memory_space<vmem>>, %arg12: memref<40x128xf32, #tpu.memory_space<vmem>>, %arg13: memref<40xi32, #tpu.memory_space<vmem>>, %arg14: memref<40xi32, #tpu.memory_space<vmem>>, %arg15: memref<40x128xf32, #tpu.memory_space<vmem>>, %arg16: memref<40x128xf32, #tpu.memory_space<vmem>>, %arg17: memref<40x128xf32, #tpu.memory_space<vmem>>, %arg18: memref<40x128xf32, #tpu.memory_space<vmem>>, %arg19: memref<40x128xf32, #tpu.memory_space<vmem>>, %arg20: memref<40xi32, #tpu.memory_space<vmem>>, %arg21: memref<40xi32, #tpu.memory_space<vmem>>, %arg22: memref<10240x128xf32, #tpu.memory_space<vmem_shared>>, %arg23: memref<!tpu.dma_semaphore, #tpu.memory_space<semaphore_mem>>, %arg24: memref<!tpu.dma_semaphore, #tpu.memory_space<semaphore_mem>>, %arg25: memref<!tpu.dma_semaphore, #tpu.memory_space<semaphore_mem>>, %arg26: memref<!tpu.dma_semaphore, #tpu.memory_space<semaphore_mem>>, %arg27: memref<!tpu.dma_semaphore, #tpu.memory_space<semaphore_mem>>, %arg28: memref<!tpu.dma_semaphore, #tpu.memory_space<semaphore_mem>>, %arg29: memref<!tpu.dma_semaphore, #tpu.memory_space<semaphore_mem>>, %arg30: memref<!tpu.dma_semaphore, #tpu.memory_space<semaphore_mem>>, %arg31: memref<!tpu.dma_semaphore, #tpu.memory_space<semaphore_mem>>, %arg32: memref<!tpu.dma_semaphore, #tpu.memory_space<semaphore_mem>>, %arg33: memref<!tpu.dma_semaphore, #tpu.memory_space<semaphore_mem>>, %arg34: memref<!tpu.dma_semaphore, #tpu.memory_space<semaphore_mem>>) attributes {dimension_semantics = [#tpu.dimension_semantics<core_parallel>, #tpu.dimension_semantics<subcore_parallel>], iteration_bounds = array<i64: 2, 16>, scalar_prefetch = 0 : i64, scratch_operands = 27 : i64, tpu.core_type = #tpu.core_type<sc_vector_subcore>, window_params = [{transform_indices = #map}, {transform_indices = #map}, {transform_indices = #map}, {transform_indices = #map1}, {transform_indices = #map1}, {transform_indices = #map}]} {
    %mul3A = arith.constant 16 : i32
    %mul3A_0 = arith.muli %arg0, %mul3A : i32
    %add3A = arith.addi %mul3A_0, %arg1 : i32
    %broadcast_in_dim3A = arith.constant 0.000000e+00 : f32
    %broadcast_in_dim3A_1 = vector.broadcast %broadcast_in_dim3A : f32 to vector<16xf32>
    %scan3A = arith.constant 0 : i32
    %scan3A_2 = arith.constant 0 : i32
    %scan3A_3 = arith.constant 40 : i32
    %scan3A_4 = arith.addi %scan3A_2, %scan3A_3 : i32
    %scan3A_5 = arith.constant 1 : i32
    scf.for %scan3A_270 = %scan3A_2 to %scan3A_4 step %scan3A_5  : i32 {
      %swap3A_271 = arith.index_cast %scan3A_270 : i32 to index
      %swap3A_272 = arith.constant 0 : index
      %swap3A_273 = tpu.vector_load %arg18[%swap3A_271, %swap3A_272] {strides = array<i32>} : memref<40x128xf32, #tpu.memory_space<vmem>>, vector<16xf32>,
      tpu.vector_store %arg18[%swap3A_271, %swap3A_272], %broadcast_in_dim3A_1 {strides = array<i32>} : memref<40x128xf32, #tpu.memory_space<vmem>>, vector<16xf32>,
      %swap3A_274 = arith.index_cast %scan3A_270 : i32 to index
      %swap3A_275 = arith.constant 16 : index
      %swap3A_276 = tpu.vector_load %arg18[%swap3A_274, %swap3A_275] {strides = array<i32>} : memref<40x128xf32, #tpu.memory_space<vmem>>, vector<16xf32>,
      tpu.vector_store %arg18[%swap3A_274, %swap3A_275], %broadcast_in_dim3A_1 {strides = array<i32>} : memref<40x128xf32, #tpu.memory_space<vmem>>, vector<16xf32>,
      %swap3A_277 = arith.index_cast %scan3A_270 : i32 to index
      %swap3A_278 = arith.constant 32 : index
      %swap3A_279 = tpu.vector_load %arg18[%swap3A_277, %swap3A_278] {strides = array<i32>} : memref<40x128xf32, #tpu.memory_space<vmem>>, vector<16xf32>,
      tpu.vector_store %arg18[%swap3A_277, %swap3A_278], %broadcast_in_dim3A_1 {strides = array<i32>} : memref<40x128xf32, #tpu.memory_space<vmem>>, vector<16xf32>,
      %swap3A_280 = arith.index_cast %scan3A_270 : i32 to index
      %swap3A_281 = arith.constant 48 : index
      %swap3A_282 = tpu.vector_load %arg18[%swap3A_280, %swap3A_281] {strides = array<i32>} : memref<40x128xf32, #tpu.memory_space<vmem>>, vector<16xf32>,
      tpu.vector_store %arg18[%swap3A_280, %swap3A_281], %broadcast_in_dim3A_1 {strides = array<i32>} : memref<40x128xf32, #tpu.memory_space<vmem>>, vector<16xf32>,
      %swap3A_283 = arith.index_cast %scan3A_270 : i32 to index
      %swap3A_284 = arith.constant 64 : index
      %swap3A_285 = tpu.vector_load %arg18[%swap3A_283, %swap3A_284] {strides = array<i32>} : memref<40x128xf32, #tpu.memory_space<vmem>>, vector<16xf32>,
      tpu.vector_store %arg18[%swap3A_283, %swap3A_284], %broadcast_in_dim3A_1 {strides = array<i32>} : memref<40x128xf32, #tpu.memory_space<vmem>>, vector<16xf32>,
      %swap3A_286 = arith.index_cast %scan3A_270 : i32 to index
      %swap3A_287 = arith.constant 80 : index
      %swap3A_288 = tpu.vector_load %arg18[%swap3A_286, %swap3A_287] {strides = array<i32>} : memref<40x128xf32, #tpu.memory_space<vmem>>, vector<16xf32>,
      tpu.vector_store %arg18[%swap3A_286, %swap3A_287], %broadcast_in_dim3A_1 {strides = array<i32>} : memref<40x128xf32, #tpu.memory_space<vmem>>, vector<16xf32>,
      %swap3A_289 = arith.index_cast %scan3A_270 : i32 to index
      %swap3A_290 = arith.constant 96 : index
      %swap3A_291 = tpu.vector_load %arg18[%swap3A_289, %swap3A_290] {strides = array<i32>} : memref<40x128xf32, #tpu.memory_space<vmem>>, vector<16xf32>,
      tpu.vector_store %arg18[%swap3A_289, %swap3A_290], %broadcast_in_dim3A_1 {strides = array<i32>} : memref<40x128xf32, #tpu.memory_space<vmem>>, vector<16xf32>,
      %swap3A_292 = arith.index_cast %scan3A_270 : i32 to index
      %swap3A_293 = arith.constant 112 : index
      %swap3A_294 = tpu.vector_load %arg18[%swap3A_292, %swap3A_293] {strides = array<i32>} : memref<40x128xf32, #tpu.memory_space<vmem>>, vector<16xf32>,
      tpu.vector_store %arg18[%swap3A_292, %swap3A_293], %broadcast_in_dim3A_1 {strides = array<i32>} : memref<40x128xf32, #tpu.memory_space<vmem>>, vector<16xf32>,
    }
    %scan3A_6 = arith.constant 40 : i32
    %mul3A_7 = arith.constant 640 : i32
    %mul3A_8 = arith.muli %arg1, %mul3A_7 : i32
    %add3A_9 = arith.constant 0 : i32
    %add3A_10 = arith.addi %mul3A_8, %add3A_9 : i32
    "tpu.region"() ({
      %run_scoped3A = tpu.sem_alloc : memref<!tpu.dma_semaphore, #tpu.memory_space<semaphore_mem>>
      %dma_start3A_270 = arith.constant 0 : i32
      %dma_start3A_271 = tpu.memref_slice %arg22[%add3A_10, %dma_start3A_270] : memref<10240x128xf32, #tpu.memory_space<vmem_shared>> -> memref<40x128xf32, #tpu.memory_space<vmem_shared>>
      %dma_start3A_272 = arith.constant 0 : i32
      %dma_start3A_273 = tpu.memref_slice %arg22[%add3A_10, %dma_start3A_272] : memref<10240x128xf32, #tpu.memory_space<vmem_shared>> -> memref<40x128xf32, #tpu.memory_space<vmem_shared>>
      tpu.enqueue_dma source(%arg18 : memref<40x128xf32, #tpu.memory_space<vmem>>) target(%dma_start3A_273 : memref<40x128xf32, #tpu.memory_space<vmem_shared>>) target_semaphore(%run_scoped3A : memref<!tpu.dma_semaphore, #tpu.memory_space<semaphore_mem>>)
      %dma_wait3A_274 = arith.constant 0 : i32
      %dma_wait3A_275 = tpu.memref_slice %arg22[%add3A_10, %dma_wait3A_274] : memref<10240x128xf32, #tpu.memory_space<vmem_shared>> -> memref<40x128xf32, #tpu.memory_space<vmem_shared>>
      %dma_wait3A_276 = arith.constant 0 : i32
      %dma_wait3A_277 = tpu.memref_slice %arg22[%add3A_10, %dma_wait3A_276] : memref<10240x128xf32, #tpu.memory_space<vmem_shared>> -> memref<40x128xf32, #tpu.memory_space<vmem_shared>>
      tpu.wait_dma2 semaphore(%run_scoped3A : memref<!tpu.dma_semaphore, #tpu.memory_space<semaphore_mem>>) src(%arg18 : memref<40x128xf32, #tpu.memory_space<vmem>>) dst(%dma_wait3A_277 : memref<40x128xf32, #tpu.memory_space<vmem_shared>>)
      tpu.yield
    }) : () -> ()
    %mul3A_11 = arith.constant 640 : i32
    %mul3A_12 = arith.muli %arg1, %mul3A_11 : i32
    %add3A_13 = arith.constant 40 : i32
    %add3A_14 = arith.addi %mul3A_12, %add3A_13 : i32
    "tpu.region"() ({
      %run_scoped3A = tpu.sem_alloc : memref<!tpu.dma_semaphore, #tpu.memory_space<semaphore_mem>>
      %dma_start3A_270 = arith.constant 0 : i32
      %dma_start3A_271 = tpu.memref_slice %arg22[%add3A_14, %dma_start3A_270] : memref<10240x128xf32, #tpu.memory_space<vmem_shared>> -> memref<40x128xf32, #tpu.memory_space<vmem_shared>>
      %dma_start3A_272 = arith.constant 0 : i32
      %dma_start3A_273 = tpu.memref_slice %arg22[%add3A_14, %dma_start3A_272] : memref<10240x128xf32, #tpu.memory_space<vmem_shared>> -> memref<40x128xf32, #tpu.memory_space<vmem_shared>>
      tpu.enqueue_dma source(%arg18 : memref<40x128xf32, #tpu.memory_space<vmem>>) target(%dma_start3A_273 : memref<40x128xf32, #tpu.memory_space<vmem_shared>>) target_semaphore(%run_scoped3A : memref<!tpu.dma_semaphore, #tpu.memory_space<semaphore_mem>>)
      %dma_wait3A_274 = arith.constant 0 : i32
      %dma_wait3A_275 = tpu.memref_slice %arg22[%add3A_14, %dma_wait3A_274] : memref<10240x128xf32, #tpu.memory_space<vmem_shared>> -> memref<40x128xf32, #tpu.memory_space<vmem_shared>>
      %dma_wait3A_276 = arith.constant 0 : i32
      %dma_wait3A_277 = tpu.memref_slice %arg22[%add3A_14, %dma_wait3A_276] : memref<10240x128xf32, #tpu.memory_space<vmem_shared>> -> memref<40x128xf32, #tpu.memory_space<vmem_shared>>
      tpu.wait_dma2 semaphore(%run_scoped3A : memref<!tpu.dma_semaphore, #tpu.memory_space<semaphore_mem>>) src(%arg18 : memref<40x128xf32, #tpu.memory_space<vmem>>) dst(%dma_wait3A_277 : memref<40x128xf32, #tpu.memory_space<vmem_shared>>)
      tpu.yield
    }) : () -> ()
    %mul3A_15 = arith.constant 640 : i32
    %mul3A_16 = arith.muli %arg1, %mul3A_15 : i32
    %add3A_17 = arith.constant 80 : i32
    %add3A_18 = arith.addi %mul3A_16, %add3A_17 : i32
    "tpu.region"() ({
      %run_scoped3A = tpu.sem_alloc : memref<!tpu.dma_semaphore, #tpu.memory_space<semaphore_mem>>
      %dma_start3A_270 = arith.constant 0 : i32
      %dma_start3A_271 = tpu.memref_slice %arg22[%add3A_18, %dma_start3A_270] : memref<10240x128xf32, #tpu.memory_space<vmem_shared>> -> memref<40x128xf32, #tpu.memory_space<vmem_shared>>
      %dma_start3A_272 = arith.constant 0 : i32
      %dma_start3A_273 = tpu.memref_slice %arg22[%add3A_18, %dma_start3A_272] : memref<10240x128xf32, #tpu.memory_space<vmem_shared>> -> memref<40x128xf32, #tpu.memory_space<vmem_shared>>
      tpu.enqueue_dma source(%arg18 : memref<40x128xf32, #tpu.memory_space<vmem>>) target(%dma_start3A_273 : memref<40x128xf32, #tpu.memory_space<vmem_shared>>) target_semaphore(%run_scoped3A : memref<!tpu.dma_semaphore, #tpu.memory_space<semaphore_mem>>)
      %dma_wait3A_274 = arith.constant 0 : i32
      %dma_wait3A_275 = tpu.memref_slice %arg22[%add3A_18, %dma_wait3A_274] : memref<10240x128xf32, #tpu.memory_space<vmem_shared>> -> memref<40x128xf32, #tpu.memory_space<vmem_shared>>
      %dma_wait3A_276 = arith.constant 0 : i32
      %dma_wait3A_277 = tpu.memref_slice %arg22[%add3A_18, %dma_wait3A_276] : memref<10240x128xf32, #tpu.memory_space<vmem_shared>> -> memref<40x128xf32, #tpu.memory_space<vmem_shared>>
      tpu.wait_dma2 semaphore(%run_scoped3A : memref<!tpu.dma_semaphore, #tpu.memory_space<semaphore_mem>>) src(%arg18 : memref<40x128xf32, #tpu.memory_space<vmem>>) dst(%dma_wait3A_277 : memref<40x128xf32, #tpu.memory_space<vmem_shared>>)
      tpu.yield
    }) : () -> ()
    %mul3A_19 = arith.constant 640 : i32
    %mul3A_20 = arith.muli %arg1, %mul3A_19 : i32
    %add3A_21 = arith.constant 120 : i32
    %add3A_22 = arith.addi %mul3A_20, %add3A_21 : i32
    "tpu.region"() ({
      %run_scoped3A = tpu.sem_alloc : memref<!tpu.dma_semaphore, #tpu.memory_space<semaphore_mem>>
      %dma_start3A_270 = arith.constant 0 : i32
      %dma_start3A_271 = tpu.memref_slice %arg22[%add3A_22, %dma_start3A_270] : memref<10240x128xf32, #tpu.memory_space<vmem_shared>> -> memref<40x128xf32, #tpu.memory_space<vmem_shared>>
      %dma_start3A_272 = arith.constant 0 : i32
      %dma_start3A_273 = tpu.memref_slice %arg22[%add3A_22, %dma_start3A_272] : memref<10240x128xf32, #tpu.memory_space<vmem_shared>> -> memref<40x128xf32, #tpu.memory_space<vmem_shared>>
      tpu.enqueue_dma source(%arg18 : memref<40x128xf32, #tpu.memory_space<vmem>>) target(%dma_start3A_273 : memref<40x128xf32, #tpu.memory_space<vmem_shared>>) target_semaphore(%run_scoped3A : memref<!tpu.dma_semaphore, #tpu.memory_space<semaphore_mem>>)
      %dma_wait3A_274 = arith.constant 0 : i32
      %dma_wait3A_275 = tpu.memref_slice %arg22[%add3A_22, %dma_wait3A_274] : memref<10240x128xf32, #tpu.memory_space<vmem_shared>> -> memref<40x128xf32, #tpu.memory_space<vmem_shared>>
      %dma_wait3A_276 = arith.constant 0 : i32
      %dma_wait3A_277 = tpu.memref_slice %arg22[%add3A_22, %dma_wait3A_276] : memref<10240x128xf32, #tpu.memory_space<vmem_shared>> -> memref<40x128xf32, #tpu.memory_space<vmem_shared>>
      tpu.wait_dma2 semaphore(%run_scoped3A : memref<!tpu.dma_semaphore, #tpu.memory_space<semaphore_mem>>) src(%arg18 : memref<40x128xf32, #tpu.memory_space<vmem>>) dst(%dma_wait3A_277 : memref<40x128xf32, #tpu.memory_space<vmem_shared>>)
      tpu.yield
    }) : () -> ()
    %mul3A_23 = arith.constant 640 : i32
    %mul3A_24 = arith.muli %arg1, %mul3A_23 : i32
    %add3A_25 = arith.constant 160 : i32
    %add3A_26 = arith.addi %mul3A_24, %add3A_25 : i32
    "tpu.region"() ({
      %run_scoped3A = tpu.sem_alloc : memref<!tpu.dma_semaphore, #tpu.memory_space<semaphore_mem>>
      %dma_start3A_270 = arith.constant 0 : i32
      %dma_start3A_271 = tpu.memref_slice %arg22[%add3A_26, %dma_start3A_270] : memref<10240x128xf32, #tpu.memory_space<vmem_shared>> -> memref<40x128xf32, #tpu.memory_space<vmem_shared>>
      %dma_start3A_272 = arith.constant 0 : i32
      %dma_start3A_273 = tpu.memref_slice %arg22[%add3A_26, %dma_start3A_272] : memref<10240x128xf32, #tpu.memory_space<vmem_shared>> -> memref<40x128xf32, #tpu.memory_space<vmem_shared>>
      tpu.enqueue_dma source(%arg18 : memref<40x128xf32, #tpu.memory_space<vmem>>) target(%dma_start3A_273 : memref<40x128xf32, #tpu.memory_space<vmem_shared>>) target_semaphore(%run_scoped3A : memref<!tpu.dma_semaphore, #tpu.memory_space<semaphore_mem>>)
      %dma_wait3A_274 = arith.constant 0 : i32
      %dma_wait3A_275 = tpu.memref_slice %arg22[%add3A_26, %dma_wait3A_274] : memref<10240x128xf32, #tpu.memory_space<vmem_shared>> -> memref<40x128xf32, #tpu.memory_space<vmem_shared>>
      %dma_wait3A_276 = arith.constant 0 : i32
      %dma_wait3A_277 = tpu.memref_slice %arg22[%add3A_26, %dma_wait3A_276] : memref<10240x128xf32, #tpu.memory_space<vmem_shared>> -> memref<40x128xf32, #tpu.memory_space<vmem_shared>>
      tpu.wait_dma2 semaphore(%run_scoped3A : memref<!tpu.dma_semaphore, #tpu.memory_space<semaphore_mem>>) src(%arg18 : memref<40x128xf32, #tpu.memory_space<vmem>>) dst(%dma_wait3A_277 : memref<40x128xf32, #tpu.memory_space<vmem_shared>>)
      tpu.yield
    }) : () -> ()
    %mul3A_27 = arith.constant 640 : i32
    %mul3A_28 = arith.muli %arg1, %mul3A_27 : i32
    %add3A_29 = arith.constant 200 : i32
    %add3A_30 = arith.addi %mul3A_28, %add3A_29 : i32
    "tpu.region"() ({
      %run_scoped3A = tpu.sem_alloc : memref<!tpu.dma_semaphore, #tpu.memory_space<semaphore_mem>>
      %dma_start3A_270 = arith.constant 0 : i32
      %dma_start3A_271 = tpu.memref_slice %arg22[%add3A_30, %dma_start3A_270] : memref<10240x128xf32, #tpu.memory_space<vmem_shared>> -> memref<40x128xf32, #tpu.memory_space<vmem_shared>>
      %dma_start3A_272 = arith.constant 0 : i32
      %dma_start3A_273 = tpu.memref_slice %arg22[%add3A_30, %dma_start3A_272] : memref<10240x128xf32, #tpu.memory_space<vmem_shared>> -> memref<40x128xf32, #tpu.memory_space<vmem_shared>>
      tpu.enqueue_dma source(%arg18 : memref<40x128xf32, #tpu.memory_space<vmem>>) target(%dma_start3A_273 : memref<40x128xf32, #tpu.memory_space<vmem_shared>>) target_semaphore(%run_scoped3A : memref<!tpu.dma_semaphore, #tpu.memory_space<semaphore_mem>>)
      %dma_wait3A_274 = arith.constant 0 : i32
      %dma_wait3A_275 = tpu.memref_slice %arg22[%add3A_30, %dma_wait3A_274] : memref<10240x128xf32, #tpu.memory_space<vmem_shared>> -> memref<40x128xf32, #tpu.memory_space<vmem_shared>>
      %dma_wait3A_276 = arith.constant 0 : i32
      %dma_wait3A_277 = tpu.memref_slice %arg22[%add3A_30, %dma_wait3A_276] : memref<10240x128xf32, #tpu.memory_space<vmem_shared>> -> memref<40x128xf32, #tpu.memory_space<vmem_shared>>
      tpu.wait_dma2 semaphore(%run_scoped3A : memref<!tpu.dma_semaphore, #tpu.memory_space<semaphore_mem>>) src(%arg18 : memref<40x128xf32, #tpu.memory_space<vmem>>) dst(%dma_wait3A_277 : memref<40x128xf32, #tpu.memory_space<vmem_shared>>)
      tpu.yield
    }) : () -> ()
    %mul3A_31 = arith.constant 640 : i32
    %mul3A_32 = arith.muli %arg1, %mul3A_31 : i32
    %add3A_33 = arith.constant 240 : i32
    %add3A_34 = arith.addi %mul3A_32, %add3A_33 : i32
    "tpu.region"() ({
      %run_scoped3A = tpu.sem_alloc : memref<!tpu.dma_semaphore, #tpu.memory_space<semaphore_mem>>
      %dma_start3A_270 = arith.constant 0 : i32
      %dma_start3A_271 = tpu.memref_slice %arg22[%add3A_34, %dma_start3A_270] : memref<10240x128xf32, #tpu.memory_space<vmem_shared>> -> memref<40x128xf32, #tpu.memory_space<vmem_shared>>
      %dma_start3A_272 = arith.constant 0 : i32
      %dma_start3A_273 = tpu.memref_slice %arg22[%add3A_34, %dma_start3A_272] : memref<10240x128xf32, #tpu.memory_space<vmem_shared>> -> memref<40x128xf32, #tpu.memory_space<vmem_shared>>
      tpu.enqueue_dma source(%arg18 : memref<40x128xf32, #tpu.memory_space<vmem>>) target(%dma_start3A_273 : memref<40x128xf32, #tpu.memory_space<vmem_shared>>) target_semaphore(%run_scoped3A : memref<!tpu.dma_semaphore, #tpu.memory_space<semaphore_mem>>)
      %dma_wait3A_274 = arith.constant 0 : i32
      %dma_wait3A_275 = tpu.memref_slice %arg22[%add3A_34, %dma_wait3A_274] : memref<10240x128xf32, #tpu.memory_space<vmem_shared>> -> memref<40x128xf32, #tpu.memory_space<vmem_shared>>
      %dma_wait3A_276 = arith.constant 0 : i32
      %dma_wait3A_277 = tpu.memref_slice %arg22[%add3A_34, %dma_wait3A_276] : memref<10240x128xf32, #tpu.memory_space<vmem_shared>> -> memref<40x128xf32, #tpu.memory_space<vmem_shared>>
      tpu.wait_dma2 semaphore(%run_scoped3A : memref<!tpu.dma_semaphore, #tpu.memory_space<semaphore_mem>>) src(%arg18 : memref<40x128xf32, #tpu.memory_space<vmem>>) dst(%dma_wait3A_277 : memref<40x128xf32, #tpu.memory_space<vmem_shared>>)
      tpu.yield
    }) : () -> ()
    %mul3A_35 = arith.constant 640 : i32
    %mul3A_36 = arith.muli %arg1, %mul3A_35 : i32
    %add3A_37 = arith.constant 280 : i32
    %add3A_38 = arith.addi %mul3A_36, %add3A_37 : i32
    "tpu.region"() ({
      %run_scoped3A = tpu.sem_alloc : memref<!tpu.dma_semaphore, #tpu.memory_space<semaphore_mem>>
      %dma_start3A_270 = arith.constant 0 : i32
      %dma_start3A_271 = tpu.memref_slice %arg22[%add3A_38, %dma_start3A_270] : memref<10240x128xf32, #tpu.memory_space<vmem_shared>> -> memref<40x128xf32, #tpu.memory_space<vmem_shared>>
      %dma_start3A_272 = arith.constant 0 : i32
      %dma_start3A_273 = tpu.memref_slice %arg22[%add3A_38, %dma_start3A_272] : memref<10240x128xf32, #tpu.memory_space<vmem_shared>> -> memref<40x128xf32, #tpu.memory_space<vmem_shared>>
      tpu.enqueue_dma source(%arg18 : memref<40x128xf32, #tpu.memory_space<vmem>>) target(%dma_start3A_273 : memref<40x128xf32, #tpu.memory_space<vmem_shared>>) target_semaphore(%run_scoped3A : memref<!tpu.dma_semaphore, #tpu.memory_space<semaphore_mem>>)
      %dma_wait3A_274 = arith.constant 0 : i32
      %dma_wait3A_275 = tpu.memref_slice %arg22[%add3A_38, %dma_wait3A_274] : memref<10240x128xf32, #tpu.memory_space<vmem_shared>> -> memref<40x128xf32, #tpu.memory_space<vmem_shared>>
      %dma_wait3A_276 = arith.constant 0 : i32
      %dma_wait3A_277 = tpu.memref_slice %arg22[%add3A_38, %dma_wait3A_276] : memref<10240x128xf32, #tpu.memory_space<vmem_shared>> -> memref<40x128xf32, #tpu.memory_space<vmem_shared>>
      tpu.wait_dma2 semaphore(%run_scoped3A : memref<!tpu.dma_semaphore, #tpu.memory_space<semaphore_mem>>) src(%arg18 : memref<40x128xf32, #tpu.memory_space<vmem>>) dst(%dma_wait3A_277 : memref<40x128xf32, #tpu.memory_space<vmem_shared>>)
      tpu.yield
    }) : () -> ()
    %mul3A_39 = arith.constant 640 : i32
    %mul3A_40 = arith.muli %arg1, %mul3A_39 : i32
    %add3A_41 = arith.constant 320 : i32
    %add3A_42 = arith.addi %mul3A_40, %add3A_41 : i32
    "tpu.region"() ({
      %run_scoped3A = tpu.sem_alloc : memref<!tpu.dma_semaphore, #tpu.memory_space<semaphore_mem>>
      %dma_start3A_270 = arith.constant 0 : i32
      %dma_start3A_271 = tpu.memref_slice %arg22[%add3A_42, %dma_start3A_270] : memref<10240x128xf32, #tpu.memory_space<vmem_shared>> -> memref<40x128xf32, #tpu.memory_space<vmem_shared>>
      %dma_start3A_272 = arith.constant 0 : i32
      %dma_start3A_273 = tpu.memref_slice %arg22[%add3A_42, %dma_start3A_272] : memref<10240x128xf32, #tpu.memory_space<vmem_shared>> -> memref<40x128xf32, #tpu.memory_space<vmem_shared>>
      tpu.enqueue_dma source(%arg18 : memref<40x128xf32, #tpu.memory_space<vmem>>) target(%dma_start3A_273 : memref<40x128xf32, #tpu.memory_space<vmem_shared>>) target_semaphore(%run_scoped3A : memref<!tpu.dma_semaphore, #tpu.memory_space<semaphore_mem>>)
      %dma_wait3A_274 = arith.constant 0 : i32
      %dma_wait3A_275 = tpu.memref_slice %arg22[%add3A_42, %dma_wait3A_274] : memref<10240x128xf32, #tpu.memory_space<vmem_shared>> -> memref<40x128xf32, #tpu.memory_space<vmem_shared>>
      %dma_wait3A_276 = arith.constant 0 : i32
      %dma_wait3A_277 = tpu.memref_slice %arg22[%add3A_42, %dma_wait3A_276] : memref<10240x128xf32, #tpu.memory_space<vmem_shared>> -> memref<40x128xf32, #tpu.memory_space<vmem_shared>>
      tpu.wait_dma2 semaphore(%run_scoped3A : memref<!tpu.dma_semaphore, #tpu.memory_space<semaphore_mem>>) src(%arg18 : memref<40x128xf32, #tpu.memory_space<vmem>>) dst(%dma_wait3A_277 : memref<40x128xf32, #tpu.memory_space<vmem_shared>>)
      tpu.yield
    }) : () -> ()
    %mul3A_43 = arith.constant 640 : i32
    %mul3A_44 = arith.muli %arg1, %mul3A_43 : i32
    %add3A_45 = arith.constant 360 : i32
    %add3A_46 = arith.addi %mul3A_44, %add3A_45 : i32
    "tpu.region"() ({
      %run_scoped3A = tpu.sem_alloc : memref<!tpu.dma_semaphore, #tpu.memory_space<semaphore_mem>>
      %dma_start3A_270 = arith.constant 0 : i32
      %dma_start3A_271 = tpu.memref_slice %arg22[%add3A_46, %dma_start3A_270] : memref<10240x128xf32, #tpu.memory_space<vmem_shared>> -> memref<40x128xf32, #tpu.memory_space<vmem_shared>>
      %dma_start3A_272 = arith.constant 0 : i32
      %dma_start3A_273 = tpu.memref_slice %arg22[%add3A_46, %dma_start3A_272] : memref<10240x128xf32, #tpu.memory_space<vmem_shared>> -> memref<40x128xf32, #tpu.memory_space<vmem_shared>>
      tpu.enqueue_dma source(%arg18 : memref<40x128xf32, #tpu.memory_space<vmem>>) target(%dma_start3A_273 : memref<40x128xf32, #tpu.memory_space<vmem_shared>>) target_semaphore(%run_scoped3A : memref<!tpu.dma_semaphore, #tpu.memory_space<semaphore_mem>>)
      %dma_wait3A_274 = arith.constant 0 : i32
      %dma_wait3A_275 = tpu.memref_slice %arg22[%add3A_46, %dma_wait3A_274] : memref<10240x128xf32, #tpu.memory_space<vmem_shared>> -> memref<40x128xf32, #tpu.memory_space<vmem_shared>>
      %dma_wait3A_276 = arith.constant 0 : i32
      %dma_wait3A_277 = tpu.memref_slice %arg22[%add3A_46, %dma_wait3A_276] : memref<10240x128xf32, #tpu.memory_space<vmem_shared>> -> memref<40x128xf32, #tpu.memory_space<vmem_shared>>
      tpu.wait_dma2 semaphore(%run_scoped3A : memref<!tpu.dma_semaphore, #tpu.memory_space<semaphore_mem>>) src(%arg18 : memref<40x128xf32, #tpu.memory_space<vmem>>) dst(%dma_wait3A_277 : memref<40x128xf32, #tpu.memory_space<vmem_shared>>)
      tpu.yield
    }) : () -> ()
    %mul3A_47 = arith.constant 640 : i32
    %mul3A_48 = arith.muli %arg1, %mul3A_47 : i32
    %add3A_49 = arith.constant 400 : i32
    %add3A_50 = arith.addi %mul3A_48, %add3A_49 : i32
    "tpu.region"() ({
      %run_scoped3A = tpu.sem_alloc : memref<!tpu.dma_semaphore, #tpu.memory_space<semaphore_mem>>
      %dma_start3A_270 = arith.constant 0 : i32
      %dma_start3A_271 = tpu.memref_slice %arg22[%add3A_50, %dma_start3A_270] : memref<10240x128xf32, #tpu.memory_space<vmem_shared>> -> memref<40x128xf32, #tpu.memory_space<vmem_shared>>
      %dma_start3A_272 = arith.constant 0 : i32
      %dma_start3A_273 = tpu.memref_slice %arg22[%add3A_50, %dma_start3A_272] : memref<10240x128xf32, #tpu.memory_space<vmem_shared>> -> memref<40x128xf32, #tpu.memory_space<vmem_shared>>
      tpu.enqueue_dma source(%arg18 : memref<40x128xf32, #tpu.memory_space<vmem>>) target(%dma_start3A_273 : memref<40x128xf32, #tpu.memory_space<vmem_shared>>) target_semaphore(%run_scoped3A : memref<!tpu.dma_semaphore, #tpu.memory_space<semaphore_mem>>)
      %dma_wait3A_274 = arith.constant 0 : i32
      %dma_wait3A_275 = tpu.memref_slice %arg22[%add3A_50, %dma_wait3A_274] : memref<10240x128xf32, #tpu.memory_space<vmem_shared>> -> memref<40x128xf32, #tpu.memory_space<vmem_shared>>
      %dma_wait3A_276 = arith.constant 0 : i32
      %dma_wait3A_277 = tpu.memref_slice %arg22[%add3A_50, %dma_wait3A_276] : memref<10240x128xf32, #tpu.memory_space<vmem_shared>> -> memref<40x128xf32, #tpu.memory_space<vmem_shared>>
      tpu.wait_dma2 semaphore(%run_scoped3A : memref<!tpu.dma_semaphore, #tpu.memory_space<semaphore_mem>>) src(%arg18 : memref<40x128xf32, #tpu.memory_space<vmem>>) dst(%dma_wait3A_277 : memref<40x128xf32, #tpu.memory_space<vmem_shared>>)
      tpu.yield
    }) : () -> ()
    %mul3A_51 = arith.constant 640 : i32
    %mul3A_52 = arith.muli %arg1, %mul3A_51 : i32
    %add3A_53 = arith.constant 440 : i32
    %add3A_54 = arith.addi %mul3A_52, %add3A_53 : i32
    "tpu.region"() ({
      %run_scoped3A = tpu.sem_alloc : memref<!tpu.dma_semaphore, #tpu.memory_space<semaphore_mem>>
      %dma_start3A_270 = arith.constant 0 : i32
      %dma_start3A_271 = tpu.memref_slice %arg22[%add3A_54, %dma_start3A_270] : memref<10240x128xf32, #tpu.memory_space<vmem_shared>> -> memref<40x128xf32, #tpu.memory_space<vmem_shared>>
      %dma_start3A_272 = arith.constant 0 : i32
      %dma_start3A_273 = tpu.memref_slice %arg22[%add3A_54, %dma_start3A_272] : memref<10240x128xf32, #tpu.memory_space<vmem_shared>> -> memref<40x128xf32, #tpu.memory_space<vmem_shared>>
      tpu.enqueue_dma source(%arg18 : memref<40x128xf32, #tpu.memory_space<vmem>>) target(%dma_start3A_273 : memref<40x128xf32, #tpu.memory_space<vmem_shared>>) target_semaphore(%run_scoped3A : memref<!tpu.dma_semaphore, #tpu.memory_space<semaphore_mem>>)
      %dma_wait3A_274 = arith.constant 0 : i32
      %dma_wait3A_275 = tpu.memref_slice %arg22[%add3A_54, %dma_wait3A_274] : memref<10240x128xf32, #tpu.memory_space<vmem_shared>> -> memref<40x128xf32, #tpu.memory_space<vmem_shared>>
      %dma_wait3A_276 = arith.constant 0 : i32
      %dma_wait3A_277 = tpu.memref_slice %arg22[%add3A_54, %dma_wait3A_276] : memref<10240x128xf32, #tpu.memory_space<vmem_shared>> -> memref<40x128xf32, #tpu.memory_space<vmem_shared>>
      tpu.wait_dma2 semaphore(%run_scoped3A : memref<!tpu.dma_semaphore, #tpu.memory_space<semaphore_mem>>) src(%arg18 : memref<40x128xf32, #tpu.memory_space<vmem>>) dst(%dma_wait3A_277 : memref<40x128xf32, #tpu.memory_space<vmem_shared>>)
      tpu.yield
    }) : () -> ()
    %mul3A_55 = arith.constant 640 : i32
    %mul3A_56 = arith.muli %arg1, %mul3A_55 : i32
    %add3A_57 = arith.constant 480 : i32
    %add3A_58 = arith.addi %mul3A_56, %add3A_57 : i32
    "tpu.region"() ({
      %run_scoped3A = tpu.sem_alloc : memref<!tpu.dma_semaphore, #tpu.memory_space<semaphore_mem>>
      %dma_start3A_270 = arith.constant 0 : i32
      %dma_start3A_271 = tpu.memref_slice %arg22[%add3A_58, %dma_start3A_270] : memref<10240x128xf32, #tpu.memory_space<vmem_shared>> -> memref<40x128xf32, #tpu.memory_space<vmem_shared>>
      %dma_start3A_272 = arith.constant 0 : i32
      %dma_start3A_273 = tpu.memref_slice %arg22[%add3A_58, %dma_start3A_272] : memref<10240x128xf32, #tpu.memory_space<vmem_shared>> -> memref<40x128xf32, #tpu.memory_space<vmem_shared>>
      tpu.enqueue_dma source(%arg18 : memref<40x128xf32, #tpu.memory_space<vmem>>) target(%dma_start3A_273 : memref<40x128xf32, #tpu.memory_space<vmem_shared>>) target_semaphore(%run_scoped3A : memref<!tpu.dma_semaphore, #tpu.memory_space<semaphore_mem>>)
      %dma_wait3A_274 = arith.constant 0 : i32
      %dma_wait3A_275 = tpu.memref_slice %arg22[%add3A_58, %dma_wait3A_274] : memref<10240x128xf32, #tpu.memory_space<vmem_shared>> -> memref<40x128xf32, #tpu.memory_space<vmem_shared>>
      %dma_wait3A_276 = arith.constant 0 : i32
      %dma_wait3A_277 = tpu.memref_slice %arg22[%add3A_58, %dma_wait3A_276] : memref<10240x128xf32, #tpu.memory_space<vmem_shared>> -> memref<40x128xf32, #tpu.memory_space<vmem_shared>>
      tpu.wait_dma2 semaphore(%run_scoped3A : memref<!tpu.dma_semaphore, #tpu.memory_space<semaphore_mem>>) src(%arg18 : memref<40x128xf32, #tpu.memory_space<vmem>>) dst(%dma_wait3A_277 : memref<40x128xf32, #tpu.memory_space<vmem_shared>>)
      tpu.yield
    }) : () -> ()
    %mul3A_59 = arith.constant 640 : i32
    %mul3A_60 = arith.muli %arg1, %mul3A_59 : i32
    %add3A_61 = arith.constant 520 : i32
    %add3A_62 = arith.addi %mul3A_60, %add3A_61 : i32
    "tpu.region"() ({
      %run_scoped3A = tpu.sem_alloc : memref<!tpu.dma_semaphore, #tpu.memory_space<semaphore_mem>>
      %dma_start3A_270 = arith.constant 0 : i32
      %dma_start3A_271 = tpu.memref_slice %arg22[%add3A_62, %dma_start3A_270] : memref<10240x128xf32, #tpu.memory_space<vmem_shared>> -> memref<40x128xf32, #tpu.memory_space<vmem_shared>>
      %dma_start3A_272 = arith.constant 0 : i32
      %dma_start3A_273 = tpu.memref_slice %arg22[%add3A_62, %dma_start3A_272] : memref<10240x128xf32, #tpu.memory_space<vmem_shared>> -> memref<40x128xf32, #tpu.memory_space<vmem_shared>>
      tpu.enqueue_dma source(%arg18 : memref<40x128xf32, #tpu.memory_space<vmem>>) target(%dma_start3A_273 : memref<40x128xf32, #tpu.memory_space<vmem_shared>>) target_semaphore(%run_scoped3A : memref<!tpu.dma_semaphore, #tpu.memory_space<semaphore_mem>>)
      %dma_wait3A_274 = arith.constant 0 : i32
      %dma_wait3A_275 = tpu.memref_slice %arg22[%add3A_62, %dma_wait3A_274] : memref<10240x128xf32, #tpu.memory_space<vmem_shared>> -> memref<40x128xf32, #tpu.memory_space<vmem_shared>>
      %dma_wait3A_276 = arith.constant 0 : i32
      %dma_wait3A_277 = tpu.memref_slice %arg22[%add3A_62, %dma_wait3A_276] : memref<10240x128xf32, #tpu.memory_space<vmem_shared>> -> memref<40x128xf32, #tpu.memory_space<vmem_shared>>
      tpu.wait_dma2 semaphore(%run_scoped3A : memref<!tpu.dma_semaphore, #tpu.memory_space<semaphore_mem>>) src(%arg18 : memref<40x128xf32, #tpu.memory_space<vmem>>) dst(%dma_wait3A_277 : memref<40x128xf32, #tpu.memory_space<vmem_shared>>)
      tpu.yield
    }) : () -> ()
    %mul3A_63 = arith.constant 640 : i32
    %mul3A_64 = arith.muli %arg1, %mul3A_63 : i32
    %add3A_65 = arith.constant 560 : i32
    %add3A_66 = arith.addi %mul3A_64, %add3A_65 : i32
    "tpu.region"() ({
      %run_scoped3A = tpu.sem_alloc : memref<!tpu.dma_semaphore, #tpu.memory_space<semaphore_mem>>
      %dma_start3A_270 = arith.constant 0 : i32
      %dma_start3A_271 = tpu.memref_slice %arg22[%add3A_66, %dma_start3A_270] : memref<10240x128xf32, #tpu.memory_space<vmem_shared>> -> memref<40x128xf32, #tpu.memory_space<vmem_shared>>
      %dma_start3A_272 = arith.constant 0 : i32
      %dma_start3A_273 = tpu.memref_slice %arg22[%add3A_66, %dma_start3A_272] : memref<10240x128xf32, #tpu.memory_space<vmem_shared>> -> memref<40x128xf32, #tpu.memory_space<vmem_shared>>
      tpu.enqueue_dma source(%arg18 : memref<40x128xf32, #tpu.memory_space<vmem>>) target(%dma_start3A_273 : memref<40x128xf32, #tpu.memory_space<vmem_shared>>) target_semaphore(%run_scoped3A : memref<!tpu.dma_semaphore, #tpu.memory_space<semaphore_mem>>)
      %dma_wait3A_274 = arith.constant 0 : i32
      %dma_wait3A_275 = tpu.memref_slice %arg22[%add3A_66, %dma_wait3A_274] : memref<10240x128xf32, #tpu.memory_space<vmem_shared>> -> memref<40x128xf32, #tpu.memory_space<vmem_shared>>
      %dma_wait3A_276 = arith.constant 0 : i32
      %dma_wait3A_277 = tpu.memref_slice %arg22[%add3A_66, %dma_wait3A_276] : memref<10240x128xf32, #tpu.memory_space<vmem_shared>> -> memref<40x128xf32, #tpu.memory_space<vmem_shared>>
      tpu.wait_dma2 semaphore(%run_scoped3A : memref<!tpu.dma_semaphore, #tpu.memory_space<semaphore_mem>>) src(%arg18 : memref<40x128xf32, #tpu.memory_space<vmem>>) dst(%dma_wait3A_277 : memref<40x128xf32, #tpu.memory_space<vmem_shared>>)
      tpu.yield
    }) : () -> ()
    %mul3A_67 = arith.constant 640 : i32
    %mul3A_68 = arith.muli %arg1, %mul3A_67 : i32
    %add3A_69 = arith.constant 600 : i32
    %add3A_70 = arith.addi %mul3A_68, %add3A_69 : i32
    "tpu.region"() ({
      %run_scoped3A = tpu.sem_alloc : memref<!tpu.dma_semaphore, #tpu.memory_space<semaphore_mem>>
      %dma_start3A_270 = arith.constant 0 : i32
      %dma_start3A_271 = tpu.memref_slice %arg22[%add3A_70, %dma_start3A_270] : memref<10240x128xf32, #tpu.memory_space<vmem_shared>> -> memref<40x128xf32, #tpu.memory_space<vmem_shared>>
      %dma_start3A_272 = arith.constant 0 : i32
      %dma_start3A_273 = tpu.memref_slice %arg22[%add3A_70, %dma_start3A_272] : memref<10240x128xf32, #tpu.memory_space<vmem_shared>> -> memref<40x128xf32, #tpu.memory_space<vmem_shared>>
      tpu.enqueue_dma source(%arg18 : memref<40x128xf32, #tpu.memory_space<vmem>>) target(%dma_start3A_273 : memref<40x128xf32, #tpu.memory_space<vmem_shared>>) target_semaphore(%run_scoped3A : memref<!tpu.dma_semaphore, #tpu.memory_space<semaphore_mem>>)
      %dma_wait3A_274 = arith.constant 0 : i32
      %dma_wait3A_275 = tpu.memref_slice %arg22[%add3A_70, %dma_wait3A_274] : memref<10240x128xf32, #tpu.memory_space<vmem_shared>> -> memref<40x128xf32, #tpu.memory_space<vmem_shared>>
      %dma_wait3A_276 = arith.constant 0 : i32
      %dma_wait3A_277 = tpu.memref_slice %arg22[%add3A_70, %dma_wait3A_276] : memref<10240x128xf32, #tpu.memory_space<vmem_shared>> -> memref<40x128xf32, #tpu.memory_space<vmem_shared>>
      tpu.wait_dma2 semaphore(%run_scoped3A : memref<!tpu.dma_semaphore, #tpu.memory_space<semaphore_mem>>) src(%arg18 : memref<40x128xf32, #tpu.memory_space<vmem>>) dst(%dma_wait3A_277 : memref<40x128xf32, #tpu.memory_space<vmem_shared>>)
      tpu.yield
    }) : () -> ()
    %barrier3A = arith.constant 0 : index
    tpu.barrier barrier_id(%barrier3A)
    %mul3A_71 = arith.constant 10000 : i32
    %mul3A_72 = arith.muli %add3A, %mul3A_71 : i32
    %add3A_73 = arith.constant 0 : i32
    %add3A_74 = arith.addi %mul3A_72, %add3A_73 : i32
    %dma_start3A = tpu.memref_slice %arg5[%add3A_74] : memref<320000xi32, #tpu.memory_space<hbm>> -> memref<40xi32, #tpu.memory_space<hbm>>
    %dma_start3A_75 = tpu.memref_slice %arg5[%add3A_74] : memref<320000xi32, #tpu.memory_space<hbm>> -> memref<40xi32, #tpu.memory_space<hbm>>
    tpu.enqueue_dma source(%dma_start3A_75 : memref<40xi32, #tpu.memory_space<hbm>>) target(%arg8 : memref<40xi32, #tpu.memory_space<vmem>>) target_semaphore(%arg29 : memref<!tpu.dma_semaphore, #tpu.memory_space<semaphore_mem>>)
    %dma_start3A_76 = tpu.memref_slice %arg6[%add3A_74] : memref<320000xi32, #tpu.memory_space<hbm>> -> memref<40xi32, #tpu.memory_space<hbm>>
    %dma_start3A_77 = tpu.memref_slice %arg6[%add3A_74] : memref<320000xi32, #tpu.memory_space<hbm>> -> memref<40xi32, #tpu.memory_space<hbm>>
    tpu.enqueue_dma source(%dma_start3A_77 : memref<40xi32, #tpu.memory_space<hbm>>) target(%arg9 : memref<40xi32, #tpu.memory_space<vmem>>) target_semaphore(%arg31 : memref<!tpu.dma_semaphore, #tpu.memory_space<semaphore_mem>>)
    %dma_wait3A = arith.constant 0 : i32
    %dma_wait3A_78 = tpu.memref_slice %arg5[%dma_wait3A] : memref<320000xi32, #tpu.memory_space<hbm>> -> memref<40xi32, #tpu.memory_space<hbm>>
    %dma_wait3A_79 = arith.constant 0 : i32
    %dma_wait3A_80 = tpu.memref_slice %arg5[%dma_wait3A_79] : memref<320000xi32, #tpu.memory_space<hbm>> -> memref<40xi32, #tpu.memory_space<hbm>>
    tpu.wait_dma2 semaphore(%arg29 : memref<!tpu.dma_semaphore, #tpu.memory_space<semaphore_mem>>) src(%dma_wait3A_80 : memref<40xi32, #tpu.memory_space<hbm>>) dst(%arg8 : memref<40xi32, #tpu.memory_space<vmem>>)
    %dma_wait3A_81 = arith.constant 0 : i32
    %dma_wait3A_82 = tpu.memref_slice %arg6[%dma_wait3A_81] : memref<320000xi32, #tpu.memory_space<hbm>> -> memref<40xi32, #tpu.memory_space<hbm>>
    %dma_wait3A_83 = arith.constant 0 : i32
    %dma_wait3A_84 = tpu.memref_slice %arg6[%dma_wait3A_83] : memref<320000xi32, #tpu.memory_space<hbm>> -> memref<40xi32, #tpu.memory_space<hbm>>
    tpu.wait_dma2 semaphore(%arg31 : memref<!tpu.dma_semaphore, #tpu.memory_space<semaphore_mem>>) src(%dma_wait3A_84 : memref<40xi32, #tpu.memory_space<hbm>>) dst(%arg9 : memref<40xi32, #tpu.memory_space<vmem>>)
    %get3A = arith.constant 0 : index
    %get3A_85 = tpu.vector_load %arg8[%get3A] {strides = array<i32>} : memref<40xi32, #tpu.memory_space<vmem>>, vector<16xi32>,
    %swap3A = arith.constant 0 : index
    %swap3A_86 = tpu.vector_load %arg20[%swap3A] {strides = array<i32>} : memref<40xi32, #tpu.memory_space<vmem>>, vector<16xi32>,
    tpu.vector_store %arg20[%swap3A], %get3A_85 {strides = array<i32>} : memref<40xi32, #tpu.memory_space<vmem>>, vector<16xi32>,
    %get3A_87 = arith.constant 16 : index
    %get3A_88 = tpu.vector_load %arg8[%get3A_87] {strides = array<i32>} : memref<40xi32, #tpu.memory_space<vmem>>, vector<16xi32>,
    %swap3A_89 = arith.constant 16 : index
    %swap3A_90 = tpu.vector_load %arg20[%swap3A_89] {strides = array<i32>} : memref<40xi32, #tpu.memory_space<vmem>>, vector<16xi32>,
    tpu.vector_store %arg20[%swap3A_89], %get3A_88 {strides = array<i32>} : memref<40xi32, #tpu.memory_space<vmem>>, vector<16xi32>,
    %get3A_91 = arith.constant 24 : index
    %get3A_92 = tpu.vector_load %arg8[%get3A_91] {strides = array<i32>} : memref<40xi32, #tpu.memory_space<vmem>>, vector<16xi32>,
    %swap3A_93 = arith.constant 24 : index
    %swap3A_94 = tpu.vector_load %arg20[%swap3A_93] {strides = array<i32>} : memref<40xi32, #tpu.memory_space<vmem>>, vector<16xi32>,
    tpu.vector_store %arg20[%swap3A_93], %get3A_92 {strides = array<i32>} : memref<40xi32, #tpu.memory_space<vmem>>, vector<16xi32>,
    %add3A_95 = arith.constant 0 : i32
    %add3A_96 = arith.addi %mul3A_72, %add3A_95 : i32
    %dma_start3A_97 = arith.constant 0 : i32
    %dma_start3A_98 = arith.constant 0 : i32
    %dma_start3A_99 = tpu.memref_slice %arg2[%dma_start3A_97, %dma_start3A_98] : memref<10000x128xf32, #tpu.memory_space<hbm>> -> memref<10000x128xf32, #tpu.memory_space<hbm>>
    tpu.enqueue_indirect_dma source(%dma_start3A_99 : memref<10000x128xf32, #tpu.memory_space<hbm>>) target(%arg10 : memref<40x128xf32, #tpu.memory_space<vmem>>) offsets(%arg8 : memref<40xi32, #tpu.memory_space<vmem>>) semaphore(%arg23 : memref<!tpu.dma_semaphore, #tpu.memory_space<semaphore_mem>>)
    %dma_start3A_100 = arith.constant 0 : i32
    %dma_start3A_101 = arith.constant 0 : i32
    %dma_start3A_102 = tpu.memref_slice %arg3[%dma_start3A_100, %dma_start3A_101] : memref<10000x128xf32, #tpu.memory_space<hbm>> -> memref<10000x128xf32, #tpu.memory_space<hbm>>
    tpu.enqueue_indirect_dma source(%dma_start3A_102 : memref<10000x128xf32, #tpu.memory_space<hbm>>) target(%arg11 : memref<40x128xf32, #tpu.memory_space<vmem>>) offsets(%arg9 : memref<40xi32, #tpu.memory_space<vmem>>) semaphore(%arg24 : memref<!tpu.dma_semaphore, #tpu.memory_space<semaphore_mem>>)
    %dma_start3A_103 = arith.constant 0 : i32
    %dma_start3A_104 = tpu.memref_slice %arg4[%add3A_96, %dma_start3A_103] : memref<320000x128xf32, #tpu.memory_space<hbm>> -> memref<40x128xf32, #tpu.memory_space<hbm>>
    %dma_start3A_105 = arith.constant 0 : i32
    %dma_start3A_106 = tpu.memref_slice %arg4[%add3A_96, %dma_start3A_105] : memref<320000x128xf32, #tpu.memory_space<hbm>> -> memref<40x128xf32, #tpu.memory_space<hbm>>
    tpu.enqueue_dma source(%dma_start3A_106 : memref<40x128xf32, #tpu.memory_space<hbm>>) target(%arg12 : memref<40x128xf32, #tpu.memory_space<vmem>>) target_semaphore(%arg25 : memref<!tpu.dma_semaphore, #tpu.memory_space<semaphore_mem>>)
    %add3A_107 = arith.constant 40 : i32
    %add3A_108 = arith.addi %mul3A_72, %add3A_107 : i32
    %dma_start3A_109 = tpu.memref_slice %arg5[%add3A_108] : memref<320000xi32, #tpu.memory_space<hbm>> -> memref<40xi32, #tpu.memory_space<hbm>>
    %dma_start3A_110 = tpu.memref_slice %arg5[%add3A_108] : memref<320000xi32, #tpu.memory_space<hbm>> -> memref<40xi32, #tpu.memory_space<hbm>>
    tpu.enqueue_dma source(%dma_start3A_110 : memref<40xi32, #tpu.memory_space<hbm>>) target(%arg13 : memref<40xi32, #tpu.memory_space<vmem>>) target_semaphore(%arg30 : memref<!tpu.dma_semaphore, #tpu.memory_space<semaphore_mem>>)
    %dma_start3A_111 = tpu.memref_slice %arg6[%add3A_108] : memref<320000xi32, #tpu.memory_space<hbm>> -> memref<40xi32, #tpu.memory_space<hbm>>
    %dma_start3A_112 = tpu.memref_slice %arg6[%add3A_108] : memref<320000xi32, #tpu.memory_space<hbm>> -> memref<40xi32, #tpu.memory_space<hbm>>
    tpu.enqueue_dma source(%dma_start3A_112 : memref<40xi32, #tpu.memory_space<hbm>>) target(%arg14 : memref<40xi32, #tpu.memory_space<vmem>>) target_semaphore(%arg32 : memref<!tpu.dma_semaphore, #tpu.memory_space<semaphore_mem>>)
    %dma_wait3A_113 = arith.constant 0 : i32
    %dma_wait3A_114 = tpu.memref_slice %arg5[%dma_wait3A_113] : memref<320000xi32, #tpu.memory_space<hbm>> -> memref<40xi32, #tpu.memory_space<hbm>>
    %dma_wait3A_115 = arith.constant 0 : i32
    %dma_wait3A_116 = tpu.memref_slice %arg5[%dma_wait3A_115] : memref<320000xi32, #tpu.memory_space<hbm>> -> memref<40xi32, #tpu.memory_space<hbm>>
    tpu.wait_dma2 semaphore(%arg30 : memref<!tpu.dma_semaphore, #tpu.memory_space<semaphore_mem>>) src(%dma_wait3A_116 : memref<40xi32, #tpu.memory_space<hbm>>) dst(%arg13 : memref<40xi32, #tpu.memory_space<vmem>>)
    %dma_wait3A_117 = arith.constant 0 : i32
    %dma_wait3A_118 = tpu.memref_slice %arg6[%dma_wait3A_117] : memref<320000xi32, #tpu.memory_space<hbm>> -> memref<40xi32, #tpu.memory_space<hbm>>
    %dma_wait3A_119 = arith.constant 0 : i32
    %dma_wait3A_120 = tpu.memref_slice %arg6[%dma_wait3A_119] : memref<320000xi32, #tpu.memory_space<hbm>> -> memref<40xi32, #tpu.memory_space<hbm>>
    tpu.wait_dma2 semaphore(%arg32 : memref<!tpu.dma_semaphore, #tpu.memory_space<semaphore_mem>>) src(%dma_wait3A_120 : memref<40xi32, #tpu.memory_space<hbm>>) dst(%arg14 : memref<40xi32, #tpu.memory_space<vmem>>)
    %get3A_121 = arith.constant 0 : index
    %get3A_122 = tpu.vector_load %arg13[%get3A_121] {strides = array<i32>} : memref<40xi32, #tpu.memory_space<vmem>>, vector<16xi32>,
    %swap3A_123 = arith.constant 0 : index
    %swap3A_124 = tpu.vector_load %arg21[%swap3A_123] {strides = array<i32>} : memref<40xi32, #tpu.memory_space<vmem>>, vector<16xi32>,
    tpu.vector_store %arg21[%swap3A_123], %get3A_122 {strides = array<i32>} : memref<40xi32, #tpu.memory_space<vmem>>, vector<16xi32>,
    %get3A_125 = arith.constant 16 : index
    %get3A_126 = tpu.vector_load %arg13[%get3A_125] {strides = array<i32>} : memref<40xi32, #tpu.memory_space<vmem>>, vector<16xi32>,
    %swap3A_127 = arith.constant 16 : index
    %swap3A_128 = tpu.vector_load %arg21[%swap3A_127] {strides = array<i32>} : memref<40xi32, #tpu.memory_space<vmem>>, vector<16xi32>,
    tpu.vector_store %arg21[%swap3A_127], %get3A_126 {strides = array<i32>} : memref<40xi32, #tpu.memory_space<vmem>>, vector<16xi32>,
    %get3A_129 = arith.constant 24 : index
    %get3A_130 = tpu.vector_load %arg13[%get3A_129] {strides = array<i32>} : memref<40xi32, #tpu.memory_space<vmem>>, vector<16xi32>,
    %swap3A_131 = arith.constant 24 : index
    %swap3A_132 = tpu.vector_load %arg21[%swap3A_131] {strides = array<i32>} : memref<40xi32, #tpu.memory_space<vmem>>, vector<16xi32>,
    tpu.vector_store %arg21[%swap3A_131], %get3A_130 {strides = array<i32>} : memref<40xi32, #tpu.memory_space<vmem>>, vector<16xi32>,
    %add3A_133 = arith.constant 40 : i32
    %add3A_134 = arith.addi %mul3A_72, %add3A_133 : i32
    %dma_start3A_135 = arith.constant 0 : i32
    %dma_start3A_136 = arith.constant 0 : i32
    %dma_start3A_137 = tpu.memref_slice %arg2[%dma_start3A_135, %dma_start3A_136] : memref<10000x128xf32, #tpu.memory_space<hbm>> -> memref<10000x128xf32, #tpu.memory_space<hbm>>
    tpu.enqueue_indirect_dma source(%dma_start3A_137 : memref<10000x128xf32, #tpu.memory_space<hbm>>) target(%arg15 : memref<40x128xf32, #tpu.memory_space<vmem>>) offsets(%arg13 : memref<40xi32, #tpu.memory_space<vmem>>) semaphore(%arg26 : memref<!tpu.dma_semaphore, #tpu.memory_space<semaphore_mem>>)
    %dma_start3A_138 = arith.constant 0 : i32
    %dma_start3A_139 = arith.constant 0 : i32
    %dma_start3A_140 = tpu.memref_slice %arg3[%dma_start3A_138, %dma_start3A_139] : memref<10000x128xf32, #tpu.memory_space<hbm>> -> memref<10000x128xf32, #tpu.memory_space<hbm>>
    tpu.enqueue_indirect_dma source(%dma_start3A_140 : memref<10000x128xf32, #tpu.memory_space<hbm>>) target(%arg16 : memref<40x128xf32, #tpu.memory_space<vmem>>) offsets(%arg14 : memref<40xi32, #tpu.memory_space<vmem>>) semaphore(%arg27 : memref<!tpu.dma_semaphore, #tpu.memory_space<semaphore_mem>>)
    %dma_start3A_141 = arith.constant 0 : i32
    %dma_start3A_142 = tpu.memref_slice %arg4[%add3A_134, %dma_start3A_141] : memref<320000x128xf32, #tpu.memory_space<hbm>> -> memref<40x128xf32, #tpu.memory_space<hbm>>
    %dma_start3A_143 = arith.constant 0 : i32
    %dma_start3A_144 = tpu.memref_slice %arg4[%add3A_134, %dma_start3A_143] : memref<320000x128xf32, #tpu.memory_space<hbm>> -> memref<40x128xf32, #tpu.memory_space<hbm>>
    tpu.enqueue_dma source(%dma_start3A_144 : memref<40x128xf32, #tpu.memory_space<hbm>>) target(%arg17 : memref<40x128xf32, #tpu.memory_space<vmem>>) target_semaphore(%arg28 : memref<!tpu.dma_semaphore, #tpu.memory_space<semaphore_mem>>)
    %scan3A_145 = arith.constant 0 : i32
    %scan3A_146 = arith.constant 0 : i32
    %scan3A_147 = arith.constant 125 : i32
    %scan3A_148 = arith.addi %scan3A_146, %scan3A_147 : i32
    %scan3A_149 = arith.constant 1 : i32
    scf.for %scan3A_270 = %scan3A_146 to %scan3A_148 step %scan3A_149  : i32 {
      %mul3A_271 = arith.constant 2 : i32
      %mul3A_272 = arith.muli %mul3A_271, %scan3A_270 : i32
      %add3A_273 = arith.constant 0 : i32
      %add3A_274 = arith.addi %mul3A_272, %add3A_273 : i32
      %dma_wait3A_275 = arith.constant 0 : i32
      %dma_wait3A_276 = arith.constant 0 : i32
      %dma_wait3A_277 = tpu.memref_slice %arg2[%dma_wait3A_275, %dma_wait3A_276] : memref<10000x128xf32, #tpu.memory_space<hbm>> -> memref<10000x128xf32, #tpu.memory_space<hbm>>
      tpu.wait_indirect_dma semaphore(%arg23 : memref<!tpu.dma_semaphore, #tpu.memory_space<semaphore_mem>>) src(%dma_wait3A_277 : memref<10000x128xf32, #tpu.memory_space<hbm>>) dst(%arg10 : memref<40x128xf32, #tpu.memory_space<vmem>>)
      %dma_wait3A_278 = arith.constant 0 : i32
      %dma_wait3A_279 = arith.constant 0 : i32
      %dma_wait3A_280 = tpu.memref_slice %arg3[%dma_wait3A_278, %dma_wait3A_279] : memref<10000x128xf32, #tpu.memory_space<hbm>> -> memref<10000x128xf32, #tpu.memory_space<hbm>>
      tpu.wait_indirect_dma semaphore(%arg24 : memref<!tpu.dma_semaphore, #tpu.memory_space<semaphore_mem>>) src(%dma_wait3A_280 : memref<10000x128xf32, #tpu.memory_space<hbm>>) dst(%arg11 : memref<40x128xf32, #tpu.memory_space<vmem>>)
      %dma_wait3A_281 = arith.constant 0 : i32
      %dma_wait3A_282 = arith.constant 0 : i32
      %dma_wait3A_283 = tpu.memref_slice %arg4[%dma_wait3A_281, %dma_wait3A_282] : memref<320000x128xf32, #tpu.memory_space<hbm>> -> memref<40x128xf32, #tpu.memory_space<hbm>>
      %dma_wait3A_284 = arith.constant 0 : i32
      %dma_wait3A_285 = arith.constant 0 : i32
      %dma_wait3A_286 = tpu.memref_slice %arg4[%dma_wait3A_284, %dma_wait3A_285] : memref<320000x128xf32, #tpu.memory_space<hbm>> -> memref<40x128xf32, #tpu.memory_space<hbm>>
      tpu.wait_dma2 semaphore(%arg25 : memref<!tpu.dma_semaphore, #tpu.memory_space<semaphore_mem>>) src(%dma_wait3A_286 : memref<40x128xf32, #tpu.memory_space<hbm>>) dst(%arg12 : memref<40x128xf32, #tpu.memory_space<vmem>>)
      %add3A_287 = arith.constant 2 : i32
      %add3A_288 = arith.addi %add3A_274, %add3A_287 : i32
      %lt3A = arith.constant 250 : i32
      %lt3A_289 = arith.cmpi slt, %add3A_288, %lt3A : i32
      %convert_element_type3A = arith.extui %lt3A_289 : i1 to i32
      %cond3A = arith.constant 0 : i32
      %cond3A_290 = arith.cmpi ne, %convert_element_type3A, %cond3A : i32
      scf.if %cond3A_290 {
        %add3A_355 = arith.constant 2 : i32
        %add3A_356 = arith.addi %add3A_274, %add3A_355 : i32
        %mul3A_357 = arith.constant 40 : i32
        %mul3A_358 = arith.muli %add3A_356, %mul3A_357 : i32
        %add3A_359 = arith.addi %mul3A_72, %mul3A_358 : i32
        %dma_start3A_360 = tpu.memref_slice %arg5[%add3A_359] : memref<320000xi32, #tpu.memory_space<hbm>> -> memref<40xi32, #tpu.memory_space<hbm>>
        %dma_start3A_361 = tpu.memref_slice %arg5[%add3A_359] : memref<320000xi32, #tpu.memory_space<hbm>> -> memref<40xi32, #tpu.memory_space<hbm>>
        tpu.enqueue_dma source(%dma_start3A_361 : memref<40xi32, #tpu.memory_space<hbm>>) target(%arg8 : memref<40xi32, #tpu.memory_space<vmem>>) target_semaphore(%arg29 : memref<!tpu.dma_semaphore, #tpu.memory_space<semaphore_mem>>)
        %dma_start3A_362 = tpu.memref_slice %arg6[%add3A_359] : memref<320000xi32, #tpu.memory_space<hbm>> -> memref<40xi32, #tpu.memory_space<hbm>>
        %dma_start3A_363 = tpu.memref_slice %arg6[%add3A_359] : memref<320000xi32, #tpu.memory_space<hbm>> -> memref<40xi32, #tpu.memory_space<hbm>>
        tpu.enqueue_dma source(%dma_start3A_363 : memref<40xi32, #tpu.memory_space<hbm>>) target(%arg9 : memref<40xi32, #tpu.memory_space<vmem>>) target_semaphore(%arg31 : memref<!tpu.dma_semaphore, #tpu.memory_space<semaphore_mem>>)
      } else {
      }
      %ge3A = arith.constant 1 : i32
      %ge3A_291 = arith.cmpi sge, %scan3A_270, %ge3A : i32
      %convert_element_type3A_292 = arith.extui %ge3A_291 : i1 to i32
      %cond3A_293 = arith.constant 0 : i32
      %cond3A_294 = arith.cmpi ne, %convert_element_type3A_292, %cond3A_293 : i32
      scf.if %cond3A_294 {
        %dma_wait3A_355 = arith.constant 0 : i32
        %dma_wait3A_356 = arith.constant 0 : i32
        %dma_wait3A_357 = tpu.memref_slice %arg22[%dma_wait3A_355, %dma_wait3A_356] : memref<10240x128xf32, #tpu.memory_space<vmem_shared>> -> memref<10240x128xf32, #tpu.memory_space<vmem_shared>>
        tpu.wait_indirect_dma semaphore(%arg33 : memref<!tpu.dma_semaphore, #tpu.memory_space<semaphore_mem>>) src(%arg18 : memref<40x128xf32, #tpu.memory_space<vmem>>) dst(%dma_wait3A_357 : memref<10240x128xf32, #tpu.memory_space<vmem_shared>>)
      } else {
      }
      %scan3A_295 = arith.constant 0 : i32
      %scan3A_296 = arith.constant 0 : i32
      %scan3A_297 = arith.constant 40 : i32
      %scan3A_298 = arith.addi %scan3A_296, %scan3A_297 : i32
      %scan3A_299 = arith.constant 1 : i32
      scf.for %scan3A_355 = %scan3A_296 to %scan3A_298 step %scan3A_299  : i32 {
        %get3A_356 = arith.index_cast %scan3A_355 : i32 to index
        %get3A_357 = arith.constant 0 : index
        %get3A_358 = tpu.vector_load %arg10[%get3A_356, %get3A_357] {strides = array<i32>} : memref<40x128xf32, #tpu.memory_space<vmem>>, vector<16xf32>,
        %get3A_359 = arith.index_cast %scan3A_355 : i32 to index
        %get3A_360 = arith.constant 0 : index
        %get3A_361 = tpu.vector_load %arg11[%get3A_359, %get3A_360] {strides = array<i32>} : memref<40x128xf32, #tpu.memory_space<vmem>>, vector<16xf32>,
        %add3A_362 = arith.addf %get3A_358, %get3A_361 : vector<16xf32>
        %get3A_363 = arith.index_cast %scan3A_355 : i32 to index
        %get3A_364 = arith.constant 0 : index
        %get3A_365 = tpu.vector_load %arg12[%get3A_363, %get3A_364] {strides = array<i32>} : memref<40x128xf32, #tpu.memory_space<vmem>>, vector<16xf32>,
        %add3A_366 = arith.addf %add3A_362, %get3A_365 : vector<16xf32>
        %max3A = arith.constant 0.000000e+00 : f32
        %max3A_367 = vector.broadcast %max3A : f32 to vector<16xf32>
        %max3A_368 = arith.maximumf %add3A_366, %max3A_367 : vector<16xf32>
        %swap3A_369 = arith.index_cast %scan3A_355 : i32 to index
        %swap3A_370 = arith.constant 0 : index
        %swap3A_371 = tpu.vector_load %arg18[%swap3A_369, %swap3A_370] {strides = array<i32>} : memref<40x128xf32, #tpu.memory_space<vmem>>, vector<16xf32>,
        tpu.vector_store %arg18[%swap3A_369, %swap3A_370], %max3A_368 {strides = array<i32>} : memref<40x128xf32, #tpu.memory_space<vmem>>, vector<16xf32>,
        %get3A_372 = arith.index_cast %scan3A_355 : i32 to index
        %get3A_373 = arith.constant 16 : index
        %get3A_374 = tpu.vector_load %arg10[%get3A_372, %get3A_373] {strides = array<i32>} : memref<40x128xf32, #tpu.memory_space<vmem>>, vector<16xf32>,
        %get3A_375 = arith.index_cast %scan3A_355 : i32 to index
        %get3A_376 = arith.constant 16 : index
        %get3A_377 = tpu.vector_load %arg11[%get3A_375, %get3A_376] {strides = array<i32>} : memref<40x128xf32, #tpu.memory_space<vmem>>, vector<16xf32>,
        %add3A_378 = arith.addf %get3A_374, %get3A_377 : vector<16xf32>
        %get3A_379 = arith.index_cast %scan3A_355 : i32 to index
        %get3A_380 = arith.constant 16 : index
        %get3A_381 = tpu.vector_load %arg12[%get3A_379, %get3A_380] {strides = array<i32>} : memref<40x128xf32, #tpu.memory_space<vmem>>, vector<16xf32>,
        %add3A_382 = arith.addf %add3A_378, %get3A_381 : vector<16xf32>
        %max3A_383 = arith.constant 0.000000e+00 : f32
        %max3A_384 = vector.broadcast %max3A_383 : f32 to vector<16xf32>
        %max3A_385 = arith.maximumf %add3A_382, %max3A_384 : vector<16xf32>
        %swap3A_386 = arith.index_cast %scan3A_355 : i32 to index
        %swap3A_387 = arith.constant 16 : index
        %swap3A_388 = tpu.vector_load %arg18[%swap3A_386, %swap3A_387] {strides = array<i32>} : memref<40x128xf32, #tpu.memory_space<vmem>>, vector<16xf32>,
        tpu.vector_store %arg18[%swap3A_386, %swap3A_387], %max3A_385 {strides = array<i32>} : memref<40x128xf32, #tpu.memory_space<vmem>>, vector<16xf32>,
        %get3A_389 = arith.index_cast %scan3A_355 : i32 to index
        %get3A_390 = arith.constant 32 : index
        %get3A_391 = tpu.vector_load %arg10[%get3A_389, %get3A_390] {strides = array<i32>} : memref<40x128xf32, #tpu.memory_space<vmem>>, vector<16xf32>,
        %get3A_392 = arith.index_cast %scan3A_355 : i32 to index
        %get3A_393 = arith.constant 32 : index
        %get3A_394 = tpu.vector_load %arg11[%get3A_392, %get3A_393] {strides = array<i32>} : memref<40x128xf32, #tpu.memory_space<vmem>>, vector<16xf32>,
        %add3A_395 = arith.addf %get3A_391, %get3A_394 : vector<16xf32>
        %get3A_396 = arith.index_cast %scan3A_355 : i32 to index
        %get3A_397 = arith.constant 32 : index
        %get3A_398 = tpu.vector_load %arg12[%get3A_396, %get3A_397] {strides = array<i32>} : memref<40x128xf32, #tpu.memory_space<vmem>>, vector<16xf32>,
        %add3A_399 = arith.addf %add3A_395, %get3A_398 : vector<16xf32>
        %max3A_400 = arith.constant 0.000000e+00 : f32
        %max3A_401 = vector.broadcast %max3A_400 : f32 to vector<16xf32>
        %max3A_402 = arith.maximumf %add3A_399, %max3A_401 : vector<16xf32>
        %swap3A_403 = arith.index_cast %scan3A_355 : i32 to index
        %swap3A_404 = arith.constant 32 : index
        %swap3A_405 = tpu.vector_load %arg18[%swap3A_403, %swap3A_404] {strides = array<i32>} : memref<40x128xf32, #tpu.memory_space<vmem>>, vector<16xf32>,
        tpu.vector_store %arg18[%swap3A_403, %swap3A_404], %max3A_402 {strides = array<i32>} : memref<40x128xf32, #tpu.memory_space<vmem>>, vector<16xf32>,
        %get3A_406 = arith.index_cast %scan3A_355 : i32 to index
        %get3A_407 = arith.constant 48 : index
        %get3A_408 = tpu.vector_load %arg10[%get3A_406, %get3A_407] {strides = array<i32>} : memref<40x128xf32, #tpu.memory_space<vmem>>, vector<16xf32>,
        %get3A_409 = arith.index_cast %scan3A_355 : i32 to index
        %get3A_410 = arith.constant 48 : index
        %get3A_411 = tpu.vector_load %arg11[%get3A_409, %get3A_410] {strides = array<i32>} : memref<40x128xf32, #tpu.memory_space<vmem>>, vector<16xf32>,
        %add3A_412 = arith.addf %get3A_408, %get3A_411 : vector<16xf32>
        %get3A_413 = arith.index_cast %scan3A_355 : i32 to index
        %get3A_414 = arith.constant 48 : index
        %get3A_415 = tpu.vector_load %arg12[%get3A_413, %get3A_414] {strides = array<i32>} : memref<40x128xf32, #tpu.memory_space<vmem>>, vector<16xf32>,
        %add3A_416 = arith.addf %add3A_412, %get3A_415 : vector<16xf32>
        %max3A_417 = arith.constant 0.000000e+00 : f32
        %max3A_418 = vector.broadcast %max3A_417 : f32 to vector<16xf32>
        %max3A_419 = arith.maximumf %add3A_416, %max3A_418 : vector<16xf32>
        %swap3A_420 = arith.index_cast %scan3A_355 : i32 to index
        %swap3A_421 = arith.constant 48 : index
        %swap3A_422 = tpu.vector_load %arg18[%swap3A_420, %swap3A_421] {strides = array<i32>} : memref<40x128xf32, #tpu.memory_space<vmem>>, vector<16xf32>,
        tpu.vector_store %arg18[%swap3A_420, %swap3A_421], %max3A_419 {strides = array<i32>} : memref<40x128xf32, #tpu.memory_space<vmem>>, vector<16xf32>,
        %get3A_423 = arith.index_cast %scan3A_355 : i32 to index
        %get3A_424 = arith.constant 64 : index
        %get3A_425 = tpu.vector_load %arg10[%get3A_423, %get3A_424] {strides = array<i32>} : memref<40x128xf32, #tpu.memory_space<vmem>>, vector<16xf32>,
        %get3A_426 = arith.index_cast %scan3A_355 : i32 to index
        %get3A_427 = arith.constant 64 : index
        %get3A_428 = tpu.vector_load %arg11[%get3A_426, %get3A_427] {strides = array<i32>} : memref<40x128xf32, #tpu.memory_space<vmem>>, vector<16xf32>,
        %add3A_429 = arith.addf %get3A_425, %get3A_428 : vector<16xf32>
        %get3A_430 = arith.index_cast %scan3A_355 : i32 to index
        %get3A_431 = arith.constant 64 : index
        %get3A_432 = tpu.vector_load %arg12[%get3A_430, %get3A_431] {strides = array<i32>} : memref<40x128xf32, #tpu.memory_space<vmem>>, vector<16xf32>,
        %add3A_433 = arith.addf %add3A_429, %get3A_432 : vector<16xf32>
        %max3A_434 = arith.constant 0.000000e+00 : f32
        %max3A_435 = vector.broadcast %max3A_434 : f32 to vector<16xf32>
        %max3A_436 = arith.maximumf %add3A_433, %max3A_435 : vector<16xf32>
        %swap3A_437 = arith.index_cast %scan3A_355 : i32 to index
        %swap3A_438 = arith.constant 64 : index
        %swap3A_439 = tpu.vector_load %arg18[%swap3A_437, %swap3A_438] {strides = array<i32>} : memref<40x128xf32, #tpu.memory_space<vmem>>, vector<16xf32>,
        tpu.vector_store %arg18[%swap3A_437, %swap3A_438], %max3A_436 {strides = array<i32>} : memref<40x128xf32, #tpu.memory_space<vmem>>, vector<16xf32>,
        %get3A_440 = arith.index_cast %scan3A_355 : i32 to index
        %get3A_441 = arith.constant 80 : index
        %get3A_442 = tpu.vector_load %arg10[%get3A_440, %get3A_441] {strides = array<i32>} : memref<40x128xf32, #tpu.memory_space<vmem>>, vector<16xf32>,
        %get3A_443 = arith.index_cast %scan3A_355 : i32 to index
        %get3A_444 = arith.constant 80 : index
        %get3A_445 = tpu.vector_load %arg11[%get3A_443, %get3A_444] {strides = array<i32>} : memref<40x128xf32, #tpu.memory_space<vmem>>, vector<16xf32>,
        %add3A_446 = arith.addf %get3A_442, %get3A_445 : vector<16xf32>
        %get3A_447 = arith.index_cast %scan3A_355 : i32 to index
        %get3A_448 = arith.constant 80 : index
        %get3A_449 = tpu.vector_load %arg12[%get3A_447, %get3A_448] {strides = array<i32>} : memref<40x128xf32, #tpu.memory_space<vmem>>, vector<16xf32>,
        %add3A_450 = arith.addf %add3A_446, %get3A_449 : vector<16xf32>
        %max3A_451 = arith.constant 0.000000e+00 : f32
        %max3A_452 = vector.broadcast %max3A_451 : f32 to vector<16xf32>
        %max3A_453 = arith.maximumf %add3A_450, %max3A_452 : vector<16xf32>
        %swap3A_454 = arith.index_cast %scan3A_355 : i32 to index
        %swap3A_455 = arith.constant 80 : index
        %swap3A_456 = tpu.vector_load %arg18[%swap3A_454, %swap3A_455] {strides = array<i32>} : memref<40x128xf32, #tpu.memory_space<vmem>>, vector<16xf32>,
        tpu.vector_store %arg18[%swap3A_454, %swap3A_455], %max3A_453 {strides = array<i32>} : memref<40x128xf32, #tpu.memory_space<vmem>>, vector<16xf32>,
        %get3A_457 = arith.index_cast %scan3A_355 : i32 to index
        %get3A_458 = arith.constant 96 : index
        %get3A_459 = tpu.vector_load %arg10[%get3A_457, %get3A_458] {strides = array<i32>} : memref<40x128xf32, #tpu.memory_space<vmem>>, vector<16xf32>,
        %get3A_460 = arith.index_cast %scan3A_355 : i32 to index
        %get3A_461 = arith.constant 96 : index
        %get3A_462 = tpu.vector_load %arg11[%get3A_460, %get3A_461] {strides = array<i32>} : memref<40x128xf32, #tpu.memory_space<vmem>>, vector<16xf32>,
        %add3A_463 = arith.addf %get3A_459, %get3A_462 : vector<16xf32>
        %get3A_464 = arith.index_cast %scan3A_355 : i32 to index
        %get3A_465 = arith.constant 96 : index
        %get3A_466 = tpu.vector_load %arg12[%get3A_464, %get3A_465] {strides = array<i32>} : memref<40x128xf32, #tpu.memory_space<vmem>>, vector<16xf32>,
        %add3A_467 = arith.addf %add3A_463, %get3A_466 : vector<16xf32>
        %max3A_468 = arith.constant 0.000000e+00 : f32
        %max3A_469 = vector.broadcast %max3A_468 : f32 to vector<16xf32>
        %max3A_470 = arith.maximumf %add3A_467, %max3A_469 : vector<16xf32>
        %swap3A_471 = arith.index_cast %scan3A_355 : i32 to index
        %swap3A_472 = arith.constant 96 : index
        %swap3A_473 = tpu.vector_load %arg18[%swap3A_471, %swap3A_472] {strides = array<i32>} : memref<40x128xf32, #tpu.memory_space<vmem>>, vector<16xf32>,
        tpu.vector_store %arg18[%swap3A_471, %swap3A_472], %max3A_470 {strides = array<i32>} : memref<40x128xf32, #tpu.memory_space<vmem>>, vector<16xf32>,
        %get3A_474 = arith.index_cast %scan3A_355 : i32 to index
        %get3A_475 = arith.constant 112 : index
        %get3A_476 = tpu.vector_load %arg10[%get3A_474, %get3A_475] {strides = array<i32>} : memref<40x128xf32, #tpu.memory_space<vmem>>, vector<16xf32>,
        %get3A_477 = arith.index_cast %scan3A_355 : i32 to index
        %get3A_478 = arith.constant 112 : index
        %get3A_479 = tpu.vector_load %arg11[%get3A_477, %get3A_478] {strides = array<i32>} : memref<40x128xf32, #tpu.memory_space<vmem>>, vector<16xf32>,
        %add3A_480 = arith.addf %get3A_476, %get3A_479 : vector<16xf32>
        %get3A_481 = arith.index_cast %scan3A_355 : i32 to index
        %get3A_482 = arith.constant 112 : index
        %get3A_483 = tpu.vector_load %arg12[%get3A_481, %get3A_482] {strides = array<i32>} : memref<40x128xf32, #tpu.memory_space<vmem>>, vector<16xf32>,
        %add3A_484 = arith.addf %add3A_480, %get3A_483 : vector<16xf32>
        %max3A_485 = arith.constant 0.000000e+00 : f32
        %max3A_486 = vector.broadcast %max3A_485 : f32 to vector<16xf32>
        %max3A_487 = arith.maximumf %add3A_484, %max3A_486 : vector<16xf32>
        %swap3A_488 = arith.index_cast %scan3A_355 : i32 to index
        %swap3A_489 = arith.constant 112 : index
        %swap3A_490 = tpu.vector_load %arg18[%swap3A_488, %swap3A_489] {strides = array<i32>} : memref<40x128xf32, #tpu.memory_space<vmem>>, vector<16xf32>,
        tpu.vector_store %arg18[%swap3A_488, %swap3A_489], %max3A_487 {strides = array<i32>} : memref<40x128xf32, #tpu.memory_space<vmem>>, vector<16xf32>,
      }
      %scan3A_300 = arith.constant 40 : i32
      %dma_start3A_301 = arith.constant 0 : i32
      %dma_start3A_302 = arith.constant 0 : i32
      %dma_start3A_303 = tpu.memref_slice %arg22[%dma_start3A_301, %dma_start3A_302] : memref<10240x128xf32, #tpu.memory_space<vmem_shared>> -> memref<10240x128xf32, #tpu.memory_space<vmem_shared>>
      tpu.enqueue_indirect_dma source(%arg18 : memref<40x128xf32, #tpu.memory_space<vmem>>) target(%dma_start3A_303 : memref<10240x128xf32, #tpu.memory_space<vmem_shared>>) offsets(%arg20 : memref<40xi32, #tpu.memory_space<vmem>>) semaphore(%arg33 : memref<!tpu.dma_semaphore, #tpu.memory_space<semaphore_mem>>) {add = true}
      %add3A_304 = arith.constant 2 : i32
      %add3A_305 = arith.addi %add3A_274, %add3A_304 : i32
      %lt3A_306 = arith.constant 250 : i32
      %lt3A_307 = arith.cmpi slt, %add3A_305, %lt3A_306 : i32
      %convert_element_type3A_308 = arith.extui %lt3A_307 : i1 to i32
      %cond3A_309 = arith.constant 0 : i32
      %cond3A_310 = arith.cmpi ne, %convert_element_type3A_308, %cond3A_309 : i32
      scf.if %cond3A_310 {
        %dma_wait3A_355 = arith.constant 0 : i32
        %dma_wait3A_356 = tpu.memref_slice %arg5[%dma_wait3A_355] : memref<320000xi32, #tpu.memory_space<hbm>> -> memref<40xi32, #tpu.memory_space<hbm>>
        %dma_wait3A_357 = arith.constant 0 : i32
        %dma_wait3A_358 = tpu.memref_slice %arg5[%dma_wait3A_357] : memref<320000xi32, #tpu.memory_space<hbm>> -> memref<40xi32, #tpu.memory_space<hbm>>
        tpu.wait_dma2 semaphore(%arg29 : memref<!tpu.dma_semaphore, #tpu.memory_space<semaphore_mem>>) src(%dma_wait3A_358 : memref<40xi32, #tpu.memory_space<hbm>>) dst(%arg8 : memref<40xi32, #tpu.memory_space<vmem>>)
        %dma_wait3A_359 = arith.constant 0 : i32
        %dma_wait3A_360 = tpu.memref_slice %arg6[%dma_wait3A_359] : memref<320000xi32, #tpu.memory_space<hbm>> -> memref<40xi32, #tpu.memory_space<hbm>>
        %dma_wait3A_361 = arith.constant 0 : i32
        %dma_wait3A_362 = tpu.memref_slice %arg6[%dma_wait3A_361] : memref<320000xi32, #tpu.memory_space<hbm>> -> memref<40xi32, #tpu.memory_space<hbm>>
        tpu.wait_dma2 semaphore(%arg31 : memref<!tpu.dma_semaphore, #tpu.memory_space<semaphore_mem>>) src(%dma_wait3A_362 : memref<40xi32, #tpu.memory_space<hbm>>) dst(%arg9 : memref<40xi32, #tpu.memory_space<vmem>>)
        %get3A_363 = arith.constant 0 : index
        %get3A_364 = tpu.vector_load %arg8[%get3A_363] {strides = array<i32>} : memref<40xi32, #tpu.memory_space<vmem>>, vector<16xi32>,
        %swap3A_365 = arith.constant 0 : index
        %swap3A_366 = tpu.vector_load %arg20[%swap3A_365] {strides = array<i32>} : memref<40xi32, #tpu.memory_space<vmem>>, vector<16xi32>,
        tpu.vector_store %arg20[%swap3A_365], %get3A_364 {strides = array<i32>} : memref<40xi32, #tpu.memory_space<vmem>>, vector<16xi32>,
        %get3A_367 = arith.constant 16 : index
        %get3A_368 = tpu.vector_load %arg8[%get3A_367] {strides = array<i32>} : memref<40xi32, #tpu.memory_space<vmem>>, vector<16xi32>,
        %swap3A_369 = arith.constant 16 : index
        %swap3A_370 = tpu.vector_load %arg20[%swap3A_369] {strides = array<i32>} : memref<40xi32, #tpu.memory_space<vmem>>, vector<16xi32>,
        tpu.vector_store %arg20[%swap3A_369], %get3A_368 {strides = array<i32>} : memref<40xi32, #tpu.memory_space<vmem>>, vector<16xi32>,
        %get3A_371 = arith.constant 24 : index
        %get3A_372 = tpu.vector_load %arg8[%get3A_371] {strides = array<i32>} : memref<40xi32, #tpu.memory_space<vmem>>, vector<16xi32>,
        %swap3A_373 = arith.constant 24 : index
        %swap3A_374 = tpu.vector_load %arg20[%swap3A_373] {strides = array<i32>} : memref<40xi32, #tpu.memory_space<vmem>>, vector<16xi32>,
        tpu.vector_store %arg20[%swap3A_373], %get3A_372 {strides = array<i32>} : memref<40xi32, #tpu.memory_space<vmem>>, vector<16xi32>,
        %add3A_375 = arith.constant 2 : i32
        %add3A_376 = arith.addi %add3A_274, %add3A_375 : i32
        %mul3A_377 = arith.constant 40 : i32
        %mul3A_378 = arith.muli %add3A_376, %mul3A_377 : i32
        %add3A_379 = arith.addi %mul3A_72, %mul3A_378 : i32
        %dma_start3A_380 = arith.constant 0 : i32
        %dma_start3A_381 = arith.constant 0 : i32
        %dma_start3A_382 = tpu.memref_slice %arg2[%dma_start3A_380, %dma_start3A_381] : memref<10000x128xf32, #tpu.memory_space<hbm>> -> memref<10000x128xf32, #tpu.memory_space<hbm>>
        tpu.enqueue_indirect_dma source(%dma_start3A_382 : memref<10000x128xf32, #tpu.memory_space<hbm>>) target(%arg10 : memref<40x128xf32, #tpu.memory_space<vmem>>) offsets(%arg8 : memref<40xi32, #tpu.memory_space<vmem>>) semaphore(%arg23 : memref<!tpu.dma_semaphore, #tpu.memory_space<semaphore_mem>>)
        %dma_start3A_383 = arith.constant 0 : i32
        %dma_start3A_384 = arith.constant 0 : i32
        %dma_start3A_385 = tpu.memref_slice %arg3[%dma_start3A_383, %dma_start3A_384] : memref<10000x128xf32, #tpu.memory_space<hbm>> -> memref<10000x128xf32, #tpu.memory_space<hbm>>
        tpu.enqueue_indirect_dma source(%dma_start3A_385 : memref<10000x128xf32, #tpu.memory_space<hbm>>) target(%arg11 : memref<40x128xf32, #tpu.memory_space<vmem>>) offsets(%arg9 : memref<40xi32, #tpu.memory_space<vmem>>) semaphore(%arg24 : memref<!tpu.dma_semaphore, #tpu.memory_space<semaphore_mem>>)
        %dma_start3A_386 = arith.constant 0 : i32
        %dma_start3A_387 = tpu.memref_slice %arg4[%add3A_379, %dma_start3A_386] : memref<320000x128xf32, #tpu.memory_space<hbm>> -> memref<40x128xf32, #tpu.memory_space<hbm>>
        %dma_start3A_388 = arith.constant 0 : i32
        %dma_start3A_389 = tpu.memref_slice %arg4[%add3A_379, %dma_start3A_388] : memref<320000x128xf32, #tpu.memory_space<hbm>> -> memref<40x128xf32, #tpu.memory_space<hbm>>
        tpu.enqueue_dma source(%dma_start3A_389 : memref<40x128xf32, #tpu.memory_space<hbm>>) target(%arg12 : memref<40x128xf32, #tpu.memory_space<vmem>>) target_semaphore(%arg25 : memref<!tpu.dma_semaphore, #tpu.memory_space<semaphore_mem>>)
      } else {
      }
      %mul3A_311 = arith.constant 2 : i32
      %mul3A_312 = arith.muli %mul3A_311, %scan3A_270 : i32
      %add3A_313 = arith.constant 1 : i32
      %add3A_314 = arith.addi %mul3A_312, %add3A_313 : i32
      %dma_wait3A_315 = arith.constant 0 : i32
      %dma_wait3A_316 = arith.constant 0 : i32
      %dma_wait3A_317 = tpu.memref_slice %arg2[%dma_wait3A_315, %dma_wait3A_316] : memref<10000x128xf32, #tpu.memory_space<hbm>> -> memref<10000x128xf32, #tpu.memory_space<hbm>>
      tpu.wait_indirect_dma semaphore(%arg26 : memref<!tpu.dma_semaphore, #tpu.memory_space<semaphore_mem>>) src(%dma_wait3A_317 : memref<10000x128xf32, #tpu.memory_space<hbm>>) dst(%arg15 : memref<40x128xf32, #tpu.memory_space<vmem>>)
      %dma_wait3A_318 = arith.constant 0 : i32
      %dma_wait3A_319 = arith.constant 0 : i32
      %dma_wait3A_320 = tpu.memref_slice %arg3[%dma_wait3A_318, %dma_wait3A_319] : memref<10000x128xf32, #tpu.memory_space<hbm>> -> memref<10000x128xf32, #tpu.memory_space<hbm>>
      tpu.wait_indirect_dma semaphore(%arg27 : memref<!tpu.dma_semaphore, #tpu.memory_space<semaphore_mem>>) src(%dma_wait3A_320 : memref<10000x128xf32, #tpu.memory_space<hbm>>) dst(%arg16 : memref<40x128xf32, #tpu.memory_space<vmem>>)
      %dma_wait3A_321 = arith.constant 0 : i32
      %dma_wait3A_322 = arith.constant 0 : i32
      %dma_wait3A_323 = tpu.memref_slice %arg4[%dma_wait3A_321, %dma_wait3A_322] : memref<320000x128xf32, #tpu.memory_space<hbm>> -> memref<40x128xf32, #tpu.memory_space<hbm>>
      %dma_wait3A_324 = arith.constant 0 : i32
      %dma_wait3A_325 = arith.constant 0 : i32
      %dma_wait3A_326 = tpu.memref_slice %arg4[%dma_wait3A_324, %dma_wait3A_325] : memref<320000x128xf32, #tpu.memory_space<hbm>> -> memref<40x128xf32, #tpu.memory_space<hbm>>
      tpu.wait_dma2 semaphore(%arg28 : memref<!tpu.dma_semaphore, #tpu.memory_space<semaphore_mem>>) src(%dma_wait3A_326 : memref<40x128xf32, #tpu.memory_space<hbm>>) dst(%arg17 : memref<40x128xf32, #tpu.memory_space<vmem>>)
      %add3A_327 = arith.constant 2 : i32
      %add3A_328 = arith.addi %add3A_314, %add3A_327 : i32
      %lt3A_329 = arith.constant 250 : i32
      %lt3A_330 = arith.cmpi slt, %add3A_328, %lt3A_329 : i32
      %convert_element_type3A_331 = arith.extui %lt3A_330 : i1 to i32
      %cond3A_332 = arith.constant 0 : i32
      %cond3A_333 = arith.cmpi ne, %convert_element_type3A_331, %cond3A_332 : i32
      scf.if %cond3A_333 {
        %add3A_355 = arith.constant 2 : i32
        %add3A_356 = arith.addi %add3A_314, %add3A_355 : i32
        %mul3A_357 = arith.constant 40 : i32
        %mul3A_358 = arith.muli %add3A_356, %mul3A_357 : i32
        %add3A_359 = arith.addi %mul3A_72, %mul3A_358 : i32
        %dma_start3A_360 = tpu.memref_slice %arg5[%add3A_359] : memref<320000xi32, #tpu.memory_space<hbm>> -> memref<40xi32, #tpu.memory_space<hbm>>
        %dma_start3A_361 = tpu.memref_slice %arg5[%add3A_359] : memref<320000xi32, #tpu.memory_space<hbm>> -> memref<40xi32, #tpu.memory_space<hbm>>
        tpu.enqueue_dma source(%dma_start3A_361 : memref<40xi32, #tpu.memory_space<hbm>>) target(%arg13 : memref<40xi32, #tpu.memory_space<vmem>>) target_semaphore(%arg30 : memref<!tpu.dma_semaphore, #tpu.memory_space<semaphore_mem>>)
        %dma_start3A_362 = tpu.memref_slice %arg6[%add3A_359] : memref<320000xi32, #tpu.memory_space<hbm>> -> memref<40xi32, #tpu.memory_space<hbm>>
        %dma_start3A_363 = tpu.memref_slice %arg6[%add3A_359] : memref<320000xi32, #tpu.memory_space<hbm>> -> memref<40xi32, #tpu.memory_space<hbm>>
        tpu.enqueue_dma source(%dma_start3A_363 : memref<40xi32, #tpu.memory_space<hbm>>) target(%arg14 : memref<40xi32, #tpu.memory_space<vmem>>) target_semaphore(%arg32 : memref<!tpu.dma_semaphore, #tpu.memory_space<semaphore_mem>>)
      } else {
      }
      %ge3A_334 = arith.constant 1 : i32
      %ge3A_335 = arith.cmpi sge, %scan3A_270, %ge3A_334 : i32
      %convert_element_type3A_336 = arith.extui %ge3A_335 : i1 to i32
      %cond3A_337 = arith.constant 0 : i32
      %cond3A_338 = arith.cmpi ne, %convert_element_type3A_336, %cond3A_337 : i32
      scf.if %cond3A_338 {
        %dma_wait3A_355 = arith.constant 0 : i32
        %dma_wait3A_356 = arith.constant 0 : i32
        %dma_wait3A_357 = tpu.memref_slice %arg22[%dma_wait3A_355, %dma_wait3A_356] : memref<10240x128xf32, #tpu.memory_space<vmem_shared>> -> memref<10240x128xf32, #tpu.memory_space<vmem_shared>>
        tpu.wait_indirect_dma semaphore(%arg34 : memref<!tpu.dma_semaphore, #tpu.memory_space<semaphore_mem>>) src(%arg19 : memref<40x128xf32, #tpu.memory_space<vmem>>) dst(%dma_wait3A_357 : memref<10240x128xf32, #tpu.memory_space<vmem_shared>>)
      } else {
      }
      %scan3A_339 = arith.constant 0 : i32
      %scan3A_340 = arith.constant 0 : i32
      %scan3A_341 = arith.constant 40 : i32
      %scan3A_342 = arith.addi %scan3A_340, %scan3A_341 : i32
      %scan3A_343 = arith.constant 1 : i32
      scf.for %scan3A_355 = %scan3A_340 to %scan3A_342 step %scan3A_343  : i32 {
        %get3A_356 = arith.index_cast %scan3A_355 : i32 to index
        %get3A_357 = arith.constant 0 : index
        %get3A_358 = tpu.vector_load %arg15[%get3A_356, %get3A_357] {strides = array<i32>} : memref<40x128xf32, #tpu.memory_space<vmem>>, vector<16xf32>,
        %get3A_359 = arith.index_cast %scan3A_355 : i32 to index
        %get3A_360 = arith.constant 0 : index
        %get3A_361 = tpu.vector_load %arg16[%get3A_359, %get3A_360] {strides = array<i32>} : memref<40x128xf32, #tpu.memory_space<vmem>>, vector<16xf32>,
        %add3A_362 = arith.addf %get3A_358, %get3A_361 : vector<16xf32>
        %get3A_363 = arith.index_cast %scan3A_355 : i32 to index
        %get3A_364 = arith.constant 0 : index
        %get3A_365 = tpu.vector_load %arg17[%get3A_363, %get3A_364] {strides = array<i32>} : memref<40x128xf32, #tpu.memory_space<vmem>>, vector<16xf32>,
        %add3A_366 = arith.addf %add3A_362, %get3A_365 : vector<16xf32>
        %max3A = arith.constant 0.000000e+00 : f32
        %max3A_367 = vector.broadcast %max3A : f32 to vector<16xf32>
        %max3A_368 = arith.maximumf %add3A_366, %max3A_367 : vector<16xf32>
        %swap3A_369 = arith.index_cast %scan3A_355 : i32 to index
        %swap3A_370 = arith.constant 0 : index
        %swap3A_371 = tpu.vector_load %arg19[%swap3A_369, %swap3A_370] {strides = array<i32>} : memref<40x128xf32, #tpu.memory_space<vmem>>, vector<16xf32>,
        tpu.vector_store %arg19[%swap3A_369, %swap3A_370], %max3A_368 {strides = array<i32>} : memref<40x128xf32, #tpu.memory_space<vmem>>, vector<16xf32>,
        %get3A_372 = arith.index_cast %scan3A_355 : i32 to index
        %get3A_373 = arith.constant 16 : index
        %get3A_374 = tpu.vector_load %arg15[%get3A_372, %get3A_373] {strides = array<i32>} : memref<40x128xf32, #tpu.memory_space<vmem>>, vector<16xf32>,
        %get3A_375 = arith.index_cast %scan3A_355 : i32 to index
        %get3A_376 = arith.constant 16 : index
        %get3A_377 = tpu.vector_load %arg16[%get3A_375, %get3A_376] {strides = array<i32>} : memref<40x128xf32, #tpu.memory_space<vmem>>, vector<16xf32>,
        %add3A_378 = arith.addf %get3A_374, %get3A_377 : vector<16xf32>
        %get3A_379 = arith.index_cast %scan3A_355 : i32 to index
        %get3A_380 = arith.constant 16 : index
        %get3A_381 = tpu.vector_load %arg17[%get3A_379, %get3A_380] {strides = array<i32>} : memref<40x128xf32, #tpu.memory_space<vmem>>, vector<16xf32>,
        %add3A_382 = arith.addf %add3A_378, %get3A_381 : vector<16xf32>
        %max3A_383 = arith.constant 0.000000e+00 : f32
        %max3A_384 = vector.broadcast %max3A_383 : f32 to vector<16xf32>
        %max3A_385 = arith.maximumf %add3A_382, %max3A_384 : vector<16xf32>
        %swap3A_386 = arith.index_cast %scan3A_355 : i32 to index
        %swap3A_387 = arith.constant 16 : index
        %swap3A_388 = tpu.vector_load %arg19[%swap3A_386, %swap3A_387] {strides = array<i32>} : memref<40x128xf32, #tpu.memory_space<vmem>>, vector<16xf32>,
        tpu.vector_store %arg19[%swap3A_386, %swap3A_387], %max3A_385 {strides = array<i32>} : memref<40x128xf32, #tpu.memory_space<vmem>>, vector<16xf32>,
        %get3A_389 = arith.index_cast %scan3A_355 : i32 to index
        %get3A_390 = arith.constant 32 : index
        %get3A_391 = tpu.vector_load %arg15[%get3A_389, %get3A_390] {strides = array<i32>} : memref<40x128xf32, #tpu.memory_space<vmem>>, vector<16xf32>,
        %get3A_392 = arith.index_cast %scan3A_355 : i32 to index
        %get3A_393 = arith.constant 32 : index
        %get3A_394 = tpu.vector_load %arg16[%get3A_392, %get3A_393] {strides = array<i32>} : memref<40x128xf32, #tpu.memory_space<vmem>>, vector<16xf32>,
        %add3A_395 = arith.addf %get3A_391, %get3A_394 : vector<16xf32>
        %get3A_396 = arith.index_cast %scan3A_355 : i32 to index
        %get3A_397 = arith.constant 32 : index
        %get3A_398 = tpu.vector_load %arg17[%get3A_396, %get3A_397] {strides = array<i32>} : memref<40x128xf32, #tpu.memory_space<vmem>>, vector<16xf32>,
        %add3A_399 = arith.addf %add3A_395, %get3A_398 : vector<16xf32>
        %max3A_400 = arith.constant 0.000000e+00 : f32
        %max3A_401 = vector.broadcast %max3A_400 : f32 to vector<16xf32>
        %max3A_402 = arith.maximumf %add3A_399, %max3A_401 : vector<16xf32>
        %swap3A_403 = arith.index_cast %scan3A_355 : i32 to index
        %swap3A_404 = arith.constant 32 : index
        %swap3A_405 = tpu.vector_load %arg19[%swap3A_403, %swap3A_404] {strides = array<i32>} : memref<40x128xf32, #tpu.memory_space<vmem>>, vector<16xf32>,
        tpu.vector_store %arg19[%swap3A_403, %swap3A_404], %max3A_402 {strides = array<i32>} : memref<40x128xf32, #tpu.memory_space<vmem>>, vector<16xf32>,
        %get3A_406 = arith.index_cast %scan3A_355 : i32 to index
        %get3A_407 = arith.constant 48 : index
        %get3A_408 = tpu.vector_load %arg15[%get3A_406, %get3A_407] {strides = array<i32>} : memref<40x128xf32, #tpu.memory_space<vmem>>, vector<16xf32>,
        %get3A_409 = arith.index_cast %scan3A_355 : i32 to index
        %get3A_410 = arith.constant 48 : index
        %get3A_411 = tpu.vector_load %arg16[%get3A_409, %get3A_410] {strides = array<i32>} : memref<40x128xf32, #tpu.memory_space<vmem>>, vector<16xf32>,
        %add3A_412 = arith.addf %get3A_408, %get3A_411 : vector<16xf32>
        %get3A_413 = arith.index_cast %scan3A_355 : i32 to index
        %get3A_414 = arith.constant 48 : index
        %get3A_415 = tpu.vector_load %arg17[%get3A_413, %get3A_414] {strides = array<i32>} : memref<40x128xf32, #tpu.memory_space<vmem>>, vector<16xf32>,
        %add3A_416 = arith.addf %add3A_412, %get3A_415 : vector<16xf32>
        %max3A_417 = arith.constant 0.000000e+00 : f32
        %max3A_418 = vector.broadcast %max3A_417 : f32 to vector<16xf32>
        %max3A_419 = arith.maximumf %add3A_416, %max3A_418 : vector<16xf32>
        %swap3A_420 = arith.index_cast %scan3A_355 : i32 to index
        %swap3A_421 = arith.constant 48 : index
        %swap3A_422 = tpu.vector_load %arg19[%swap3A_420, %swap3A_421] {strides = array<i32>} : memref<40x128xf32, #tpu.memory_space<vmem>>, vector<16xf32>,
        tpu.vector_store %arg19[%swap3A_420, %swap3A_421], %max3A_419 {strides = array<i32>} : memref<40x128xf32, #tpu.memory_space<vmem>>, vector<16xf32>,
        %get3A_423 = arith.index_cast %scan3A_355 : i32 to index
        %get3A_424 = arith.constant 64 : index
        %get3A_425 = tpu.vector_load %arg15[%get3A_423, %get3A_424] {strides = array<i32>} : memref<40x128xf32, #tpu.memory_space<vmem>>, vector<16xf32>,
        %get3A_426 = arith.index_cast %scan3A_355 : i32 to index
        %get3A_427 = arith.constant 64 : index
        %get3A_428 = tpu.vector_load %arg16[%get3A_426, %get3A_427] {strides = array<i32>} : memref<40x128xf32, #tpu.memory_space<vmem>>, vector<16xf32>,
        %add3A_429 = arith.addf %get3A_425, %get3A_428 : vector<16xf32>
        %get3A_430 = arith.index_cast %scan3A_355 : i32 to index
        %get3A_431 = arith.constant 64 : index
        %get3A_432 = tpu.vector_load %arg17[%get3A_430, %get3A_431] {strides = array<i32>} : memref<40x128xf32, #tpu.memory_space<vmem>>, vector<16xf32>,
        %add3A_433 = arith.addf %add3A_429, %get3A_432 : vector<16xf32>
        %max3A_434 = arith.constant 0.000000e+00 : f32
        %max3A_435 = vector.broadcast %max3A_434 : f32 to vector<16xf32>
        %max3A_436 = arith.maximumf %add3A_433, %max3A_435 : vector<16xf32>
        %swap3A_437 = arith.index_cast %scan3A_355 : i32 to index
        %swap3A_438 = arith.constant 64 : index
        %swap3A_439 = tpu.vector_load %arg19[%swap3A_437, %swap3A_438] {strides = array<i32>} : memref<40x128xf32, #tpu.memory_space<vmem>>, vector<16xf32>,
        tpu.vector_store %arg19[%swap3A_437, %swap3A_438], %max3A_436 {strides = array<i32>} : memref<40x128xf32, #tpu.memory_space<vmem>>, vector<16xf32>,
        %get3A_440 = arith.index_cast %scan3A_355 : i32 to index
        %get3A_441 = arith.constant 80 : index
        %get3A_442 = tpu.vector_load %arg15[%get3A_440, %get3A_441] {strides = array<i32>} : memref<40x128xf32, #tpu.memory_space<vmem>>, vector<16xf32>,
        %get3A_443 = arith.index_cast %scan3A_355 : i32 to index
        %get3A_444 = arith.constant 80 : index
        %get3A_445 = tpu.vector_load %arg16[%get3A_443, %get3A_444] {strides = array<i32>} : memref<40x128xf32, #tpu.memory_space<vmem>>, vector<16xf32>,
        %add3A_446 = arith.addf %get3A_442, %get3A_445 : vector<16xf32>
        %get3A_447 = arith.index_cast %scan3A_355 : i32 to index
        %get3A_448 = arith.constant 80 : index
        %get3A_449 = tpu.vector_load %arg17[%get3A_447, %get3A_448] {strides = array<i32>} : memref<40x128xf32, #tpu.memory_space<vmem>>, vector<16xf32>,
        %add3A_450 = arith.addf %add3A_446, %get3A_449 : vector<16xf32>
        %max3A_451 = arith.constant 0.000000e+00 : f32
        %max3A_452 = vector.broadcast %max3A_451 : f32 to vector<16xf32>
        %max3A_453 = arith.maximumf %add3A_450, %max3A_452 : vector<16xf32>
        %swap3A_454 = arith.index_cast %scan3A_355 : i32 to index
        %swap3A_455 = arith.constant 80 : index
        %swap3A_456 = tpu.vector_load %arg19[%swap3A_454, %swap3A_455] {strides = array<i32>} : memref<40x128xf32, #tpu.memory_space<vmem>>, vector<16xf32>,
        tpu.vector_store %arg19[%swap3A_454, %swap3A_455], %max3A_453 {strides = array<i32>} : memref<40x128xf32, #tpu.memory_space<vmem>>, vector<16xf32>,
        %get3A_457 = arith.index_cast %scan3A_355 : i32 to index
        %get3A_458 = arith.constant 96 : index
        %get3A_459 = tpu.vector_load %arg15[%get3A_457, %get3A_458] {strides = array<i32>} : memref<40x128xf32, #tpu.memory_space<vmem>>, vector<16xf32>,
        %get3A_460 = arith.index_cast %scan3A_355 : i32 to index
        %get3A_461 = arith.constant 96 : index
        %get3A_462 = tpu.vector_load %arg16[%get3A_460, %get3A_461] {strides = array<i32>} : memref<40x128xf32, #tpu.memory_space<vmem>>, vector<16xf32>,
        %add3A_463 = arith.addf %get3A_459, %get3A_462 : vector<16xf32>
        %get3A_464 = arith.index_cast %scan3A_355 : i32 to index
        %get3A_465 = arith.constant 96 : index
        %get3A_466 = tpu.vector_load %arg17[%get3A_464, %get3A_465] {strides = array<i32>} : memref<40x128xf32, #tpu.memory_space<vmem>>, vector<16xf32>,
        %add3A_467 = arith.addf %add3A_463, %get3A_466 : vector<16xf32>
        %max3A_468 = arith.constant 0.000000e+00 : f32
        %max3A_469 = vector.broadcast %max3A_468 : f32 to vector<16xf32>
        %max3A_470 = arith.maximumf %add3A_467, %max3A_469 : vector<16xf32>
        %swap3A_471 = arith.index_cast %scan3A_355 : i32 to index
        %swap3A_472 = arith.constant 96 : index
        %swap3A_473 = tpu.vector_load %arg19[%swap3A_471, %swap3A_472] {strides = array<i32>} : memref<40x128xf32, #tpu.memory_space<vmem>>, vector<16xf32>,
        tpu.vector_store %arg19[%swap3A_471, %swap3A_472], %max3A_470 {strides = array<i32>} : memref<40x128xf32, #tpu.memory_space<vmem>>, vector<16xf32>,
        %get3A_474 = arith.index_cast %scan3A_355 : i32 to index
        %get3A_475 = arith.constant 112 : index
        %get3A_476 = tpu.vector_load %arg15[%get3A_474, %get3A_475] {strides = array<i32>} : memref<40x128xf32, #tpu.memory_space<vmem>>, vector<16xf32>,
        %get3A_477 = arith.index_cast %scan3A_355 : i32 to index
        %get3A_478 = arith.constant 112 : index
        %get3A_479 = tpu.vector_load %arg16[%get3A_477, %get3A_478] {strides = array<i32>} : memref<40x128xf32, #tpu.memory_space<vmem>>, vector<16xf32>,
        %add3A_480 = arith.addf %get3A_476, %get3A_479 : vector<16xf32>
        %get3A_481 = arith.index_cast %scan3A_355 : i32 to index
        %get3A_482 = arith.constant 112 : index
        %get3A_483 = tpu.vector_load %arg17[%get3A_481, %get3A_482] {strides = array<i32>} : memref<40x128xf32, #tpu.memory_space<vmem>>, vector<16xf32>,
        %add3A_484 = arith.addf %add3A_480, %get3A_483 : vector<16xf32>
        %max3A_485 = arith.constant 0.000000e+00 : f32
        %max3A_486 = vector.broadcast %max3A_485 : f32 to vector<16xf32>
        %max3A_487 = arith.maximumf %add3A_484, %max3A_486 : vector<16xf32>
        %swap3A_488 = arith.index_cast %scan3A_355 : i32 to index
        %swap3A_489 = arith.constant 112 : index
        %swap3A_490 = tpu.vector_load %arg19[%swap3A_488, %swap3A_489] {strides = array<i32>} : memref<40x128xf32, #tpu.memory_space<vmem>>, vector<16xf32>,
        tpu.vector_store %arg19[%swap3A_488, %swap3A_489], %max3A_487 {strides = array<i32>} : memref<40x128xf32, #tpu.memory_space<vmem>>, vector<16xf32>,
      }
      %scan3A_344 = arith.constant 40 : i32
      %dma_start3A_345 = arith.constant 0 : i32
      %dma_start3A_346 = arith.constant 0 : i32
      %dma_start3A_347 = tpu.memref_slice %arg22[%dma_start3A_345, %dma_start3A_346] : memref<10240x128xf32, #tpu.memory_space<vmem_shared>> -> memref<10240x128xf32, #tpu.memory_space<vmem_shared>>
      tpu.enqueue_indirect_dma source(%arg19 : memref<40x128xf32, #tpu.memory_space<vmem>>) target(%dma_start3A_347 : memref<10240x128xf32, #tpu.memory_space<vmem_shared>>) offsets(%arg21 : memref<40xi32, #tpu.memory_space<vmem>>) semaphore(%arg34 : memref<!tpu.dma_semaphore, #tpu.memory_space<semaphore_mem>>) {add = true}
      %add3A_348 = arith.constant 2 : i32
      %add3A_349 = arith.addi %add3A_314, %add3A_348 : i32
      %lt3A_350 = arith.constant 250 : i32
      %lt3A_351 = arith.cmpi slt, %add3A_349, %lt3A_350 : i32
      %convert_element_type3A_352 = arith.extui %lt3A_351 : i1 to i32
      %cond3A_353 = arith.constant 0 : i32
      %cond3A_354 = arith.cmpi ne, %convert_element_type3A_352, %cond3A_353 : i32
      scf.if %cond3A_354 {
        %dma_wait3A_355 = arith.constant 0 : i32
        %dma_wait3A_356 = tpu.memref_slice %arg5[%dma_wait3A_355] : memref<320000xi32, #tpu.memory_space<hbm>> -> memref<40xi32, #tpu.memory_space<hbm>>
        %dma_wait3A_357 = arith.constant 0 : i32
        %dma_wait3A_358 = tpu.memref_slice %arg5[%dma_wait3A_357] : memref<320000xi32, #tpu.memory_space<hbm>> -> memref<40xi32, #tpu.memory_space<hbm>>
        tpu.wait_dma2 semaphore(%arg30 : memref<!tpu.dma_semaphore, #tpu.memory_space<semaphore_mem>>) src(%dma_wait3A_358 : memref<40xi32, #tpu.memory_space<hbm>>) dst(%arg13 : memref<40xi32, #tpu.memory_space<vmem>>)
        %dma_wait3A_359 = arith.constant 0 : i32
        %dma_wait3A_360 = tpu.memref_slice %arg6[%dma_wait3A_359] : memref<320000xi32, #tpu.memory_space<hbm>> -> memref<40xi32, #tpu.memory_space<hbm>>
        %dma_wait3A_361 = arith.constant 0 : i32
        %dma_wait3A_362 = tpu.memref_slice %arg6[%dma_wait3A_361] : memref<320000xi32, #tpu.memory_space<hbm>> -> memref<40xi32, #tpu.memory_space<hbm>>
        tpu.wait_dma2 semaphore(%arg32 : memref<!tpu.dma_semaphore, #tpu.memory_space<semaphore_mem>>) src(%dma_wait3A_362 : memref<40xi32, #tpu.memory_space<hbm>>) dst(%arg14 : memref<40xi32, #tpu.memory_space<vmem>>)
        %get3A_363 = arith.constant 0 : index
        %get3A_364 = tpu.vector_load %arg13[%get3A_363] {strides = array<i32>} : memref<40xi32, #tpu.memory_space<vmem>>, vector<16xi32>,
        %swap3A_365 = arith.constant 0 : index
        %swap3A_366 = tpu.vector_load %arg21[%swap3A_365] {strides = array<i32>} : memref<40xi32, #tpu.memory_space<vmem>>, vector<16xi32>,
        tpu.vector_store %arg21[%swap3A_365], %get3A_364 {strides = array<i32>} : memref<40xi32, #tpu.memory_space<vmem>>, vector<16xi32>,
        %get3A_367 = arith.constant 16 : index
        %get3A_368 = tpu.vector_load %arg13[%get3A_367] {strides = array<i32>} : memref<40xi32, #tpu.memory_space<vmem>>, vector<16xi32>,
        %swap3A_369 = arith.constant 16 : index
        %swap3A_370 = tpu.vector_load %arg21[%swap3A_369] {strides = array<i32>} : memref<40xi32, #tpu.memory_space<vmem>>, vector<16xi32>,
        tpu.vector_store %arg21[%swap3A_369], %get3A_368 {strides = array<i32>} : memref<40xi32, #tpu.memory_space<vmem>>, vector<16xi32>,
        %get3A_371 = arith.constant 24 : index
        %get3A_372 = tpu.vector_load %arg13[%get3A_371] {strides = array<i32>} : memref<40xi32, #tpu.memory_space<vmem>>, vector<16xi32>,
        %swap3A_373 = arith.constant 24 : index
        %swap3A_374 = tpu.vector_load %arg21[%swap3A_373] {strides = array<i32>} : memref<40xi32, #tpu.memory_space<vmem>>, vector<16xi32>,
        tpu.vector_store %arg21[%swap3A_373], %get3A_372 {strides = array<i32>} : memref<40xi32, #tpu.memory_space<vmem>>, vector<16xi32>,
        %add3A_375 = arith.constant 2 : i32
        %add3A_376 = arith.addi %add3A_314, %add3A_375 : i32
        %mul3A_377 = arith.constant 40 : i32
        %mul3A_378 = arith.muli %add3A_376, %mul3A_377 : i32
        %add3A_379 = arith.addi %mul3A_72, %mul3A_378 : i32
        %dma_start3A_380 = arith.constant 0 : i32
        %dma_start3A_381 = arith.constant 0 : i32
        %dma_start3A_382 = tpu.memref_slice %arg2[%dma_start3A_380, %dma_start3A_381] : memref<10000x128xf32, #tpu.memory_space<hbm>> -> memref<10000x128xf32, #tpu.memory_space<hbm>>
        tpu.enqueue_indirect_dma source(%dma_start3A_382 : memref<10000x128xf32, #tpu.memory_space<hbm>>) target(%arg15 : memref<40x128xf32, #tpu.memory_space<vmem>>) offsets(%arg13 : memref<40xi32, #tpu.memory_space<vmem>>) semaphore(%arg26 : memref<!tpu.dma_semaphore, #tpu.memory_space<semaphore_mem>>)
        %dma_start3A_383 = arith.constant 0 : i32
        %dma_start3A_384 = arith.constant 0 : i32
        %dma_start3A_385 = tpu.memref_slice %arg3[%dma_start3A_383, %dma_start3A_384] : memref<10000x128xf32, #tpu.memory_space<hbm>> -> memref<10000x128xf32, #tpu.memory_space<hbm>>
        tpu.enqueue_indirect_dma source(%dma_start3A_385 : memref<10000x128xf32, #tpu.memory_space<hbm>>) target(%arg16 : memref<40x128xf32, #tpu.memory_space<vmem>>) offsets(%arg14 : memref<40xi32, #tpu.memory_space<vmem>>) semaphore(%arg27 : memref<!tpu.dma_semaphore, #tpu.memory_space<semaphore_mem>>)
        %dma_start3A_386 = arith.constant 0 : i32
        %dma_start3A_387 = tpu.memref_slice %arg4[%add3A_379, %dma_start3A_386] : memref<320000x128xf32, #tpu.memory_space<hbm>> -> memref<40x128xf32, #tpu.memory_space<hbm>>
        %dma_start3A_388 = arith.constant 0 : i32
        %dma_start3A_389 = tpu.memref_slice %arg4[%add3A_379, %dma_start3A_388] : memref<320000x128xf32, #tpu.memory_space<hbm>> -> memref<40x128xf32, #tpu.memory_space<hbm>>
        tpu.enqueue_dma source(%dma_start3A_389 : memref<40x128xf32, #tpu.memory_space<hbm>>) target(%arg17 : memref<40x128xf32, #tpu.memory_space<vmem>>) target_semaphore(%arg28 : memref<!tpu.dma_semaphore, #tpu.memory_space<semaphore_mem>>)
      } else {
      }
    }
    %scan3A_150 = arith.constant 125 : i32
    %dma_wait3A_151 = arith.constant 0 : i32
    %dma_wait3A_152 = arith.constant 0 : i32
    %dma_wait3A_153 = tpu.memref_slice %arg22[%dma_wait3A_151, %dma_wait3A_152] : memref<10240x128xf32, #tpu.memory_space<vmem_shared>> -> memref<10240x128xf32, #tpu.memory_space<vmem_shared>>
    tpu.wait_indirect_dma semaphore(%arg33 : memref<!tpu.dma_semaphore, #tpu.memory_space<semaphore_mem>>) src(%arg18 : memref<40x128xf32, #tpu.memory_space<vmem>>) dst(%dma_wait3A_153 : memref<10240x128xf32, #tpu.memory_space<vmem_shared>>)
    %dma_wait3A_154 = arith.constant 0 : i32
    %dma_wait3A_155 = arith.constant 0 : i32
    %dma_wait3A_156 = tpu.memref_slice %arg22[%dma_wait3A_154, %dma_wait3A_155] : memref<10240x128xf32, #tpu.memory_space<vmem_shared>> -> memref<10240x128xf32, #tpu.memory_space<vmem_shared>>
    tpu.wait_indirect_dma semaphore(%arg34 : memref<!tpu.dma_semaphore, #tpu.memory_space<semaphore_mem>>) src(%arg19 : memref<40x128xf32, #tpu.memory_space<vmem>>) dst(%dma_wait3A_156 : memref<10240x128xf32, #tpu.memory_space<vmem_shared>>)
    %barrier3A_157 = arith.constant 0 : index
    tpu.barrier barrier_id(%barrier3A_157)
    %mul3A_158 = arith.constant 640 : i32
    %mul3A_159 = arith.muli %arg1, %mul3A_158 : i32
    %add3A_160 = arith.constant 0 : i32
    %add3A_161 = arith.addi %mul3A_159, %add3A_160 : i32
    "tpu.region"() ({
      %run_scoped3A = tpu.sem_alloc : memref<!tpu.dma_semaphore, #tpu.memory_space<semaphore_mem>>
      %dma_start3A_270 = arith.constant 0 : i32
      %dma_start3A_271 = tpu.memref_slice %arg22[%add3A_161, %dma_start3A_270] : memref<10240x128xf32, #tpu.memory_space<vmem_shared>> -> memref<40x128xf32, #tpu.memory_space<vmem_shared>>
      %dma_start3A_272 = arith.constant 0 : i32
      %dma_start3A_273 = tpu.memref_slice %arg22[%add3A_161, %dma_start3A_272] : memref<10240x128xf32, #tpu.memory_space<vmem_shared>> -> memref<40x128xf32, #tpu.memory_space<vmem_shared>>
      tpu.enqueue_dma source(%dma_start3A_273 : memref<40x128xf32, #tpu.memory_space<vmem_shared>>) target(%arg18 : memref<40x128xf32, #tpu.memory_space<vmem>>) target_semaphore(%run_scoped3A : memref<!tpu.dma_semaphore, #tpu.memory_space<semaphore_mem>>)
      %dma_wait3A_274 = arith.constant 0 : i32
      %dma_wait3A_275 = tpu.memref_slice %arg22[%add3A_161, %dma_wait3A_274] : memref<10240x128xf32, #tpu.memory_space<vmem_shared>> -> memref<40x128xf32, #tpu.memory_space<vmem_shared>>
      %dma_wait3A_276 = arith.constant 0 : i32
      %dma_wait3A_277 = tpu.memref_slice %arg22[%add3A_161, %dma_wait3A_276] : memref<10240x128xf32, #tpu.memory_space<vmem_shared>> -> memref<40x128xf32, #tpu.memory_space<vmem_shared>>
      tpu.wait_dma2 semaphore(%run_scoped3A : memref<!tpu.dma_semaphore, #tpu.memory_space<semaphore_mem>>) src(%dma_wait3A_277 : memref<40x128xf32, #tpu.memory_space<vmem_shared>>) dst(%arg18 : memref<40x128xf32, #tpu.memory_space<vmem>>)
      tpu.yield
    }) : () -> ()
    %mul3A_162 = arith.constant 10240 : i32
    %mul3A_163 = arith.muli %arg0, %mul3A_162 : i32
    %add3A_164 = arith.addi %mul3A_163, %add3A_161 : i32
    "tpu.region"() ({
      %run_scoped3A = tpu.sem_alloc : memref<!tpu.dma_semaphore, #tpu.memory_space<semaphore_mem>>
      %dma_start3A_270 = arith.constant 0 : i32
      %dma_start3A_271 = tpu.memref_slice %arg7[%add3A_164, %dma_start3A_270] : memref<20480x128xf32, #tpu.memory_space<hbm>> -> memref<40x128xf32, #tpu.memory_space<hbm>>
      %dma_start3A_272 = arith.constant 0 : i32
      %dma_start3A_273 = tpu.memref_slice %arg7[%add3A_164, %dma_start3A_272] : memref<20480x128xf32, #tpu.memory_space<hbm>> -> memref<40x128xf32, #tpu.memory_space<hbm>>
      tpu.enqueue_dma source(%arg18 : memref<40x128xf32, #tpu.memory_space<vmem>>) target(%dma_start3A_273 : memref<40x128xf32, #tpu.memory_space<hbm>>) target_semaphore(%run_scoped3A : memref<!tpu.dma_semaphore, #tpu.memory_space<semaphore_mem>>)
      %dma_wait3A_274 = arith.constant 0 : i32
      %dma_wait3A_275 = tpu.memref_slice %arg7[%add3A_164, %dma_wait3A_274] : memref<20480x128xf32, #tpu.memory_space<hbm>> -> memref<40x128xf32, #tpu.memory_space<hbm>>
      %dma_wait3A_276 = arith.constant 0 : i32
      %dma_wait3A_277 = tpu.memref_slice %arg7[%add3A_164, %dma_wait3A_276] : memref<20480x128xf32, #tpu.memory_space<hbm>> -> memref<40x128xf32, #tpu.memory_space<hbm>>
      tpu.wait_dma2 semaphore(%run_scoped3A : memref<!tpu.dma_semaphore, #tpu.memory_space<semaphore_mem>>) src(%arg18 : memref<40x128xf32, #tpu.memory_space<vmem>>) dst(%dma_wait3A_277 : memref<40x128xf32, #tpu.memory_space<hbm>>)
      tpu.yield
    }) : () -> ()
    %mul3A_165 = arith.constant 640 : i32
    %mul3A_166 = arith.muli %arg1, %mul3A_165 : i32
    %add3A_167 = arith.constant 40 : i32
    %add3A_168 = arith.addi %mul3A_166, %add3A_167 : i32
    "tpu.region"() ({
      %run_scoped3A = tpu.sem_alloc : memref<!tpu.dma_semaphore, #tpu.memory_space<semaphore_mem>>
      %dma_start3A_270 = arith.constant 0 : i32
      %dma_start3A_271 = tpu.memref_slice %arg22[%add3A_168, %dma_start3A_270] : memref<10240x128xf32, #tpu.memory_space<vmem_shared>> -> memref<40x128xf32, #tpu.memory_space<vmem_shared>>
      %dma_start3A_272 = arith.constant 0 : i32
      %dma_start3A_273 = tpu.memref_slice %arg22[%add3A_168, %dma_start3A_272] : memref<10240x128xf32, #tpu.memory_space<vmem_shared>> -> memref<40x128xf32, #tpu.memory_space<vmem_shared>>
      tpu.enqueue_dma source(%dma_start3A_273 : memref<40x128xf32, #tpu.memory_space<vmem_shared>>) target(%arg18 : memref<40x128xf32, #tpu.memory_space<vmem>>) target_semaphore(%run_scoped3A : memref<!tpu.dma_semaphore, #tpu.memory_space<semaphore_mem>>)
      %dma_wait3A_274 = arith.constant 0 : i32
      %dma_wait3A_275 = tpu.memref_slice %arg22[%add3A_168, %dma_wait3A_274] : memref<10240x128xf32, #tpu.memory_space<vmem_shared>> -> memref<40x128xf32, #tpu.memory_space<vmem_shared>>
      %dma_wait3A_276 = arith.constant 0 : i32
      %dma_wait3A_277 = tpu.memref_slice %arg22[%add3A_168, %dma_wait3A_276] : memref<10240x128xf32, #tpu.memory_space<vmem_shared>> -> memref<40x128xf32, #tpu.memory_space<vmem_shared>>
      tpu.wait_dma2 semaphore(%run_scoped3A : memref<!tpu.dma_semaphore, #tpu.memory_space<semaphore_mem>>) src(%dma_wait3A_277 : memref<40x128xf32, #tpu.memory_space<vmem_shared>>) dst(%arg18 : memref<40x128xf32, #tpu.memory_space<vmem>>)
      tpu.yield
    }) : () -> ()
    %mul3A_169 = arith.constant 10240 : i32
    %mul3A_170 = arith.muli %arg0, %mul3A_169 : i32
    %add3A_171 = arith.addi %mul3A_170, %add3A_168 : i32
    "tpu.region"() ({
      %run_scoped3A = tpu.sem_alloc : memref<!tpu.dma_semaphore, #tpu.memory_space<semaphore_mem>>
      %dma_start3A_270 = arith.constant 0 : i32
      %dma_start3A_271 = tpu.memref_slice %arg7[%add3A_171, %dma_start3A_270] : memref<20480x128xf32, #tpu.memory_space<hbm>> -> memref<40x128xf32, #tpu.memory_space<hbm>>
      %dma_start3A_272 = arith.constant 0 : i32
      %dma_start3A_273 = tpu.memref_slice %arg7[%add3A_171, %dma_start3A_272] : memref<20480x128xf32, #tpu.memory_space<hbm>> -> memref<40x128xf32, #tpu.memory_space<hbm>>
      tpu.enqueue_dma source(%arg18 : memref<40x128xf32, #tpu.memory_space<vmem>>) target(%dma_start3A_273 : memref<40x128xf32, #tpu.memory_space<hbm>>) target_semaphore(%run_scoped3A : memref<!tpu.dma_semaphore, #tpu.memory_space<semaphore_mem>>)
      %dma_wait3A_274 = arith.constant 0 : i32
      %dma_wait3A_275 = tpu.memref_slice %arg7[%add3A_171, %dma_wait3A_274] : memref<20480x128xf32, #tpu.memory_space<hbm>> -> memref<40x128xf32, #tpu.memory_space<hbm>>
      %dma_wait3A_276 = arith.constant 0 : i32
      %dma_wait3A_277 = tpu.memref_slice %arg7[%add3A_171, %dma_wait3A_276] : memref<20480x128xf32, #tpu.memory_space<hbm>> -> memref<40x128xf32, #tpu.memory_space<hbm>>
      tpu.wait_dma2 semaphore(%run_scoped3A : memref<!tpu.dma_semaphore, #tpu.memory_space<semaphore_mem>>) src(%arg18 : memref<40x128xf32, #tpu.memory_space<vmem>>) dst(%dma_wait3A_277 : memref<40x128xf32, #tpu.memory_space<hbm>>)
      tpu.yield
    }) : () -> ()
    %mul3A_172 = arith.constant 640 : i32
    %mul3A_173 = arith.muli %arg1, %mul3A_172 : i32
    %add3A_174 = arith.constant 80 : i32
    %add3A_175 = arith.addi %mul3A_173, %add3A_174 : i32
    "tpu.region"() ({
      %run_scoped3A = tpu.sem_alloc : memref<!tpu.dma_semaphore, #tpu.memory_space<semaphore_mem>>
      %dma_start3A_270 = arith.constant 0 : i32
      %dma_start3A_271 = tpu.memref_slice %arg22[%add3A_175, %dma_start3A_270] : memref<10240x128xf32, #tpu.memory_space<vmem_shared>> -> memref<40x128xf32, #tpu.memory_space<vmem_shared>>
      %dma_start3A_272 = arith.constant 0 : i32
      %dma_start3A_273 = tpu.memref_slice %arg22[%add3A_175, %dma_start3A_272] : memref<10240x128xf32, #tpu.memory_space<vmem_shared>> -> memref<40x128xf32, #tpu.memory_space<vmem_shared>>
      tpu.enqueue_dma source(%dma_start3A_273 : memref<40x128xf32, #tpu.memory_space<vmem_shared>>) target(%arg18 : memref<40x128xf32, #tpu.memory_space<vmem>>) target_semaphore(%run_scoped3A : memref<!tpu.dma_semaphore, #tpu.memory_space<semaphore_mem>>)
      %dma_wait3A_274 = arith.constant 0 : i32
      %dma_wait3A_275 = tpu.memref_slice %arg22[%add3A_175, %dma_wait3A_274] : memref<10240x128xf32, #tpu.memory_space<vmem_shared>> -> memref<40x128xf32, #tpu.memory_space<vmem_shared>>
      %dma_wait3A_276 = arith.constant 0 : i32
      %dma_wait3A_277 = tpu.memref_slice %arg22[%add3A_175, %dma_wait3A_276] : memref<10240x128xf32, #tpu.memory_space<vmem_shared>> -> memref<40x128xf32, #tpu.memory_space<vmem_shared>>
      tpu.wait_dma2 semaphore(%run_scoped3A : memref<!tpu.dma_semaphore, #tpu.memory_space<semaphore_mem>>) src(%dma_wait3A_277 : memref<40x128xf32, #tpu.memory_space<vmem_shared>>) dst(%arg18 : memref<40x128xf32, #tpu.memory_space<vmem>>)
      tpu.yield
    }) : () -> ()
    %mul3A_176 = arith.constant 10240 : i32
    %mul3A_177 = arith.muli %arg0, %mul3A_176 : i32
    %add3A_178 = arith.addi %mul3A_177, %add3A_175 : i32
    "tpu.region"() ({
      %run_scoped3A = tpu.sem_alloc : memref<!tpu.dma_semaphore, #tpu.memory_space<semaphore_mem>>
      %dma_start3A_270 = arith.constant 0 : i32
      %dma_start3A_271 = tpu.memref_slice %arg7[%add3A_178, %dma_start3A_270] : memref<20480x128xf32, #tpu.memory_space<hbm>> -> memref<40x128xf32, #tpu.memory_space<hbm>>
      %dma_start3A_272 = arith.constant 0 : i32
      %dma_start3A_273 = tpu.memref_slice %arg7[%add3A_178, %dma_start3A_272] : memref<20480x128xf32, #tpu.memory_space<hbm>> -> memref<40x128xf32, #tpu.memory_space<hbm>>
      tpu.enqueue_dma source(%arg18 : memref<40x128xf32, #tpu.memory_space<vmem>>) target(%dma_start3A_273 : memref<40x128xf32, #tpu.memory_space<hbm>>) target_semaphore(%run_scoped3A : memref<!tpu.dma_semaphore, #tpu.memory_space<semaphore_mem>>)
      %dma_wait3A_274 = arith.constant 0 : i32
      %dma_wait3A_275 = tpu.memref_slice %arg7[%add3A_178, %dma_wait3A_274] : memref<20480x128xf32, #tpu.memory_space<hbm>> -> memref<40x128xf32, #tpu.memory_space<hbm>>
      %dma_wait3A_276 = arith.constant 0 : i32
      %dma_wait3A_277 = tpu.memref_slice %arg7[%add3A_178, %dma_wait3A_276] : memref<20480x128xf32, #tpu.memory_space<hbm>> -> memref<40x128xf32, #tpu.memory_space<hbm>>
      tpu.wait_dma2 semaphore(%run_scoped3A : memref<!tpu.dma_semaphore, #tpu.memory_space<semaphore_mem>>) src(%arg18 : memref<40x128xf32, #tpu.memory_space<vmem>>) dst(%dma_wait3A_277 : memref<40x128xf32, #tpu.memory_space<hbm>>)
      tpu.yield
    }) : () -> ()
    %mul3A_179 = arith.constant 640 : i32
    %mul3A_180 = arith.muli %arg1, %mul3A_179 : i32
    %add3A_181 = arith.constant 120 : i32
    %add3A_182 = arith.addi %mul3A_180, %add3A_181 : i32
    "tpu.region"() ({
      %run_scoped3A = tpu.sem_alloc : memref<!tpu.dma_semaphore, #tpu.memory_space<semaphore_mem>>
      %dma_start3A_270 = arith.constant 0 : i32
      %dma_start3A_271 = tpu.memref_slice %arg22[%add3A_182, %dma_start3A_270] : memref<10240x128xf32, #tpu.memory_space<vmem_shared>> -> memref<40x128xf32, #tpu.memory_space<vmem_shared>>
      %dma_start3A_272 = arith.constant 0 : i32
      %dma_start3A_273 = tpu.memref_slice %arg22[%add3A_182, %dma_start3A_272] : memref<10240x128xf32, #tpu.memory_space<vmem_shared>> -> memref<40x128xf32, #tpu.memory_space<vmem_shared>>
      tpu.enqueue_dma source(%dma_start3A_273 : memref<40x128xf32, #tpu.memory_space<vmem_shared>>) target(%arg18 : memref<40x128xf32, #tpu.memory_space<vmem>>) target_semaphore(%run_scoped3A : memref<!tpu.dma_semaphore, #tpu.memory_space<semaphore_mem>>)
      %dma_wait3A_274 = arith.constant 0 : i32
      %dma_wait3A_275 = tpu.memref_slice %arg22[%add3A_182, %dma_wait3A_274] : memref<10240x128xf32, #tpu.memory_space<vmem_shared>> -> memref<40x128xf32, #tpu.memory_space<vmem_shared>>
      %dma_wait3A_276 = arith.constant 0 : i32
      %dma_wait3A_277 = tpu.memref_slice %arg22[%add3A_182, %dma_wait3A_276] : memref<10240x128xf32, #tpu.memory_space<vmem_shared>> -> memref<40x128xf32, #tpu.memory_space<vmem_shared>>
      tpu.wait_dma2 semaphore(%run_scoped3A : memref<!tpu.dma_semaphore, #tpu.memory_space<semaphore_mem>>) src(%dma_wait3A_277 : memref<40x128xf32, #tpu.memory_space<vmem_shared>>) dst(%arg18 : memref<40x128xf32, #tpu.memory_space<vmem>>)
      tpu.yield
    }) : () -> ()
    %mul3A_183 = arith.constant 10240 : i32
    %mul3A_184 = arith.muli %arg0, %mul3A_183 : i32
    %add3A_185 = arith.addi %mul3A_184, %add3A_182 : i32
    "tpu.region"() ({
      %run_scoped3A = tpu.sem_alloc : memref<!tpu.dma_semaphore, #tpu.memory_space<semaphore_mem>>
      %dma_start3A_270 = arith.constant 0 : i32
      %dma_start3A_271 = tpu.memref_slice %arg7[%add3A_185, %dma_start3A_270] : memref<20480x128xf32, #tpu.memory_space<hbm>> -> memref<40x128xf32, #tpu.memory_space<hbm>>
      %dma_start3A_272 = arith.constant 0 : i32
      %dma_start3A_273 = tpu.memref_slice %arg7[%add3A_185, %dma_start3A_272] : memref<20480x128xf32, #tpu.memory_space<hbm>> -> memref<40x128xf32, #tpu.memory_space<hbm>>
      tpu.enqueue_dma source(%arg18 : memref<40x128xf32, #tpu.memory_space<vmem>>) target(%dma_start3A_273 : memref<40x128xf32, #tpu.memory_space<hbm>>) target_semaphore(%run_scoped3A : memref<!tpu.dma_semaphore, #tpu.memory_space<semaphore_mem>>)
      %dma_wait3A_274 = arith.constant 0 : i32
      %dma_wait3A_275 = tpu.memref_slice %arg7[%add3A_185, %dma_wait3A_274] : memref<20480x128xf32, #tpu.memory_space<hbm>> -> memref<40x128xf32, #tpu.memory_space<hbm>>
      %dma_wait3A_276 = arith.constant 0 : i32
      %dma_wait3A_277 = tpu.memref_slice %arg7[%add3A_185, %dma_wait3A_276] : memref<20480x128xf32, #tpu.memory_space<hbm>> -> memref<40x128xf32, #tpu.memory_space<hbm>>
      tpu.wait_dma2 semaphore(%run_scoped3A : memref<!tpu.dma_semaphore, #tpu.memory_space<semaphore_mem>>) src(%arg18 : memref<40x128xf32, #tpu.memory_space<vmem>>) dst(%dma_wait3A_277 : memref<40x128xf32, #tpu.memory_space<hbm>>)
      tpu.yield
    }) : () -> ()
    %mul3A_186 = arith.constant 640 : i32
    %mul3A_187 = arith.muli %arg1, %mul3A_186 : i32
    %add3A_188 = arith.constant 160 : i32
    %add3A_189 = arith.addi %mul3A_187, %add3A_188 : i32
    "tpu.region"() ({
      %run_scoped3A = tpu.sem_alloc : memref<!tpu.dma_semaphore, #tpu.memory_space<semaphore_mem>>
      %dma_start3A_270 = arith.constant 0 : i32
      %dma_start3A_271 = tpu.memref_slice %arg22[%add3A_189, %dma_start3A_270] : memref<10240x128xf32, #tpu.memory_space<vmem_shared>> -> memref<40x128xf32, #tpu.memory_space<vmem_shared>>
      %dma_start3A_272 = arith.constant 0 : i32
      %dma_start3A_273 = tpu.memref_slice %arg22[%add3A_189, %dma_start3A_272] : memref<10240x128xf32, #tpu.memory_space<vmem_shared>> -> memref<40x128xf32, #tpu.memory_space<vmem_shared>>
      tpu.enqueue_dma source(%dma_start3A_273 : memref<40x128xf32, #tpu.memory_space<vmem_shared>>) target(%arg18 : memref<40x128xf32, #tpu.memory_space<vmem>>) target_semaphore(%run_scoped3A : memref<!tpu.dma_semaphore, #tpu.memory_space<semaphore_mem>>)
      %dma_wait3A_274 = arith.constant 0 : i32
      %dma_wait3A_275 = tpu.memref_slice %arg22[%add3A_189, %dma_wait3A_274] : memref<10240x128xf32, #tpu.memory_space<vmem_shared>> -> memref<40x128xf32, #tpu.memory_space<vmem_shared>>
      %dma_wait3A_276 = arith.constant 0 : i32
      %dma_wait3A_277 = tpu.memref_slice %arg22[%add3A_189, %dma_wait3A_276] : memref<10240x128xf32, #tpu.memory_space<vmem_shared>> -> memref<40x128xf32, #tpu.memory_space<vmem_shared>>
      tpu.wait_dma2 semaphore(%run_scoped3A : memref<!tpu.dma_semaphore, #tpu.memory_space<semaphore_mem>>) src(%dma_wait3A_277 : memref<40x128xf32, #tpu.memory_space<vmem_shared>>) dst(%arg18 : memref<40x128xf32, #tpu.memory_space<vmem>>)
      tpu.yield
    }) : () -> ()
    %mul3A_190 = arith.constant 10240 : i32
    %mul3A_191 = arith.muli %arg0, %mul3A_190 : i32
    %add3A_192 = arith.addi %mul3A_191, %add3A_189 : i32
    "tpu.region"() ({
      %run_scoped3A = tpu.sem_alloc : memref<!tpu.dma_semaphore, #tpu.memory_space<semaphore_mem>>
      %dma_start3A_270 = arith.constant 0 : i32
      %dma_start3A_271 = tpu.memref_slice %arg7[%add3A_192, %dma_start3A_270] : memref<20480x128xf32, #tpu.memory_space<hbm>> -> memref<40x128xf32, #tpu.memory_space<hbm>>
      %dma_start3A_272 = arith.constant 0 : i32
      %dma_start3A_273 = tpu.memref_slice %arg7[%add3A_192, %dma_start3A_272] : memref<20480x128xf32, #tpu.memory_space<hbm>> -> memref<40x128xf32, #tpu.memory_space<hbm>>
      tpu.enqueue_dma source(%arg18 : memref<40x128xf32, #tpu.memory_space<vmem>>) target(%dma_start3A_273 : memref<40x128xf32, #tpu.memory_space<hbm>>) target_semaphore(%run_scoped3A : memref<!tpu.dma_semaphore, #tpu.memory_space<semaphore_mem>>)
      %dma_wait3A_274 = arith.constant 0 : i32
      %dma_wait3A_275 = tpu.memref_slice %arg7[%add3A_192, %dma_wait3A_274] : memref<20480x128xf32, #tpu.memory_space<hbm>> -> memref<40x128xf32, #tpu.memory_space<hbm>>
      %dma_wait3A_276 = arith.constant 0 : i32
      %dma_wait3A_277 = tpu.memref_slice %arg7[%add3A_192, %dma_wait3A_276] : memref<20480x128xf32, #tpu.memory_space<hbm>> -> memref<40x128xf32, #tpu.memory_space<hbm>>
      tpu.wait_dma2 semaphore(%run_scoped3A : memref<!tpu.dma_semaphore, #tpu.memory_space<semaphore_mem>>) src(%arg18 : memref<40x128xf32, #tpu.memory_space<vmem>>) dst(%dma_wait3A_277 : memref<40x128xf32, #tpu.memory_space<hbm>>)
      tpu.yield
    }) : () -> ()
    %mul3A_193 = arith.constant 640 : i32
    %mul3A_194 = arith.muli %arg1, %mul3A_193 : i32
    %add3A_195 = arith.constant 200 : i32
    %add3A_196 = arith.addi %mul3A_194, %add3A_195 : i32
    "tpu.region"() ({
      %run_scoped3A = tpu.sem_alloc : memref<!tpu.dma_semaphore, #tpu.memory_space<semaphore_mem>>
      %dma_start3A_270 = arith.constant 0 : i32
      %dma_start3A_271 = tpu.memref_slice %arg22[%add3A_196, %dma_start3A_270] : memref<10240x128xf32, #tpu.memory_space<vmem_shared>> -> memref<40x128xf32, #tpu.memory_space<vmem_shared>>
      %dma_start3A_272 = arith.constant 0 : i32
      %dma_start3A_273 = tpu.memref_slice %arg22[%add3A_196, %dma_start3A_272] : memref<10240x128xf32, #tpu.memory_space<vmem_shared>> -> memref<40x128xf32, #tpu.memory_space<vmem_shared>>
      tpu.enqueue_dma source(%dma_start3A_273 : memref<40x128xf32, #tpu.memory_space<vmem_shared>>) target(%arg18 : memref<40x128xf32, #tpu.memory_space<vmem>>) target_semaphore(%run_scoped3A : memref<!tpu.dma_semaphore, #tpu.memory_space<semaphore_mem>>)
      %dma_wait3A_274 = arith.constant 0 : i32
      %dma_wait3A_275 = tpu.memref_slice %arg22[%add3A_196, %dma_wait3A_274] : memref<10240x128xf32, #tpu.memory_space<vmem_shared>> -> memref<40x128xf32, #tpu.memory_space<vmem_shared>>
      %dma_wait3A_276 = arith.constant 0 : i32
      %dma_wait3A_277 = tpu.memref_slice %arg22[%add3A_196, %dma_wait3A_276] : memref<10240x128xf32, #tpu.memory_space<vmem_shared>> -> memref<40x128xf32, #tpu.memory_space<vmem_shared>>
      tpu.wait_dma2 semaphore(%run_scoped3A : memref<!tpu.dma_semaphore, #tpu.memory_space<semaphore_mem>>) src(%dma_wait3A_277 : memref<40x128xf32, #tpu.memory_space<vmem_shared>>) dst(%arg18 : memref<40x128xf32, #tpu.memory_space<vmem>>)
      tpu.yield
    }) : () -> ()
    %mul3A_197 = arith.constant 10240 : i32
    %mul3A_198 = arith.muli %arg0, %mul3A_197 : i32
    %add3A_199 = arith.addi %mul3A_198, %add3A_196 : i32
    "tpu.region"() ({
      %run_scoped3A = tpu.sem_alloc : memref<!tpu.dma_semaphore, #tpu.memory_space<semaphore_mem>>
      %dma_start3A_270 = arith.constant 0 : i32
      %dma_start3A_271 = tpu.memref_slice %arg7[%add3A_199, %dma_start3A_270] : memref<20480x128xf32, #tpu.memory_space<hbm>> -> memref<40x128xf32, #tpu.memory_space<hbm>>
      %dma_start3A_272 = arith.constant 0 : i32
      %dma_start3A_273 = tpu.memref_slice %arg7[%add3A_199, %dma_start3A_272] : memref<20480x128xf32, #tpu.memory_space<hbm>> -> memref<40x128xf32, #tpu.memory_space<hbm>>
      tpu.enqueue_dma source(%arg18 : memref<40x128xf32, #tpu.memory_space<vmem>>) target(%dma_start3A_273 : memref<40x128xf32, #tpu.memory_space<hbm>>) target_semaphore(%run_scoped3A : memref<!tpu.dma_semaphore, #tpu.memory_space<semaphore_mem>>)
      %dma_wait3A_274 = arith.constant 0 : i32
      %dma_wait3A_275 = tpu.memref_slice %arg7[%add3A_199, %dma_wait3A_274] : memref<20480x128xf32, #tpu.memory_space<hbm>> -> memref<40x128xf32, #tpu.memory_space<hbm>>
      %dma_wait3A_276 = arith.constant 0 : i32
      %dma_wait3A_277 = tpu.memref_slice %arg7[%add3A_199, %dma_wait3A_276] : memref<20480x128xf32, #tpu.memory_space<hbm>> -> memref<40x128xf32, #tpu.memory_space<hbm>>
      tpu.wait_dma2 semaphore(%run_scoped3A : memref<!tpu.dma_semaphore, #tpu.memory_space<semaphore_mem>>) src(%arg18 : memref<40x128xf32, #tpu.memory_space<vmem>>) dst(%dma_wait3A_277 : memref<40x128xf32, #tpu.memory_space<hbm>>)
      tpu.yield
    }) : () -> ()
    %mul3A_200 = arith.constant 640 : i32
    %mul3A_201 = arith.muli %arg1, %mul3A_200 : i32
    %add3A_202 = arith.constant 240 : i32
    %add3A_203 = arith.addi %mul3A_201, %add3A_202 : i32
    "tpu.region"() ({
      %run_scoped3A = tpu.sem_alloc : memref<!tpu.dma_semaphore, #tpu.memory_space<semaphore_mem>>
      %dma_start3A_270 = arith.constant 0 : i32
      %dma_start3A_271 = tpu.memref_slice %arg22[%add3A_203, %dma_start3A_270] : memref<10240x128xf32, #tpu.memory_space<vmem_shared>> -> memref<40x128xf32, #tpu.memory_space<vmem_shared>>
      %dma_start3A_272 = arith.constant 0 : i32
      %dma_start3A_273 = tpu.memref_slice %arg22[%add3A_203, %dma_start3A_272] : memref<10240x128xf32, #tpu.memory_space<vmem_shared>> -> memref<40x128xf32, #tpu.memory_space<vmem_shared>>
      tpu.enqueue_dma source(%dma_start3A_273 : memref<40x128xf32, #tpu.memory_space<vmem_shared>>) target(%arg18 : memref<40x128xf32, #tpu.memory_space<vmem>>) target_semaphore(%run_scoped3A : memref<!tpu.dma_semaphore, #tpu.memory_space<semaphore_mem>>)
      %dma_wait3A_274 = arith.constant 0 : i32
      %dma_wait3A_275 = tpu.memref_slice %arg22[%add3A_203, %dma_wait3A_274] : memref<10240x128xf32, #tpu.memory_space<vmem_shared>> -> memref<40x128xf32, #tpu.memory_space<vmem_shared>>
      %dma_wait3A_276 = arith.constant 0 : i32
      %dma_wait3A_277 = tpu.memref_slice %arg22[%add3A_203, %dma_wait3A_276] : memref<10240x128xf32, #tpu.memory_space<vmem_shared>> -> memref<40x128xf32, #tpu.memory_space<vmem_shared>>
      tpu.wait_dma2 semaphore(%run_scoped3A : memref<!tpu.dma_semaphore, #tpu.memory_space<semaphore_mem>>) src(%dma_wait3A_277 : memref<40x128xf32, #tpu.memory_space<vmem_shared>>) dst(%arg18 : memref<40x128xf32, #tpu.memory_space<vmem>>)
      tpu.yield
    }) : () -> ()
    %mul3A_204 = arith.constant 10240 : i32
    %mul3A_205 = arith.muli %arg0, %mul3A_204 : i32
    %add3A_206 = arith.addi %mul3A_205, %add3A_203 : i32
    "tpu.region"() ({
      %run_scoped3A = tpu.sem_alloc : memref<!tpu.dma_semaphore, #tpu.memory_space<semaphore_mem>>
      %dma_start3A_270 = arith.constant 0 : i32
      %dma_start3A_271 = tpu.memref_slice %arg7[%add3A_206, %dma_start3A_270] : memref<20480x128xf32, #tpu.memory_space<hbm>> -> memref<40x128xf32, #tpu.memory_space<hbm>>
      %dma_start3A_272 = arith.constant 0 : i32
      %dma_start3A_273 = tpu.memref_slice %arg7[%add3A_206, %dma_start3A_272] : memref<20480x128xf32, #tpu.memory_space<hbm>> -> memref<40x128xf32, #tpu.memory_space<hbm>>
      tpu.enqueue_dma source(%arg18 : memref<40x128xf32, #tpu.memory_space<vmem>>) target(%dma_start3A_273 : memref<40x128xf32, #tpu.memory_space<hbm>>) target_semaphore(%run_scoped3A : memref<!tpu.dma_semaphore, #tpu.memory_space<semaphore_mem>>)
      %dma_wait3A_274 = arith.constant 0 : i32
      %dma_wait3A_275 = tpu.memref_slice %arg7[%add3A_206, %dma_wait3A_274] : memref<20480x128xf32, #tpu.memory_space<hbm>> -> memref<40x128xf32, #tpu.memory_space<hbm>>
      %dma_wait3A_276 = arith.constant 0 : i32
      %dma_wait3A_277 = tpu.memref_slice %arg7[%add3A_206, %dma_wait3A_276] : memref<20480x128xf32, #tpu.memory_space<hbm>> -> memref<40x128xf32, #tpu.memory_space<hbm>>
      tpu.wait_dma2 semaphore(%run_scoped3A : memref<!tpu.dma_semaphore, #tpu.memory_space<semaphore_mem>>) src(%arg18 : memref<40x128xf32, #tpu.memory_space<vmem>>) dst(%dma_wait3A_277 : memref<40x128xf32, #tpu.memory_space<hbm>>)
      tpu.yield
    }) : () -> ()
    %mul3A_207 = arith.constant 640 : i32
    %mul3A_208 = arith.muli %arg1, %mul3A_207 : i32
    %add3A_209 = arith.constant 280 : i32
    %add3A_210 = arith.addi %mul3A_208, %add3A_209 : i32
    "tpu.region"() ({
      %run_scoped3A = tpu.sem_alloc : memref<!tpu.dma_semaphore, #tpu.memory_space<semaphore_mem>>
      %dma_start3A_270 = arith.constant 0 : i32
      %dma_start3A_271 = tpu.memref_slice %arg22[%add3A_210, %dma_start3A_270] : memref<10240x128xf32, #tpu.memory_space<vmem_shared>> -> memref<40x128xf32, #tpu.memory_space<vmem_shared>>
      %dma_start3A_272 = arith.constant 0 : i32
      %dma_start3A_273 = tpu.memref_slice %arg22[%add3A_210, %dma_start3A_272] : memref<10240x128xf32, #tpu.memory_space<vmem_shared>> -> memref<40x128xf32, #tpu.memory_space<vmem_shared>>
      tpu.enqueue_dma source(%dma_start3A_273 : memref<40x128xf32, #tpu.memory_space<vmem_shared>>) target(%arg18 : memref<40x128xf32, #tpu.memory_space<vmem>>) target_semaphore(%run_scoped3A : memref<!tpu.dma_semaphore, #tpu.memory_space<semaphore_mem>>)
      %dma_wait3A_274 = arith.constant 0 : i32
      %dma_wait3A_275 = tpu.memref_slice %arg22[%add3A_210, %dma_wait3A_274] : memref<10240x128xf32, #tpu.memory_space<vmem_shared>> -> memref<40x128xf32, #tpu.memory_space<vmem_shared>>
      %dma_wait3A_276 = arith.constant 0 : i32
      %dma_wait3A_277 = tpu.memref_slice %arg22[%add3A_210, %dma_wait3A_276] : memref<10240x128xf32, #tpu.memory_space<vmem_shared>> -> memref<40x128xf32, #tpu.memory_space<vmem_shared>>
      tpu.wait_dma2 semaphore(%run_scoped3A : memref<!tpu.dma_semaphore, #tpu.memory_space<semaphore_mem>>) src(%dma_wait3A_277 : memref<40x128xf32, #tpu.memory_space<vmem_shared>>) dst(%arg18 : memref<40x128xf32, #tpu.memory_space<vmem>>)
      tpu.yield
    }) : () -> ()
    %mul3A_211 = arith.constant 10240 : i32
    %mul3A_212 = arith.muli %arg0, %mul3A_211 : i32
    %add3A_213 = arith.addi %mul3A_212, %add3A_210 : i32
    "tpu.region"() ({
      %run_scoped3A = tpu.sem_alloc : memref<!tpu.dma_semaphore, #tpu.memory_space<semaphore_mem>>
      %dma_start3A_270 = arith.constant 0 : i32
      %dma_start3A_271 = tpu.memref_slice %arg7[%add3A_213, %dma_start3A_270] : memref<20480x128xf32, #tpu.memory_space<hbm>> -> memref<40x128xf32, #tpu.memory_space<hbm>>
      %dma_start3A_272 = arith.constant 0 : i32
      %dma_start3A_273 = tpu.memref_slice %arg7[%add3A_213, %dma_start3A_272] : memref<20480x128xf32, #tpu.memory_space<hbm>> -> memref<40x128xf32, #tpu.memory_space<hbm>>
      tpu.enqueue_dma source(%arg18 : memref<40x128xf32, #tpu.memory_space<vmem>>) target(%dma_start3A_273 : memref<40x128xf32, #tpu.memory_space<hbm>>) target_semaphore(%run_scoped3A : memref<!tpu.dma_semaphore, #tpu.memory_space<semaphore_mem>>)
      %dma_wait3A_274 = arith.constant 0 : i32
      %dma_wait3A_275 = tpu.memref_slice %arg7[%add3A_213, %dma_wait3A_274] : memref<20480x128xf32, #tpu.memory_space<hbm>> -> memref<40x128xf32, #tpu.memory_space<hbm>>
      %dma_wait3A_276 = arith.constant 0 : i32
      %dma_wait3A_277 = tpu.memref_slice %arg7[%add3A_213, %dma_wait3A_276] : memref<20480x128xf32, #tpu.memory_space<hbm>> -> memref<40x128xf32, #tpu.memory_space<hbm>>
      tpu.wait_dma2 semaphore(%run_scoped3A : memref<!tpu.dma_semaphore, #tpu.memory_space<semaphore_mem>>) src(%arg18 : memref<40x128xf32, #tpu.memory_space<vmem>>) dst(%dma_wait3A_277 : memref<40x128xf32, #tpu.memory_space<hbm>>)
      tpu.yield
    }) : () -> ()
    %mul3A_214 = arith.constant 640 : i32
    %mul3A_215 = arith.muli %arg1, %mul3A_214 : i32
    %add3A_216 = arith.constant 320 : i32
    %add3A_217 = arith.addi %mul3A_215, %add3A_216 : i32
    "tpu.region"() ({
      %run_scoped3A = tpu.sem_alloc : memref<!tpu.dma_semaphore, #tpu.memory_space<semaphore_mem>>
      %dma_start3A_270 = arith.constant 0 : i32
      %dma_start3A_271 = tpu.memref_slice %arg22[%add3A_217, %dma_start3A_270] : memref<10240x128xf32, #tpu.memory_space<vmem_shared>> -> memref<40x128xf32, #tpu.memory_space<vmem_shared>>
      %dma_start3A_272 = arith.constant 0 : i32
      %dma_start3A_273 = tpu.memref_slice %arg22[%add3A_217, %dma_start3A_272] : memref<10240x128xf32, #tpu.memory_space<vmem_shared>> -> memref<40x128xf32, #tpu.memory_space<vmem_shared>>
      tpu.enqueue_dma source(%dma_start3A_273 : memref<40x128xf32, #tpu.memory_space<vmem_shared>>) target(%arg18 : memref<40x128xf32, #tpu.memory_space<vmem>>) target_semaphore(%run_scoped3A : memref<!tpu.dma_semaphore, #tpu.memory_space<semaphore_mem>>)
      %dma_wait3A_274 = arith.constant 0 : i32
      %dma_wait3A_275 = tpu.memref_slice %arg22[%add3A_217, %dma_wait3A_274] : memref<10240x128xf32, #tpu.memory_space<vmem_shared>> -> memref<40x128xf32, #tpu.memory_space<vmem_shared>>
      %dma_wait3A_276 = arith.constant 0 : i32
      %dma_wait3A_277 = tpu.memref_slice %arg22[%add3A_217, %dma_wait3A_276] : memref<10240x128xf32, #tpu.memory_space<vmem_shared>> -> memref<40x128xf32, #tpu.memory_space<vmem_shared>>
      tpu.wait_dma2 semaphore(%run_scoped3A : memref<!tpu.dma_semaphore, #tpu.memory_space<semaphore_mem>>) src(%dma_wait3A_277 : memref<40x128xf32, #tpu.memory_space<vmem_shared>>) dst(%arg18 : memref<40x128xf32, #tpu.memory_space<vmem>>)
      tpu.yield
    }) : () -> ()
    %mul3A_218 = arith.constant 10240 : i32
    %mul3A_219 = arith.muli %arg0, %mul3A_218 : i32
    %add3A_220 = arith.addi %mul3A_219, %add3A_217 : i32
    "tpu.region"() ({
      %run_scoped3A = tpu.sem_alloc : memref<!tpu.dma_semaphore, #tpu.memory_space<semaphore_mem>>
      %dma_start3A_270 = arith.constant 0 : i32
      %dma_start3A_271 = tpu.memref_slice %arg7[%add3A_220, %dma_start3A_270] : memref<20480x128xf32, #tpu.memory_space<hbm>> -> memref<40x128xf32, #tpu.memory_space<hbm>>
      %dma_start3A_272 = arith.constant 0 : i32
      %dma_start3A_273 = tpu.memref_slice %arg7[%add3A_220, %dma_start3A_272] : memref<20480x128xf32, #tpu.memory_space<hbm>> -> memref<40x128xf32, #tpu.memory_space<hbm>>
      tpu.enqueue_dma source(%arg18 : memref<40x128xf32, #tpu.memory_space<vmem>>) target(%dma_start3A_273 : memref<40x128xf32, #tpu.memory_space<hbm>>) target_semaphore(%run_scoped3A : memref<!tpu.dma_semaphore, #tpu.memory_space<semaphore_mem>>)
      %dma_wait3A_274 = arith.constant 0 : i32
      %dma_wait3A_275 = tpu.memref_slice %arg7[%add3A_220, %dma_wait3A_274] : memref<20480x128xf32, #tpu.memory_space<hbm>> -> memref<40x128xf32, #tpu.memory_space<hbm>>
      %dma_wait3A_276 = arith.constant 0 : i32
      %dma_wait3A_277 = tpu.memref_slice %arg7[%add3A_220, %dma_wait3A_276] : memref<20480x128xf32, #tpu.memory_space<hbm>> -> memref<40x128xf32, #tpu.memory_space<hbm>>
      tpu.wait_dma2 semaphore(%run_scoped3A : memref<!tpu.dma_semaphore, #tpu.memory_space<semaphore_mem>>) src(%arg18 : memref<40x128xf32, #tpu.memory_space<vmem>>) dst(%dma_wait3A_277 : memref<40x128xf32, #tpu.memory_space<hbm>>)
      tpu.yield
    }) : () -> ()
    %mul3A_221 = arith.constant 640 : i32
    %mul3A_222 = arith.muli %arg1, %mul3A_221 : i32
    %add3A_223 = arith.constant 360 : i32
    %add3A_224 = arith.addi %mul3A_222, %add3A_223 : i32
    "tpu.region"() ({
      %run_scoped3A = tpu.sem_alloc : memref<!tpu.dma_semaphore, #tpu.memory_space<semaphore_mem>>
      %dma_start3A_270 = arith.constant 0 : i32
      %dma_start3A_271 = tpu.memref_slice %arg22[%add3A_224, %dma_start3A_270] : memref<10240x128xf32, #tpu.memory_space<vmem_shared>> -> memref<40x128xf32, #tpu.memory_space<vmem_shared>>
      %dma_start3A_272 = arith.constant 0 : i32
      %dma_start3A_273 = tpu.memref_slice %arg22[%add3A_224, %dma_start3A_272] : memref<10240x128xf32, #tpu.memory_space<vmem_shared>> -> memref<40x128xf32, #tpu.memory_space<vmem_shared>>
      tpu.enqueue_dma source(%dma_start3A_273 : memref<40x128xf32, #tpu.memory_space<vmem_shared>>) target(%arg18 : memref<40x128xf32, #tpu.memory_space<vmem>>) target_semaphore(%run_scoped3A : memref<!tpu.dma_semaphore, #tpu.memory_space<semaphore_mem>>)
      %dma_wait3A_274 = arith.constant 0 : i32
      %dma_wait3A_275 = tpu.memref_slice %arg22[%add3A_224, %dma_wait3A_274] : memref<10240x128xf32, #tpu.memory_space<vmem_shared>> -> memref<40x128xf32, #tpu.memory_space<vmem_shared>>
      %dma_wait3A_276 = arith.constant 0 : i32
      %dma_wait3A_277 = tpu.memref_slice %arg22[%add3A_224, %dma_wait3A_276] : memref<10240x128xf32, #tpu.memory_space<vmem_shared>> -> memref<40x128xf32, #tpu.memory_space<vmem_shared>>
      tpu.wait_dma2 semaphore(%run_scoped3A : memref<!tpu.dma_semaphore, #tpu.memory_space<semaphore_mem>>) src(%dma_wait3A_277 : memref<40x128xf32, #tpu.memory_space<vmem_shared>>) dst(%arg18 : memref<40x128xf32, #tpu.memory_space<vmem>>)
      tpu.yield
    }) : () -> ()
    %mul3A_225 = arith.constant 10240 : i32
    %mul3A_226 = arith.muli %arg0, %mul3A_225 : i32
    %add3A_227 = arith.addi %mul3A_226, %add3A_224 : i32
    "tpu.region"() ({
      %run_scoped3A = tpu.sem_alloc : memref<!tpu.dma_semaphore, #tpu.memory_space<semaphore_mem>>
      %dma_start3A_270 = arith.constant 0 : i32
      %dma_start3A_271 = tpu.memref_slice %arg7[%add3A_227, %dma_start3A_270] : memref<20480x128xf32, #tpu.memory_space<hbm>> -> memref<40x128xf32, #tpu.memory_space<hbm>>
      %dma_start3A_272 = arith.constant 0 : i32
      %dma_start3A_273 = tpu.memref_slice %arg7[%add3A_227, %dma_start3A_272] : memref<20480x128xf32, #tpu.memory_space<hbm>> -> memref<40x128xf32, #tpu.memory_space<hbm>>
      tpu.enqueue_dma source(%arg18 : memref<40x128xf32, #tpu.memory_space<vmem>>) target(%dma_start3A_273 : memref<40x128xf32, #tpu.memory_space<hbm>>) target_semaphore(%run_scoped3A : memref<!tpu.dma_semaphore, #tpu.memory_space<semaphore_mem>>)
      %dma_wait3A_274 = arith.constant 0 : i32
      %dma_wait3A_275 = tpu.memref_slice %arg7[%add3A_227, %dma_wait3A_274] : memref<20480x128xf32, #tpu.memory_space<hbm>> -> memref<40x128xf32, #tpu.memory_space<hbm>>
      %dma_wait3A_276 = arith.constant 0 : i32
      %dma_wait3A_277 = tpu.memref_slice %arg7[%add3A_227, %dma_wait3A_276] : memref<20480x128xf32, #tpu.memory_space<hbm>> -> memref<40x128xf32, #tpu.memory_space<hbm>>
      tpu.wait_dma2 semaphore(%run_scoped3A : memref<!tpu.dma_semaphore, #tpu.memory_space<semaphore_mem>>) src(%arg18 : memref<40x128xf32, #tpu.memory_space<vmem>>) dst(%dma_wait3A_277 : memref<40x128xf32, #tpu.memory_space<hbm>>)
      tpu.yield
    }) : () -> ()
    %mul3A_228 = arith.constant 640 : i32
    %mul3A_229 = arith.muli %arg1, %mul3A_228 : i32
    %add3A_230 = arith.constant 400 : i32
    %add3A_231 = arith.addi %mul3A_229, %add3A_230 : i32
    "tpu.region"() ({
      %run_scoped3A = tpu.sem_alloc : memref<!tpu.dma_semaphore, #tpu.memory_space<semaphore_mem>>
      %dma_start3A_270 = arith.constant 0 : i32
      %dma_start3A_271 = tpu.memref_slice %arg22[%add3A_231, %dma_start3A_270] : memref<10240x128xf32, #tpu.memory_space<vmem_shared>> -> memref<40x128xf32, #tpu.memory_space<vmem_shared>>
      %dma_start3A_272 = arith.constant 0 : i32
      %dma_start3A_273 = tpu.memref_slice %arg22[%add3A_231, %dma_start3A_272] : memref<10240x128xf32, #tpu.memory_space<vmem_shared>> -> memref<40x128xf32, #tpu.memory_space<vmem_shared>>
      tpu.enqueue_dma source(%dma_start3A_273 : memref<40x128xf32, #tpu.memory_space<vmem_shared>>) target(%arg18 : memref<40x128xf32, #tpu.memory_space<vmem>>) target_semaphore(%run_scoped3A : memref<!tpu.dma_semaphore, #tpu.memory_space<semaphore_mem>>)
      %dma_wait3A_274 = arith.constant 0 : i32
      %dma_wait3A_275 = tpu.memref_slice %arg22[%add3A_231, %dma_wait3A_274] : memref<10240x128xf32, #tpu.memory_space<vmem_shared>> -> memref<40x128xf32, #tpu.memory_space<vmem_shared>>
      %dma_wait3A_276 = arith.constant 0 : i32
      %dma_wait3A_277 = tpu.memref_slice %arg22[%add3A_231, %dma_wait3A_276] : memref<10240x128xf32, #tpu.memory_space<vmem_shared>> -> memref<40x128xf32, #tpu.memory_space<vmem_shared>>
      tpu.wait_dma2 semaphore(%run_scoped3A : memref<!tpu.dma_semaphore, #tpu.memory_space<semaphore_mem>>) src(%dma_wait3A_277 : memref<40x128xf32, #tpu.memory_space<vmem_shared>>) dst(%arg18 : memref<40x128xf32, #tpu.memory_space<vmem>>)
      tpu.yield
    }) : () -> ()
    %mul3A_232 = arith.constant 10240 : i32
    %mul3A_233 = arith.muli %arg0, %mul3A_232 : i32
    %add3A_234 = arith.addi %mul3A_233, %add3A_231 : i32
    "tpu.region"() ({
      %run_scoped3A = tpu.sem_alloc : memref<!tpu.dma_semaphore, #tpu.memory_space<semaphore_mem>>
      %dma_start3A_270 = arith.constant 0 : i32
      %dma_start3A_271 = tpu.memref_slice %arg7[%add3A_234, %dma_start3A_270] : memref<20480x128xf32, #tpu.memory_space<hbm>> -> memref<40x128xf32, #tpu.memory_space<hbm>>
      %dma_start3A_272 = arith.constant 0 : i32
      %dma_start3A_273 = tpu.memref_slice %arg7[%add3A_234, %dma_start3A_272] : memref<20480x128xf32, #tpu.memory_space<hbm>> -> memref<40x128xf32, #tpu.memory_space<hbm>>
      tpu.enqueue_dma source(%arg18 : memref<40x128xf32, #tpu.memory_space<vmem>>) target(%dma_start3A_273 : memref<40x128xf32, #tpu.memory_space<hbm>>) target_semaphore(%run_scoped3A : memref<!tpu.dma_semaphore, #tpu.memory_space<semaphore_mem>>)
      %dma_wait3A_274 = arith.constant 0 : i32
      %dma_wait3A_275 = tpu.memref_slice %arg7[%add3A_234, %dma_wait3A_274] : memref<20480x128xf32, #tpu.memory_space<hbm>> -> memref<40x128xf32, #tpu.memory_space<hbm>>
      %dma_wait3A_276 = arith.constant 0 : i32
      %dma_wait3A_277 = tpu.memref_slice %arg7[%add3A_234, %dma_wait3A_276] : memref<20480x128xf32, #tpu.memory_space<hbm>> -> memref<40x128xf32, #tpu.memory_space<hbm>>
      tpu.wait_dma2 semaphore(%run_scoped3A : memref<!tpu.dma_semaphore, #tpu.memory_space<semaphore_mem>>) src(%arg18 : memref<40x128xf32, #tpu.memory_space<vmem>>) dst(%dma_wait3A_277 : memref<40x128xf32, #tpu.memory_space<hbm>>)
      tpu.yield
    }) : () -> ()
    %mul3A_235 = arith.constant 640 : i32
    %mul3A_236 = arith.muli %arg1, %mul3A_235 : i32
    %add3A_237 = arith.constant 440 : i32
    %add3A_238 = arith.addi %mul3A_236, %add3A_237 : i32
    "tpu.region"() ({
      %run_scoped3A = tpu.sem_alloc : memref<!tpu.dma_semaphore, #tpu.memory_space<semaphore_mem>>
      %dma_start3A_270 = arith.constant 0 : i32
      %dma_start3A_271 = tpu.memref_slice %arg22[%add3A_238, %dma_start3A_270] : memref<10240x128xf32, #tpu.memory_space<vmem_shared>> -> memref<40x128xf32, #tpu.memory_space<vmem_shared>>
      %dma_start3A_272 = arith.constant 0 : i32
      %dma_start3A_273 = tpu.memref_slice %arg22[%add3A_238, %dma_start3A_272] : memref<10240x128xf32, #tpu.memory_space<vmem_shared>> -> memref<40x128xf32, #tpu.memory_space<vmem_shared>>
      tpu.enqueue_dma source(%dma_start3A_273 : memref<40x128xf32, #tpu.memory_space<vmem_shared>>) target(%arg18 : memref<40x128xf32, #tpu.memory_space<vmem>>) target_semaphore(%run_scoped3A : memref<!tpu.dma_semaphore, #tpu.memory_space<semaphore_mem>>)
      %dma_wait3A_274 = arith.constant 0 : i32
      %dma_wait3A_275 = tpu.memref_slice %arg22[%add3A_238, %dma_wait3A_274] : memref<10240x128xf32, #tpu.memory_space<vmem_shared>> -> memref<40x128xf32, #tpu.memory_space<vmem_shared>>
      %dma_wait3A_276 = arith.constant 0 : i32
      %dma_wait3A_277 = tpu.memref_slice %arg22[%add3A_238, %dma_wait3A_276] : memref<10240x128xf32, #tpu.memory_space<vmem_shared>> -> memref<40x128xf32, #tpu.memory_space<vmem_shared>>
      tpu.wait_dma2 semaphore(%run_scoped3A : memref<!tpu.dma_semaphore, #tpu.memory_space<semaphore_mem>>) src(%dma_wait3A_277 : memref<40x128xf32, #tpu.memory_space<vmem_shared>>) dst(%arg18 : memref<40x128xf32, #tpu.memory_space<vmem>>)
      tpu.yield
    }) : () -> ()
    %mul3A_239 = arith.constant 10240 : i32
    %mul3A_240 = arith.muli %arg0, %mul3A_239 : i32
    %add3A_241 = arith.addi %mul3A_240, %add3A_238 : i32
    "tpu.region"() ({
      %run_scoped3A = tpu.sem_alloc : memref<!tpu.dma_semaphore, #tpu.memory_space<semaphore_mem>>
      %dma_start3A_270 = arith.constant 0 : i32
      %dma_start3A_271 = tpu.memref_slice %arg7[%add3A_241, %dma_start3A_270] : memref<20480x128xf32, #tpu.memory_space<hbm>> -> memref<40x128xf32, #tpu.memory_space<hbm>>
      %dma_start3A_272 = arith.constant 0 : i32
      %dma_start3A_273 = tpu.memref_slice %arg7[%add3A_241, %dma_start3A_272] : memref<20480x128xf32, #tpu.memory_space<hbm>> -> memref<40x128xf32, #tpu.memory_space<hbm>>
      tpu.enqueue_dma source(%arg18 : memref<40x128xf32, #tpu.memory_space<vmem>>) target(%dma_start3A_273 : memref<40x128xf32, #tpu.memory_space<hbm>>) target_semaphore(%run_scoped3A : memref<!tpu.dma_semaphore, #tpu.memory_space<semaphore_mem>>)
      %dma_wait3A_274 = arith.constant 0 : i32
      %dma_wait3A_275 = tpu.memref_slice %arg7[%add3A_241, %dma_wait3A_274] : memref<20480x128xf32, #tpu.memory_space<hbm>> -> memref<40x128xf32, #tpu.memory_space<hbm>>
      %dma_wait3A_276 = arith.constant 0 : i32
      %dma_wait3A_277 = tpu.memref_slice %arg7[%add3A_241, %dma_wait3A_276] : memref<20480x128xf32, #tpu.memory_space<hbm>> -> memref<40x128xf32, #tpu.memory_space<hbm>>
      tpu.wait_dma2 semaphore(%run_scoped3A : memref<!tpu.dma_semaphore, #tpu.memory_space<semaphore_mem>>) src(%arg18 : memref<40x128xf32, #tpu.memory_space<vmem>>) dst(%dma_wait3A_277 : memref<40x128xf32, #tpu.memory_space<hbm>>)
      tpu.yield
    }) : () -> ()
    %mul3A_242 = arith.constant 640 : i32
    %mul3A_243 = arith.muli %arg1, %mul3A_242 : i32
    %add3A_244 = arith.constant 480 : i32
    %add3A_245 = arith.addi %mul3A_243, %add3A_244 : i32
    "tpu.region"() ({
      %run_scoped3A = tpu.sem_alloc : memref<!tpu.dma_semaphore, #tpu.memory_space<semaphore_mem>>
      %dma_start3A_270 = arith.constant 0 : i32
      %dma_start3A_271 = tpu.memref_slice %arg22[%add3A_245, %dma_start3A_270] : memref<10240x128xf32, #tpu.memory_space<vmem_shared>> -> memref<40x128xf32, #tpu.memory_space<vmem_shared>>
      %dma_start3A_272 = arith.constant 0 : i32
      %dma_start3A_273 = tpu.memref_slice %arg22[%add3A_245, %dma_start3A_272] : memref<10240x128xf32, #tpu.memory_space<vmem_shared>> -> memref<40x128xf32, #tpu.memory_space<vmem_shared>>
      tpu.enqueue_dma source(%dma_start3A_273 : memref<40x128xf32, #tpu.memory_space<vmem_shared>>) target(%arg18 : memref<40x128xf32, #tpu.memory_space<vmem>>) target_semaphore(%run_scoped3A : memref<!tpu.dma_semaphore, #tpu.memory_space<semaphore_mem>>)
      %dma_wait3A_274 = arith.constant 0 : i32
      %dma_wait3A_275 = tpu.memref_slice %arg22[%add3A_245, %dma_wait3A_274] : memref<10240x128xf32, #tpu.memory_space<vmem_shared>> -> memref<40x128xf32, #tpu.memory_space<vmem_shared>>
      %dma_wait3A_276 = arith.constant 0 : i32
      %dma_wait3A_277 = tpu.memref_slice %arg22[%add3A_245, %dma_wait3A_276] : memref<10240x128xf32, #tpu.memory_space<vmem_shared>> -> memref<40x128xf32, #tpu.memory_space<vmem_shared>>
      tpu.wait_dma2 semaphore(%run_scoped3A : memref<!tpu.dma_semaphore, #tpu.memory_space<semaphore_mem>>) src(%dma_wait3A_277 : memref<40x128xf32, #tpu.memory_space<vmem_shared>>) dst(%arg18 : memref<40x128xf32, #tpu.memory_space<vmem>>)
      tpu.yield
    }) : () -> ()
    %mul3A_246 = arith.constant 10240 : i32
    %mul3A_247 = arith.muli %arg0, %mul3A_246 : i32
    %add3A_248 = arith.addi %mul3A_247, %add3A_245 : i32
    "tpu.region"() ({
      %run_scoped3A = tpu.sem_alloc : memref<!tpu.dma_semaphore, #tpu.memory_space<semaphore_mem>>
      %dma_start3A_270 = arith.constant 0 : i32
      %dma_start3A_271 = tpu.memref_slice %arg7[%add3A_248, %dma_start3A_270] : memref<20480x128xf32, #tpu.memory_space<hbm>> -> memref<40x128xf32, #tpu.memory_space<hbm>>
      %dma_start3A_272 = arith.constant 0 : i32
      %dma_start3A_273 = tpu.memref_slice %arg7[%add3A_248, %dma_start3A_272] : memref<20480x128xf32, #tpu.memory_space<hbm>> -> memref<40x128xf32, #tpu.memory_space<hbm>>
      tpu.enqueue_dma source(%arg18 : memref<40x128xf32, #tpu.memory_space<vmem>>) target(%dma_start3A_273 : memref<40x128xf32, #tpu.memory_space<hbm>>) target_semaphore(%run_scoped3A : memref<!tpu.dma_semaphore, #tpu.memory_space<semaphore_mem>>)
      %dma_wait3A_274 = arith.constant 0 : i32
      %dma_wait3A_275 = tpu.memref_slice %arg7[%add3A_248, %dma_wait3A_274] : memref<20480x128xf32, #tpu.memory_space<hbm>> -> memref<40x128xf32, #tpu.memory_space<hbm>>
      %dma_wait3A_276 = arith.constant 0 : i32
      %dma_wait3A_277 = tpu.memref_slice %arg7[%add3A_248, %dma_wait3A_276] : memref<20480x128xf32, #tpu.memory_space<hbm>> -> memref<40x128xf32, #tpu.memory_space<hbm>>
      tpu.wait_dma2 semaphore(%run_scoped3A : memref<!tpu.dma_semaphore, #tpu.memory_space<semaphore_mem>>) src(%arg18 : memref<40x128xf32, #tpu.memory_space<vmem>>) dst(%dma_wait3A_277 : memref<40x128xf32, #tpu.memory_space<hbm>>)
      tpu.yield
    }) : () -> ()
    %mul3A_249 = arith.constant 640 : i32
    %mul3A_250 = arith.muli %arg1, %mul3A_249 : i32
    %add3A_251 = arith.constant 520 : i32
    %add3A_252 = arith.addi %mul3A_250, %add3A_251 : i32
    "tpu.region"() ({
      %run_scoped3A = tpu.sem_alloc : memref<!tpu.dma_semaphore, #tpu.memory_space<semaphore_mem>>
      %dma_start3A_270 = arith.constant 0 : i32
      %dma_start3A_271 = tpu.memref_slice %arg22[%add3A_252, %dma_start3A_270] : memref<10240x128xf32, #tpu.memory_space<vmem_shared>> -> memref<40x128xf32, #tpu.memory_space<vmem_shared>>
      %dma_start3A_272 = arith.constant 0 : i32
      %dma_start3A_273 = tpu.memref_slice %arg22[%add3A_252, %dma_start3A_272] : memref<10240x128xf32, #tpu.memory_space<vmem_shared>> -> memref<40x128xf32, #tpu.memory_space<vmem_shared>>
      tpu.enqueue_dma source(%dma_start3A_273 : memref<40x128xf32, #tpu.memory_space<vmem_shared>>) target(%arg18 : memref<40x128xf32, #tpu.memory_space<vmem>>) target_semaphore(%run_scoped3A : memref<!tpu.dma_semaphore, #tpu.memory_space<semaphore_mem>>)
      %dma_wait3A_274 = arith.constant 0 : i32
      %dma_wait3A_275 = tpu.memref_slice %arg22[%add3A_252, %dma_wait3A_274] : memref<10240x128xf32, #tpu.memory_space<vmem_shared>> -> memref<40x128xf32, #tpu.memory_space<vmem_shared>>
      %dma_wait3A_276 = arith.constant 0 : i32
      %dma_wait3A_277 = tpu.memref_slice %arg22[%add3A_252, %dma_wait3A_276] : memref<10240x128xf32, #tpu.memory_space<vmem_shared>> -> memref<40x128xf32, #tpu.memory_space<vmem_shared>>
      tpu.wait_dma2 semaphore(%run_scoped3A : memref<!tpu.dma_semaphore, #tpu.memory_space<semaphore_mem>>) src(%dma_wait3A_277 : memref<40x128xf32, #tpu.memory_space<vmem_shared>>) dst(%arg18 : memref<40x128xf32, #tpu.memory_space<vmem>>)
      tpu.yield
    }) : () -> ()
    %mul3A_253 = arith.constant 10240 : i32
    %mul3A_254 = arith.muli %arg0, %mul3A_253 : i32
    %add3A_255 = arith.addi %mul3A_254, %add3A_252 : i32
    "tpu.region"() ({
      %run_scoped3A = tpu.sem_alloc : memref<!tpu.dma_semaphore, #tpu.memory_space<semaphore_mem>>
      %dma_start3A_270 = arith.constant 0 : i32
      %dma_start3A_271 = tpu.memref_slice %arg7[%add3A_255, %dma_start3A_270] : memref<20480x128xf32, #tpu.memory_space<hbm>> -> memref<40x128xf32, #tpu.memory_space<hbm>>
      %dma_start3A_272 = arith.constant 0 : i32
      %dma_start3A_273 = tpu.memref_slice %arg7[%add3A_255, %dma_start3A_272] : memref<20480x128xf32, #tpu.memory_space<hbm>> -> memref<40x128xf32, #tpu.memory_space<hbm>>
      tpu.enqueue_dma source(%arg18 : memref<40x128xf32, #tpu.memory_space<vmem>>) target(%dma_start3A_273 : memref<40x128xf32, #tpu.memory_space<hbm>>) target_semaphore(%run_scoped3A : memref<!tpu.dma_semaphore, #tpu.memory_space<semaphore_mem>>)
      %dma_wait3A_274 = arith.constant 0 : i32
      %dma_wait3A_275 = tpu.memref_slice %arg7[%add3A_255, %dma_wait3A_274] : memref<20480x128xf32, #tpu.memory_space<hbm>> -> memref<40x128xf32, #tpu.memory_space<hbm>>
      %dma_wait3A_276 = arith.constant 0 : i32
      %dma_wait3A_277 = tpu.memref_slice %arg7[%add3A_255, %dma_wait3A_276] : memref<20480x128xf32, #tpu.memory_space<hbm>> -> memref<40x128xf32, #tpu.memory_space<hbm>>
      tpu.wait_dma2 semaphore(%run_scoped3A : memref<!tpu.dma_semaphore, #tpu.memory_space<semaphore_mem>>) src(%arg18 : memref<40x128xf32, #tpu.memory_space<vmem>>) dst(%dma_wait3A_277 : memref<40x128xf32, #tpu.memory_space<hbm>>)
      tpu.yield
    }) : () -> ()
    %mul3A_256 = arith.constant 640 : i32
    %mul3A_257 = arith.muli %arg1, %mul3A_256 : i32
    %add3A_258 = arith.constant 560 : i32
    %add3A_259 = arith.addi %mul3A_257, %add3A_258 : i32
    "tpu.region"() ({
      %run_scoped3A = tpu.sem_alloc : memref<!tpu.dma_semaphore, #tpu.memory_space<semaphore_mem>>
      %dma_start3A_270 = arith.constant 0 : i32
      %dma_start3A_271 = tpu.memref_slice %arg22[%add3A_259, %dma_start3A_270] : memref<10240x128xf32, #tpu.memory_space<vmem_shared>> -> memref<40x128xf32, #tpu.memory_space<vmem_shared>>
      %dma_start3A_272 = arith.constant 0 : i32
      %dma_start3A_273 = tpu.memref_slice %arg22[%add3A_259, %dma_start3A_272] : memref<10240x128xf32, #tpu.memory_space<vmem_shared>> -> memref<40x128xf32, #tpu.memory_space<vmem_shared>>
      tpu.enqueue_dma source(%dma_start3A_273 : memref<40x128xf32, #tpu.memory_space<vmem_shared>>) target(%arg18 : memref<40x128xf32, #tpu.memory_space<vmem>>) target_semaphore(%run_scoped3A : memref<!tpu.dma_semaphore, #tpu.memory_space<semaphore_mem>>)
      %dma_wait3A_274 = arith.constant 0 : i32
      %dma_wait3A_275 = tpu.memref_slice %arg22[%add3A_259, %dma_wait3A_274] : memref<10240x128xf32, #tpu.memory_space<vmem_shared>> -> memref<40x128xf32, #tpu.memory_space<vmem_shared>>
      %dma_wait3A_276 = arith.constant 0 : i32
      %dma_wait3A_277 = tpu.memref_slice %arg22[%add3A_259, %dma_wait3A_276] : memref<10240x128xf32, #tpu.memory_space<vmem_shared>> -> memref<40x128xf32, #tpu.memory_space<vmem_shared>>
      tpu.wait_dma2 semaphore(%run_scoped3A : memref<!tpu.dma_semaphore, #tpu.memory_space<semaphore_mem>>) src(%dma_wait3A_277 : memref<40x128xf32, #tpu.memory_space<vmem_shared>>) dst(%arg18 : memref<40x128xf32, #tpu.memory_space<vmem>>)
      tpu.yield
    }) : () -> ()
    %mul3A_260 = arith.constant 10240 : i32
    %mul3A_261 = arith.muli %arg0, %mul3A_260 : i32
    %add3A_262 = arith.addi %mul3A_261, %add3A_259 : i32
    "tpu.region"() ({
      %run_scoped3A = tpu.sem_alloc : memref<!tpu.dma_semaphore, #tpu.memory_space<semaphore_mem>>
      %dma_start3A_270 = arith.constant 0 : i32
      %dma_start3A_271 = tpu.memref_slice %arg7[%add3A_262, %dma_start3A_270] : memref<20480x128xf32, #tpu.memory_space<hbm>> -> memref<40x128xf32, #tpu.memory_space<hbm>>
      %dma_start3A_272 = arith.constant 0 : i32
      %dma_start3A_273 = tpu.memref_slice %arg7[%add3A_262, %dma_start3A_272] : memref<20480x128xf32, #tpu.memory_space<hbm>> -> memref<40x128xf32, #tpu.memory_space<hbm>>
      tpu.enqueue_dma source(%arg18 : memref<40x128xf32, #tpu.memory_space<vmem>>) target(%dma_start3A_273 : memref<40x128xf32, #tpu.memory_space<hbm>>) target_semaphore(%run_scoped3A : memref<!tpu.dma_semaphore, #tpu.memory_space<semaphore_mem>>)
      %dma_wait3A_274 = arith.constant 0 : i32
      %dma_wait3A_275 = tpu.memref_slice %arg7[%add3A_262, %dma_wait3A_274] : memref<20480x128xf32, #tpu.memory_space<hbm>> -> memref<40x128xf32, #tpu.memory_space<hbm>>
      %dma_wait3A_276 = arith.constant 0 : i32
      %dma_wait3A_277 = tpu.memref_slice %arg7[%add3A_262, %dma_wait3A_276] : memref<20480x128xf32, #tpu.memory_space<hbm>> -> memref<40x128xf32, #tpu.memory_space<hbm>>
      tpu.wait_dma2 semaphore(%run_scoped3A : memref<!tpu.dma_semaphore, #tpu.memory_space<semaphore_mem>>) src(%arg18 : memref<40x128xf32, #tpu.memory_space<vmem>>) dst(%dma_wait3A_277 : memref<40x128xf32, #tpu.memory_space<hbm>>)
      tpu.yield
    }) : () -> ()
    %mul3A_263 = arith.constant 640 : i32
    %mul3A_264 = arith.muli %arg1, %mul3A_263 : i32
    %add3A_265 = arith.constant 600 : i32
    %add3A_266 = arith.addi %mul3A_264, %add3A_265 : i32
    "tpu.region"() ({
      %run_scoped3A = tpu.sem_alloc : memref<!tpu.dma_semaphore, #tpu.memory_space<semaphore_mem>>
      %dma_start3A_270 = arith.constant 0 : i32
      %dma_start3A_271 = tpu.memref_slice %arg22[%add3A_266, %dma_start3A_270] : memref<10240x128xf32, #tpu.memory_space<vmem_shared>> -> memref<40x128xf32, #tpu.memory_space<vmem_shared>>
      %dma_start3A_272 = arith.constant 0 : i32
      %dma_start3A_273 = tpu.memref_slice %arg22[%add3A_266, %dma_start3A_272] : memref<10240x128xf32, #tpu.memory_space<vmem_shared>> -> memref<40x128xf32, #tpu.memory_space<vmem_shared>>
      tpu.enqueue_dma source(%dma_start3A_273 : memref<40x128xf32, #tpu.memory_space<vmem_shared>>) target(%arg18 : memref<40x128xf32, #tpu.memory_space<vmem>>) target_semaphore(%run_scoped3A : memref<!tpu.dma_semaphore, #tpu.memory_space<semaphore_mem>>)
      %dma_wait3A_274 = arith.constant 0 : i32
      %dma_wait3A_275 = tpu.memref_slice %arg22[%add3A_266, %dma_wait3A_274] : memref<10240x128xf32, #tpu.memory_space<vmem_shared>> -> memref<40x128xf32, #tpu.memory_space<vmem_shared>>
      %dma_wait3A_276 = arith.constant 0 : i32
      %dma_wait3A_277 = tpu.memref_slice %arg22[%add3A_266, %dma_wait3A_276] : memref<10240x128xf32, #tpu.memory_space<vmem_shared>> -> memref<40x128xf32, #tpu.memory_space<vmem_shared>>
      tpu.wait_dma2 semaphore(%run_scoped3A : memref<!tpu.dma_semaphore, #tpu.memory_space<semaphore_mem>>) src(%dma_wait3A_277 : memref<40x128xf32, #tpu.memory_space<vmem_shared>>) dst(%arg18 : memref<40x128xf32, #tpu.memory_space<vmem>>)
      tpu.yield
    }) : () -> ()
    %mul3A_267 = arith.constant 10240 : i32
    %mul3A_268 = arith.muli %arg0, %mul3A_267 : i32
    %add3A_269 = arith.addi %mul3A_268, %add3A_266 : i32
    "tpu.region"() ({
      %run_scoped3A = tpu.sem_alloc : memref<!tpu.dma_semaphore, #tpu.memory_space<semaphore_mem>>
      %dma_start3A_270 = arith.constant 0 : i32
      %dma_start3A_271 = tpu.memref_slice %arg7[%add3A_269, %dma_start3A_270] : memref<20480x128xf32, #tpu.memory_space<hbm>> -> memref<40x128xf32, #tpu.memory_space<hbm>>
      %dma_start3A_272 = arith.constant 0 : i32
      %dma_start3A_273 = tpu.memref_slice %arg7[%add3A_269, %dma_start3A_272] : memref<20480x128xf32, #tpu.memory_space<hbm>> -> memref<40x128xf32, #tpu.memory_space<hbm>>
      tpu.enqueue_dma source(%arg18 : memref<40x128xf32, #tpu.memory_space<vmem>>) target(%dma_start3A_273 : memref<40x128xf32, #tpu.memory_space<hbm>>) target_semaphore(%run_scoped3A : memref<!tpu.dma_semaphore, #tpu.memory_space<semaphore_mem>>)
      %dma_wait3A_274 = arith.constant 0 : i32
      %dma_wait3A_275 = tpu.memref_slice %arg7[%add3A_269, %dma_wait3A_274] : memref<20480x128xf32, #tpu.memory_space<hbm>> -> memref<40x128xf32, #tpu.memory_space<hbm>>
      %dma_wait3A_276 = arith.constant 0 : i32
      %dma_wait3A_277 = tpu.memref_slice %arg7[%add3A_269, %dma_wait3A_276] : memref<20480x128xf32, #tpu.memory_space<hbm>> -> memref<40x128xf32, #tpu.memory_space<hbm>>
      tpu.wait_dma2 semaphore(%run_scoped3A : memref<!tpu.dma_semaphore, #tpu.memory_space<semaphore_mem>>) src(%arg18 : memref<40x128xf32, #tpu.memory_space<vmem>>) dst(%dma_wait3A_277 : memref<40x128xf32, #tpu.memory_space<hbm>>)
      tpu.yield
    }) : () -> ()
    return
  }
}

#map = affine_map<(d0, d1) -> (0)>
module attributes {stable_mosaic.version = 14 : i64} {
  func.func @_sc_count(%arg0: i32, %arg1: i32, %arg2: memref<320000xi32, #tpu.memory_space<hbm>>, %arg3: memref<327680xf32, #tpu.memory_space<hbm>>, %arg4: memref<80xi32, #tpu.memory_space<vmem>>, %arg5: memref<10240xf32, #tpu.memory_space<vmem>>) attributes {dimension_semantics = [#tpu.dimension_semantics<core_parallel>, #tpu.dimension_semantics<subcore_parallel>], iteration_bounds = array<i64: 2, 16>, scalar_prefetch = 0 : i64, scratch_operands = 2 : i64, tpu.core_type = #tpu.core_type<sc_vector_subcore>, window_params = [{transform_indices = #map}, {transform_indices = #map}]} {
    %mul3A = arith.constant 16 : i32
    %mul3A_0 = arith.muli %arg0, %mul3A : i32
    %add3A = arith.addi %mul3A_0, %arg1 : i32
    %broadcast_in_dim3A = arith.constant 0.000000e+00 : f32
    %broadcast_in_dim3A_1 = vector.broadcast %broadcast_in_dim3A : f32 to vector<16xf32>
    %broadcast_in_dim3A_2 = arith.constant 1.000000e+00 : f32
    %broadcast_in_dim3A_3 = vector.broadcast %broadcast_in_dim3A_2 : f32 to vector<16xf32>
    %scan3A = arith.constant 0 : i32
    %scan3A_4 = arith.constant 0 : i32
    %scan3A_5 = arith.constant 640 : i32
    %scan3A_6 = arith.addi %scan3A_4, %scan3A_5 : i32
    %scan3A_7 = arith.constant 1 : i32
    scf.for %scan3A_19 = %scan3A_4 to %scan3A_6 step %scan3A_7  : i32 {
      %mul3A_20 = arith.constant 16 : i32
      %mul3A_21 = arith.muli %scan3A_19, %mul3A_20 : i32
      %swap3A = arith.index_cast %mul3A_21 : i32 to index
      %swap3A_22 = tpu.vector_load %arg5[%swap3A] {strides = array<i32>} : memref<10240xf32, #tpu.memory_space<vmem>>, vector<16xf32>,
      tpu.vector_store %arg5[%swap3A], %broadcast_in_dim3A_1 {strides = array<i32>} : memref<10240xf32, #tpu.memory_space<vmem>>, vector<16xf32>,
    }
    %scan3A_8 = arith.constant 640 : i32
    %mul3A_9 = arith.constant 10000 : i32
    %mul3A_10 = arith.muli %add3A, %mul3A_9 : i32
    %scan3A_11 = arith.constant 0 : i32
    %scan3A_12 = arith.constant 0 : i32
    %scan3A_13 = arith.constant 125 : i32
    %scan3A_14 = arith.addi %scan3A_12, %scan3A_13 : i32
    %scan3A_15 = arith.constant 1 : i32
    scf.for %scan3A_19 = %scan3A_12 to %scan3A_14 step %scan3A_15  : i32 {
      %mul3A_20 = arith.constant 80 : i32
      %mul3A_21 = arith.muli %scan3A_19, %mul3A_20 : i32
      %add3A_22 = arith.addi %mul3A_10, %mul3A_21 : i32
      "tpu.region"() ({
        %run_scoped3A = tpu.sem_alloc : memref<!tpu.dma_semaphore, #tpu.memory_space<semaphore_mem>>
        %dma_start3A = tpu.memref_slice %arg2[%add3A_22] : memref<320000xi32, #tpu.memory_space<hbm>> -> memref<80xi32, #tpu.memory_space<hbm>>
        %dma_start3A_32 = tpu.memref_slice %arg2[%add3A_22] : memref<320000xi32, #tpu.memory_space<hbm>> -> memref<80xi32, #tpu.memory_space<hbm>>
        tpu.enqueue_dma source(%dma_start3A_32 : memref<80xi32, #tpu.memory_space<hbm>>) target(%arg4 : memref<80xi32, #tpu.memory_space<vmem>>) target_semaphore(%run_scoped3A : memref<!tpu.dma_semaphore, #tpu.memory_space<semaphore_mem>>)
        %dma_wait3A = tpu.memref_slice %arg2[%add3A_22] : memref<320000xi32, #tpu.memory_space<hbm>> -> memref<80xi32, #tpu.memory_space<hbm>>
        %dma_wait3A_33 = tpu.memref_slice %arg2[%add3A_22] : memref<320000xi32, #tpu.memory_space<hbm>> -> memref<80xi32, #tpu.memory_space<hbm>>
        tpu.wait_dma2 semaphore(%run_scoped3A : memref<!tpu.dma_semaphore, #tpu.memory_space<semaphore_mem>>) src(%dma_wait3A_33 : memref<80xi32, #tpu.memory_space<hbm>>) dst(%arg4 : memref<80xi32, #tpu.memory_space<vmem>>)
        tpu.yield
      }) : () -> ()
      %get3A = arith.constant 0 : index
      %get3A_23 = tpu.vector_load %arg4[%get3A] {strides = array<i32>} : memref<80xi32, #tpu.memory_space<vmem>>, vector<16xi32>,
      tpu.vector_store_idx %arg5[%get3A_23], %broadcast_in_dim3A_3 {add = true} : memref<10240xf32, #tpu.memory_space<vmem>>[vector<16xi32>], vector<16xf32>,
      %get3A_24 = arith.constant 16 : index
      %get3A_25 = tpu.vector_load %arg4[%get3A_24] {strides = array<i32>} : memref<80xi32, #tpu.memory_space<vmem>>, vector<16xi32>,
      tpu.vector_store_idx %arg5[%get3A_25], %broadcast_in_dim3A_3 {add = true} : memref<10240xf32, #tpu.memory_space<vmem>>[vector<16xi32>], vector<16xf32>,
      %get3A_26 = arith.constant 32 : index
      %get3A_27 = tpu.vector_load %arg4[%get3A_26] {strides = array<i32>} : memref<80xi32, #tpu.memory_space<vmem>>, vector<16xi32>,
      tpu.vector_store_idx %arg5[%get3A_27], %broadcast_in_dim3A_3 {add = true} : memref<10240xf32, #tpu.memory_space<vmem>>[vector<16xi32>], vector<16xf32>,
      %get3A_28 = arith.constant 48 : index
      %get3A_29 = tpu.vector_load %arg4[%get3A_28] {strides = array<i32>} : memref<80xi32, #tpu.memory_space<vmem>>, vector<16xi32>,
      tpu.vector_store_idx %arg5[%get3A_29], %broadcast_in_dim3A_3 {add = true} : memref<10240xf32, #tpu.memory_space<vmem>>[vector<16xi32>], vector<16xf32>,
      %get3A_30 = arith.constant 64 : index
      %get3A_31 = tpu.vector_load %arg4[%get3A_30] {strides = array<i32>} : memref<80xi32, #tpu.memory_space<vmem>>, vector<16xi32>,
      tpu.vector_store_idx %arg5[%get3A_31], %broadcast_in_dim3A_3 {add = true} : memref<10240xf32, #tpu.memory_space<vmem>>[vector<16xi32>], vector<16xf32>,
    }
    %scan3A_16 = arith.constant 125 : i32
    %mul3A_17 = arith.constant 10240 : i32
    %mul3A_18 = arith.muli %add3A, %mul3A_17 : i32
    "tpu.region"() ({
      %run_scoped3A = tpu.sem_alloc : memref<!tpu.dma_semaphore, #tpu.memory_space<semaphore_mem>>
      %dma_start3A = tpu.memref_slice %arg3[%mul3A_18] : memref<327680xf32, #tpu.memory_space<hbm>> -> memref<10240xf32, #tpu.memory_space<hbm>>
      %dma_start3A_19 = tpu.memref_slice %arg3[%mul3A_18] : memref<327680xf32, #tpu.memory_space<hbm>> -> memref<10240xf32, #tpu.memory_space<hbm>>
      tpu.enqueue_dma source(%arg5 : memref<10240xf32, #tpu.memory_space<vmem>>) target(%dma_start3A_19 : memref<10240xf32, #tpu.memory_space<hbm>>) target_semaphore(%run_scoped3A : memref<!tpu.dma_semaphore, #tpu.memory_space<semaphore_mem>>)
      %dma_wait3A = tpu.memref_slice %arg3[%mul3A_18] : memref<327680xf32, #tpu.memory_space<hbm>> -> memref<10240xf32, #tpu.memory_space<hbm>>
      %dma_wait3A_20 = tpu.memref_slice %arg3[%mul3A_18] : memref<327680xf32, #tpu.memory_space<hbm>> -> memref<10240xf32, #tpu.memory_space<hbm>>
      tpu.wait_dma2 semaphore(%run_scoped3A : memref<!tpu.dma_semaphore, #tpu.memory_space<semaphore_mem>>) src(%arg5 : memref<10240xf32, #tpu.memory_space<vmem>>) dst(%dma_wait3A_20 : memref<10240xf32, #tpu.memory_space<hbm>>)
      tpu.yield
    }) : () -> ()
    return
  }
}

#map = affine_map<(d0, d1) -> (0, 0)>
#map1 = affine_map<(d0, d1) -> (0)>
module attributes {stable_mosaic.version = 14 : i64} {
  func.func @_sc_edge(%arg0: i32, %arg1: i32, %arg2: memref<10240x128xf32, #tpu.memory_space<hbm>>, %arg3: memref<10240x128xf32, #tpu.memory_space<hbm>>, %arg4: memref<320000x128xf32, #tpu.memory_space<hbm>>, %arg5: memref<320000xi32, #tpu.memory_space<hbm>>, %arg6: memref<320000xi32, #tpu.memory_space<hbm>>, %arg7: memref<20480x128xf32, #tpu.memory_space<hbm>>, %arg8: memref<40xi32, #tpu.memory_space<vmem>>, %arg9: memref<40xi32, #tpu.memory_space<vmem>>, %arg10: memref<40x128xf32, #tpu.memory_space<vmem>>, %arg11: memref<40x128xf32, #tpu.memory_space<vmem>>, %arg12: memref<40x128xf32, #tpu.memory_space<vmem>>, %arg13: memref<40xi32, #tpu.memory_space<vmem>>, %arg14: memref<40xi32, #tpu.memory_space<vmem>>, %arg15: memref<40x128xf32, #tpu.memory_space<vmem>>, %arg16: memref<40x128xf32, #tpu.memory_space<vmem>>, %arg17: memref<40x128xf32, #tpu.memory_space<vmem>>, %arg18: memref<40x128xf32, #tpu.memory_space<vmem>>, %arg19: memref<40x128xf32, #tpu.memory_space<vmem>>, %arg20: memref<40xi32, #tpu.memory_space<vmem>>, %arg21: memref<40xi32, #tpu.memory_space<vmem>>, %arg22: memref<10240x128xf32, #tpu.memory_space<vmem_shared>>, %arg23: memref<!tpu.dma_semaphore, #tpu.memory_space<semaphore_mem>>, %arg24: memref<!tpu.dma_semaphore, #tpu.memory_space<semaphore_mem>>, %arg25: memref<!tpu.dma_semaphore, #tpu.memory_space<semaphore_mem>>, %arg26: memref<!tpu.dma_semaphore, #tpu.memory_space<semaphore_mem>>, %arg27: memref<!tpu.dma_semaphore, #tpu.memory_space<semaphore_mem>>, %arg28: memref<!tpu.dma_semaphore, #tpu.memory_space<semaphore_mem>>, %arg29: memref<!tpu.dma_semaphore, #tpu.memory_space<semaphore_mem>>, %arg30: memref<!tpu.dma_semaphore, #tpu.memory_space<semaphore_mem>>, %arg31: memref<!tpu.dma_semaphore, #tpu.memory_space<semaphore_mem>>, %arg32: memref<!tpu.dma_semaphore, #tpu.memory_space<semaphore_mem>>, %arg33: memref<!tpu.dma_semaphore, #tpu.memory_space<semaphore_mem>>, %arg34: memref<!tpu.dma_semaphore, #tpu.memory_space<semaphore_mem>>) attributes {dimension_semantics = [#tpu.dimension_semantics<core_parallel>, #tpu.dimension_semantics<subcore_parallel>], iteration_bounds = array<i64: 2, 16>, scalar_prefetch = 0 : i64, scratch_operands = 27 : i64, tpu.core_type = #tpu.core_type<sc_vector_subcore>, window_params = [{transform_indices = #map}, {transform_indices = #map}, {transform_indices = #map}, {transform_indices = #map1}, {transform_indices = #map1}, {transform_indices = #map}]} {
    %mul3A = arith.constant 16 : i32
    %mul3A_0 = arith.muli %arg0, %mul3A : i32
    %add3A = arith.addi %mul3A_0, %arg1 : i32
    %broadcast_in_dim3A = arith.constant 0.000000e+00 : f32
    %broadcast_in_dim3A_1 = vector.broadcast %broadcast_in_dim3A : f32 to vector<16xf32>
    %scan3A = arith.constant 0 : i32
    %scan3A_2 = arith.constant 0 : i32
    %scan3A_3 = arith.constant 40 : i32
    %scan3A_4 = arith.addi %scan3A_2, %scan3A_3 : i32
    %scan3A_5 = arith.constant 1 : i32
    scf.for %scan3A_270 = %scan3A_2 to %scan3A_4 step %scan3A_5  : i32 {
      %swap3A_271 = arith.index_cast %scan3A_270 : i32 to index
      %swap3A_272 = arith.constant 0 : index
      %swap3A_273 = tpu.vector_load %arg18[%swap3A_271, %swap3A_272] {strides = array<i32>} : memref<40x128xf32, #tpu.memory_space<vmem>>, vector<16xf32>,
      tpu.vector_store %arg18[%swap3A_271, %swap3A_272], %broadcast_in_dim3A_1 {strides = array<i32>} : memref<40x128xf32, #tpu.memory_space<vmem>>, vector<16xf32>,
      %swap3A_274 = arith.index_cast %scan3A_270 : i32 to index
      %swap3A_275 = arith.constant 16 : index
      %swap3A_276 = tpu.vector_load %arg18[%swap3A_274, %swap3A_275] {strides = array<i32>} : memref<40x128xf32, #tpu.memory_space<vmem>>, vector<16xf32>,
      tpu.vector_store %arg18[%swap3A_274, %swap3A_275], %broadcast_in_dim3A_1 {strides = array<i32>} : memref<40x128xf32, #tpu.memory_space<vmem>>, vector<16xf32>,
      %swap3A_277 = arith.index_cast %scan3A_270 : i32 to index
      %swap3A_278 = arith.constant 32 : index
      %swap3A_279 = tpu.vector_load %arg18[%swap3A_277, %swap3A_278] {strides = array<i32>} : memref<40x128xf32, #tpu.memory_space<vmem>>, vector<16xf32>,
      tpu.vector_store %arg18[%swap3A_277, %swap3A_278], %broadcast_in_dim3A_1 {strides = array<i32>} : memref<40x128xf32, #tpu.memory_space<vmem>>, vector<16xf32>,
      %swap3A_280 = arith.index_cast %scan3A_270 : i32 to index
      %swap3A_281 = arith.constant 48 : index
      %swap3A_282 = tpu.vector_load %arg18[%swap3A_280, %swap3A_281] {strides = array<i32>} : memref<40x128xf32, #tpu.memory_space<vmem>>, vector<16xf32>,
      tpu.vector_store %arg18[%swap3A_280, %swap3A_281], %broadcast_in_dim3A_1 {strides = array<i32>} : memref<40x128xf32, #tpu.memory_space<vmem>>, vector<16xf32>,
      %swap3A_283 = arith.index_cast %scan3A_270 : i32 to index
      %swap3A_284 = arith.constant 64 : index
      %swap3A_285 = tpu.vector_load %arg18[%swap3A_283, %swap3A_284] {strides = array<i32>} : memref<40x128xf32, #tpu.memory_space<vmem>>, vector<16xf32>,
      tpu.vector_store %arg18[%swap3A_283, %swap3A_284], %broadcast_in_dim3A_1 {strides = array<i32>} : memref<40x128xf32, #tpu.memory_space<vmem>>, vector<16xf32>,
      %swap3A_286 = arith.index_cast %scan3A_270 : i32 to index
      %swap3A_287 = arith.constant 80 : index
      %swap3A_288 = tpu.vector_load %arg18[%swap3A_286, %swap3A_287] {strides = array<i32>} : memref<40x128xf32, #tpu.memory_space<vmem>>, vector<16xf32>,
      tpu.vector_store %arg18[%swap3A_286, %swap3A_287], %broadcast_in_dim3A_1 {strides = array<i32>} : memref<40x128xf32, #tpu.memory_space<vmem>>, vector<16xf32>,
      %swap3A_289 = arith.index_cast %scan3A_270 : i32 to index
      %swap3A_290 = arith.constant 96 : index
      %swap3A_291 = tpu.vector_load %arg18[%swap3A_289, %swap3A_290] {strides = array<i32>} : memref<40x128xf32, #tpu.memory_space<vmem>>, vector<16xf32>,
      tpu.vector_store %arg18[%swap3A_289, %swap3A_290], %broadcast_in_dim3A_1 {strides = array<i32>} : memref<40x128xf32, #tpu.memory_space<vmem>>, vector<16xf32>,
      %swap3A_292 = arith.index_cast %scan3A_270 : i32 to index
      %swap3A_293 = arith.constant 112 : index
      %swap3A_294 = tpu.vector_load %arg18[%swap3A_292, %swap3A_293] {strides = array<i32>} : memref<40x128xf32, #tpu.memory_space<vmem>>, vector<16xf32>,
      tpu.vector_store %arg18[%swap3A_292, %swap3A_293], %broadcast_in_dim3A_1 {strides = array<i32>} : memref<40x128xf32, #tpu.memory_space<vmem>>, vector<16xf32>,
    }
    %scan3A_6 = arith.constant 40 : i32
    %mul3A_7 = arith.constant 640 : i32
    %mul3A_8 = arith.muli %arg1, %mul3A_7 : i32
    %add3A_9 = arith.constant 0 : i32
    %add3A_10 = arith.addi %mul3A_8, %add3A_9 : i32
    "tpu.region"() ({
      %run_scoped3A = tpu.sem_alloc : memref<!tpu.dma_semaphore, #tpu.memory_space<semaphore_mem>>
      %dma_start3A_270 = arith.constant 0 : i32
      %dma_start3A_271 = tpu.memref_slice %arg22[%add3A_10, %dma_start3A_270] : memref<10240x128xf32, #tpu.memory_space<vmem_shared>> -> memref<40x128xf32, #tpu.memory_space<vmem_shared>>
      %dma_start3A_272 = arith.constant 0 : i32
      %dma_start3A_273 = tpu.memref_slice %arg22[%add3A_10, %dma_start3A_272] : memref<10240x128xf32, #tpu.memory_space<vmem_shared>> -> memref<40x128xf32, #tpu.memory_space<vmem_shared>>
      tpu.enqueue_dma source(%arg18 : memref<40x128xf32, #tpu.memory_space<vmem>>) target(%dma_start3A_273 : memref<40x128xf32, #tpu.memory_space<vmem_shared>>) target_semaphore(%run_scoped3A : memref<!tpu.dma_semaphore, #tpu.memory_space<semaphore_mem>>)
      %dma_wait3A_274 = arith.constant 0 : i32
      %dma_wait3A_275 = tpu.memref_slice %arg22[%add3A_10, %dma_wait3A_274] : memref<10240x128xf32, #tpu.memory_space<vmem_shared>> -> memref<40x128xf32, #tpu.memory_space<vmem_shared>>
      %dma_wait3A_276 = arith.constant 0 : i32
      %dma_wait3A_277 = tpu.memref_slice %arg22[%add3A_10, %dma_wait3A_276] : memref<10240x128xf32, #tpu.memory_space<vmem_shared>> -> memref<40x128xf32, #tpu.memory_space<vmem_shared>>
      tpu.wait_dma2 semaphore(%run_scoped3A : memref<!tpu.dma_semaphore, #tpu.memory_space<semaphore_mem>>) src(%arg18 : memref<40x128xf32, #tpu.memory_space<vmem>>) dst(%dma_wait3A_277 : memref<40x128xf32, #tpu.memory_space<vmem_shared>>)
      tpu.yield
    }) : () -> ()
    %mul3A_11 = arith.constant 640 : i32
    %mul3A_12 = arith.muli %arg1, %mul3A_11 : i32
    %add3A_13 = arith.constant 40 : i32
    %add3A_14 = arith.addi %mul3A_12, %add3A_13 : i32
    "tpu.region"() ({
      %run_scoped3A = tpu.sem_alloc : memref<!tpu.dma_semaphore, #tpu.memory_space<semaphore_mem>>
      %dma_start3A_270 = arith.constant 0 : i32
      %dma_start3A_271 = tpu.memref_slice %arg22[%add3A_14, %dma_start3A_270] : memref<10240x128xf32, #tpu.memory_space<vmem_shared>> -> memref<40x128xf32, #tpu.memory_space<vmem_shared>>
      %dma_start3A_272 = arith.constant 0 : i32
      %dma_start3A_273 = tpu.memref_slice %arg22[%add3A_14, %dma_start3A_272] : memref<10240x128xf32, #tpu.memory_space<vmem_shared>> -> memref<40x128xf32, #tpu.memory_space<vmem_shared>>
      tpu.enqueue_dma source(%arg18 : memref<40x128xf32, #tpu.memory_space<vmem>>) target(%dma_start3A_273 : memref<40x128xf32, #tpu.memory_space<vmem_shared>>) target_semaphore(%run_scoped3A : memref<!tpu.dma_semaphore, #tpu.memory_space<semaphore_mem>>)
      %dma_wait3A_274 = arith.constant 0 : i32
      %dma_wait3A_275 = tpu.memref_slice %arg22[%add3A_14, %dma_wait3A_274] : memref<10240x128xf32, #tpu.memory_space<vmem_shared>> -> memref<40x128xf32, #tpu.memory_space<vmem_shared>>
      %dma_wait3A_276 = arith.constant 0 : i32
      %dma_wait3A_277 = tpu.memref_slice %arg22[%add3A_14, %dma_wait3A_276] : memref<10240x128xf32, #tpu.memory_space<vmem_shared>> -> memref<40x128xf32, #tpu.memory_space<vmem_shared>>
      tpu.wait_dma2 semaphore(%run_scoped3A : memref<!tpu.dma_semaphore, #tpu.memory_space<semaphore_mem>>) src(%arg18 : memref<40x128xf32, #tpu.memory_space<vmem>>) dst(%dma_wait3A_277 : memref<40x128xf32, #tpu.memory_space<vmem_shared>>)
      tpu.yield
    }) : () -> ()
    %mul3A_15 = arith.constant 640 : i32
    %mul3A_16 = arith.muli %arg1, %mul3A_15 : i32
    %add3A_17 = arith.constant 80 : i32
    %add3A_18 = arith.addi %mul3A_16, %add3A_17 : i32
    "tpu.region"() ({
      %run_scoped3A = tpu.sem_alloc : memref<!tpu.dma_semaphore, #tpu.memory_space<semaphore_mem>>
      %dma_start3A_270 = arith.constant 0 : i32
      %dma_start3A_271 = tpu.memref_slice %arg22[%add3A_18, %dma_start3A_270] : memref<10240x128xf32, #tpu.memory_space<vmem_shared>> -> memref<40x128xf32, #tpu.memory_space<vmem_shared>>
      %dma_start3A_272 = arith.constant 0 : i32
      %dma_start3A_273 = tpu.memref_slice %arg22[%add3A_18, %dma_start3A_272] : memref<10240x128xf32, #tpu.memory_space<vmem_shared>> -> memref<40x128xf32, #tpu.memory_space<vmem_shared>>
      tpu.enqueue_dma source(%arg18 : memref<40x128xf32, #tpu.memory_space<vmem>>) target(%dma_start3A_273 : memref<40x128xf32, #tpu.memory_space<vmem_shared>>) target_semaphore(%run_scoped3A : memref<!tpu.dma_semaphore, #tpu.memory_space<semaphore_mem>>)
      %dma_wait3A_274 = arith.constant 0 : i32
      %dma_wait3A_275 = tpu.memref_slice %arg22[%add3A_18, %dma_wait3A_274] : memref<10240x128xf32, #tpu.memory_space<vmem_shared>> -> memref<40x128xf32, #tpu.memory_space<vmem_shared>>
      %dma_wait3A_276 = arith.constant 0 : i32
      %dma_wait3A_277 = tpu.memref_slice %arg22[%add3A_18, %dma_wait3A_276] : memref<10240x128xf32, #tpu.memory_space<vmem_shared>> -> memref<40x128xf32, #tpu.memory_space<vmem_shared>>
      tpu.wait_dma2 semaphore(%run_scoped3A : memref<!tpu.dma_semaphore, #tpu.memory_space<semaphore_mem>>) src(%arg18 : memref<40x128xf32, #tpu.memory_space<vmem>>) dst(%dma_wait3A_277 : memref<40x128xf32, #tpu.memory_space<vmem_shared>>)
      tpu.yield
    }) : () -> ()
    %mul3A_19 = arith.constant 640 : i32
    %mul3A_20 = arith.muli %arg1, %mul3A_19 : i32
    %add3A_21 = arith.constant 120 : i32
    %add3A_22 = arith.addi %mul3A_20, %add3A_21 : i32
    "tpu.region"() ({
      %run_scoped3A = tpu.sem_alloc : memref<!tpu.dma_semaphore, #tpu.memory_space<semaphore_mem>>
      %dma_start3A_270 = arith.constant 0 : i32
      %dma_start3A_271 = tpu.memref_slice %arg22[%add3A_22, %dma_start3A_270] : memref<10240x128xf32, #tpu.memory_space<vmem_shared>> -> memref<40x128xf32, #tpu.memory_space<vmem_shared>>
      %dma_start3A_272 = arith.constant 0 : i32
      %dma_start3A_273 = tpu.memref_slice %arg22[%add3A_22, %dma_start3A_272] : memref<10240x128xf32, #tpu.memory_space<vmem_shared>> -> memref<40x128xf32, #tpu.memory_space<vmem_shared>>
      tpu.enqueue_dma source(%arg18 : memref<40x128xf32, #tpu.memory_space<vmem>>) target(%dma_start3A_273 : memref<40x128xf32, #tpu.memory_space<vmem_shared>>) target_semaphore(%run_scoped3A : memref<!tpu.dma_semaphore, #tpu.memory_space<semaphore_mem>>)
      %dma_wait3A_274 = arith.constant 0 : i32
      %dma_wait3A_275 = tpu.memref_slice %arg22[%add3A_22, %dma_wait3A_274] : memref<10240x128xf32, #tpu.memory_space<vmem_shared>> -> memref<40x128xf32, #tpu.memory_space<vmem_shared>>
      %dma_wait3A_276 = arith.constant 0 : i32
      %dma_wait3A_277 = tpu.memref_slice %arg22[%add3A_22, %dma_wait3A_276] : memref<10240x128xf32, #tpu.memory_space<vmem_shared>> -> memref<40x128xf32, #tpu.memory_space<vmem_shared>>
      tpu.wait_dma2 semaphore(%run_scoped3A : memref<!tpu.dma_semaphore, #tpu.memory_space<semaphore_mem>>) src(%arg18 : memref<40x128xf32, #tpu.memory_space<vmem>>) dst(%dma_wait3A_277 : memref<40x128xf32, #tpu.memory_space<vmem_shared>>)
      tpu.yield
    }) : () -> ()
    %mul3A_23 = arith.constant 640 : i32
    %mul3A_24 = arith.muli %arg1, %mul3A_23 : i32
    %add3A_25 = arith.constant 160 : i32
    %add3A_26 = arith.addi %mul3A_24, %add3A_25 : i32
    "tpu.region"() ({
      %run_scoped3A = tpu.sem_alloc : memref<!tpu.dma_semaphore, #tpu.memory_space<semaphore_mem>>
      %dma_start3A_270 = arith.constant 0 : i32
      %dma_start3A_271 = tpu.memref_slice %arg22[%add3A_26, %dma_start3A_270] : memref<10240x128xf32, #tpu.memory_space<vmem_shared>> -> memref<40x128xf32, #tpu.memory_space<vmem_shared>>
      %dma_start3A_272 = arith.constant 0 : i32
      %dma_start3A_273 = tpu.memref_slice %arg22[%add3A_26, %dma_start3A_272] : memref<10240x128xf32, #tpu.memory_space<vmem_shared>> -> memref<40x128xf32, #tpu.memory_space<vmem_shared>>
      tpu.enqueue_dma source(%arg18 : memref<40x128xf32, #tpu.memory_space<vmem>>) target(%dma_start3A_273 : memref<40x128xf32, #tpu.memory_space<vmem_shared>>) target_semaphore(%run_scoped3A : memref<!tpu.dma_semaphore, #tpu.memory_space<semaphore_mem>>)
      %dma_wait3A_274 = arith.constant 0 : i32
      %dma_wait3A_275 = tpu.memref_slice %arg22[%add3A_26, %dma_wait3A_274] : memref<10240x128xf32, #tpu.memory_space<vmem_shared>> -> memref<40x128xf32, #tpu.memory_space<vmem_shared>>
      %dma_wait3A_276 = arith.constant 0 : i32
      %dma_wait3A_277 = tpu.memref_slice %arg22[%add3A_26, %dma_wait3A_276] : memref<10240x128xf32, #tpu.memory_space<vmem_shared>> -> memref<40x128xf32, #tpu.memory_space<vmem_shared>>
      tpu.wait_dma2 semaphore(%run_scoped3A : memref<!tpu.dma_semaphore, #tpu.memory_space<semaphore_mem>>) src(%arg18 : memref<40x128xf32, #tpu.memory_space<vmem>>) dst(%dma_wait3A_277 : memref<40x128xf32, #tpu.memory_space<vmem_shared>>)
      tpu.yield
    }) : () -> ()
    %mul3A_27 = arith.constant 640 : i32
    %mul3A_28 = arith.muli %arg1, %mul3A_27 : i32
    %add3A_29 = arith.constant 200 : i32
    %add3A_30 = arith.addi %mul3A_28, %add3A_29 : i32
    "tpu.region"() ({
      %run_scoped3A = tpu.sem_alloc : memref<!tpu.dma_semaphore, #tpu.memory_space<semaphore_mem>>
      %dma_start3A_270 = arith.constant 0 : i32
      %dma_start3A_271 = tpu.memref_slice %arg22[%add3A_30, %dma_start3A_270] : memref<10240x128xf32, #tpu.memory_space<vmem_shared>> -> memref<40x128xf32, #tpu.memory_space<vmem_shared>>
      %dma_start3A_272 = arith.constant 0 : i32
      %dma_start3A_273 = tpu.memref_slice %arg22[%add3A_30, %dma_start3A_272] : memref<10240x128xf32, #tpu.memory_space<vmem_shared>> -> memref<40x128xf32, #tpu.memory_space<vmem_shared>>
      tpu.enqueue_dma source(%arg18 : memref<40x128xf32, #tpu.memory_space<vmem>>) target(%dma_start3A_273 : memref<40x128xf32, #tpu.memory_space<vmem_shared>>) target_semaphore(%run_scoped3A : memref<!tpu.dma_semaphore, #tpu.memory_space<semaphore_mem>>)
      %dma_wait3A_274 = arith.constant 0 : i32
      %dma_wait3A_275 = tpu.memref_slice %arg22[%add3A_30, %dma_wait3A_274] : memref<10240x128xf32, #tpu.memory_space<vmem_shared>> -> memref<40x128xf32, #tpu.memory_space<vmem_shared>>
      %dma_wait3A_276 = arith.constant 0 : i32
      %dma_wait3A_277 = tpu.memref_slice %arg22[%add3A_30, %dma_wait3A_276] : memref<10240x128xf32, #tpu.memory_space<vmem_shared>> -> memref<40x128xf32, #tpu.memory_space<vmem_shared>>
      tpu.wait_dma2 semaphore(%run_scoped3A : memref<!tpu.dma_semaphore, #tpu.memory_space<semaphore_mem>>) src(%arg18 : memref<40x128xf32, #tpu.memory_space<vmem>>) dst(%dma_wait3A_277 : memref<40x128xf32, #tpu.memory_space<vmem_shared>>)
      tpu.yield
    }) : () -> ()
    %mul3A_31 = arith.constant 640 : i32
    %mul3A_32 = arith.muli %arg1, %mul3A_31 : i32
    %add3A_33 = arith.constant 240 : i32
    %add3A_34 = arith.addi %mul3A_32, %add3A_33 : i32
    "tpu.region"() ({
      %run_scoped3A = tpu.sem_alloc : memref<!tpu.dma_semaphore, #tpu.memory_space<semaphore_mem>>
      %dma_start3A_270 = arith.constant 0 : i32
      %dma_start3A_271 = tpu.memref_slice %arg22[%add3A_34, %dma_start3A_270] : memref<10240x128xf32, #tpu.memory_space<vmem_shared>> -> memref<40x128xf32, #tpu.memory_space<vmem_shared>>
      %dma_start3A_272 = arith.constant 0 : i32
      %dma_start3A_273 = tpu.memref_slice %arg22[%add3A_34, %dma_start3A_272] : memref<10240x128xf32, #tpu.memory_space<vmem_shared>> -> memref<40x128xf32, #tpu.memory_space<vmem_shared>>
      tpu.enqueue_dma source(%arg18 : memref<40x128xf32, #tpu.memory_space<vmem>>) target(%dma_start3A_273 : memref<40x128xf32, #tpu.memory_space<vmem_shared>>) target_semaphore(%run_scoped3A : memref<!tpu.dma_semaphore, #tpu.memory_space<semaphore_mem>>)
      %dma_wait3A_274 = arith.constant 0 : i32
      %dma_wait3A_275 = tpu.memref_slice %arg22[%add3A_34, %dma_wait3A_274] : memref<10240x128xf32, #tpu.memory_space<vmem_shared>> -> memref<40x128xf32, #tpu.memory_space<vmem_shared>>
      %dma_wait3A_276 = arith.constant 0 : i32
      %dma_wait3A_277 = tpu.memref_slice %arg22[%add3A_34, %dma_wait3A_276] : memref<10240x128xf32, #tpu.memory_space<vmem_shared>> -> memref<40x128xf32, #tpu.memory_space<vmem_shared>>
      tpu.wait_dma2 semaphore(%run_scoped3A : memref<!tpu.dma_semaphore, #tpu.memory_space<semaphore_mem>>) src(%arg18 : memref<40x128xf32, #tpu.memory_space<vmem>>) dst(%dma_wait3A_277 : memref<40x128xf32, #tpu.memory_space<vmem_shared>>)
      tpu.yield
    }) : () -> ()
    %mul3A_35 = arith.constant 640 : i32
    %mul3A_36 = arith.muli %arg1, %mul3A_35 : i32
    %add3A_37 = arith.constant 280 : i32
    %add3A_38 = arith.addi %mul3A_36, %add3A_37 : i32
    "tpu.region"() ({
      %run_scoped3A = tpu.sem_alloc : memref<!tpu.dma_semaphore, #tpu.memory_space<semaphore_mem>>
      %dma_start3A_270 = arith.constant 0 : i32
      %dma_start3A_271 = tpu.memref_slice %arg22[%add3A_38, %dma_start3A_270] : memref<10240x128xf32, #tpu.memory_space<vmem_shared>> -> memref<40x128xf32, #tpu.memory_space<vmem_shared>>
      %dma_start3A_272 = arith.constant 0 : i32
      %dma_start3A_273 = tpu.memref_slice %arg22[%add3A_38, %dma_start3A_272] : memref<10240x128xf32, #tpu.memory_space<vmem_shared>> -> memref<40x128xf32, #tpu.memory_space<vmem_shared>>
      tpu.enqueue_dma source(%arg18 : memref<40x128xf32, #tpu.memory_space<vmem>>) target(%dma_start3A_273 : memref<40x128xf32, #tpu.memory_space<vmem_shared>>) target_semaphore(%run_scoped3A : memref<!tpu.dma_semaphore, #tpu.memory_space<semaphore_mem>>)
      %dma_wait3A_274 = arith.constant 0 : i32
      %dma_wait3A_275 = tpu.memref_slice %arg22[%add3A_38, %dma_wait3A_274] : memref<10240x128xf32, #tpu.memory_space<vmem_shared>> -> memref<40x128xf32, #tpu.memory_space<vmem_shared>>
      %dma_wait3A_276 = arith.constant 0 : i32
      %dma_wait3A_277 = tpu.memref_slice %arg22[%add3A_38, %dma_wait3A_276] : memref<10240x128xf32, #tpu.memory_space<vmem_shared>> -> memref<40x128xf32, #tpu.memory_space<vmem_shared>>
      tpu.wait_dma2 semaphore(%run_scoped3A : memref<!tpu.dma_semaphore, #tpu.memory_space<semaphore_mem>>) src(%arg18 : memref<40x128xf32, #tpu.memory_space<vmem>>) dst(%dma_wait3A_277 : memref<40x128xf32, #tpu.memory_space<vmem_shared>>)
      tpu.yield
    }) : () -> ()
    %mul3A_39 = arith.constant 640 : i32
    %mul3A_40 = arith.muli %arg1, %mul3A_39 : i32
    %add3A_41 = arith.constant 320 : i32
    %add3A_42 = arith.addi %mul3A_40, %add3A_41 : i32
    "tpu.region"() ({
      %run_scoped3A = tpu.sem_alloc : memref<!tpu.dma_semaphore, #tpu.memory_space<semaphore_mem>>
      %dma_start3A_270 = arith.constant 0 : i32
      %dma_start3A_271 = tpu.memref_slice %arg22[%add3A_42, %dma_start3A_270] : memref<10240x128xf32, #tpu.memory_space<vmem_shared>> -> memref<40x128xf32, #tpu.memory_space<vmem_shared>>
      %dma_start3A_272 = arith.constant 0 : i32
      %dma_start3A_273 = tpu.memref_slice %arg22[%add3A_42, %dma_start3A_272] : memref<10240x128xf32, #tpu.memory_space<vmem_shared>> -> memref<40x128xf32, #tpu.memory_space<vmem_shared>>
      tpu.enqueue_dma source(%arg18 : memref<40x128xf32, #tpu.memory_space<vmem>>) target(%dma_start3A_273 : memref<40x128xf32, #tpu.memory_space<vmem_shared>>) target_semaphore(%run_scoped3A : memref<!tpu.dma_semaphore, #tpu.memory_space<semaphore_mem>>)
      %dma_wait3A_274 = arith.constant 0 : i32
      %dma_wait3A_275 = tpu.memref_slice %arg22[%add3A_42, %dma_wait3A_274] : memref<10240x128xf32, #tpu.memory_space<vmem_shared>> -> memref<40x128xf32, #tpu.memory_space<vmem_shared>>
      %dma_wait3A_276 = arith.constant 0 : i32
      %dma_wait3A_277 = tpu.memref_slice %arg22[%add3A_42, %dma_wait3A_276] : memref<10240x128xf32, #tpu.memory_space<vmem_shared>> -> memref<40x128xf32, #tpu.memory_space<vmem_shared>>
      tpu.wait_dma2 semaphore(%run_scoped3A : memref<!tpu.dma_semaphore, #tpu.memory_space<semaphore_mem>>) src(%arg18 : memref<40x128xf32, #tpu.memory_space<vmem>>) dst(%dma_wait3A_277 : memref<40x128xf32, #tpu.memory_space<vmem_shared>>)
      tpu.yield
    }) : () -> ()
    %mul3A_43 = arith.constant 640 : i32
    %mul3A_44 = arith.muli %arg1, %mul3A_43 : i32
    %add3A_45 = arith.constant 360 : i32
    %add3A_46 = arith.addi %mul3A_44, %add3A_45 : i32
    "tpu.region"() ({
      %run_scoped3A = tpu.sem_alloc : memref<!tpu.dma_semaphore, #tpu.memory_space<semaphore_mem>>
      %dma_start3A_270 = arith.constant 0 : i32
      %dma_start3A_271 = tpu.memref_slice %arg22[%add3A_46, %dma_start3A_270] : memref<10240x128xf32, #tpu.memory_space<vmem_shared>> -> memref<40x128xf32, #tpu.memory_space<vmem_shared>>
      %dma_start3A_272 = arith.constant 0 : i32
      %dma_start3A_273 = tpu.memref_slice %arg22[%add3A_46, %dma_start3A_272] : memref<10240x128xf32, #tpu.memory_space<vmem_shared>> -> memref<40x128xf32, #tpu.memory_space<vmem_shared>>
      tpu.enqueue_dma source(%arg18 : memref<40x128xf32, #tpu.memory_space<vmem>>) target(%dma_start3A_273 : memref<40x128xf32, #tpu.memory_space<vmem_shared>>) target_semaphore(%run_scoped3A : memref<!tpu.dma_semaphore, #tpu.memory_space<semaphore_mem>>)
      %dma_wait3A_274 = arith.constant 0 : i32
      %dma_wait3A_275 = tpu.memref_slice %arg22[%add3A_46, %dma_wait3A_274] : memref<10240x128xf32, #tpu.memory_space<vmem_shared>> -> memref<40x128xf32, #tpu.memory_space<vmem_shared>>
      %dma_wait3A_276 = arith.constant 0 : i32
      %dma_wait3A_277 = tpu.memref_slice %arg22[%add3A_46, %dma_wait3A_276] : memref<10240x128xf32, #tpu.memory_space<vmem_shared>> -> memref<40x128xf32, #tpu.memory_space<vmem_shared>>
      tpu.wait_dma2 semaphore(%run_scoped3A : memref<!tpu.dma_semaphore, #tpu.memory_space<semaphore_mem>>) src(%arg18 : memref<40x128xf32, #tpu.memory_space<vmem>>) dst(%dma_wait3A_277 : memref<40x128xf32, #tpu.memory_space<vmem_shared>>)
      tpu.yield
    }) : () -> ()
    %mul3A_47 = arith.constant 640 : i32
    %mul3A_48 = arith.muli %arg1, %mul3A_47 : i32
    %add3A_49 = arith.constant 400 : i32
    %add3A_50 = arith.addi %mul3A_48, %add3A_49 : i32
    "tpu.region"() ({
      %run_scoped3A = tpu.sem_alloc : memref<!tpu.dma_semaphore, #tpu.memory_space<semaphore_mem>>
      %dma_start3A_270 = arith.constant 0 : i32
      %dma_start3A_271 = tpu.memref_slice %arg22[%add3A_50, %dma_start3A_270] : memref<10240x128xf32, #tpu.memory_space<vmem_shared>> -> memref<40x128xf32, #tpu.memory_space<vmem_shared>>
      %dma_start3A_272 = arith.constant 0 : i32
      %dma_start3A_273 = tpu.memref_slice %arg22[%add3A_50, %dma_start3A_272] : memref<10240x128xf32, #tpu.memory_space<vmem_shared>> -> memref<40x128xf32, #tpu.memory_space<vmem_shared>>
      tpu.enqueue_dma source(%arg18 : memref<40x128xf32, #tpu.memory_space<vmem>>) target(%dma_start3A_273 : memref<40x128xf32, #tpu.memory_space<vmem_shared>>) target_semaphore(%run_scoped3A : memref<!tpu.dma_semaphore, #tpu.memory_space<semaphore_mem>>)
      %dma_wait3A_274 = arith.constant 0 : i32
      %dma_wait3A_275 = tpu.memref_slice %arg22[%add3A_50, %dma_wait3A_274] : memref<10240x128xf32, #tpu.memory_space<vmem_shared>> -> memref<40x128xf32, #tpu.memory_space<vmem_shared>>
      %dma_wait3A_276 = arith.constant 0 : i32
      %dma_wait3A_277 = tpu.memref_slice %arg22[%add3A_50, %dma_wait3A_276] : memref<10240x128xf32, #tpu.memory_space<vmem_shared>> -> memref<40x128xf32, #tpu.memory_space<vmem_shared>>
      tpu.wait_dma2 semaphore(%run_scoped3A : memref<!tpu.dma_semaphore, #tpu.memory_space<semaphore_mem>>) src(%arg18 : memref<40x128xf32, #tpu.memory_space<vmem>>) dst(%dma_wait3A_277 : memref<40x128xf32, #tpu.memory_space<vmem_shared>>)
      tpu.yield
    }) : () -> ()
    %mul3A_51 = arith.constant 640 : i32
    %mul3A_52 = arith.muli %arg1, %mul3A_51 : i32
    %add3A_53 = arith.constant 440 : i32
    %add3A_54 = arith.addi %mul3A_52, %add3A_53 : i32
    "tpu.region"() ({
      %run_scoped3A = tpu.sem_alloc : memref<!tpu.dma_semaphore, #tpu.memory_space<semaphore_mem>>
      %dma_start3A_270 = arith.constant 0 : i32
      %dma_start3A_271 = tpu.memref_slice %arg22[%add3A_54, %dma_start3A_270] : memref<10240x128xf32, #tpu.memory_space<vmem_shared>> -> memref<40x128xf32, #tpu.memory_space<vmem_shared>>
      %dma_start3A_272 = arith.constant 0 : i32
      %dma_start3A_273 = tpu.memref_slice %arg22[%add3A_54, %dma_start3A_272] : memref<10240x128xf32, #tpu.memory_space<vmem_shared>> -> memref<40x128xf32, #tpu.memory_space<vmem_shared>>
      tpu.enqueue_dma source(%arg18 : memref<40x128xf32, #tpu.memory_space<vmem>>) target(%dma_start3A_273 : memref<40x128xf32, #tpu.memory_space<vmem_shared>>) target_semaphore(%run_scoped3A : memref<!tpu.dma_semaphore, #tpu.memory_space<semaphore_mem>>)
      %dma_wait3A_274 = arith.constant 0 : i32
      %dma_wait3A_275 = tpu.memref_slice %arg22[%add3A_54, %dma_wait3A_274] : memref<10240x128xf32, #tpu.memory_space<vmem_shared>> -> memref<40x128xf32, #tpu.memory_space<vmem_shared>>
      %dma_wait3A_276 = arith.constant 0 : i32
      %dma_wait3A_277 = tpu.memref_slice %arg22[%add3A_54, %dma_wait3A_276] : memref<10240x128xf32, #tpu.memory_space<vmem_shared>> -> memref<40x128xf32, #tpu.memory_space<vmem_shared>>
      tpu.wait_dma2 semaphore(%run_scoped3A : memref<!tpu.dma_semaphore, #tpu.memory_space<semaphore_mem>>) src(%arg18 : memref<40x128xf32, #tpu.memory_space<vmem>>) dst(%dma_wait3A_277 : memref<40x128xf32, #tpu.memory_space<vmem_shared>>)
      tpu.yield
    }) : () -> ()
    %mul3A_55 = arith.constant 640 : i32
    %mul3A_56 = arith.muli %arg1, %mul3A_55 : i32
    %add3A_57 = arith.constant 480 : i32
    %add3A_58 = arith.addi %mul3A_56, %add3A_57 : i32
    "tpu.region"() ({
      %run_scoped3A = tpu.sem_alloc : memref<!tpu.dma_semaphore, #tpu.memory_space<semaphore_mem>>
      %dma_start3A_270 = arith.constant 0 : i32
      %dma_start3A_271 = tpu.memref_slice %arg22[%add3A_58, %dma_start3A_270] : memref<10240x128xf32, #tpu.memory_space<vmem_shared>> -> memref<40x128xf32, #tpu.memory_space<vmem_shared>>
      %dma_start3A_272 = arith.constant 0 : i32
      %dma_start3A_273 = tpu.memref_slice %arg22[%add3A_58, %dma_start3A_272] : memref<10240x128xf32, #tpu.memory_space<vmem_shared>> -> memref<40x128xf32, #tpu.memory_space<vmem_shared>>
      tpu.enqueue_dma source(%arg18 : memref<40x128xf32, #tpu.memory_space<vmem>>) target(%dma_start3A_273 : memref<40x128xf32, #tpu.memory_space<vmem_shared>>) target_semaphore(%run_scoped3A : memref<!tpu.dma_semaphore, #tpu.memory_space<semaphore_mem>>)
      %dma_wait3A_274 = arith.constant 0 : i32
      %dma_wait3A_275 = tpu.memref_slice %arg22[%add3A_58, %dma_wait3A_274] : memref<10240x128xf32, #tpu.memory_space<vmem_shared>> -> memref<40x128xf32, #tpu.memory_space<vmem_shared>>
      %dma_wait3A_276 = arith.constant 0 : i32
      %dma_wait3A_277 = tpu.memref_slice %arg22[%add3A_58, %dma_wait3A_276] : memref<10240x128xf32, #tpu.memory_space<vmem_shared>> -> memref<40x128xf32, #tpu.memory_space<vmem_shared>>
      tpu.wait_dma2 semaphore(%run_scoped3A : memref<!tpu.dma_semaphore, #tpu.memory_space<semaphore_mem>>) src(%arg18 : memref<40x128xf32, #tpu.memory_space<vmem>>) dst(%dma_wait3A_277 : memref<40x128xf32, #tpu.memory_space<vmem_shared>>)
      tpu.yield
    }) : () -> ()
    %mul3A_59 = arith.constant 640 : i32
    %mul3A_60 = arith.muli %arg1, %mul3A_59 : i32
    %add3A_61 = arith.constant 520 : i32
    %add3A_62 = arith.addi %mul3A_60, %add3A_61 : i32
    "tpu.region"() ({
      %run_scoped3A = tpu.sem_alloc : memref<!tpu.dma_semaphore, #tpu.memory_space<semaphore_mem>>
      %dma_start3A_270 = arith.constant 0 : i32
      %dma_start3A_271 = tpu.memref_slice %arg22[%add3A_62, %dma_start3A_270] : memref<10240x128xf32, #tpu.memory_space<vmem_shared>> -> memref<40x128xf32, #tpu.memory_space<vmem_shared>>
      %dma_start3A_272 = arith.constant 0 : i32
      %dma_start3A_273 = tpu.memref_slice %arg22[%add3A_62, %dma_start3A_272] : memref<10240x128xf32, #tpu.memory_space<vmem_shared>> -> memref<40x128xf32, #tpu.memory_space<vmem_shared>>
      tpu.enqueue_dma source(%arg18 : memref<40x128xf32, #tpu.memory_space<vmem>>) target(%dma_start3A_273 : memref<40x128xf32, #tpu.memory_space<vmem_shared>>) target_semaphore(%run_scoped3A : memref<!tpu.dma_semaphore, #tpu.memory_space<semaphore_mem>>)
      %dma_wait3A_274 = arith.constant 0 : i32
      %dma_wait3A_275 = tpu.memref_slice %arg22[%add3A_62, %dma_wait3A_274] : memref<10240x128xf32, #tpu.memory_space<vmem_shared>> -> memref<40x128xf32, #tpu.memory_space<vmem_shared>>
      %dma_wait3A_276 = arith.constant 0 : i32
      %dma_wait3A_277 = tpu.memref_slice %arg22[%add3A_62, %dma_wait3A_276] : memref<10240x128xf32, #tpu.memory_space<vmem_shared>> -> memref<40x128xf32, #tpu.memory_space<vmem_shared>>
      tpu.wait_dma2 semaphore(%run_scoped3A : memref<!tpu.dma_semaphore, #tpu.memory_space<semaphore_mem>>) src(%arg18 : memref<40x128xf32, #tpu.memory_space<vmem>>) dst(%dma_wait3A_277 : memref<40x128xf32, #tpu.memory_space<vmem_shared>>)
      tpu.yield
    }) : () -> ()
    %mul3A_63 = arith.constant 640 : i32
    %mul3A_64 = arith.muli %arg1, %mul3A_63 : i32
    %add3A_65 = arith.constant 560 : i32
    %add3A_66 = arith.addi %mul3A_64, %add3A_65 : i32
    "tpu.region"() ({
      %run_scoped3A = tpu.sem_alloc : memref<!tpu.dma_semaphore, #tpu.memory_space<semaphore_mem>>
      %dma_start3A_270 = arith.constant 0 : i32
      %dma_start3A_271 = tpu.memref_slice %arg22[%add3A_66, %dma_start3A_270] : memref<10240x128xf32, #tpu.memory_space<vmem_shared>> -> memref<40x128xf32, #tpu.memory_space<vmem_shared>>
      %dma_start3A_272 = arith.constant 0 : i32
      %dma_start3A_273 = tpu.memref_slice %arg22[%add3A_66, %dma_start3A_272] : memref<10240x128xf32, #tpu.memory_space<vmem_shared>> -> memref<40x128xf32, #tpu.memory_space<vmem_shared>>
      tpu.enqueue_dma source(%arg18 : memref<40x128xf32, #tpu.memory_space<vmem>>) target(%dma_start3A_273 : memref<40x128xf32, #tpu.memory_space<vmem_shared>>) target_semaphore(%run_scoped3A : memref<!tpu.dma_semaphore, #tpu.memory_space<semaphore_mem>>)
      %dma_wait3A_274 = arith.constant 0 : i32
      %dma_wait3A_275 = tpu.memref_slice %arg22[%add3A_66, %dma_wait3A_274] : memref<10240x128xf32, #tpu.memory_space<vmem_shared>> -> memref<40x128xf32, #tpu.memory_space<vmem_shared>>
      %dma_wait3A_276 = arith.constant 0 : i32
      %dma_wait3A_277 = tpu.memref_slice %arg22[%add3A_66, %dma_wait3A_276] : memref<10240x128xf32, #tpu.memory_space<vmem_shared>> -> memref<40x128xf32, #tpu.memory_space<vmem_shared>>
      tpu.wait_dma2 semaphore(%run_scoped3A : memref<!tpu.dma_semaphore, #tpu.memory_space<semaphore_mem>>) src(%arg18 : memref<40x128xf32, #tpu.memory_space<vmem>>) dst(%dma_wait3A_277 : memref<40x128xf32, #tpu.memory_space<vmem_shared>>)
      tpu.yield
    }) : () -> ()
    %mul3A_67 = arith.constant 640 : i32
    %mul3A_68 = arith.muli %arg1, %mul3A_67 : i32
    %add3A_69 = arith.constant 600 : i32
    %add3A_70 = arith.addi %mul3A_68, %add3A_69 : i32
    "tpu.region"() ({
      %run_scoped3A = tpu.sem_alloc : memref<!tpu.dma_semaphore, #tpu.memory_space<semaphore_mem>>
      %dma_start3A_270 = arith.constant 0 : i32
      %dma_start3A_271 = tpu.memref_slice %arg22[%add3A_70, %dma_start3A_270] : memref<10240x128xf32, #tpu.memory_space<vmem_shared>> -> memref<40x128xf32, #tpu.memory_space<vmem_shared>>
      %dma_start3A_272 = arith.constant 0 : i32
      %dma_start3A_273 = tpu.memref_slice %arg22[%add3A_70, %dma_start3A_272] : memref<10240x128xf32, #tpu.memory_space<vmem_shared>> -> memref<40x128xf32, #tpu.memory_space<vmem_shared>>
      tpu.enqueue_dma source(%arg18 : memref<40x128xf32, #tpu.memory_space<vmem>>) target(%dma_start3A_273 : memref<40x128xf32, #tpu.memory_space<vmem_shared>>) target_semaphore(%run_scoped3A : memref<!tpu.dma_semaphore, #tpu.memory_space<semaphore_mem>>)
      %dma_wait3A_274 = arith.constant 0 : i32
      %dma_wait3A_275 = tpu.memref_slice %arg22[%add3A_70, %dma_wait3A_274] : memref<10240x128xf32, #tpu.memory_space<vmem_shared>> -> memref<40x128xf32, #tpu.memory_space<vmem_shared>>
      %dma_wait3A_276 = arith.constant 0 : i32
      %dma_wait3A_277 = tpu.memref_slice %arg22[%add3A_70, %dma_wait3A_276] : memref<10240x128xf32, #tpu.memory_space<vmem_shared>> -> memref<40x128xf32, #tpu.memory_space<vmem_shared>>
      tpu.wait_dma2 semaphore(%run_scoped3A : memref<!tpu.dma_semaphore, #tpu.memory_space<semaphore_mem>>) src(%arg18 : memref<40x128xf32, #tpu.memory_space<vmem>>) dst(%dma_wait3A_277 : memref<40x128xf32, #tpu.memory_space<vmem_shared>>)
      tpu.yield
    }) : () -> ()
    %barrier3A = arith.constant 0 : index
    tpu.barrier barrier_id(%barrier3A)
    %mul3A_71 = arith.constant 10000 : i32
    %mul3A_72 = arith.muli %add3A, %mul3A_71 : i32
    %add3A_73 = arith.constant 0 : i32
    %add3A_74 = arith.addi %mul3A_72, %add3A_73 : i32
    %dma_start3A = tpu.memref_slice %arg5[%add3A_74] : memref<320000xi32, #tpu.memory_space<hbm>> -> memref<40xi32, #tpu.memory_space<hbm>>
    %dma_start3A_75 = tpu.memref_slice %arg5[%add3A_74] : memref<320000xi32, #tpu.memory_space<hbm>> -> memref<40xi32, #tpu.memory_space<hbm>>
    tpu.enqueue_dma source(%dma_start3A_75 : memref<40xi32, #tpu.memory_space<hbm>>) target(%arg8 : memref<40xi32, #tpu.memory_space<vmem>>) target_semaphore(%arg29 : memref<!tpu.dma_semaphore, #tpu.memory_space<semaphore_mem>>)
    %dma_start3A_76 = tpu.memref_slice %arg6[%add3A_74] : memref<320000xi32, #tpu.memory_space<hbm>> -> memref<40xi32, #tpu.memory_space<hbm>>
    %dma_start3A_77 = tpu.memref_slice %arg6[%add3A_74] : memref<320000xi32, #tpu.memory_space<hbm>> -> memref<40xi32, #tpu.memory_space<hbm>>
    tpu.enqueue_dma source(%dma_start3A_77 : memref<40xi32, #tpu.memory_space<hbm>>) target(%arg9 : memref<40xi32, #tpu.memory_space<vmem>>) target_semaphore(%arg31 : memref<!tpu.dma_semaphore, #tpu.memory_space<semaphore_mem>>)
    %dma_wait3A = arith.constant 0 : i32
    %dma_wait3A_78 = tpu.memref_slice %arg5[%dma_wait3A] : memref<320000xi32, #tpu.memory_space<hbm>> -> memref<40xi32, #tpu.memory_space<hbm>>
    %dma_wait3A_79 = arith.constant 0 : i32
    %dma_wait3A_80 = tpu.memref_slice %arg5[%dma_wait3A_79] : memref<320000xi32, #tpu.memory_space<hbm>> -> memref<40xi32, #tpu.memory_space<hbm>>
    tpu.wait_dma2 semaphore(%arg29 : memref<!tpu.dma_semaphore, #tpu.memory_space<semaphore_mem>>) src(%dma_wait3A_80 : memref<40xi32, #tpu.memory_space<hbm>>) dst(%arg8 : memref<40xi32, #tpu.memory_space<vmem>>)
    %dma_wait3A_81 = arith.constant 0 : i32
    %dma_wait3A_82 = tpu.memref_slice %arg6[%dma_wait3A_81] : memref<320000xi32, #tpu.memory_space<hbm>> -> memref<40xi32, #tpu.memory_space<hbm>>
    %dma_wait3A_83 = arith.constant 0 : i32
    %dma_wait3A_84 = tpu.memref_slice %arg6[%dma_wait3A_83] : memref<320000xi32, #tpu.memory_space<hbm>> -> memref<40xi32, #tpu.memory_space<hbm>>
    tpu.wait_dma2 semaphore(%arg31 : memref<!tpu.dma_semaphore, #tpu.memory_space<semaphore_mem>>) src(%dma_wait3A_84 : memref<40xi32, #tpu.memory_space<hbm>>) dst(%arg9 : memref<40xi32, #tpu.memory_space<vmem>>)
    %get3A = arith.constant 0 : index
    %get3A_85 = tpu.vector_load %arg8[%get3A] {strides = array<i32>} : memref<40xi32, #tpu.memory_space<vmem>>, vector<16xi32>,
    %swap3A = arith.constant 0 : index
    %swap3A_86 = tpu.vector_load %arg20[%swap3A] {strides = array<i32>} : memref<40xi32, #tpu.memory_space<vmem>>, vector<16xi32>,
    tpu.vector_store %arg20[%swap3A], %get3A_85 {strides = array<i32>} : memref<40xi32, #tpu.memory_space<vmem>>, vector<16xi32>,
    %get3A_87 = arith.constant 16 : index
    %get3A_88 = tpu.vector_load %arg8[%get3A_87] {strides = array<i32>} : memref<40xi32, #tpu.memory_space<vmem>>, vector<16xi32>,
    %swap3A_89 = arith.constant 16 : index
    %swap3A_90 = tpu.vector_load %arg20[%swap3A_89] {strides = array<i32>} : memref<40xi32, #tpu.memory_space<vmem>>, vector<16xi32>,
    tpu.vector_store %arg20[%swap3A_89], %get3A_88 {strides = array<i32>} : memref<40xi32, #tpu.memory_space<vmem>>, vector<16xi32>,
    %get3A_91 = arith.constant 24 : index
    %get3A_92 = tpu.vector_load %arg8[%get3A_91] {strides = array<i32>} : memref<40xi32, #tpu.memory_space<vmem>>, vector<16xi32>,
    %swap3A_93 = arith.constant 24 : index
    %swap3A_94 = tpu.vector_load %arg20[%swap3A_93] {strides = array<i32>} : memref<40xi32, #tpu.memory_space<vmem>>, vector<16xi32>,
    tpu.vector_store %arg20[%swap3A_93], %get3A_92 {strides = array<i32>} : memref<40xi32, #tpu.memory_space<vmem>>, vector<16xi32>,
    %add3A_95 = arith.constant 0 : i32
    %add3A_96 = arith.addi %mul3A_72, %add3A_95 : i32
    %dma_start3A_97 = arith.constant 0 : i32
    %dma_start3A_98 = arith.constant 0 : i32
    %dma_start3A_99 = tpu.memref_slice %arg2[%dma_start3A_97, %dma_start3A_98] : memref<10240x128xf32, #tpu.memory_space<hbm>> -> memref<10240x128xf32, #tpu.memory_space<hbm>>
    tpu.enqueue_indirect_dma source(%dma_start3A_99 : memref<10240x128xf32, #tpu.memory_space<hbm>>) target(%arg10 : memref<40x128xf32, #tpu.memory_space<vmem>>) offsets(%arg8 : memref<40xi32, #tpu.memory_space<vmem>>) semaphore(%arg23 : memref<!tpu.dma_semaphore, #tpu.memory_space<semaphore_mem>>)
    %dma_start3A_100 = arith.constant 0 : i32
    %dma_start3A_101 = arith.constant 0 : i32
    %dma_start3A_102 = tpu.memref_slice %arg3[%dma_start3A_100, %dma_start3A_101] : memref<10240x128xf32, #tpu.memory_space<hbm>> -> memref<10240x128xf32, #tpu.memory_space<hbm>>
    tpu.enqueue_indirect_dma source(%dma_start3A_102 : memref<10240x128xf32, #tpu.memory_space<hbm>>) target(%arg11 : memref<40x128xf32, #tpu.memory_space<vmem>>) offsets(%arg9 : memref<40xi32, #tpu.memory_space<vmem>>) semaphore(%arg24 : memref<!tpu.dma_semaphore, #tpu.memory_space<semaphore_mem>>)
    %dma_start3A_103 = arith.constant 0 : i32
    %dma_start3A_104 = tpu.memref_slice %arg4[%add3A_96, %dma_start3A_103] : memref<320000x128xf32, #tpu.memory_space<hbm>> -> memref<40x128xf32, #tpu.memory_space<hbm>>
    %dma_start3A_105 = arith.constant 0 : i32
    %dma_start3A_106 = tpu.memref_slice %arg4[%add3A_96, %dma_start3A_105] : memref<320000x128xf32, #tpu.memory_space<hbm>> -> memref<40x128xf32, #tpu.memory_space<hbm>>
    tpu.enqueue_dma source(%dma_start3A_106 : memref<40x128xf32, #tpu.memory_space<hbm>>) target(%arg12 : memref<40x128xf32, #tpu.memory_space<vmem>>) target_semaphore(%arg25 : memref<!tpu.dma_semaphore, #tpu.memory_space<semaphore_mem>>)
    %add3A_107 = arith.constant 40 : i32
    %add3A_108 = arith.addi %mul3A_72, %add3A_107 : i32
    %dma_start3A_109 = tpu.memref_slice %arg5[%add3A_108] : memref<320000xi32, #tpu.memory_space<hbm>> -> memref<40xi32, #tpu.memory_space<hbm>>
    %dma_start3A_110 = tpu.memref_slice %arg5[%add3A_108] : memref<320000xi32, #tpu.memory_space<hbm>> -> memref<40xi32, #tpu.memory_space<hbm>>
    tpu.enqueue_dma source(%dma_start3A_110 : memref<40xi32, #tpu.memory_space<hbm>>) target(%arg13 : memref<40xi32, #tpu.memory_space<vmem>>) target_semaphore(%arg30 : memref<!tpu.dma_semaphore, #tpu.memory_space<semaphore_mem>>)
    %dma_start3A_111 = tpu.memref_slice %arg6[%add3A_108] : memref<320000xi32, #tpu.memory_space<hbm>> -> memref<40xi32, #tpu.memory_space<hbm>>
    %dma_start3A_112 = tpu.memref_slice %arg6[%add3A_108] : memref<320000xi32, #tpu.memory_space<hbm>> -> memref<40xi32, #tpu.memory_space<hbm>>
    tpu.enqueue_dma source(%dma_start3A_112 : memref<40xi32, #tpu.memory_space<hbm>>) target(%arg14 : memref<40xi32, #tpu.memory_space<vmem>>) target_semaphore(%arg32 : memref<!tpu.dma_semaphore, #tpu.memory_space<semaphore_mem>>)
    %dma_wait3A_113 = arith.constant 0 : i32
    %dma_wait3A_114 = tpu.memref_slice %arg5[%dma_wait3A_113] : memref<320000xi32, #tpu.memory_space<hbm>> -> memref<40xi32, #tpu.memory_space<hbm>>
    %dma_wait3A_115 = arith.constant 0 : i32
    %dma_wait3A_116 = tpu.memref_slice %arg5[%dma_wait3A_115] : memref<320000xi32, #tpu.memory_space<hbm>> -> memref<40xi32, #tpu.memory_space<hbm>>
    tpu.wait_dma2 semaphore(%arg30 : memref<!tpu.dma_semaphore, #tpu.memory_space<semaphore_mem>>) src(%dma_wait3A_116 : memref<40xi32, #tpu.memory_space<hbm>>) dst(%arg13 : memref<40xi32, #tpu.memory_space<vmem>>)
    %dma_wait3A_117 = arith.constant 0 : i32
    %dma_wait3A_118 = tpu.memref_slice %arg6[%dma_wait3A_117] : memref<320000xi32, #tpu.memory_space<hbm>> -> memref<40xi32, #tpu.memory_space<hbm>>
    %dma_wait3A_119 = arith.constant 0 : i32
    %dma_wait3A_120 = tpu.memref_slice %arg6[%dma_wait3A_119] : memref<320000xi32, #tpu.memory_space<hbm>> -> memref<40xi32, #tpu.memory_space<hbm>>
    tpu.wait_dma2 semaphore(%arg32 : memref<!tpu.dma_semaphore, #tpu.memory_space<semaphore_mem>>) src(%dma_wait3A_120 : memref<40xi32, #tpu.memory_space<hbm>>) dst(%arg14 : memref<40xi32, #tpu.memory_space<vmem>>)
    %get3A_121 = arith.constant 0 : index
    %get3A_122 = tpu.vector_load %arg13[%get3A_121] {strides = array<i32>} : memref<40xi32, #tpu.memory_space<vmem>>, vector<16xi32>,
    %swap3A_123 = arith.constant 0 : index
    %swap3A_124 = tpu.vector_load %arg21[%swap3A_123] {strides = array<i32>} : memref<40xi32, #tpu.memory_space<vmem>>, vector<16xi32>,
    tpu.vector_store %arg21[%swap3A_123], %get3A_122 {strides = array<i32>} : memref<40xi32, #tpu.memory_space<vmem>>, vector<16xi32>,
    %get3A_125 = arith.constant 16 : index
    %get3A_126 = tpu.vector_load %arg13[%get3A_125] {strides = array<i32>} : memref<40xi32, #tpu.memory_space<vmem>>, vector<16xi32>,
    %swap3A_127 = arith.constant 16 : index
    %swap3A_128 = tpu.vector_load %arg21[%swap3A_127] {strides = array<i32>} : memref<40xi32, #tpu.memory_space<vmem>>, vector<16xi32>,
    tpu.vector_store %arg21[%swap3A_127], %get3A_126 {strides = array<i32>} : memref<40xi32, #tpu.memory_space<vmem>>, vector<16xi32>,
    %get3A_129 = arith.constant 24 : index
    %get3A_130 = tpu.vector_load %arg13[%get3A_129] {strides = array<i32>} : memref<40xi32, #tpu.memory_space<vmem>>, vector<16xi32>,
    %swap3A_131 = arith.constant 24 : index
    %swap3A_132 = tpu.vector_load %arg21[%swap3A_131] {strides = array<i32>} : memref<40xi32, #tpu.memory_space<vmem>>, vector<16xi32>,
    tpu.vector_store %arg21[%swap3A_131], %get3A_130 {strides = array<i32>} : memref<40xi32, #tpu.memory_space<vmem>>, vector<16xi32>,
    %add3A_133 = arith.constant 40 : i32
    %add3A_134 = arith.addi %mul3A_72, %add3A_133 : i32
    %dma_start3A_135 = arith.constant 0 : i32
    %dma_start3A_136 = arith.constant 0 : i32
    %dma_start3A_137 = tpu.memref_slice %arg2[%dma_start3A_135, %dma_start3A_136] : memref<10240x128xf32, #tpu.memory_space<hbm>> -> memref<10240x128xf32, #tpu.memory_space<hbm>>
    tpu.enqueue_indirect_dma source(%dma_start3A_137 : memref<10240x128xf32, #tpu.memory_space<hbm>>) target(%arg15 : memref<40x128xf32, #tpu.memory_space<vmem>>) offsets(%arg13 : memref<40xi32, #tpu.memory_space<vmem>>) semaphore(%arg26 : memref<!tpu.dma_semaphore, #tpu.memory_space<semaphore_mem>>)
    %dma_start3A_138 = arith.constant 0 : i32
    %dma_start3A_139 = arith.constant 0 : i32
    %dma_start3A_140 = tpu.memref_slice %arg3[%dma_start3A_138, %dma_start3A_139] : memref<10240x128xf32, #tpu.memory_space<hbm>> -> memref<10240x128xf32, #tpu.memory_space<hbm>>
    tpu.enqueue_indirect_dma source(%dma_start3A_140 : memref<10240x128xf32, #tpu.memory_space<hbm>>) target(%arg16 : memref<40x128xf32, #tpu.memory_space<vmem>>) offsets(%arg14 : memref<40xi32, #tpu.memory_space<vmem>>) semaphore(%arg27 : memref<!tpu.dma_semaphore, #tpu.memory_space<semaphore_mem>>)
    %dma_start3A_141 = arith.constant 0 : i32
    %dma_start3A_142 = tpu.memref_slice %arg4[%add3A_134, %dma_start3A_141] : memref<320000x128xf32, #tpu.memory_space<hbm>> -> memref<40x128xf32, #tpu.memory_space<hbm>>
    %dma_start3A_143 = arith.constant 0 : i32
    %dma_start3A_144 = tpu.memref_slice %arg4[%add3A_134, %dma_start3A_143] : memref<320000x128xf32, #tpu.memory_space<hbm>> -> memref<40x128xf32, #tpu.memory_space<hbm>>
    tpu.enqueue_dma source(%dma_start3A_144 : memref<40x128xf32, #tpu.memory_space<hbm>>) target(%arg17 : memref<40x128xf32, #tpu.memory_space<vmem>>) target_semaphore(%arg28 : memref<!tpu.dma_semaphore, #tpu.memory_space<semaphore_mem>>)
    %scan3A_145 = arith.constant 0 : i32
    %scan3A_146 = arith.constant 0 : i32
    %scan3A_147 = arith.constant 125 : i32
    %scan3A_148 = arith.addi %scan3A_146, %scan3A_147 : i32
    %scan3A_149 = arith.constant 1 : i32
    scf.for %scan3A_270 = %scan3A_146 to %scan3A_148 step %scan3A_149  : i32 {
      %mul3A_271 = arith.constant 2 : i32
      %mul3A_272 = arith.muli %mul3A_271, %scan3A_270 : i32
      %add3A_273 = arith.constant 0 : i32
      %add3A_274 = arith.addi %mul3A_272, %add3A_273 : i32
      %dma_wait3A_275 = arith.constant 0 : i32
      %dma_wait3A_276 = arith.constant 0 : i32
      %dma_wait3A_277 = tpu.memref_slice %arg2[%dma_wait3A_275, %dma_wait3A_276] : memref<10240x128xf32, #tpu.memory_space<hbm>> -> memref<10240x128xf32, #tpu.memory_space<hbm>>
      tpu.wait_indirect_dma semaphore(%arg23 : memref<!tpu.dma_semaphore, #tpu.memory_space<semaphore_mem>>) src(%dma_wait3A_277 : memref<10240x128xf32, #tpu.memory_space<hbm>>) dst(%arg10 : memref<40x128xf32, #tpu.memory_space<vmem>>)
      %dma_wait3A_278 = arith.constant 0 : i32
      %dma_wait3A_279 = arith.constant 0 : i32
      %dma_wait3A_280 = tpu.memref_slice %arg3[%dma_wait3A_278, %dma_wait3A_279] : memref<10240x128xf32, #tpu.memory_space<hbm>> -> memref<10240x128xf32, #tpu.memory_space<hbm>>
      tpu.wait_indirect_dma semaphore(%arg24 : memref<!tpu.dma_semaphore, #tpu.memory_space<semaphore_mem>>) src(%dma_wait3A_280 : memref<10240x128xf32, #tpu.memory_space<hbm>>) dst(%arg11 : memref<40x128xf32, #tpu.memory_space<vmem>>)
      %dma_wait3A_281 = arith.constant 0 : i32
      %dma_wait3A_282 = arith.constant 0 : i32
      %dma_wait3A_283 = tpu.memref_slice %arg4[%dma_wait3A_281, %dma_wait3A_282] : memref<320000x128xf32, #tpu.memory_space<hbm>> -> memref<40x128xf32, #tpu.memory_space<hbm>>
      %dma_wait3A_284 = arith.constant 0 : i32
      %dma_wait3A_285 = arith.constant 0 : i32
      %dma_wait3A_286 = tpu.memref_slice %arg4[%dma_wait3A_284, %dma_wait3A_285] : memref<320000x128xf32, #tpu.memory_space<hbm>> -> memref<40x128xf32, #tpu.memory_space<hbm>>
      tpu.wait_dma2 semaphore(%arg25 : memref<!tpu.dma_semaphore, #tpu.memory_space<semaphore_mem>>) src(%dma_wait3A_286 : memref<40x128xf32, #tpu.memory_space<hbm>>) dst(%arg12 : memref<40x128xf32, #tpu.memory_space<vmem>>)
      %add3A_287 = arith.constant 2 : i32
      %add3A_288 = arith.addi %add3A_274, %add3A_287 : i32
      %lt3A = arith.constant 250 : i32
      %lt3A_289 = arith.cmpi slt, %add3A_288, %lt3A : i32
      %convert_element_type3A = arith.extui %lt3A_289 : i1 to i32
      %cond3A = arith.constant 0 : i32
      %cond3A_290 = arith.cmpi ne, %convert_element_type3A, %cond3A : i32
      scf.if %cond3A_290 {
        %add3A_355 = arith.constant 2 : i32
        %add3A_356 = arith.addi %add3A_274, %add3A_355 : i32
        %mul3A_357 = arith.constant 40 : i32
        %mul3A_358 = arith.muli %add3A_356, %mul3A_357 : i32
        %add3A_359 = arith.addi %mul3A_72, %mul3A_358 : i32
        %dma_start3A_360 = tpu.memref_slice %arg5[%add3A_359] : memref<320000xi32, #tpu.memory_space<hbm>> -> memref<40xi32, #tpu.memory_space<hbm>>
        %dma_start3A_361 = tpu.memref_slice %arg5[%add3A_359] : memref<320000xi32, #tpu.memory_space<hbm>> -> memref<40xi32, #tpu.memory_space<hbm>>
        tpu.enqueue_dma source(%dma_start3A_361 : memref<40xi32, #tpu.memory_space<hbm>>) target(%arg8 : memref<40xi32, #tpu.memory_space<vmem>>) target_semaphore(%arg29 : memref<!tpu.dma_semaphore, #tpu.memory_space<semaphore_mem>>)
        %dma_start3A_362 = tpu.memref_slice %arg6[%add3A_359] : memref<320000xi32, #tpu.memory_space<hbm>> -> memref<40xi32, #tpu.memory_space<hbm>>
        %dma_start3A_363 = tpu.memref_slice %arg6[%add3A_359] : memref<320000xi32, #tpu.memory_space<hbm>> -> memref<40xi32, #tpu.memory_space<hbm>>
        tpu.enqueue_dma source(%dma_start3A_363 : memref<40xi32, #tpu.memory_space<hbm>>) target(%arg9 : memref<40xi32, #tpu.memory_space<vmem>>) target_semaphore(%arg31 : memref<!tpu.dma_semaphore, #tpu.memory_space<semaphore_mem>>)
      } else {
      }
      %ge3A = arith.constant 1 : i32
      %ge3A_291 = arith.cmpi sge, %scan3A_270, %ge3A : i32
      %convert_element_type3A_292 = arith.extui %ge3A_291 : i1 to i32
      %cond3A_293 = arith.constant 0 : i32
      %cond3A_294 = arith.cmpi ne, %convert_element_type3A_292, %cond3A_293 : i32
      scf.if %cond3A_294 {
        %dma_wait3A_355 = arith.constant 0 : i32
        %dma_wait3A_356 = arith.constant 0 : i32
        %dma_wait3A_357 = tpu.memref_slice %arg22[%dma_wait3A_355, %dma_wait3A_356] : memref<10240x128xf32, #tpu.memory_space<vmem_shared>> -> memref<10240x128xf32, #tpu.memory_space<vmem_shared>>
        tpu.wait_indirect_dma semaphore(%arg33 : memref<!tpu.dma_semaphore, #tpu.memory_space<semaphore_mem>>) src(%arg18 : memref<40x128xf32, #tpu.memory_space<vmem>>) dst(%dma_wait3A_357 : memref<10240x128xf32, #tpu.memory_space<vmem_shared>>)
      } else {
      }
      %scan3A_295 = arith.constant 0 : i32
      %scan3A_296 = arith.constant 0 : i32
      %scan3A_297 = arith.constant 40 : i32
      %scan3A_298 = arith.addi %scan3A_296, %scan3A_297 : i32
      %scan3A_299 = arith.constant 1 : i32
      scf.for %scan3A_355 = %scan3A_296 to %scan3A_298 step %scan3A_299  : i32 {
        %get3A_356 = arith.index_cast %scan3A_355 : i32 to index
        %get3A_357 = arith.constant 0 : index
        %get3A_358 = tpu.vector_load %arg10[%get3A_356, %get3A_357] {strides = array<i32>} : memref<40x128xf32, #tpu.memory_space<vmem>>, vector<16xf32>,
        %get3A_359 = arith.index_cast %scan3A_355 : i32 to index
        %get3A_360 = arith.constant 0 : index
        %get3A_361 = tpu.vector_load %arg11[%get3A_359, %get3A_360] {strides = array<i32>} : memref<40x128xf32, #tpu.memory_space<vmem>>, vector<16xf32>,
        %add3A_362 = arith.addf %get3A_358, %get3A_361 : vector<16xf32>
        %get3A_363 = arith.index_cast %scan3A_355 : i32 to index
        %get3A_364 = arith.constant 0 : index
        %get3A_365 = tpu.vector_load %arg12[%get3A_363, %get3A_364] {strides = array<i32>} : memref<40x128xf32, #tpu.memory_space<vmem>>, vector<16xf32>,
        %add3A_366 = arith.addf %add3A_362, %get3A_365 : vector<16xf32>
        %max3A = arith.constant 0.000000e+00 : f32
        %max3A_367 = vector.broadcast %max3A : f32 to vector<16xf32>
        %max3A_368 = arith.maximumf %add3A_366, %max3A_367 : vector<16xf32>
        %swap3A_369 = arith.index_cast %scan3A_355 : i32 to index
        %swap3A_370 = arith.constant 0 : index
        %swap3A_371 = tpu.vector_load %arg18[%swap3A_369, %swap3A_370] {strides = array<i32>} : memref<40x128xf32, #tpu.memory_space<vmem>>, vector<16xf32>,
        tpu.vector_store %arg18[%swap3A_369, %swap3A_370], %max3A_368 {strides = array<i32>} : memref<40x128xf32, #tpu.memory_space<vmem>>, vector<16xf32>,
        %get3A_372 = arith.index_cast %scan3A_355 : i32 to index
        %get3A_373 = arith.constant 16 : index
        %get3A_374 = tpu.vector_load %arg10[%get3A_372, %get3A_373] {strides = array<i32>} : memref<40x128xf32, #tpu.memory_space<vmem>>, vector<16xf32>,
        %get3A_375 = arith.index_cast %scan3A_355 : i32 to index
        %get3A_376 = arith.constant 16 : index
        %get3A_377 = tpu.vector_load %arg11[%get3A_375, %get3A_376] {strides = array<i32>} : memref<40x128xf32, #tpu.memory_space<vmem>>, vector<16xf32>,
        %add3A_378 = arith.addf %get3A_374, %get3A_377 : vector<16xf32>
        %get3A_379 = arith.index_cast %scan3A_355 : i32 to index
        %get3A_380 = arith.constant 16 : index
        %get3A_381 = tpu.vector_load %arg12[%get3A_379, %get3A_380] {strides = array<i32>} : memref<40x128xf32, #tpu.memory_space<vmem>>, vector<16xf32>,
        %add3A_382 = arith.addf %add3A_378, %get3A_381 : vector<16xf32>
        %max3A_383 = arith.constant 0.000000e+00 : f32
        %max3A_384 = vector.broadcast %max3A_383 : f32 to vector<16xf32>
        %max3A_385 = arith.maximumf %add3A_382, %max3A_384 : vector<16xf32>
        %swap3A_386 = arith.index_cast %scan3A_355 : i32 to index
        %swap3A_387 = arith.constant 16 : index
        %swap3A_388 = tpu.vector_load %arg18[%swap3A_386, %swap3A_387] {strides = array<i32>} : memref<40x128xf32, #tpu.memory_space<vmem>>, vector<16xf32>,
        tpu.vector_store %arg18[%swap3A_386, %swap3A_387], %max3A_385 {strides = array<i32>} : memref<40x128xf32, #tpu.memory_space<vmem>>, vector<16xf32>,
        %get3A_389 = arith.index_cast %scan3A_355 : i32 to index
        %get3A_390 = arith.constant 32 : index
        %get3A_391 = tpu.vector_load %arg10[%get3A_389, %get3A_390] {strides = array<i32>} : memref<40x128xf32, #tpu.memory_space<vmem>>, vector<16xf32>,
        %get3A_392 = arith.index_cast %scan3A_355 : i32 to index
        %get3A_393 = arith.constant 32 : index
        %get3A_394 = tpu.vector_load %arg11[%get3A_392, %get3A_393] {strides = array<i32>} : memref<40x128xf32, #tpu.memory_space<vmem>>, vector<16xf32>,
        %add3A_395 = arith.addf %get3A_391, %get3A_394 : vector<16xf32>
        %get3A_396 = arith.index_cast %scan3A_355 : i32 to index
        %get3A_397 = arith.constant 32 : index
        %get3A_398 = tpu.vector_load %arg12[%get3A_396, %get3A_397] {strides = array<i32>} : memref<40x128xf32, #tpu.memory_space<vmem>>, vector<16xf32>,
        %add3A_399 = arith.addf %add3A_395, %get3A_398 : vector<16xf32>
        %max3A_400 = arith.constant 0.000000e+00 : f32
        %max3A_401 = vector.broadcast %max3A_400 : f32 to vector<16xf32>
        %max3A_402 = arith.maximumf %add3A_399, %max3A_401 : vector<16xf32>
        %swap3A_403 = arith.index_cast %scan3A_355 : i32 to index
        %swap3A_404 = arith.constant 32 : index
        %swap3A_405 = tpu.vector_load %arg18[%swap3A_403, %swap3A_404] {strides = array<i32>} : memref<40x128xf32, #tpu.memory_space<vmem>>, vector<16xf32>,
        tpu.vector_store %arg18[%swap3A_403, %swap3A_404], %max3A_402 {strides = array<i32>} : memref<40x128xf32, #tpu.memory_space<vmem>>, vector<16xf32>,
        %get3A_406 = arith.index_cast %scan3A_355 : i32 to index
        %get3A_407 = arith.constant 48 : index
        %get3A_408 = tpu.vector_load %arg10[%get3A_406, %get3A_407] {strides = array<i32>} : memref<40x128xf32, #tpu.memory_space<vmem>>, vector<16xf32>,
        %get3A_409 = arith.index_cast %scan3A_355 : i32 to index
        %get3A_410 = arith.constant 48 : index
        %get3A_411 = tpu.vector_load %arg11[%get3A_409, %get3A_410] {strides = array<i32>} : memref<40x128xf32, #tpu.memory_space<vmem>>, vector<16xf32>,
        %add3A_412 = arith.addf %get3A_408, %get3A_411 : vector<16xf32>
        %get3A_413 = arith.index_cast %scan3A_355 : i32 to index
        %get3A_414 = arith.constant 48 : index
        %get3A_415 = tpu.vector_load %arg12[%get3A_413, %get3A_414] {strides = array<i32>} : memref<40x128xf32, #tpu.memory_space<vmem>>, vector<16xf32>,
        %add3A_416 = arith.addf %add3A_412, %get3A_415 : vector<16xf32>
        %max3A_417 = arith.constant 0.000000e+00 : f32
        %max3A_418 = vector.broadcast %max3A_417 : f32 to vector<16xf32>
        %max3A_419 = arith.maximumf %add3A_416, %max3A_418 : vector<16xf32>
        %swap3A_420 = arith.index_cast %scan3A_355 : i32 to index
        %swap3A_421 = arith.constant 48 : index
        %swap3A_422 = tpu.vector_load %arg18[%swap3A_420, %swap3A_421] {strides = array<i32>} : memref<40x128xf32, #tpu.memory_space<vmem>>, vector<16xf32>,
        tpu.vector_store %arg18[%swap3A_420, %swap3A_421], %max3A_419 {strides = array<i32>} : memref<40x128xf32, #tpu.memory_space<vmem>>, vector<16xf32>,
        %get3A_423 = arith.index_cast %scan3A_355 : i32 to index
        %get3A_424 = arith.constant 64 : index
        %get3A_425 = tpu.vector_load %arg10[%get3A_423, %get3A_424] {strides = array<i32>} : memref<40x128xf32, #tpu.memory_space<vmem>>, vector<16xf32>,
        %get3A_426 = arith.index_cast %scan3A_355 : i32 to index
        %get3A_427 = arith.constant 64 : index
        %get3A_428 = tpu.vector_load %arg11[%get3A_426, %get3A_427] {strides = array<i32>} : memref<40x128xf32, #tpu.memory_space<vmem>>, vector<16xf32>,
        %add3A_429 = arith.addf %get3A_425, %get3A_428 : vector<16xf32>
        %get3A_430 = arith.index_cast %scan3A_355 : i32 to index
        %get3A_431 = arith.constant 64 : index
        %get3A_432 = tpu.vector_load %arg12[%get3A_430, %get3A_431] {strides = array<i32>} : memref<40x128xf32, #tpu.memory_space<vmem>>, vector<16xf32>,
        %add3A_433 = arith.addf %add3A_429, %get3A_432 : vector<16xf32>
        %max3A_434 = arith.constant 0.000000e+00 : f32
        %max3A_435 = vector.broadcast %max3A_434 : f32 to vector<16xf32>
        %max3A_436 = arith.maximumf %add3A_433, %max3A_435 : vector<16xf32>
        %swap3A_437 = arith.index_cast %scan3A_355 : i32 to index
        %swap3A_438 = arith.constant 64 : index
        %swap3A_439 = tpu.vector_load %arg18[%swap3A_437, %swap3A_438] {strides = array<i32>} : memref<40x128xf32, #tpu.memory_space<vmem>>, vector<16xf32>,
        tpu.vector_store %arg18[%swap3A_437, %swap3A_438], %max3A_436 {strides = array<i32>} : memref<40x128xf32, #tpu.memory_space<vmem>>, vector<16xf32>,
        %get3A_440 = arith.index_cast %scan3A_355 : i32 to index
        %get3A_441 = arith.constant 80 : index
        %get3A_442 = tpu.vector_load %arg10[%get3A_440, %get3A_441] {strides = array<i32>} : memref<40x128xf32, #tpu.memory_space<vmem>>, vector<16xf32>,
        %get3A_443 = arith.index_cast %scan3A_355 : i32 to index
        %get3A_444 = arith.constant 80 : index
        %get3A_445 = tpu.vector_load %arg11[%get3A_443, %get3A_444] {strides = array<i32>} : memref<40x128xf32, #tpu.memory_space<vmem>>, vector<16xf32>,
        %add3A_446 = arith.addf %get3A_442, %get3A_445 : vector<16xf32>
        %get3A_447 = arith.index_cast %scan3A_355 : i32 to index
        %get3A_448 = arith.constant 80 : index
        %get3A_449 = tpu.vector_load %arg12[%get3A_447, %get3A_448] {strides = array<i32>} : memref<40x128xf32, #tpu.memory_space<vmem>>, vector<16xf32>,
        %add3A_450 = arith.addf %add3A_446, %get3A_449 : vector<16xf32>
        %max3A_451 = arith.constant 0.000000e+00 : f32
        %max3A_452 = vector.broadcast %max3A_451 : f32 to vector<16xf32>
        %max3A_453 = arith.maximumf %add3A_450, %max3A_452 : vector<16xf32>
        %swap3A_454 = arith.index_cast %scan3A_355 : i32 to index
        %swap3A_455 = arith.constant 80 : index
        %swap3A_456 = tpu.vector_load %arg18[%swap3A_454, %swap3A_455] {strides = array<i32>} : memref<40x128xf32, #tpu.memory_space<vmem>>, vector<16xf32>,
        tpu.vector_store %arg18[%swap3A_454, %swap3A_455], %max3A_453 {strides = array<i32>} : memref<40x128xf32, #tpu.memory_space<vmem>>, vector<16xf32>,
        %get3A_457 = arith.index_cast %scan3A_355 : i32 to index
        %get3A_458 = arith.constant 96 : index
        %get3A_459 = tpu.vector_load %arg10[%get3A_457, %get3A_458] {strides = array<i32>} : memref<40x128xf32, #tpu.memory_space<vmem>>, vector<16xf32>,
        %get3A_460 = arith.index_cast %scan3A_355 : i32 to index
        %get3A_461 = arith.constant 96 : index
        %get3A_462 = tpu.vector_load %arg11[%get3A_460, %get3A_461] {strides = array<i32>} : memref<40x128xf32, #tpu.memory_space<vmem>>, vector<16xf32>,
        %add3A_463 = arith.addf %get3A_459, %get3A_462 : vector<16xf32>
        %get3A_464 = arith.index_cast %scan3A_355 : i32 to index
        %get3A_465 = arith.constant 96 : index
        %get3A_466 = tpu.vector_load %arg12[%get3A_464, %get3A_465] {strides = array<i32>} : memref<40x128xf32, #tpu.memory_space<vmem>>, vector<16xf32>,
        %add3A_467 = arith.addf %add3A_463, %get3A_466 : vector<16xf32>
        %max3A_468 = arith.constant 0.000000e+00 : f32
        %max3A_469 = vector.broadcast %max3A_468 : f32 to vector<16xf32>
        %max3A_470 = arith.maximumf %add3A_467, %max3A_469 : vector<16xf32>
        %swap3A_471 = arith.index_cast %scan3A_355 : i32 to index
        %swap3A_472 = arith.constant 96 : index
        %swap3A_473 = tpu.vector_load %arg18[%swap3A_471, %swap3A_472] {strides = array<i32>} : memref<40x128xf32, #tpu.memory_space<vmem>>, vector<16xf32>,
        tpu.vector_store %arg18[%swap3A_471, %swap3A_472], %max3A_470 {strides = array<i32>} : memref<40x128xf32, #tpu.memory_space<vmem>>, vector<16xf32>,
        %get3A_474 = arith.index_cast %scan3A_355 : i32 to index
        %get3A_475 = arith.constant 112 : index
        %get3A_476 = tpu.vector_load %arg10[%get3A_474, %get3A_475] {strides = array<i32>} : memref<40x128xf32, #tpu.memory_space<vmem>>, vector<16xf32>,
        %get3A_477 = arith.index_cast %scan3A_355 : i32 to index
        %get3A_478 = arith.constant 112 : index
        %get3A_479 = tpu.vector_load %arg11[%get3A_477, %get3A_478] {strides = array<i32>} : memref<40x128xf32, #tpu.memory_space<vmem>>, vector<16xf32>,
        %add3A_480 = arith.addf %get3A_476, %get3A_479 : vector<16xf32>
        %get3A_481 = arith.index_cast %scan3A_355 : i32 to index
        %get3A_482 = arith.constant 112 : index
        %get3A_483 = tpu.vector_load %arg12[%get3A_481, %get3A_482] {strides = array<i32>} : memref<40x128xf32, #tpu.memory_space<vmem>>, vector<16xf32>,
        %add3A_484 = arith.addf %add3A_480, %get3A_483 : vector<16xf32>
        %max3A_485 = arith.constant 0.000000e+00 : f32
        %max3A_486 = vector.broadcast %max3A_485 : f32 to vector<16xf32>
        %max3A_487 = arith.maximumf %add3A_484, %max3A_486 : vector<16xf32>
        %swap3A_488 = arith.index_cast %scan3A_355 : i32 to index
        %swap3A_489 = arith.constant 112 : index
        %swap3A_490 = tpu.vector_load %arg18[%swap3A_488, %swap3A_489] {strides = array<i32>} : memref<40x128xf32, #tpu.memory_space<vmem>>, vector<16xf32>,
        tpu.vector_store %arg18[%swap3A_488, %swap3A_489], %max3A_487 {strides = array<i32>} : memref<40x128xf32, #tpu.memory_space<vmem>>, vector<16xf32>,
      }
      %scan3A_300 = arith.constant 40 : i32
      %dma_start3A_301 = arith.constant 0 : i32
      %dma_start3A_302 = arith.constant 0 : i32
      %dma_start3A_303 = tpu.memref_slice %arg22[%dma_start3A_301, %dma_start3A_302] : memref<10240x128xf32, #tpu.memory_space<vmem_shared>> -> memref<10240x128xf32, #tpu.memory_space<vmem_shared>>
      tpu.enqueue_indirect_dma source(%arg18 : memref<40x128xf32, #tpu.memory_space<vmem>>) target(%dma_start3A_303 : memref<10240x128xf32, #tpu.memory_space<vmem_shared>>) offsets(%arg20 : memref<40xi32, #tpu.memory_space<vmem>>) semaphore(%arg33 : memref<!tpu.dma_semaphore, #tpu.memory_space<semaphore_mem>>) {add = true}
      %add3A_304 = arith.constant 2 : i32
      %add3A_305 = arith.addi %add3A_274, %add3A_304 : i32
      %lt3A_306 = arith.constant 250 : i32
      %lt3A_307 = arith.cmpi slt, %add3A_305, %lt3A_306 : i32
      %convert_element_type3A_308 = arith.extui %lt3A_307 : i1 to i32
      %cond3A_309 = arith.constant 0 : i32
      %cond3A_310 = arith.cmpi ne, %convert_element_type3A_308, %cond3A_309 : i32
      scf.if %cond3A_310 {
        %dma_wait3A_355 = arith.constant 0 : i32
        %dma_wait3A_356 = tpu.memref_slice %arg5[%dma_wait3A_355] : memref<320000xi32, #tpu.memory_space<hbm>> -> memref<40xi32, #tpu.memory_space<hbm>>
        %dma_wait3A_357 = arith.constant 0 : i32
        %dma_wait3A_358 = tpu.memref_slice %arg5[%dma_wait3A_357] : memref<320000xi32, #tpu.memory_space<hbm>> -> memref<40xi32, #tpu.memory_space<hbm>>
        tpu.wait_dma2 semaphore(%arg29 : memref<!tpu.dma_semaphore, #tpu.memory_space<semaphore_mem>>) src(%dma_wait3A_358 : memref<40xi32, #tpu.memory_space<hbm>>) dst(%arg8 : memref<40xi32, #tpu.memory_space<vmem>>)
        %dma_wait3A_359 = arith.constant 0 : i32
        %dma_wait3A_360 = tpu.memref_slice %arg6[%dma_wait3A_359] : memref<320000xi32, #tpu.memory_space<hbm>> -> memref<40xi32, #tpu.memory_space<hbm>>
        %dma_wait3A_361 = arith.constant 0 : i32
        %dma_wait3A_362 = tpu.memref_slice %arg6[%dma_wait3A_361] : memref<320000xi32, #tpu.memory_space<hbm>> -> memref<40xi32, #tpu.memory_space<hbm>>
        tpu.wait_dma2 semaphore(%arg31 : memref<!tpu.dma_semaphore, #tpu.memory_space<semaphore_mem>>) src(%dma_wait3A_362 : memref<40xi32, #tpu.memory_space<hbm>>) dst(%arg9 : memref<40xi32, #tpu.memory_space<vmem>>)
        %get3A_363 = arith.constant 0 : index
        %get3A_364 = tpu.vector_load %arg8[%get3A_363] {strides = array<i32>} : memref<40xi32, #tpu.memory_space<vmem>>, vector<16xi32>,
        %swap3A_365 = arith.constant 0 : index
        %swap3A_366 = tpu.vector_load %arg20[%swap3A_365] {strides = array<i32>} : memref<40xi32, #tpu.memory_space<vmem>>, vector<16xi32>,
        tpu.vector_store %arg20[%swap3A_365], %get3A_364 {strides = array<i32>} : memref<40xi32, #tpu.memory_space<vmem>>, vector<16xi32>,
        %get3A_367 = arith.constant 16 : index
        %get3A_368 = tpu.vector_load %arg8[%get3A_367] {strides = array<i32>} : memref<40xi32, #tpu.memory_space<vmem>>, vector<16xi32>,
        %swap3A_369 = arith.constant 16 : index
        %swap3A_370 = tpu.vector_load %arg20[%swap3A_369] {strides = array<i32>} : memref<40xi32, #tpu.memory_space<vmem>>, vector<16xi32>,
        tpu.vector_store %arg20[%swap3A_369], %get3A_368 {strides = array<i32>} : memref<40xi32, #tpu.memory_space<vmem>>, vector<16xi32>,
        %get3A_371 = arith.constant 24 : index
        %get3A_372 = tpu.vector_load %arg8[%get3A_371] {strides = array<i32>} : memref<40xi32, #tpu.memory_space<vmem>>, vector<16xi32>,
        %swap3A_373 = arith.constant 24 : index
        %swap3A_374 = tpu.vector_load %arg20[%swap3A_373] {strides = array<i32>} : memref<40xi32, #tpu.memory_space<vmem>>, vector<16xi32>,
        tpu.vector_store %arg20[%swap3A_373], %get3A_372 {strides = array<i32>} : memref<40xi32, #tpu.memory_space<vmem>>, vector<16xi32>,
        %add3A_375 = arith.constant 2 : i32
        %add3A_376 = arith.addi %add3A_274, %add3A_375 : i32
        %mul3A_377 = arith.constant 40 : i32
        %mul3A_378 = arith.muli %add3A_376, %mul3A_377 : i32
        %add3A_379 = arith.addi %mul3A_72, %mul3A_378 : i32
        %dma_start3A_380 = arith.constant 0 : i32
        %dma_start3A_381 = arith.constant 0 : i32
        %dma_start3A_382 = tpu.memref_slice %arg2[%dma_start3A_380, %dma_start3A_381] : memref<10240x128xf32, #tpu.memory_space<hbm>> -> memref<10240x128xf32, #tpu.memory_space<hbm>>
        tpu.enqueue_indirect_dma source(%dma_start3A_382 : memref<10240x128xf32, #tpu.memory_space<hbm>>) target(%arg10 : memref<40x128xf32, #tpu.memory_space<vmem>>) offsets(%arg8 : memref<40xi32, #tpu.memory_space<vmem>>) semaphore(%arg23 : memref<!tpu.dma_semaphore, #tpu.memory_space<semaphore_mem>>)
        %dma_start3A_383 = arith.constant 0 : i32
        %dma_start3A_384 = arith.constant 0 : i32
        %dma_start3A_385 = tpu.memref_slice %arg3[%dma_start3A_383, %dma_start3A_384] : memref<10240x128xf32, #tpu.memory_space<hbm>> -> memref<10240x128xf32, #tpu.memory_space<hbm>>
        tpu.enqueue_indirect_dma source(%dma_start3A_385 : memref<10240x128xf32, #tpu.memory_space<hbm>>) target(%arg11 : memref<40x128xf32, #tpu.memory_space<vmem>>) offsets(%arg9 : memref<40xi32, #tpu.memory_space<vmem>>) semaphore(%arg24 : memref<!tpu.dma_semaphore, #tpu.memory_space<semaphore_mem>>)
        %dma_start3A_386 = arith.constant 0 : i32
        %dma_start3A_387 = tpu.memref_slice %arg4[%add3A_379, %dma_start3A_386] : memref<320000x128xf32, #tpu.memory_space<hbm>> -> memref<40x128xf32, #tpu.memory_space<hbm>>
        %dma_start3A_388 = arith.constant 0 : i32
        %dma_start3A_389 = tpu.memref_slice %arg4[%add3A_379, %dma_start3A_388] : memref<320000x128xf32, #tpu.memory_space<hbm>> -> memref<40x128xf32, #tpu.memory_space<hbm>>
        tpu.enqueue_dma source(%dma_start3A_389 : memref<40x128xf32, #tpu.memory_space<hbm>>) target(%arg12 : memref<40x128xf32, #tpu.memory_space<vmem>>) target_semaphore(%arg25 : memref<!tpu.dma_semaphore, #tpu.memory_space<semaphore_mem>>)
      } else {
      }
      %mul3A_311 = arith.constant 2 : i32
      %mul3A_312 = arith.muli %mul3A_311, %scan3A_270 : i32
      %add3A_313 = arith.constant 1 : i32
      %add3A_314 = arith.addi %mul3A_312, %add3A_313 : i32
      %dma_wait3A_315 = arith.constant 0 : i32
      %dma_wait3A_316 = arith.constant 0 : i32
      %dma_wait3A_317 = tpu.memref_slice %arg2[%dma_wait3A_315, %dma_wait3A_316] : memref<10240x128xf32, #tpu.memory_space<hbm>> -> memref<10240x128xf32, #tpu.memory_space<hbm>>
      tpu.wait_indirect_dma semaphore(%arg26 : memref<!tpu.dma_semaphore, #tpu.memory_space<semaphore_mem>>) src(%dma_wait3A_317 : memref<10240x128xf32, #tpu.memory_space<hbm>>) dst(%arg15 : memref<40x128xf32, #tpu.memory_space<vmem>>)
      %dma_wait3A_318 = arith.constant 0 : i32
      %dma_wait3A_319 = arith.constant 0 : i32
      %dma_wait3A_320 = tpu.memref_slice %arg3[%dma_wait3A_318, %dma_wait3A_319] : memref<10240x128xf32, #tpu.memory_space<hbm>> -> memref<10240x128xf32, #tpu.memory_space<hbm>>
      tpu.wait_indirect_dma semaphore(%arg27 : memref<!tpu.dma_semaphore, #tpu.memory_space<semaphore_mem>>) src(%dma_wait3A_320 : memref<10240x128xf32, #tpu.memory_space<hbm>>) dst(%arg16 : memref<40x128xf32, #tpu.memory_space<vmem>>)
      %dma_wait3A_321 = arith.constant 0 : i32
      %dma_wait3A_322 = arith.constant 0 : i32
      %dma_wait3A_323 = tpu.memref_slice %arg4[%dma_wait3A_321, %dma_wait3A_322] : memref<320000x128xf32, #tpu.memory_space<hbm>> -> memref<40x128xf32, #tpu.memory_space<hbm>>
      %dma_wait3A_324 = arith.constant 0 : i32
      %dma_wait3A_325 = arith.constant 0 : i32
      %dma_wait3A_326 = tpu.memref_slice %arg4[%dma_wait3A_324, %dma_wait3A_325] : memref<320000x128xf32, #tpu.memory_space<hbm>> -> memref<40x128xf32, #tpu.memory_space<hbm>>
      tpu.wait_dma2 semaphore(%arg28 : memref<!tpu.dma_semaphore, #tpu.memory_space<semaphore_mem>>) src(%dma_wait3A_326 : memref<40x128xf32, #tpu.memory_space<hbm>>) dst(%arg17 : memref<40x128xf32, #tpu.memory_space<vmem>>)
      %add3A_327 = arith.constant 2 : i32
      %add3A_328 = arith.addi %add3A_314, %add3A_327 : i32
      %lt3A_329 = arith.constant 250 : i32
      %lt3A_330 = arith.cmpi slt, %add3A_328, %lt3A_329 : i32
      %convert_element_type3A_331 = arith.extui %lt3A_330 : i1 to i32
      %cond3A_332 = arith.constant 0 : i32
      %cond3A_333 = arith.cmpi ne, %convert_element_type3A_331, %cond3A_332 : i32
      scf.if %cond3A_333 {
        %add3A_355 = arith.constant 2 : i32
        %add3A_356 = arith.addi %add3A_314, %add3A_355 : i32
        %mul3A_357 = arith.constant 40 : i32
        %mul3A_358 = arith.muli %add3A_356, %mul3A_357 : i32
        %add3A_359 = arith.addi %mul3A_72, %mul3A_358 : i32
        %dma_start3A_360 = tpu.memref_slice %arg5[%add3A_359] : memref<320000xi32, #tpu.memory_space<hbm>> -> memref<40xi32, #tpu.memory_space<hbm>>
        %dma_start3A_361 = tpu.memref_slice %arg5[%add3A_359] : memref<320000xi32, #tpu.memory_space<hbm>> -> memref<40xi32, #tpu.memory_space<hbm>>
        tpu.enqueue_dma source(%dma_start3A_361 : memref<40xi32, #tpu.memory_space<hbm>>) target(%arg13 : memref<40xi32, #tpu.memory_space<vmem>>) target_semaphore(%arg30 : memref<!tpu.dma_semaphore, #tpu.memory_space<semaphore_mem>>)
        %dma_start3A_362 = tpu.memref_slice %arg6[%add3A_359] : memref<320000xi32, #tpu.memory_space<hbm>> -> memref<40xi32, #tpu.memory_space<hbm>>
        %dma_start3A_363 = tpu.memref_slice %arg6[%add3A_359] : memref<320000xi32, #tpu.memory_space<hbm>> -> memref<40xi32, #tpu.memory_space<hbm>>
        tpu.enqueue_dma source(%dma_start3A_363 : memref<40xi32, #tpu.memory_space<hbm>>) target(%arg14 : memref<40xi32, #tpu.memory_space<vmem>>) target_semaphore(%arg32 : memref<!tpu.dma_semaphore, #tpu.memory_space<semaphore_mem>>)
      } else {
      }
      %ge3A_334 = arith.constant 1 : i32
      %ge3A_335 = arith.cmpi sge, %scan3A_270, %ge3A_334 : i32
      %convert_element_type3A_336 = arith.extui %ge3A_335 : i1 to i32
      %cond3A_337 = arith.constant 0 : i32
      %cond3A_338 = arith.cmpi ne, %convert_element_type3A_336, %cond3A_337 : i32
      scf.if %cond3A_338 {
        %dma_wait3A_355 = arith.constant 0 : i32
        %dma_wait3A_356 = arith.constant 0 : i32
        %dma_wait3A_357 = tpu.memref_slice %arg22[%dma_wait3A_355, %dma_wait3A_356] : memref<10240x128xf32, #tpu.memory_space<vmem_shared>> -> memref<10240x128xf32, #tpu.memory_space<vmem_shared>>
        tpu.wait_indirect_dma semaphore(%arg34 : memref<!tpu.dma_semaphore, #tpu.memory_space<semaphore_mem>>) src(%arg19 : memref<40x128xf32, #tpu.memory_space<vmem>>) dst(%dma_wait3A_357 : memref<10240x128xf32, #tpu.memory_space<vmem_shared>>)
      } else {
      }
      %scan3A_339 = arith.constant 0 : i32
      %scan3A_340 = arith.constant 0 : i32
      %scan3A_341 = arith.constant 40 : i32
      %scan3A_342 = arith.addi %scan3A_340, %scan3A_341 : i32
      %scan3A_343 = arith.constant 1 : i32
      scf.for %scan3A_355 = %scan3A_340 to %scan3A_342 step %scan3A_343  : i32 {
        %get3A_356 = arith.index_cast %scan3A_355 : i32 to index
        %get3A_357 = arith.constant 0 : index
        %get3A_358 = tpu.vector_load %arg15[%get3A_356, %get3A_357] {strides = array<i32>} : memref<40x128xf32, #tpu.memory_space<vmem>>, vector<16xf32>,
        %get3A_359 = arith.index_cast %scan3A_355 : i32 to index
        %get3A_360 = arith.constant 0 : index
        %get3A_361 = tpu.vector_load %arg16[%get3A_359, %get3A_360] {strides = array<i32>} : memref<40x128xf32, #tpu.memory_space<vmem>>, vector<16xf32>,
        %add3A_362 = arith.addf %get3A_358, %get3A_361 : vector<16xf32>
        %get3A_363 = arith.index_cast %scan3A_355 : i32 to index
        %get3A_364 = arith.constant 0 : index
        %get3A_365 = tpu.vector_load %arg17[%get3A_363, %get3A_364] {strides = array<i32>} : memref<40x128xf32, #tpu.memory_space<vmem>>, vector<16xf32>,
        %add3A_366 = arith.addf %add3A_362, %get3A_365 : vector<16xf32>
        %max3A = arith.constant 0.000000e+00 : f32
        %max3A_367 = vector.broadcast %max3A : f32 to vector<16xf32>
        %max3A_368 = arith.maximumf %add3A_366, %max3A_367 : vector<16xf32>
        %swap3A_369 = arith.index_cast %scan3A_355 : i32 to index
        %swap3A_370 = arith.constant 0 : index
        %swap3A_371 = tpu.vector_load %arg19[%swap3A_369, %swap3A_370] {strides = array<i32>} : memref<40x128xf32, #tpu.memory_space<vmem>>, vector<16xf32>,
        tpu.vector_store %arg19[%swap3A_369, %swap3A_370], %max3A_368 {strides = array<i32>} : memref<40x128xf32, #tpu.memory_space<vmem>>, vector<16xf32>,
        %get3A_372 = arith.index_cast %scan3A_355 : i32 to index
        %get3A_373 = arith.constant 16 : index
        %get3A_374 = tpu.vector_load %arg15[%get3A_372, %get3A_373] {strides = array<i32>} : memref<40x128xf32, #tpu.memory_space<vmem>>, vector<16xf32>,
        %get3A_375 = arith.index_cast %scan3A_355 : i32 to index
        %get3A_376 = arith.constant 16 : index
        %get3A_377 = tpu.vector_load %arg16[%get3A_375, %get3A_376] {strides = array<i32>} : memref<40x128xf32, #tpu.memory_space<vmem>>, vector<16xf32>,
        %add3A_378 = arith.addf %get3A_374, %get3A_377 : vector<16xf32>
        %get3A_379 = arith.index_cast %scan3A_355 : i32 to index
        %get3A_380 = arith.constant 16 : index
        %get3A_381 = tpu.vector_load %arg17[%get3A_379, %get3A_380] {strides = array<i32>} : memref<40x128xf32, #tpu.memory_space<vmem>>, vector<16xf32>,
        %add3A_382 = arith.addf %add3A_378, %get3A_381 : vector<16xf32>
        %max3A_383 = arith.constant 0.000000e+00 : f32
        %max3A_384 = vector.broadcast %max3A_383 : f32 to vector<16xf32>
        %max3A_385 = arith.maximumf %add3A_382, %max3A_384 : vector<16xf32>
        %swap3A_386 = arith.index_cast %scan3A_355 : i32 to index
        %swap3A_387 = arith.constant 16 : index
        %swap3A_388 = tpu.vector_load %arg19[%swap3A_386, %swap3A_387] {strides = array<i32>} : memref<40x128xf32, #tpu.memory_space<vmem>>, vector<16xf32>,
        tpu.vector_store %arg19[%swap3A_386, %swap3A_387], %max3A_385 {strides = array<i32>} : memref<40x128xf32, #tpu.memory_space<vmem>>, vector<16xf32>,
        %get3A_389 = arith.index_cast %scan3A_355 : i32 to index
        %get3A_390 = arith.constant 32 : index
        %get3A_391 = tpu.vector_load %arg15[%get3A_389, %get3A_390] {strides = array<i32>} : memref<40x128xf32, #tpu.memory_space<vmem>>, vector<16xf32>,
        %get3A_392 = arith.index_cast %scan3A_355 : i32 to index
        %get3A_393 = arith.constant 32 : index
        %get3A_394 = tpu.vector_load %arg16[%get3A_392, %get3A_393] {strides = array<i32>} : memref<40x128xf32, #tpu.memory_space<vmem>>, vector<16xf32>,
        %add3A_395 = arith.addf %get3A_391, %get3A_394 : vector<16xf32>
        %get3A_396 = arith.index_cast %scan3A_355 : i32 to index
        %get3A_397 = arith.constant 32 : index
        %get3A_398 = tpu.vector_load %arg17[%get3A_396, %get3A_397] {strides = array<i32>} : memref<40x128xf32, #tpu.memory_space<vmem>>, vector<16xf32>,
        %add3A_399 = arith.addf %add3A_395, %get3A_398 : vector<16xf32>
        %max3A_400 = arith.constant 0.000000e+00 : f32
        %max3A_401 = vector.broadcast %max3A_400 : f32 to vector<16xf32>
        %max3A_402 = arith.maximumf %add3A_399, %max3A_401 : vector<16xf32>
        %swap3A_403 = arith.index_cast %scan3A_355 : i32 to index
        %swap3A_404 = arith.constant 32 : index
        %swap3A_405 = tpu.vector_load %arg19[%swap3A_403, %swap3A_404] {strides = array<i32>} : memref<40x128xf32, #tpu.memory_space<vmem>>, vector<16xf32>,
        tpu.vector_store %arg19[%swap3A_403, %swap3A_404], %max3A_402 {strides = array<i32>} : memref<40x128xf32, #tpu.memory_space<vmem>>, vector<16xf32>,
        %get3A_406 = arith.index_cast %scan3A_355 : i32 to index
        %get3A_407 = arith.constant 48 : index
        %get3A_408 = tpu.vector_load %arg15[%get3A_406, %get3A_407] {strides = array<i32>} : memref<40x128xf32, #tpu.memory_space<vmem>>, vector<16xf32>,
        %get3A_409 = arith.index_cast %scan3A_355 : i32 to index
        %get3A_410 = arith.constant 48 : index
        %get3A_411 = tpu.vector_load %arg16[%get3A_409, %get3A_410] {strides = array<i32>} : memref<40x128xf32, #tpu.memory_space<vmem>>, vector<16xf32>,
        %add3A_412 = arith.addf %get3A_408, %get3A_411 : vector<16xf32>
        %get3A_413 = arith.index_cast %scan3A_355 : i32 to index
        %get3A_414 = arith.constant 48 : index
        %get3A_415 = tpu.vector_load %arg17[%get3A_413, %get3A_414] {strides = array<i32>} : memref<40x128xf32, #tpu.memory_space<vmem>>, vector<16xf32>,
        %add3A_416 = arith.addf %add3A_412, %get3A_415 : vector<16xf32>
        %max3A_417 = arith.constant 0.000000e+00 : f32
        %max3A_418 = vector.broadcast %max3A_417 : f32 to vector<16xf32>
        %max3A_419 = arith.maximumf %add3A_416, %max3A_418 : vector<16xf32>
        %swap3A_420 = arith.index_cast %scan3A_355 : i32 to index
        %swap3A_421 = arith.constant 48 : index
        %swap3A_422 = tpu.vector_load %arg19[%swap3A_420, %swap3A_421] {strides = array<i32>} : memref<40x128xf32, #tpu.memory_space<vmem>>, vector<16xf32>,
        tpu.vector_store %arg19[%swap3A_420, %swap3A_421], %max3A_419 {strides = array<i32>} : memref<40x128xf32, #tpu.memory_space<vmem>>, vector<16xf32>,
        %get3A_423 = arith.index_cast %scan3A_355 : i32 to index
        %get3A_424 = arith.constant 64 : index
        %get3A_425 = tpu.vector_load %arg15[%get3A_423, %get3A_424] {strides = array<i32>} : memref<40x128xf32, #tpu.memory_space<vmem>>, vector<16xf32>,
        %get3A_426 = arith.index_cast %scan3A_355 : i32 to index
        %get3A_427 = arith.constant 64 : index
        %get3A_428 = tpu.vector_load %arg16[%get3A_426, %get3A_427] {strides = array<i32>} : memref<40x128xf32, #tpu.memory_space<vmem>>, vector<16xf32>,
        %add3A_429 = arith.addf %get3A_425, %get3A_428 : vector<16xf32>
        %get3A_430 = arith.index_cast %scan3A_355 : i32 to index
        %get3A_431 = arith.constant 64 : index
        %get3A_432 = tpu.vector_load %arg17[%get3A_430, %get3A_431] {strides = array<i32>} : memref<40x128xf32, #tpu.memory_space<vmem>>, vector<16xf32>,
        %add3A_433 = arith.addf %add3A_429, %get3A_432 : vector<16xf32>
        %max3A_434 = arith.constant 0.000000e+00 : f32
        %max3A_435 = vector.broadcast %max3A_434 : f32 to vector<16xf32>
        %max3A_436 = arith.maximumf %add3A_433, %max3A_435 : vector<16xf32>
        %swap3A_437 = arith.index_cast %scan3A_355 : i32 to index
        %swap3A_438 = arith.constant 64 : index
        %swap3A_439 = tpu.vector_load %arg19[%swap3A_437, %swap3A_438] {strides = array<i32>} : memref<40x128xf32, #tpu.memory_space<vmem>>, vector<16xf32>,
        tpu.vector_store %arg19[%swap3A_437, %swap3A_438], %max3A_436 {strides = array<i32>} : memref<40x128xf32, #tpu.memory_space<vmem>>, vector<16xf32>,
        %get3A_440 = arith.index_cast %scan3A_355 : i32 to index
        %get3A_441 = arith.constant 80 : index
        %get3A_442 = tpu.vector_load %arg15[%get3A_440, %get3A_441] {strides = array<i32>} : memref<40x128xf32, #tpu.memory_space<vmem>>, vector<16xf32>,
        %get3A_443 = arith.index_cast %scan3A_355 : i32 to index
        %get3A_444 = arith.constant 80 : index
        %get3A_445 = tpu.vector_load %arg16[%get3A_443, %get3A_444] {strides = array<i32>} : memref<40x128xf32, #tpu.memory_space<vmem>>, vector<16xf32>,
        %add3A_446 = arith.addf %get3A_442, %get3A_445 : vector<16xf32>
        %get3A_447 = arith.index_cast %scan3A_355 : i32 to index
        %get3A_448 = arith.constant 80 : index
        %get3A_449 = tpu.vector_load %arg17[%get3A_447, %get3A_448] {strides = array<i32>} : memref<40x128xf32, #tpu.memory_space<vmem>>, vector<16xf32>,
        %add3A_450 = arith.addf %add3A_446, %get3A_449 : vector<16xf32>
        %max3A_451 = arith.constant 0.000000e+00 : f32
        %max3A_452 = vector.broadcast %max3A_451 : f32 to vector<16xf32>
        %max3A_453 = arith.maximumf %add3A_450, %max3A_452 : vector<16xf32>
        %swap3A_454 = arith.index_cast %scan3A_355 : i32 to index
        %swap3A_455 = arith.constant 80 : index
        %swap3A_456 = tpu.vector_load %arg19[%swap3A_454, %swap3A_455] {strides = array<i32>} : memref<40x128xf32, #tpu.memory_space<vmem>>, vector<16xf32>,
        tpu.vector_store %arg19[%swap3A_454, %swap3A_455], %max3A_453 {strides = array<i32>} : memref<40x128xf32, #tpu.memory_space<vmem>>, vector<16xf32>,
        %get3A_457 = arith.index_cast %scan3A_355 : i32 to index
        %get3A_458 = arith.constant 96 : index
        %get3A_459 = tpu.vector_load %arg15[%get3A_457, %get3A_458] {strides = array<i32>} : memref<40x128xf32, #tpu.memory_space<vmem>>, vector<16xf32>,
        %get3A_460 = arith.index_cast %scan3A_355 : i32 to index
        %get3A_461 = arith.constant 96 : index
        %get3A_462 = tpu.vector_load %arg16[%get3A_460, %get3A_461] {strides = array<i32>} : memref<40x128xf32, #tpu.memory_space<vmem>>, vector<16xf32>,
        %add3A_463 = arith.addf %get3A_459, %get3A_462 : vector<16xf32>
        %get3A_464 = arith.index_cast %scan3A_355 : i32 to index
        %get3A_465 = arith.constant 96 : index
        %get3A_466 = tpu.vector_load %arg17[%get3A_464, %get3A_465] {strides = array<i32>} : memref<40x128xf32, #tpu.memory_space<vmem>>, vector<16xf32>,
        %add3A_467 = arith.addf %add3A_463, %get3A_466 : vector<16xf32>
        %max3A_468 = arith.constant 0.000000e+00 : f32
        %max3A_469 = vector.broadcast %max3A_468 : f32 to vector<16xf32>
        %max3A_470 = arith.maximumf %add3A_467, %max3A_469 : vector<16xf32>
        %swap3A_471 = arith.index_cast %scan3A_355 : i32 to index
        %swap3A_472 = arith.constant 96 : index
        %swap3A_473 = tpu.vector_load %arg19[%swap3A_471, %swap3A_472] {strides = array<i32>} : memref<40x128xf32, #tpu.memory_space<vmem>>, vector<16xf32>,
        tpu.vector_store %arg19[%swap3A_471, %swap3A_472], %max3A_470 {strides = array<i32>} : memref<40x128xf32, #tpu.memory_space<vmem>>, vector<16xf32>,
        %get3A_474 = arith.index_cast %scan3A_355 : i32 to index
        %get3A_475 = arith.constant 112 : index
        %get3A_476 = tpu.vector_load %arg15[%get3A_474, %get3A_475] {strides = array<i32>} : memref<40x128xf32, #tpu.memory_space<vmem>>, vector<16xf32>,
        %get3A_477 = arith.index_cast %scan3A_355 : i32 to index
        %get3A_478 = arith.constant 112 : index
        %get3A_479 = tpu.vector_load %arg16[%get3A_477, %get3A_478] {strides = array<i32>} : memref<40x128xf32, #tpu.memory_space<vmem>>, vector<16xf32>,
        %add3A_480 = arith.addf %get3A_476, %get3A_479 : vector<16xf32>
        %get3A_481 = arith.index_cast %scan3A_355 : i32 to index
        %get3A_482 = arith.constant 112 : index
        %get3A_483 = tpu.vector_load %arg17[%get3A_481, %get3A_482] {strides = array<i32>} : memref<40x128xf32, #tpu.memory_space<vmem>>, vector<16xf32>,
        %add3A_484 = arith.addf %add3A_480, %get3A_483 : vector<16xf32>
        %max3A_485 = arith.constant 0.000000e+00 : f32
        %max3A_486 = vector.broadcast %max3A_485 : f32 to vector<16xf32>
        %max3A_487 = arith.maximumf %add3A_484, %max3A_486 : vector<16xf32>
        %swap3A_488 = arith.index_cast %scan3A_355 : i32 to index
        %swap3A_489 = arith.constant 112 : index
        %swap3A_490 = tpu.vector_load %arg19[%swap3A_488, %swap3A_489] {strides = array<i32>} : memref<40x128xf32, #tpu.memory_space<vmem>>, vector<16xf32>,
        tpu.vector_store %arg19[%swap3A_488, %swap3A_489], %max3A_487 {strides = array<i32>} : memref<40x128xf32, #tpu.memory_space<vmem>>, vector<16xf32>,
      }
      %scan3A_344 = arith.constant 40 : i32
      %dma_start3A_345 = arith.constant 0 : i32
      %dma_start3A_346 = arith.constant 0 : i32
      %dma_start3A_347 = tpu.memref_slice %arg22[%dma_start3A_345, %dma_start3A_346] : memref<10240x128xf32, #tpu.memory_space<vmem_shared>> -> memref<10240x128xf32, #tpu.memory_space<vmem_shared>>
      tpu.enqueue_indirect_dma source(%arg19 : memref<40x128xf32, #tpu.memory_space<vmem>>) target(%dma_start3A_347 : memref<10240x128xf32, #tpu.memory_space<vmem_shared>>) offsets(%arg21 : memref<40xi32, #tpu.memory_space<vmem>>) semaphore(%arg34 : memref<!tpu.dma_semaphore, #tpu.memory_space<semaphore_mem>>) {add = true}
      %add3A_348 = arith.constant 2 : i32
      %add3A_349 = arith.addi %add3A_314, %add3A_348 : i32
      %lt3A_350 = arith.constant 250 : i32
      %lt3A_351 = arith.cmpi slt, %add3A_349, %lt3A_350 : i32
      %convert_element_type3A_352 = arith.extui %lt3A_351 : i1 to i32
      %cond3A_353 = arith.constant 0 : i32
      %cond3A_354 = arith.cmpi ne, %convert_element_type3A_352, %cond3A_353 : i32
      scf.if %cond3A_354 {
        %dma_wait3A_355 = arith.constant 0 : i32
        %dma_wait3A_356 = tpu.memref_slice %arg5[%dma_wait3A_355] : memref<320000xi32, #tpu.memory_space<hbm>> -> memref<40xi32, #tpu.memory_space<hbm>>
        %dma_wait3A_357 = arith.constant 0 : i32
        %dma_wait3A_358 = tpu.memref_slice %arg5[%dma_wait3A_357] : memref<320000xi32, #tpu.memory_space<hbm>> -> memref<40xi32, #tpu.memory_space<hbm>>
        tpu.wait_dma2 semaphore(%arg30 : memref<!tpu.dma_semaphore, #tpu.memory_space<semaphore_mem>>) src(%dma_wait3A_358 : memref<40xi32, #tpu.memory_space<hbm>>) dst(%arg13 : memref<40xi32, #tpu.memory_space<vmem>>)
        %dma_wait3A_359 = arith.constant 0 : i32
        %dma_wait3A_360 = tpu.memref_slice %arg6[%dma_wait3A_359] : memref<320000xi32, #tpu.memory_space<hbm>> -> memref<40xi32, #tpu.memory_space<hbm>>
        %dma_wait3A_361 = arith.constant 0 : i32
        %dma_wait3A_362 = tpu.memref_slice %arg6[%dma_wait3A_361] : memref<320000xi32, #tpu.memory_space<hbm>> -> memref<40xi32, #tpu.memory_space<hbm>>
        tpu.wait_dma2 semaphore(%arg32 : memref<!tpu.dma_semaphore, #tpu.memory_space<semaphore_mem>>) src(%dma_wait3A_362 : memref<40xi32, #tpu.memory_space<hbm>>) dst(%arg14 : memref<40xi32, #tpu.memory_space<vmem>>)
        %get3A_363 = arith.constant 0 : index
        %get3A_364 = tpu.vector_load %arg13[%get3A_363] {strides = array<i32>} : memref<40xi32, #tpu.memory_space<vmem>>, vector<16xi32>,
        %swap3A_365 = arith.constant 0 : index
        %swap3A_366 = tpu.vector_load %arg21[%swap3A_365] {strides = array<i32>} : memref<40xi32, #tpu.memory_space<vmem>>, vector<16xi32>,
        tpu.vector_store %arg21[%swap3A_365], %get3A_364 {strides = array<i32>} : memref<40xi32, #tpu.memory_space<vmem>>, vector<16xi32>,
        %get3A_367 = arith.constant 16 : index
        %get3A_368 = tpu.vector_load %arg13[%get3A_367] {strides = array<i32>} : memref<40xi32, #tpu.memory_space<vmem>>, vector<16xi32>,
        %swap3A_369 = arith.constant 16 : index
        %swap3A_370 = tpu.vector_load %arg21[%swap3A_369] {strides = array<i32>} : memref<40xi32, #tpu.memory_space<vmem>>, vector<16xi32>,
        tpu.vector_store %arg21[%swap3A_369], %get3A_368 {strides = array<i32>} : memref<40xi32, #tpu.memory_space<vmem>>, vector<16xi32>,
        %get3A_371 = arith.constant 24 : index
        %get3A_372 = tpu.vector_load %arg13[%get3A_371] {strides = array<i32>} : memref<40xi32, #tpu.memory_space<vmem>>, vector<16xi32>,
        %swap3A_373 = arith.constant 24 : index
        %swap3A_374 = tpu.vector_load %arg21[%swap3A_373] {strides = array<i32>} : memref<40xi32, #tpu.memory_space<vmem>>, vector<16xi32>,
        tpu.vector_store %arg21[%swap3A_373], %get3A_372 {strides = array<i32>} : memref<40xi32, #tpu.memory_space<vmem>>, vector<16xi32>,
        %add3A_375 = arith.constant 2 : i32
        %add3A_376 = arith.addi %add3A_314, %add3A_375 : i32
        %mul3A_377 = arith.constant 40 : i32
        %mul3A_378 = arith.muli %add3A_376, %mul3A_377 : i32
        %add3A_379 = arith.addi %mul3A_72, %mul3A_378 : i32
        %dma_start3A_380 = arith.constant 0 : i32
        %dma_start3A_381 = arith.constant 0 : i32
        %dma_start3A_382 = tpu.memref_slice %arg2[%dma_start3A_380, %dma_start3A_381] : memref<10240x128xf32, #tpu.memory_space<hbm>> -> memref<10240x128xf32, #tpu.memory_space<hbm>>
        tpu.enqueue_indirect_dma source(%dma_start3A_382 : memref<10240x128xf32, #tpu.memory_space<hbm>>) target(%arg15 : memref<40x128xf32, #tpu.memory_space<vmem>>) offsets(%arg13 : memref<40xi32, #tpu.memory_space<vmem>>) semaphore(%arg26 : memref<!tpu.dma_semaphore, #tpu.memory_space<semaphore_mem>>)
        %dma_start3A_383 = arith.constant 0 : i32
        %dma_start3A_384 = arith.constant 0 : i32
        %dma_start3A_385 = tpu.memref_slice %arg3[%dma_start3A_383, %dma_start3A_384] : memref<10240x128xf32, #tpu.memory_space<hbm>> -> memref<10240x128xf32, #tpu.memory_space<hbm>>
        tpu.enqueue_indirect_dma source(%dma_start3A_385 : memref<10240x128xf32, #tpu.memory_space<hbm>>) target(%arg16 : memref<40x128xf32, #tpu.memory_space<vmem>>) offsets(%arg14 : memref<40xi32, #tpu.memory_space<vmem>>) semaphore(%arg27 : memref<!tpu.dma_semaphore, #tpu.memory_space<semaphore_mem>>)
        %dma_start3A_386 = arith.constant 0 : i32
        %dma_start3A_387 = tpu.memref_slice %arg4[%add3A_379, %dma_start3A_386] : memref<320000x128xf32, #tpu.memory_space<hbm>> -> memref<40x128xf32, #tpu.memory_space<hbm>>
        %dma_start3A_388 = arith.constant 0 : i32
        %dma_start3A_389 = tpu.memref_slice %arg4[%add3A_379, %dma_start3A_388] : memref<320000x128xf32, #tpu.memory_space<hbm>> -> memref<40x128xf32, #tpu.memory_space<hbm>>
        tpu.enqueue_dma source(%dma_start3A_389 : memref<40x128xf32, #tpu.memory_space<hbm>>) target(%arg17 : memref<40x128xf32, #tpu.memory_space<vmem>>) target_semaphore(%arg28 : memref<!tpu.dma_semaphore, #tpu.memory_space<semaphore_mem>>)
      } else {
      }
    }
    %scan3A_150 = arith.constant 125 : i32
    %dma_wait3A_151 = arith.constant 0 : i32
    %dma_wait3A_152 = arith.constant 0 : i32
    %dma_wait3A_153 = tpu.memref_slice %arg22[%dma_wait3A_151, %dma_wait3A_152] : memref<10240x128xf32, #tpu.memory_space<vmem_shared>> -> memref<10240x128xf32, #tpu.memory_space<vmem_shared>>
    tpu.wait_indirect_dma semaphore(%arg33 : memref<!tpu.dma_semaphore, #tpu.memory_space<semaphore_mem>>) src(%arg18 : memref<40x128xf32, #tpu.memory_space<vmem>>) dst(%dma_wait3A_153 : memref<10240x128xf32, #tpu.memory_space<vmem_shared>>)
    %dma_wait3A_154 = arith.constant 0 : i32
    %dma_wait3A_155 = arith.constant 0 : i32
    %dma_wait3A_156 = tpu.memref_slice %arg22[%dma_wait3A_154, %dma_wait3A_155] : memref<10240x128xf32, #tpu.memory_space<vmem_shared>> -> memref<10240x128xf32, #tpu.memory_space<vmem_shared>>
    tpu.wait_indirect_dma semaphore(%arg34 : memref<!tpu.dma_semaphore, #tpu.memory_space<semaphore_mem>>) src(%arg19 : memref<40x128xf32, #tpu.memory_space<vmem>>) dst(%dma_wait3A_156 : memref<10240x128xf32, #tpu.memory_space<vmem_shared>>)
    %barrier3A_157 = arith.constant 0 : index
    tpu.barrier barrier_id(%barrier3A_157)
    %mul3A_158 = arith.constant 640 : i32
    %mul3A_159 = arith.muli %arg1, %mul3A_158 : i32
    %add3A_160 = arith.constant 0 : i32
    %add3A_161 = arith.addi %mul3A_159, %add3A_160 : i32
    "tpu.region"() ({
      %run_scoped3A = tpu.sem_alloc : memref<!tpu.dma_semaphore, #tpu.memory_space<semaphore_mem>>
      %dma_start3A_270 = arith.constant 0 : i32
      %dma_start3A_271 = tpu.memref_slice %arg22[%add3A_161, %dma_start3A_270] : memref<10240x128xf32, #tpu.memory_space<vmem_shared>> -> memref<40x128xf32, #tpu.memory_space<vmem_shared>>
      %dma_start3A_272 = arith.constant 0 : i32
      %dma_start3A_273 = tpu.memref_slice %arg22[%add3A_161, %dma_start3A_272] : memref<10240x128xf32, #tpu.memory_space<vmem_shared>> -> memref<40x128xf32, #tpu.memory_space<vmem_shared>>
      tpu.enqueue_dma source(%dma_start3A_273 : memref<40x128xf32, #tpu.memory_space<vmem_shared>>) target(%arg18 : memref<40x128xf32, #tpu.memory_space<vmem>>) target_semaphore(%run_scoped3A : memref<!tpu.dma_semaphore, #tpu.memory_space<semaphore_mem>>)
      %dma_wait3A_274 = arith.constant 0 : i32
      %dma_wait3A_275 = tpu.memref_slice %arg22[%add3A_161, %dma_wait3A_274] : memref<10240x128xf32, #tpu.memory_space<vmem_shared>> -> memref<40x128xf32, #tpu.memory_space<vmem_shared>>
      %dma_wait3A_276 = arith.constant 0 : i32
      %dma_wait3A_277 = tpu.memref_slice %arg22[%add3A_161, %dma_wait3A_276] : memref<10240x128xf32, #tpu.memory_space<vmem_shared>> -> memref<40x128xf32, #tpu.memory_space<vmem_shared>>
      tpu.wait_dma2 semaphore(%run_scoped3A : memref<!tpu.dma_semaphore, #tpu.memory_space<semaphore_mem>>) src(%dma_wait3A_277 : memref<40x128xf32, #tpu.memory_space<vmem_shared>>) dst(%arg18 : memref<40x128xf32, #tpu.memory_space<vmem>>)
      tpu.yield
    }) : () -> ()
    %mul3A_162 = arith.constant 10240 : i32
    %mul3A_163 = arith.muli %arg0, %mul3A_162 : i32
    %add3A_164 = arith.addi %mul3A_163, %add3A_161 : i32
    "tpu.region"() ({
      %run_scoped3A = tpu.sem_alloc : memref<!tpu.dma_semaphore, #tpu.memory_space<semaphore_mem>>
      %dma_start3A_270 = arith.constant 0 : i32
      %dma_start3A_271 = tpu.memref_slice %arg7[%add3A_164, %dma_start3A_270] : memref<20480x128xf32, #tpu.memory_space<hbm>> -> memref<40x128xf32, #tpu.memory_space<hbm>>
      %dma_start3A_272 = arith.constant 0 : i32
      %dma_start3A_273 = tpu.memref_slice %arg7[%add3A_164, %dma_start3A_272] : memref<20480x128xf32, #tpu.memory_space<hbm>> -> memref<40x128xf32, #tpu.memory_space<hbm>>
      tpu.enqueue_dma source(%arg18 : memref<40x128xf32, #tpu.memory_space<vmem>>) target(%dma_start3A_273 : memref<40x128xf32, #tpu.memory_space<hbm>>) target_semaphore(%run_scoped3A : memref<!tpu.dma_semaphore, #tpu.memory_space<semaphore_mem>>)
      %dma_wait3A_274 = arith.constant 0 : i32
      %dma_wait3A_275 = tpu.memref_slice %arg7[%add3A_164, %dma_wait3A_274] : memref<20480x128xf32, #tpu.memory_space<hbm>> -> memref<40x128xf32, #tpu.memory_space<hbm>>
      %dma_wait3A_276 = arith.constant 0 : i32
      %dma_wait3A_277 = tpu.memref_slice %arg7[%add3A_164, %dma_wait3A_276] : memref<20480x128xf32, #tpu.memory_space<hbm>> -> memref<40x128xf32, #tpu.memory_space<hbm>>
      tpu.wait_dma2 semaphore(%run_scoped3A : memref<!tpu.dma_semaphore, #tpu.memory_space<semaphore_mem>>) src(%arg18 : memref<40x128xf32, #tpu.memory_space<vmem>>) dst(%dma_wait3A_277 : memref<40x128xf32, #tpu.memory_space<hbm>>)
      tpu.yield
    }) : () -> ()
    %mul3A_165 = arith.constant 640 : i32
    %mul3A_166 = arith.muli %arg1, %mul3A_165 : i32
    %add3A_167 = arith.constant 40 : i32
    %add3A_168 = arith.addi %mul3A_166, %add3A_167 : i32
    "tpu.region"() ({
      %run_scoped3A = tpu.sem_alloc : memref<!tpu.dma_semaphore, #tpu.memory_space<semaphore_mem>>
      %dma_start3A_270 = arith.constant 0 : i32
      %dma_start3A_271 = tpu.memref_slice %arg22[%add3A_168, %dma_start3A_270] : memref<10240x128xf32, #tpu.memory_space<vmem_shared>> -> memref<40x128xf32, #tpu.memory_space<vmem_shared>>
      %dma_start3A_272 = arith.constant 0 : i32
      %dma_start3A_273 = tpu.memref_slice %arg22[%add3A_168, %dma_start3A_272] : memref<10240x128xf32, #tpu.memory_space<vmem_shared>> -> memref<40x128xf32, #tpu.memory_space<vmem_shared>>
      tpu.enqueue_dma source(%dma_start3A_273 : memref<40x128xf32, #tpu.memory_space<vmem_shared>>) target(%arg18 : memref<40x128xf32, #tpu.memory_space<vmem>>) target_semaphore(%run_scoped3A : memref<!tpu.dma_semaphore, #tpu.memory_space<semaphore_mem>>)
      %dma_wait3A_274 = arith.constant 0 : i32
      %dma_wait3A_275 = tpu.memref_slice %arg22[%add3A_168, %dma_wait3A_274] : memref<10240x128xf32, #tpu.memory_space<vmem_shared>> -> memref<40x128xf32, #tpu.memory_space<vmem_shared>>
      %dma_wait3A_276 = arith.constant 0 : i32
      %dma_wait3A_277 = tpu.memref_slice %arg22[%add3A_168, %dma_wait3A_276] : memref<10240x128xf32, #tpu.memory_space<vmem_shared>> -> memref<40x128xf32, #tpu.memory_space<vmem_shared>>
      tpu.wait_dma2 semaphore(%run_scoped3A : memref<!tpu.dma_semaphore, #tpu.memory_space<semaphore_mem>>) src(%dma_wait3A_277 : memref<40x128xf32, #tpu.memory_space<vmem_shared>>) dst(%arg18 : memref<40x128xf32, #tpu.memory_space<vmem>>)
      tpu.yield
    }) : () -> ()
    %mul3A_169 = arith.constant 10240 : i32
    %mul3A_170 = arith.muli %arg0, %mul3A_169 : i32
    %add3A_171 = arith.addi %mul3A_170, %add3A_168 : i32
    "tpu.region"() ({
      %run_scoped3A = tpu.sem_alloc : memref<!tpu.dma_semaphore, #tpu.memory_space<semaphore_mem>>
      %dma_start3A_270 = arith.constant 0 : i32
      %dma_start3A_271 = tpu.memref_slice %arg7[%add3A_171, %dma_start3A_270] : memref<20480x128xf32, #tpu.memory_space<hbm>> -> memref<40x128xf32, #tpu.memory_space<hbm>>
      %dma_start3A_272 = arith.constant 0 : i32
      %dma_start3A_273 = tpu.memref_slice %arg7[%add3A_171, %dma_start3A_272] : memref<20480x128xf32, #tpu.memory_space<hbm>> -> memref<40x128xf32, #tpu.memory_space<hbm>>
      tpu.enqueue_dma source(%arg18 : memref<40x128xf32, #tpu.memory_space<vmem>>) target(%dma_start3A_273 : memref<40x128xf32, #tpu.memory_space<hbm>>) target_semaphore(%run_scoped3A : memref<!tpu.dma_semaphore, #tpu.memory_space<semaphore_mem>>)
      %dma_wait3A_274 = arith.constant 0 : i32
      %dma_wait3A_275 = tpu.memref_slice %arg7[%add3A_171, %dma_wait3A_274] : memref<20480x128xf32, #tpu.memory_space<hbm>> -> memref<40x128xf32, #tpu.memory_space<hbm>>
      %dma_wait3A_276 = arith.constant 0 : i32
      %dma_wait3A_277 = tpu.memref_slice %arg7[%add3A_171, %dma_wait3A_276] : memref<20480x128xf32, #tpu.memory_space<hbm>> -> memref<40x128xf32, #tpu.memory_space<hbm>>
      tpu.wait_dma2 semaphore(%run_scoped3A : memref<!tpu.dma_semaphore, #tpu.memory_space<semaphore_mem>>) src(%arg18 : memref<40x128xf32, #tpu.memory_space<vmem>>) dst(%dma_wait3A_277 : memref<40x128xf32, #tpu.memory_space<hbm>>)
      tpu.yield
    }) : () -> ()
    %mul3A_172 = arith.constant 640 : i32
    %mul3A_173 = arith.muli %arg1, %mul3A_172 : i32
    %add3A_174 = arith.constant 80 : i32
    %add3A_175 = arith.addi %mul3A_173, %add3A_174 : i32
    "tpu.region"() ({
      %run_scoped3A = tpu.sem_alloc : memref<!tpu.dma_semaphore, #tpu.memory_space<semaphore_mem>>
      %dma_start3A_270 = arith.constant 0 : i32
      %dma_start3A_271 = tpu.memref_slice %arg22[%add3A_175, %dma_start3A_270] : memref<10240x128xf32, #tpu.memory_space<vmem_shared>> -> memref<40x128xf32, #tpu.memory_space<vmem_shared>>
      %dma_start3A_272 = arith.constant 0 : i32
      %dma_start3A_273 = tpu.memref_slice %arg22[%add3A_175, %dma_start3A_272] : memref<10240x128xf32, #tpu.memory_space<vmem_shared>> -> memref<40x128xf32, #tpu.memory_space<vmem_shared>>
      tpu.enqueue_dma source(%dma_start3A_273 : memref<40x128xf32, #tpu.memory_space<vmem_shared>>) target(%arg18 : memref<40x128xf32, #tpu.memory_space<vmem>>) target_semaphore(%run_scoped3A : memref<!tpu.dma_semaphore, #tpu.memory_space<semaphore_mem>>)
      %dma_wait3A_274 = arith.constant 0 : i32
      %dma_wait3A_275 = tpu.memref_slice %arg22[%add3A_175, %dma_wait3A_274] : memref<10240x128xf32, #tpu.memory_space<vmem_shared>> -> memref<40x128xf32, #tpu.memory_space<vmem_shared>>
      %dma_wait3A_276 = arith.constant 0 : i32
      %dma_wait3A_277 = tpu.memref_slice %arg22[%add3A_175, %dma_wait3A_276] : memref<10240x128xf32, #tpu.memory_space<vmem_shared>> -> memref<40x128xf32, #tpu.memory_space<vmem_shared>>
      tpu.wait_dma2 semaphore(%run_scoped3A : memref<!tpu.dma_semaphore, #tpu.memory_space<semaphore_mem>>) src(%dma_wait3A_277 : memref<40x128xf32, #tpu.memory_space<vmem_shared>>) dst(%arg18 : memref<40x128xf32, #tpu.memory_space<vmem>>)
      tpu.yield
    }) : () -> ()
    %mul3A_176 = arith.constant 10240 : i32
    %mul3A_177 = arith.muli %arg0, %mul3A_176 : i32
    %add3A_178 = arith.addi %mul3A_177, %add3A_175 : i32
    "tpu.region"() ({
      %run_scoped3A = tpu.sem_alloc : memref<!tpu.dma_semaphore, #tpu.memory_space<semaphore_mem>>
      %dma_start3A_270 = arith.constant 0 : i32
      %dma_start3A_271 = tpu.memref_slice %arg7[%add3A_178, %dma_start3A_270] : memref<20480x128xf32, #tpu.memory_space<hbm>> -> memref<40x128xf32, #tpu.memory_space<hbm>>
      %dma_start3A_272 = arith.constant 0 : i32
      %dma_start3A_273 = tpu.memref_slice %arg7[%add3A_178, %dma_start3A_272] : memref<20480x128xf32, #tpu.memory_space<hbm>> -> memref<40x128xf32, #tpu.memory_space<hbm>>
      tpu.enqueue_dma source(%arg18 : memref<40x128xf32, #tpu.memory_space<vmem>>) target(%dma_start3A_273 : memref<40x128xf32, #tpu.memory_space<hbm>>) target_semaphore(%run_scoped3A : memref<!tpu.dma_semaphore, #tpu.memory_space<semaphore_mem>>)
      %dma_wait3A_274 = arith.constant 0 : i32
      %dma_wait3A_275 = tpu.memref_slice %arg7[%add3A_178, %dma_wait3A_274] : memref<20480x128xf32, #tpu.memory_space<hbm>> -> memref<40x128xf32, #tpu.memory_space<hbm>>
      %dma_wait3A_276 = arith.constant 0 : i32
      %dma_wait3A_277 = tpu.memref_slice %arg7[%add3A_178, %dma_wait3A_276] : memref<20480x128xf32, #tpu.memory_space<hbm>> -> memref<40x128xf32, #tpu.memory_space<hbm>>
      tpu.wait_dma2 semaphore(%run_scoped3A : memref<!tpu.dma_semaphore, #tpu.memory_space<semaphore_mem>>) src(%arg18 : memref<40x128xf32, #tpu.memory_space<vmem>>) dst(%dma_wait3A_277 : memref<40x128xf32, #tpu.memory_space<hbm>>)
      tpu.yield
    }) : () -> ()
    %mul3A_179 = arith.constant 640 : i32
    %mul3A_180 = arith.muli %arg1, %mul3A_179 : i32
    %add3A_181 = arith.constant 120 : i32
    %add3A_182 = arith.addi %mul3A_180, %add3A_181 : i32
    "tpu.region"() ({
      %run_scoped3A = tpu.sem_alloc : memref<!tpu.dma_semaphore, #tpu.memory_space<semaphore_mem>>
      %dma_start3A_270 = arith.constant 0 : i32
      %dma_start3A_271 = tpu.memref_slice %arg22[%add3A_182, %dma_start3A_270] : memref<10240x128xf32, #tpu.memory_space<vmem_shared>> -> memref<40x128xf32, #tpu.memory_space<vmem_shared>>
      %dma_start3A_272 = arith.constant 0 : i32
      %dma_start3A_273 = tpu.memref_slice %arg22[%add3A_182, %dma_start3A_272] : memref<10240x128xf32, #tpu.memory_space<vmem_shared>> -> memref<40x128xf32, #tpu.memory_space<vmem_shared>>
      tpu.enqueue_dma source(%dma_start3A_273 : memref<40x128xf32, #tpu.memory_space<vmem_shared>>) target(%arg18 : memref<40x128xf32, #tpu.memory_space<vmem>>) target_semaphore(%run_scoped3A : memref<!tpu.dma_semaphore, #tpu.memory_space<semaphore_mem>>)
      %dma_wait3A_274 = arith.constant 0 : i32
      %dma_wait3A_275 = tpu.memref_slice %arg22[%add3A_182, %dma_wait3A_274] : memref<10240x128xf32, #tpu.memory_space<vmem_shared>> -> memref<40x128xf32, #tpu.memory_space<vmem_shared>>
      %dma_wait3A_276 = arith.constant 0 : i32
      %dma_wait3A_277 = tpu.memref_slice %arg22[%add3A_182, %dma_wait3A_276] : memref<10240x128xf32, #tpu.memory_space<vmem_shared>> -> memref<40x128xf32, #tpu.memory_space<vmem_shared>>
      tpu.wait_dma2 semaphore(%run_scoped3A : memref<!tpu.dma_semaphore, #tpu.memory_space<semaphore_mem>>) src(%dma_wait3A_277 : memref<40x128xf32, #tpu.memory_space<vmem_shared>>) dst(%arg18 : memref<40x128xf32, #tpu.memory_space<vmem>>)
      tpu.yield
    }) : () -> ()
    %mul3A_183 = arith.constant 10240 : i32
    %mul3A_184 = arith.muli %arg0, %mul3A_183 : i32
    %add3A_185 = arith.addi %mul3A_184, %add3A_182 : i32
    "tpu.region"() ({
      %run_scoped3A = tpu.sem_alloc : memref<!tpu.dma_semaphore, #tpu.memory_space<semaphore_mem>>
      %dma_start3A_270 = arith.constant 0 : i32
      %dma_start3A_271 = tpu.memref_slice %arg7[%add3A_185, %dma_start3A_270] : memref<20480x128xf32, #tpu.memory_space<hbm>> -> memref<40x128xf32, #tpu.memory_space<hbm>>
      %dma_start3A_272 = arith.constant 0 : i32
      %dma_start3A_273 = tpu.memref_slice %arg7[%add3A_185, %dma_start3A_272] : memref<20480x128xf32, #tpu.memory_space<hbm>> -> memref<40x128xf32, #tpu.memory_space<hbm>>
      tpu.enqueue_dma source(%arg18 : memref<40x128xf32, #tpu.memory_space<vmem>>) target(%dma_start3A_273 : memref<40x128xf32, #tpu.memory_space<hbm>>) target_semaphore(%run_scoped3A : memref<!tpu.dma_semaphore, #tpu.memory_space<semaphore_mem>>)
      %dma_wait3A_274 = arith.constant 0 : i32
      %dma_wait3A_275 = tpu.memref_slice %arg7[%add3A_185, %dma_wait3A_274] : memref<20480x128xf32, #tpu.memory_space<hbm>> -> memref<40x128xf32, #tpu.memory_space<hbm>>
      %dma_wait3A_276 = arith.constant 0 : i32
      %dma_wait3A_277 = tpu.memref_slice %arg7[%add3A_185, %dma_wait3A_276] : memref<20480x128xf32, #tpu.memory_space<hbm>> -> memref<40x128xf32, #tpu.memory_space<hbm>>
      tpu.wait_dma2 semaphore(%run_scoped3A : memref<!tpu.dma_semaphore, #tpu.memory_space<semaphore_mem>>) src(%arg18 : memref<40x128xf32, #tpu.memory_space<vmem>>) dst(%dma_wait3A_277 : memref<40x128xf32, #tpu.memory_space<hbm>>)
      tpu.yield
    }) : () -> ()
    %mul3A_186 = arith.constant 640 : i32
    %mul3A_187 = arith.muli %arg1, %mul3A_186 : i32
    %add3A_188 = arith.constant 160 : i32
    %add3A_189 = arith.addi %mul3A_187, %add3A_188 : i32
    "tpu.region"() ({
      %run_scoped3A = tpu.sem_alloc : memref<!tpu.dma_semaphore, #tpu.memory_space<semaphore_mem>>
      %dma_start3A_270 = arith.constant 0 : i32
      %dma_start3A_271 = tpu.memref_slice %arg22[%add3A_189, %dma_start3A_270] : memref<10240x128xf32, #tpu.memory_space<vmem_shared>> -> memref<40x128xf32, #tpu.memory_space<vmem_shared>>
      %dma_start3A_272 = arith.constant 0 : i32
      %dma_start3A_273 = tpu.memref_slice %arg22[%add3A_189, %dma_start3A_272] : memref<10240x128xf32, #tpu.memory_space<vmem_shared>> -> memref<40x128xf32, #tpu.memory_space<vmem_shared>>
      tpu.enqueue_dma source(%dma_start3A_273 : memref<40x128xf32, #tpu.memory_space<vmem_shared>>) target(%arg18 : memref<40x128xf32, #tpu.memory_space<vmem>>) target_semaphore(%run_scoped3A : memref<!tpu.dma_semaphore, #tpu.memory_space<semaphore_mem>>)
      %dma_wait3A_274 = arith.constant 0 : i32
      %dma_wait3A_275 = tpu.memref_slice %arg22[%add3A_189, %dma_wait3A_274] : memref<10240x128xf32, #tpu.memory_space<vmem_shared>> -> memref<40x128xf32, #tpu.memory_space<vmem_shared>>
      %dma_wait3A_276 = arith.constant 0 : i32
      %dma_wait3A_277 = tpu.memref_slice %arg22[%add3A_189, %dma_wait3A_276] : memref<10240x128xf32, #tpu.memory_space<vmem_shared>> -> memref<40x128xf32, #tpu.memory_space<vmem_shared>>
      tpu.wait_dma2 semaphore(%run_scoped3A : memref<!tpu.dma_semaphore, #tpu.memory_space<semaphore_mem>>) src(%dma_wait3A_277 : memref<40x128xf32, #tpu.memory_space<vmem_shared>>) dst(%arg18 : memref<40x128xf32, #tpu.memory_space<vmem>>)
      tpu.yield
    }) : () -> ()
    %mul3A_190 = arith.constant 10240 : i32
    %mul3A_191 = arith.muli %arg0, %mul3A_190 : i32
    %add3A_192 = arith.addi %mul3A_191, %add3A_189 : i32
    "tpu.region"() ({
      %run_scoped3A = tpu.sem_alloc : memref<!tpu.dma_semaphore, #tpu.memory_space<semaphore_mem>>
      %dma_start3A_270 = arith.constant 0 : i32
      %dma_start3A_271 = tpu.memref_slice %arg7[%add3A_192, %dma_start3A_270] : memref<20480x128xf32, #tpu.memory_space<hbm>> -> memref<40x128xf32, #tpu.memory_space<hbm>>
      %dma_start3A_272 = arith.constant 0 : i32
      %dma_start3A_273 = tpu.memref_slice %arg7[%add3A_192, %dma_start3A_272] : memref<20480x128xf32, #tpu.memory_space<hbm>> -> memref<40x128xf32, #tpu.memory_space<hbm>>
      tpu.enqueue_dma source(%arg18 : memref<40x128xf32, #tpu.memory_space<vmem>>) target(%dma_start3A_273 : memref<40x128xf32, #tpu.memory_space<hbm>>) target_semaphore(%run_scoped3A : memref<!tpu.dma_semaphore, #tpu.memory_space<semaphore_mem>>)
      %dma_wait3A_274 = arith.constant 0 : i32
      %dma_wait3A_275 = tpu.memref_slice %arg7[%add3A_192, %dma_wait3A_274] : memref<20480x128xf32, #tpu.memory_space<hbm>> -> memref<40x128xf32, #tpu.memory_space<hbm>>
      %dma_wait3A_276 = arith.constant 0 : i32
      %dma_wait3A_277 = tpu.memref_slice %arg7[%add3A_192, %dma_wait3A_276] : memref<20480x128xf32, #tpu.memory_space<hbm>> -> memref<40x128xf32, #tpu.memory_space<hbm>>
      tpu.wait_dma2 semaphore(%run_scoped3A : memref<!tpu.dma_semaphore, #tpu.memory_space<semaphore_mem>>) src(%arg18 : memref<40x128xf32, #tpu.memory_space<vmem>>) dst(%dma_wait3A_277 : memref<40x128xf32, #tpu.memory_space<hbm>>)
      tpu.yield
    }) : () -> ()
    %mul3A_193 = arith.constant 640 : i32
    %mul3A_194 = arith.muli %arg1, %mul3A_193 : i32
    %add3A_195 = arith.constant 200 : i32
    %add3A_196 = arith.addi %mul3A_194, %add3A_195 : i32
    "tpu.region"() ({
      %run_scoped3A = tpu.sem_alloc : memref<!tpu.dma_semaphore, #tpu.memory_space<semaphore_mem>>
      %dma_start3A_270 = arith.constant 0 : i32
      %dma_start3A_271 = tpu.memref_slice %arg22[%add3A_196, %dma_start3A_270] : memref<10240x128xf32, #tpu.memory_space<vmem_shared>> -> memref<40x128xf32, #tpu.memory_space<vmem_shared>>
      %dma_start3A_272 = arith.constant 0 : i32
      %dma_start3A_273 = tpu.memref_slice %arg22[%add3A_196, %dma_start3A_272] : memref<10240x128xf32, #tpu.memory_space<vmem_shared>> -> memref<40x128xf32, #tpu.memory_space<vmem_shared>>
      tpu.enqueue_dma source(%dma_start3A_273 : memref<40x128xf32, #tpu.memory_space<vmem_shared>>) target(%arg18 : memref<40x128xf32, #tpu.memory_space<vmem>>) target_semaphore(%run_scoped3A : memref<!tpu.dma_semaphore, #tpu.memory_space<semaphore_mem>>)
      %dma_wait3A_274 = arith.constant 0 : i32
      %dma_wait3A_275 = tpu.memref_slice %arg22[%add3A_196, %dma_wait3A_274] : memref<10240x128xf32, #tpu.memory_space<vmem_shared>> -> memref<40x128xf32, #tpu.memory_space<vmem_shared>>
      %dma_wait3A_276 = arith.constant 0 : i32
      %dma_wait3A_277 = tpu.memref_slice %arg22[%add3A_196, %dma_wait3A_276] : memref<10240x128xf32, #tpu.memory_space<vmem_shared>> -> memref<40x128xf32, #tpu.memory_space<vmem_shared>>
      tpu.wait_dma2 semaphore(%run_scoped3A : memref<!tpu.dma_semaphore, #tpu.memory_space<semaphore_mem>>) src(%dma_wait3A_277 : memref<40x128xf32, #tpu.memory_space<vmem_shared>>) dst(%arg18 : memref<40x128xf32, #tpu.memory_space<vmem>>)
      tpu.yield
    }) : () -> ()
    %mul3A_197 = arith.constant 10240 : i32
    %mul3A_198 = arith.muli %arg0, %mul3A_197 : i32
    %add3A_199 = arith.addi %mul3A_198, %add3A_196 : i32
    "tpu.region"() ({
      %run_scoped3A = tpu.sem_alloc : memref<!tpu.dma_semaphore, #tpu.memory_space<semaphore_mem>>
      %dma_start3A_270 = arith.constant 0 : i32
      %dma_start3A_271 = tpu.memref_slice %arg7[%add3A_199, %dma_start3A_270] : memref<20480x128xf32, #tpu.memory_space<hbm>> -> memref<40x128xf32, #tpu.memory_space<hbm>>
      %dma_start3A_272 = arith.constant 0 : i32
      %dma_start3A_273 = tpu.memref_slice %arg7[%add3A_199, %dma_start3A_272] : memref<20480x128xf32, #tpu.memory_space<hbm>> -> memref<40x128xf32, #tpu.memory_space<hbm>>
      tpu.enqueue_dma source(%arg18 : memref<40x128xf32, #tpu.memory_space<vmem>>) target(%dma_start3A_273 : memref<40x128xf32, #tpu.memory_space<hbm>>) target_semaphore(%run_scoped3A : memref<!tpu.dma_semaphore, #tpu.memory_space<semaphore_mem>>)
      %dma_wait3A_274 = arith.constant 0 : i32
      %dma_wait3A_275 = tpu.memref_slice %arg7[%add3A_199, %dma_wait3A_274] : memref<20480x128xf32, #tpu.memory_space<hbm>> -> memref<40x128xf32, #tpu.memory_space<hbm>>
      %dma_wait3A_276 = arith.constant 0 : i32
      %dma_wait3A_277 = tpu.memref_slice %arg7[%add3A_199, %dma_wait3A_276] : memref<20480x128xf32, #tpu.memory_space<hbm>> -> memref<40x128xf32, #tpu.memory_space<hbm>>
      tpu.wait_dma2 semaphore(%run_scoped3A : memref<!tpu.dma_semaphore, #tpu.memory_space<semaphore_mem>>) src(%arg18 : memref<40x128xf32, #tpu.memory_space<vmem>>) dst(%dma_wait3A_277 : memref<40x128xf32, #tpu.memory_space<hbm>>)
      tpu.yield
    }) : () -> ()
    %mul3A_200 = arith.constant 640 : i32
    %mul3A_201 = arith.muli %arg1, %mul3A_200 : i32
    %add3A_202 = arith.constant 240 : i32
    %add3A_203 = arith.addi %mul3A_201, %add3A_202 : i32
    "tpu.region"() ({
      %run_scoped3A = tpu.sem_alloc : memref<!tpu.dma_semaphore, #tpu.memory_space<semaphore_mem>>
      %dma_start3A_270 = arith.constant 0 : i32
      %dma_start3A_271 = tpu.memref_slice %arg22[%add3A_203, %dma_start3A_270] : memref<10240x128xf32, #tpu.memory_space<vmem_shared>> -> memref<40x128xf32, #tpu.memory_space<vmem_shared>>
      %dma_start3A_272 = arith.constant 0 : i32
      %dma_start3A_273 = tpu.memref_slice %arg22[%add3A_203, %dma_start3A_272] : memref<10240x128xf32, #tpu.memory_space<vmem_shared>> -> memref<40x128xf32, #tpu.memory_space<vmem_shared>>
      tpu.enqueue_dma source(%dma_start3A_273 : memref<40x128xf32, #tpu.memory_space<vmem_shared>>) target(%arg18 : memref<40x128xf32, #tpu.memory_space<vmem>>) target_semaphore(%run_scoped3A : memref<!tpu.dma_semaphore, #tpu.memory_space<semaphore_mem>>)
      %dma_wait3A_274 = arith.constant 0 : i32
      %dma_wait3A_275 = tpu.memref_slice %arg22[%add3A_203, %dma_wait3A_274] : memref<10240x128xf32, #tpu.memory_space<vmem_shared>> -> memref<40x128xf32, #tpu.memory_space<vmem_shared>>
      %dma_wait3A_276 = arith.constant 0 : i32
      %dma_wait3A_277 = tpu.memref_slice %arg22[%add3A_203, %dma_wait3A_276] : memref<10240x128xf32, #tpu.memory_space<vmem_shared>> -> memref<40x128xf32, #tpu.memory_space<vmem_shared>>
      tpu.wait_dma2 semaphore(%run_scoped3A : memref<!tpu.dma_semaphore, #tpu.memory_space<semaphore_mem>>) src(%dma_wait3A_277 : memref<40x128xf32, #tpu.memory_space<vmem_shared>>) dst(%arg18 : memref<40x128xf32, #tpu.memory_space<vmem>>)
      tpu.yield
    }) : () -> ()
    %mul3A_204 = arith.constant 10240 : i32
    %mul3A_205 = arith.muli %arg0, %mul3A_204 : i32
    %add3A_206 = arith.addi %mul3A_205, %add3A_203 : i32
    "tpu.region"() ({
      %run_scoped3A = tpu.sem_alloc : memref<!tpu.dma_semaphore, #tpu.memory_space<semaphore_mem>>
      %dma_start3A_270 = arith.constant 0 : i32
      %dma_start3A_271 = tpu.memref_slice %arg7[%add3A_206, %dma_start3A_270] : memref<20480x128xf32, #tpu.memory_space<hbm>> -> memref<40x128xf32, #tpu.memory_space<hbm>>
      %dma_start3A_272 = arith.constant 0 : i32
      %dma_start3A_273 = tpu.memref_slice %arg7[%add3A_206, %dma_start3A_272] : memref<20480x128xf32, #tpu.memory_space<hbm>> -> memref<40x128xf32, #tpu.memory_space<hbm>>
      tpu.enqueue_dma source(%arg18 : memref<40x128xf32, #tpu.memory_space<vmem>>) target(%dma_start3A_273 : memref<40x128xf32, #tpu.memory_space<hbm>>) target_semaphore(%run_scoped3A : memref<!tpu.dma_semaphore, #tpu.memory_space<semaphore_mem>>)
      %dma_wait3A_274 = arith.constant 0 : i32
      %dma_wait3A_275 = tpu.memref_slice %arg7[%add3A_206, %dma_wait3A_274] : memref<20480x128xf32, #tpu.memory_space<hbm>> -> memref<40x128xf32, #tpu.memory_space<hbm>>
      %dma_wait3A_276 = arith.constant 0 : i32
      %dma_wait3A_277 = tpu.memref_slice %arg7[%add3A_206, %dma_wait3A_276] : memref<20480x128xf32, #tpu.memory_space<hbm>> -> memref<40x128xf32, #tpu.memory_space<hbm>>
      tpu.wait_dma2 semaphore(%run_scoped3A : memref<!tpu.dma_semaphore, #tpu.memory_space<semaphore_mem>>) src(%arg18 : memref<40x128xf32, #tpu.memory_space<vmem>>) dst(%dma_wait3A_277 : memref<40x128xf32, #tpu.memory_space<hbm>>)
      tpu.yield
    }) : () -> ()
    %mul3A_207 = arith.constant 640 : i32
    %mul3A_208 = arith.muli %arg1, %mul3A_207 : i32
    %add3A_209 = arith.constant 280 : i32
    %add3A_210 = arith.addi %mul3A_208, %add3A_209 : i32
    "tpu.region"() ({
      %run_scoped3A = tpu.sem_alloc : memref<!tpu.dma_semaphore, #tpu.memory_space<semaphore_mem>>
      %dma_start3A_270 = arith.constant 0 : i32
      %dma_start3A_271 = tpu.memref_slice %arg22[%add3A_210, %dma_start3A_270] : memref<10240x128xf32, #tpu.memory_space<vmem_shared>> -> memref<40x128xf32, #tpu.memory_space<vmem_shared>>
      %dma_start3A_272 = arith.constant 0 : i32
      %dma_start3A_273 = tpu.memref_slice %arg22[%add3A_210, %dma_start3A_272] : memref<10240x128xf32, #tpu.memory_space<vmem_shared>> -> memref<40x128xf32, #tpu.memory_space<vmem_shared>>
      tpu.enqueue_dma source(%dma_start3A_273 : memref<40x128xf32, #tpu.memory_space<vmem_shared>>) target(%arg18 : memref<40x128xf32, #tpu.memory_space<vmem>>) target_semaphore(%run_scoped3A : memref<!tpu.dma_semaphore, #tpu.memory_space<semaphore_mem>>)
      %dma_wait3A_274 = arith.constant 0 : i32
      %dma_wait3A_275 = tpu.memref_slice %arg22[%add3A_210, %dma_wait3A_274] : memref<10240x128xf32, #tpu.memory_space<vmem_shared>> -> memref<40x128xf32, #tpu.memory_space<vmem_shared>>
      %dma_wait3A_276 = arith.constant 0 : i32
      %dma_wait3A_277 = tpu.memref_slice %arg22[%add3A_210, %dma_wait3A_276] : memref<10240x128xf32, #tpu.memory_space<vmem_shared>> -> memref<40x128xf32, #tpu.memory_space<vmem_shared>>
      tpu.wait_dma2 semaphore(%run_scoped3A : memref<!tpu.dma_semaphore, #tpu.memory_space<semaphore_mem>>) src(%dma_wait3A_277 : memref<40x128xf32, #tpu.memory_space<vmem_shared>>) dst(%arg18 : memref<40x128xf32, #tpu.memory_space<vmem>>)
      tpu.yield
    }) : () -> ()
    %mul3A_211 = arith.constant 10240 : i32
    %mul3A_212 = arith.muli %arg0, %mul3A_211 : i32
    %add3A_213 = arith.addi %mul3A_212, %add3A_210 : i32
    "tpu.region"() ({
      %run_scoped3A = tpu.sem_alloc : memref<!tpu.dma_semaphore, #tpu.memory_space<semaphore_mem>>
      %dma_start3A_270 = arith.constant 0 : i32
      %dma_start3A_271 = tpu.memref_slice %arg7[%add3A_213, %dma_start3A_270] : memref<20480x128xf32, #tpu.memory_space<hbm>> -> memref<40x128xf32, #tpu.memory_space<hbm>>
      %dma_start3A_272 = arith.constant 0 : i32
      %dma_start3A_273 = tpu.memref_slice %arg7[%add3A_213, %dma_start3A_272] : memref<20480x128xf32, #tpu.memory_space<hbm>> -> memref<40x128xf32, #tpu.memory_space<hbm>>
      tpu.enqueue_dma source(%arg18 : memref<40x128xf32, #tpu.memory_space<vmem>>) target(%dma_start3A_273 : memref<40x128xf32, #tpu.memory_space<hbm>>) target_semaphore(%run_scoped3A : memref<!tpu.dma_semaphore, #tpu.memory_space<semaphore_mem>>)
      %dma_wait3A_274 = arith.constant 0 : i32
      %dma_wait3A_275 = tpu.memref_slice %arg7[%add3A_213, %dma_wait3A_274] : memref<20480x128xf32, #tpu.memory_space<hbm>> -> memref<40x128xf32, #tpu.memory_space<hbm>>
      %dma_wait3A_276 = arith.constant 0 : i32
      %dma_wait3A_277 = tpu.memref_slice %arg7[%add3A_213, %dma_wait3A_276] : memref<20480x128xf32, #tpu.memory_space<hbm>> -> memref<40x128xf32, #tpu.memory_space<hbm>>
      tpu.wait_dma2 semaphore(%run_scoped3A : memref<!tpu.dma_semaphore, #tpu.memory_space<semaphore_mem>>) src(%arg18 : memref<40x128xf32, #tpu.memory_space<vmem>>) dst(%dma_wait3A_277 : memref<40x128xf32, #tpu.memory_space<hbm>>)
      tpu.yield
    }) : () -> ()
    %mul3A_214 = arith.constant 640 : i32
    %mul3A_215 = arith.muli %arg1, %mul3A_214 : i32
    %add3A_216 = arith.constant 320 : i32
    %add3A_217 = arith.addi %mul3A_215, %add3A_216 : i32
    "tpu.region"() ({
      %run_scoped3A = tpu.sem_alloc : memref<!tpu.dma_semaphore, #tpu.memory_space<semaphore_mem>>
      %dma_start3A_270 = arith.constant 0 : i32
      %dma_start3A_271 = tpu.memref_slice %arg22[%add3A_217, %dma_start3A_270] : memref<10240x128xf32, #tpu.memory_space<vmem_shared>> -> memref<40x128xf32, #tpu.memory_space<vmem_shared>>
      %dma_start3A_272 = arith.constant 0 : i32
      %dma_start3A_273 = tpu.memref_slice %arg22[%add3A_217, %dma_start3A_272] : memref<10240x128xf32, #tpu.memory_space<vmem_shared>> -> memref<40x128xf32, #tpu.memory_space<vmem_shared>>
      tpu.enqueue_dma source(%dma_start3A_273 : memref<40x128xf32, #tpu.memory_space<vmem_shared>>) target(%arg18 : memref<40x128xf32, #tpu.memory_space<vmem>>) target_semaphore(%run_scoped3A : memref<!tpu.dma_semaphore, #tpu.memory_space<semaphore_mem>>)
      %dma_wait3A_274 = arith.constant 0 : i32
      %dma_wait3A_275 = tpu.memref_slice %arg22[%add3A_217, %dma_wait3A_274] : memref<10240x128xf32, #tpu.memory_space<vmem_shared>> -> memref<40x128xf32, #tpu.memory_space<vmem_shared>>
      %dma_wait3A_276 = arith.constant 0 : i32
      %dma_wait3A_277 = tpu.memref_slice %arg22[%add3A_217, %dma_wait3A_276] : memref<10240x128xf32, #tpu.memory_space<vmem_shared>> -> memref<40x128xf32, #tpu.memory_space<vmem_shared>>
      tpu.wait_dma2 semaphore(%run_scoped3A : memref<!tpu.dma_semaphore, #tpu.memory_space<semaphore_mem>>) src(%dma_wait3A_277 : memref<40x128xf32, #tpu.memory_space<vmem_shared>>) dst(%arg18 : memref<40x128xf32, #tpu.memory_space<vmem>>)
      tpu.yield
    }) : () -> ()
    %mul3A_218 = arith.constant 10240 : i32
    %mul3A_219 = arith.muli %arg0, %mul3A_218 : i32
    %add3A_220 = arith.addi %mul3A_219, %add3A_217 : i32
    "tpu.region"() ({
      %run_scoped3A = tpu.sem_alloc : memref<!tpu.dma_semaphore, #tpu.memory_space<semaphore_mem>>
      %dma_start3A_270 = arith.constant 0 : i32
      %dma_start3A_271 = tpu.memref_slice %arg7[%add3A_220, %dma_start3A_270] : memref<20480x128xf32, #tpu.memory_space<hbm>> -> memref<40x128xf32, #tpu.memory_space<hbm>>
      %dma_start3A_272 = arith.constant 0 : i32
      %dma_start3A_273 = tpu.memref_slice %arg7[%add3A_220, %dma_start3A_272] : memref<20480x128xf32, #tpu.memory_space<hbm>> -> memref<40x128xf32, #tpu.memory_space<hbm>>
      tpu.enqueue_dma source(%arg18 : memref<40x128xf32, #tpu.memory_space<vmem>>) target(%dma_start3A_273 : memref<40x128xf32, #tpu.memory_space<hbm>>) target_semaphore(%run_scoped3A : memref<!tpu.dma_semaphore, #tpu.memory_space<semaphore_mem>>)
      %dma_wait3A_274 = arith.constant 0 : i32
      %dma_wait3A_275 = tpu.memref_slice %arg7[%add3A_220, %dma_wait3A_274] : memref<20480x128xf32, #tpu.memory_space<hbm>> -> memref<40x128xf32, #tpu.memory_space<hbm>>
      %dma_wait3A_276 = arith.constant 0 : i32
      %dma_wait3A_277 = tpu.memref_slice %arg7[%add3A_220, %dma_wait3A_276] : memref<20480x128xf32, #tpu.memory_space<hbm>> -> memref<40x128xf32, #tpu.memory_space<hbm>>
      tpu.wait_dma2 semaphore(%run_scoped3A : memref<!tpu.dma_semaphore, #tpu.memory_space<semaphore_mem>>) src(%arg18 : memref<40x128xf32, #tpu.memory_space<vmem>>) dst(%dma_wait3A_277 : memref<40x128xf32, #tpu.memory_space<hbm>>)
      tpu.yield
    }) : () -> ()
    %mul3A_221 = arith.constant 640 : i32
    %mul3A_222 = arith.muli %arg1, %mul3A_221 : i32
    %add3A_223 = arith.constant 360 : i32
    %add3A_224 = arith.addi %mul3A_222, %add3A_223 : i32
    "tpu.region"() ({
      %run_scoped3A = tpu.sem_alloc : memref<!tpu.dma_semaphore, #tpu.memory_space<semaphore_mem>>
      %dma_start3A_270 = arith.constant 0 : i32
      %dma_start3A_271 = tpu.memref_slice %arg22[%add3A_224, %dma_start3A_270] : memref<10240x128xf32, #tpu.memory_space<vmem_shared>> -> memref<40x128xf32, #tpu.memory_space<vmem_shared>>
      %dma_start3A_272 = arith.constant 0 : i32
      %dma_start3A_273 = tpu.memref_slice %arg22[%add3A_224, %dma_start3A_272] : memref<10240x128xf32, #tpu.memory_space<vmem_shared>> -> memref<40x128xf32, #tpu.memory_space<vmem_shared>>
      tpu.enqueue_dma source(%dma_start3A_273 : memref<40x128xf32, #tpu.memory_space<vmem_shared>>) target(%arg18 : memref<40x128xf32, #tpu.memory_space<vmem>>) target_semaphore(%run_scoped3A : memref<!tpu.dma_semaphore, #tpu.memory_space<semaphore_mem>>)
      %dma_wait3A_274 = arith.constant 0 : i32
      %dma_wait3A_275 = tpu.memref_slice %arg22[%add3A_224, %dma_wait3A_274] : memref<10240x128xf32, #tpu.memory_space<vmem_shared>> -> memref<40x128xf32, #tpu.memory_space<vmem_shared>>
      %dma_wait3A_276 = arith.constant 0 : i32
      %dma_wait3A_277 = tpu.memref_slice %arg22[%add3A_224, %dma_wait3A_276] : memref<10240x128xf32, #tpu.memory_space<vmem_shared>> -> memref<40x128xf32, #tpu.memory_space<vmem_shared>>
      tpu.wait_dma2 semaphore(%run_scoped3A : memref<!tpu.dma_semaphore, #tpu.memory_space<semaphore_mem>>) src(%dma_wait3A_277 : memref<40x128xf32, #tpu.memory_space<vmem_shared>>) dst(%arg18 : memref<40x128xf32, #tpu.memory_space<vmem>>)
      tpu.yield
    }) : () -> ()
    %mul3A_225 = arith.constant 10240 : i32
    %mul3A_226 = arith.muli %arg0, %mul3A_225 : i32
    %add3A_227 = arith.addi %mul3A_226, %add3A_224 : i32
    "tpu.region"() ({
      %run_scoped3A = tpu.sem_alloc : memref<!tpu.dma_semaphore, #tpu.memory_space<semaphore_mem>>
      %dma_start3A_270 = arith.constant 0 : i32
      %dma_start3A_271 = tpu.memref_slice %arg7[%add3A_227, %dma_start3A_270] : memref<20480x128xf32, #tpu.memory_space<hbm>> -> memref<40x128xf32, #tpu.memory_space<hbm>>
      %dma_start3A_272 = arith.constant 0 : i32
      %dma_start3A_273 = tpu.memref_slice %arg7[%add3A_227, %dma_start3A_272] : memref<20480x128xf32, #tpu.memory_space<hbm>> -> memref<40x128xf32, #tpu.memory_space<hbm>>
      tpu.enqueue_dma source(%arg18 : memref<40x128xf32, #tpu.memory_space<vmem>>) target(%dma_start3A_273 : memref<40x128xf32, #tpu.memory_space<hbm>>) target_semaphore(%run_scoped3A : memref<!tpu.dma_semaphore, #tpu.memory_space<semaphore_mem>>)
      %dma_wait3A_274 = arith.constant 0 : i32
      %dma_wait3A_275 = tpu.memref_slice %arg7[%add3A_227, %dma_wait3A_274] : memref<20480x128xf32, #tpu.memory_space<hbm>> -> memref<40x128xf32, #tpu.memory_space<hbm>>
      %dma_wait3A_276 = arith.constant 0 : i32
      %dma_wait3A_277 = tpu.memref_slice %arg7[%add3A_227, %dma_wait3A_276] : memref<20480x128xf32, #tpu.memory_space<hbm>> -> memref<40x128xf32, #tpu.memory_space<hbm>>
      tpu.wait_dma2 semaphore(%run_scoped3A : memref<!tpu.dma_semaphore, #tpu.memory_space<semaphore_mem>>) src(%arg18 : memref<40x128xf32, #tpu.memory_space<vmem>>) dst(%dma_wait3A_277 : memref<40x128xf32, #tpu.memory_space<hbm>>)
      tpu.yield
    }) : () -> ()
    %mul3A_228 = arith.constant 640 : i32
    %mul3A_229 = arith.muli %arg1, %mul3A_228 : i32
    %add3A_230 = arith.constant 400 : i32
    %add3A_231 = arith.addi %mul3A_229, %add3A_230 : i32
    "tpu.region"() ({
      %run_scoped3A = tpu.sem_alloc : memref<!tpu.dma_semaphore, #tpu.memory_space<semaphore_mem>>
      %dma_start3A_270 = arith.constant 0 : i32
      %dma_start3A_271 = tpu.memref_slice %arg22[%add3A_231, %dma_start3A_270] : memref<10240x128xf32, #tpu.memory_space<vmem_shared>> -> memref<40x128xf32, #tpu.memory_space<vmem_shared>>
      %dma_start3A_272 = arith.constant 0 : i32
      %dma_start3A_273 = tpu.memref_slice %arg22[%add3A_231, %dma_start3A_272] : memref<10240x128xf32, #tpu.memory_space<vmem_shared>> -> memref<40x128xf32, #tpu.memory_space<vmem_shared>>
      tpu.enqueue_dma source(%dma_start3A_273 : memref<40x128xf32, #tpu.memory_space<vmem_shared>>) target(%arg18 : memref<40x128xf32, #tpu.memory_space<vmem>>) target_semaphore(%run_scoped3A : memref<!tpu.dma_semaphore, #tpu.memory_space<semaphore_mem>>)
      %dma_wait3A_274 = arith.constant 0 : i32
      %dma_wait3A_275 = tpu.memref_slice %arg22[%add3A_231, %dma_wait3A_274] : memref<10240x128xf32, #tpu.memory_space<vmem_shared>> -> memref<40x128xf32, #tpu.memory_space<vmem_shared>>
      %dma_wait3A_276 = arith.constant 0 : i32
      %dma_wait3A_277 = tpu.memref_slice %arg22[%add3A_231, %dma_wait3A_276] : memref<10240x128xf32, #tpu.memory_space<vmem_shared>> -> memref<40x128xf32, #tpu.memory_space<vmem_shared>>
      tpu.wait_dma2 semaphore(%run_scoped3A : memref<!tpu.dma_semaphore, #tpu.memory_space<semaphore_mem>>) src(%dma_wait3A_277 : memref<40x128xf32, #tpu.memory_space<vmem_shared>>) dst(%arg18 : memref<40x128xf32, #tpu.memory_space<vmem>>)
      tpu.yield
    }) : () -> ()
    %mul3A_232 = arith.constant 10240 : i32
    %mul3A_233 = arith.muli %arg0, %mul3A_232 : i32
    %add3A_234 = arith.addi %mul3A_233, %add3A_231 : i32
    "tpu.region"() ({
      %run_scoped3A = tpu.sem_alloc : memref<!tpu.dma_semaphore, #tpu.memory_space<semaphore_mem>>
      %dma_start3A_270 = arith.constant 0 : i32
      %dma_start3A_271 = tpu.memref_slice %arg7[%add3A_234, %dma_start3A_270] : memref<20480x128xf32, #tpu.memory_space<hbm>> -> memref<40x128xf32, #tpu.memory_space<hbm>>
      %dma_start3A_272 = arith.constant 0 : i32
      %dma_start3A_273 = tpu.memref_slice %arg7[%add3A_234, %dma_start3A_272] : memref<20480x128xf32, #tpu.memory_space<hbm>> -> memref<40x128xf32, #tpu.memory_space<hbm>>
      tpu.enqueue_dma source(%arg18 : memref<40x128xf32, #tpu.memory_space<vmem>>) target(%dma_start3A_273 : memref<40x128xf32, #tpu.memory_space<hbm>>) target_semaphore(%run_scoped3A : memref<!tpu.dma_semaphore, #tpu.memory_space<semaphore_mem>>)
      %dma_wait3A_274 = arith.constant 0 : i32
      %dma_wait3A_275 = tpu.memref_slice %arg7[%add3A_234, %dma_wait3A_274] : memref<20480x128xf32, #tpu.memory_space<hbm>> -> memref<40x128xf32, #tpu.memory_space<hbm>>
      %dma_wait3A_276 = arith.constant 0 : i32
      %dma_wait3A_277 = tpu.memref_slice %arg7[%add3A_234, %dma_wait3A_276] : memref<20480x128xf32, #tpu.memory_space<hbm>> -> memref<40x128xf32, #tpu.memory_space<hbm>>
      tpu.wait_dma2 semaphore(%run_scoped3A : memref<!tpu.dma_semaphore, #tpu.memory_space<semaphore_mem>>) src(%arg18 : memref<40x128xf32, #tpu.memory_space<vmem>>) dst(%dma_wait3A_277 : memref<40x128xf32, #tpu.memory_space<hbm>>)
      tpu.yield
    }) : () -> ()
    %mul3A_235 = arith.constant 640 : i32
    %mul3A_236 = arith.muli %arg1, %mul3A_235 : i32
    %add3A_237 = arith.constant 440 : i32
    %add3A_238 = arith.addi %mul3A_236, %add3A_237 : i32
    "tpu.region"() ({
      %run_scoped3A = tpu.sem_alloc : memref<!tpu.dma_semaphore, #tpu.memory_space<semaphore_mem>>
      %dma_start3A_270 = arith.constant 0 : i32
      %dma_start3A_271 = tpu.memref_slice %arg22[%add3A_238, %dma_start3A_270] : memref<10240x128xf32, #tpu.memory_space<vmem_shared>> -> memref<40x128xf32, #tpu.memory_space<vmem_shared>>
      %dma_start3A_272 = arith.constant 0 : i32
      %dma_start3A_273 = tpu.memref_slice %arg22[%add3A_238, %dma_start3A_272] : memref<10240x128xf32, #tpu.memory_space<vmem_shared>> -> memref<40x128xf32, #tpu.memory_space<vmem_shared>>
      tpu.enqueue_dma source(%dma_start3A_273 : memref<40x128xf32, #tpu.memory_space<vmem_shared>>) target(%arg18 : memref<40x128xf32, #tpu.memory_space<vmem>>) target_semaphore(%run_scoped3A : memref<!tpu.dma_semaphore, #tpu.memory_space<semaphore_mem>>)
      %dma_wait3A_274 = arith.constant 0 : i32
      %dma_wait3A_275 = tpu.memref_slice %arg22[%add3A_238, %dma_wait3A_274] : memref<10240x128xf32, #tpu.memory_space<vmem_shared>> -> memref<40x128xf32, #tpu.memory_space<vmem_shared>>
      %dma_wait3A_276 = arith.constant 0 : i32
      %dma_wait3A_277 = tpu.memref_slice %arg22[%add3A_238, %dma_wait3A_276] : memref<10240x128xf32, #tpu.memory_space<vmem_shared>> -> memref<40x128xf32, #tpu.memory_space<vmem_shared>>
      tpu.wait_dma2 semaphore(%run_scoped3A : memref<!tpu.dma_semaphore, #tpu.memory_space<semaphore_mem>>) src(%dma_wait3A_277 : memref<40x128xf32, #tpu.memory_space<vmem_shared>>) dst(%arg18 : memref<40x128xf32, #tpu.memory_space<vmem>>)
      tpu.yield
    }) : () -> ()
    %mul3A_239 = arith.constant 10240 : i32
    %mul3A_240 = arith.muli %arg0, %mul3A_239 : i32
    %add3A_241 = arith.addi %mul3A_240, %add3A_238 : i32
    "tpu.region"() ({
      %run_scoped3A = tpu.sem_alloc : memref<!tpu.dma_semaphore, #tpu.memory_space<semaphore_mem>>
      %dma_start3A_270 = arith.constant 0 : i32
      %dma_start3A_271 = tpu.memref_slice %arg7[%add3A_241, %dma_start3A_270] : memref<20480x128xf32, #tpu.memory_space<hbm>> -> memref<40x128xf32, #tpu.memory_space<hbm>>
      %dma_start3A_272 = arith.constant 0 : i32
      %dma_start3A_273 = tpu.memref_slice %arg7[%add3A_241, %dma_start3A_272] : memref<20480x128xf32, #tpu.memory_space<hbm>> -> memref<40x128xf32, #tpu.memory_space<hbm>>
      tpu.enqueue_dma source(%arg18 : memref<40x128xf32, #tpu.memory_space<vmem>>) target(%dma_start3A_273 : memref<40x128xf32, #tpu.memory_space<hbm>>) target_semaphore(%run_scoped3A : memref<!tpu.dma_semaphore, #tpu.memory_space<semaphore_mem>>)
      %dma_wait3A_274 = arith.constant 0 : i32
      %dma_wait3A_275 = tpu.memref_slice %arg7[%add3A_241, %dma_wait3A_274] : memref<20480x128xf32, #tpu.memory_space<hbm>> -> memref<40x128xf32, #tpu.memory_space<hbm>>
      %dma_wait3A_276 = arith.constant 0 : i32
      %dma_wait3A_277 = tpu.memref_slice %arg7[%add3A_241, %dma_wait3A_276] : memref<20480x128xf32, #tpu.memory_space<hbm>> -> memref<40x128xf32, #tpu.memory_space<hbm>>
      tpu.wait_dma2 semaphore(%run_scoped3A : memref<!tpu.dma_semaphore, #tpu.memory_space<semaphore_mem>>) src(%arg18 : memref<40x128xf32, #tpu.memory_space<vmem>>) dst(%dma_wait3A_277 : memref<40x128xf32, #tpu.memory_space<hbm>>)
      tpu.yield
    }) : () -> ()
    %mul3A_242 = arith.constant 640 : i32
    %mul3A_243 = arith.muli %arg1, %mul3A_242 : i32
    %add3A_244 = arith.constant 480 : i32
    %add3A_245 = arith.addi %mul3A_243, %add3A_244 : i32
    "tpu.region"() ({
      %run_scoped3A = tpu.sem_alloc : memref<!tpu.dma_semaphore, #tpu.memory_space<semaphore_mem>>
      %dma_start3A_270 = arith.constant 0 : i32
      %dma_start3A_271 = tpu.memref_slice %arg22[%add3A_245, %dma_start3A_270] : memref<10240x128xf32, #tpu.memory_space<vmem_shared>> -> memref<40x128xf32, #tpu.memory_space<vmem_shared>>
      %dma_start3A_272 = arith.constant 0 : i32
      %dma_start3A_273 = tpu.memref_slice %arg22[%add3A_245, %dma_start3A_272] : memref<10240x128xf32, #tpu.memory_space<vmem_shared>> -> memref<40x128xf32, #tpu.memory_space<vmem_shared>>
      tpu.enqueue_dma source(%dma_start3A_273 : memref<40x128xf32, #tpu.memory_space<vmem_shared>>) target(%arg18 : memref<40x128xf32, #tpu.memory_space<vmem>>) target_semaphore(%run_scoped3A : memref<!tpu.dma_semaphore, #tpu.memory_space<semaphore_mem>>)
      %dma_wait3A_274 = arith.constant 0 : i32
      %dma_wait3A_275 = tpu.memref_slice %arg22[%add3A_245, %dma_wait3A_274] : memref<10240x128xf32, #tpu.memory_space<vmem_shared>> -> memref<40x128xf32, #tpu.memory_space<vmem_shared>>
      %dma_wait3A_276 = arith.constant 0 : i32
      %dma_wait3A_277 = tpu.memref_slice %arg22[%add3A_245, %dma_wait3A_276] : memref<10240x128xf32, #tpu.memory_space<vmem_shared>> -> memref<40x128xf32, #tpu.memory_space<vmem_shared>>
      tpu.wait_dma2 semaphore(%run_scoped3A : memref<!tpu.dma_semaphore, #tpu.memory_space<semaphore_mem>>) src(%dma_wait3A_277 : memref<40x128xf32, #tpu.memory_space<vmem_shared>>) dst(%arg18 : memref<40x128xf32, #tpu.memory_space<vmem>>)
      tpu.yield
    }) : () -> ()
    %mul3A_246 = arith.constant 10240 : i32
    %mul3A_247 = arith.muli %arg0, %mul3A_246 : i32
    %add3A_248 = arith.addi %mul3A_247, %add3A_245 : i32
    "tpu.region"() ({
      %run_scoped3A = tpu.sem_alloc : memref<!tpu.dma_semaphore, #tpu.memory_space<semaphore_mem>>
      %dma_start3A_270 = arith.constant 0 : i32
      %dma_start3A_271 = tpu.memref_slice %arg7[%add3A_248, %dma_start3A_270] : memref<20480x128xf32, #tpu.memory_space<hbm>> -> memref<40x128xf32, #tpu.memory_space<hbm>>
      %dma_start3A_272 = arith.constant 0 : i32
      %dma_start3A_273 = tpu.memref_slice %arg7[%add3A_248, %dma_start3A_272] : memref<20480x128xf32, #tpu.memory_space<hbm>> -> memref<40x128xf32, #tpu.memory_space<hbm>>
      tpu.enqueue_dma source(%arg18 : memref<40x128xf32, #tpu.memory_space<vmem>>) target(%dma_start3A_273 : memref<40x128xf32, #tpu.memory_space<hbm>>) target_semaphore(%run_scoped3A : memref<!tpu.dma_semaphore, #tpu.memory_space<semaphore_mem>>)
      %dma_wait3A_274 = arith.constant 0 : i32
      %dma_wait3A_275 = tpu.memref_slice %arg7[%add3A_248, %dma_wait3A_274] : memref<20480x128xf32, #tpu.memory_space<hbm>> -> memref<40x128xf32, #tpu.memory_space<hbm>>
      %dma_wait3A_276 = arith.constant 0 : i32
      %dma_wait3A_277 = tpu.memref_slice %arg7[%add3A_248, %dma_wait3A_276] : memref<20480x128xf32, #tpu.memory_space<hbm>> -> memref<40x128xf32, #tpu.memory_space<hbm>>
      tpu.wait_dma2 semaphore(%run_scoped3A : memref<!tpu.dma_semaphore, #tpu.memory_space<semaphore_mem>>) src(%arg18 : memref<40x128xf32, #tpu.memory_space<vmem>>) dst(%dma_wait3A_277 : memref<40x128xf32, #tpu.memory_space<hbm>>)
      tpu.yield
    }) : () -> ()
    %mul3A_249 = arith.constant 640 : i32
    %mul3A_250 = arith.muli %arg1, %mul3A_249 : i32
    %add3A_251 = arith.constant 520 : i32
    %add3A_252 = arith.addi %mul3A_250, %add3A_251 : i32
    "tpu.region"() ({
      %run_scoped3A = tpu.sem_alloc : memref<!tpu.dma_semaphore, #tpu.memory_space<semaphore_mem>>
      %dma_start3A_270 = arith.constant 0 : i32
      %dma_start3A_271 = tpu.memref_slice %arg22[%add3A_252, %dma_start3A_270] : memref<10240x128xf32, #tpu.memory_space<vmem_shared>> -> memref<40x128xf32, #tpu.memory_space<vmem_shared>>
      %dma_start3A_272 = arith.constant 0 : i32
      %dma_start3A_273 = tpu.memref_slice %arg22[%add3A_252, %dma_start3A_272] : memref<10240x128xf32, #tpu.memory_space<vmem_shared>> -> memref<40x128xf32, #tpu.memory_space<vmem_shared>>
      tpu.enqueue_dma source(%dma_start3A_273 : memref<40x128xf32, #tpu.memory_space<vmem_shared>>) target(%arg18 : memref<40x128xf32, #tpu.memory_space<vmem>>) target_semaphore(%run_scoped3A : memref<!tpu.dma_semaphore, #tpu.memory_space<semaphore_mem>>)
      %dma_wait3A_274 = arith.constant 0 : i32
      %dma_wait3A_275 = tpu.memref_slice %arg22[%add3A_252, %dma_wait3A_274] : memref<10240x128xf32, #tpu.memory_space<vmem_shared>> -> memref<40x128xf32, #tpu.memory_space<vmem_shared>>
      %dma_wait3A_276 = arith.constant 0 : i32
      %dma_wait3A_277 = tpu.memref_slice %arg22[%add3A_252, %dma_wait3A_276] : memref<10240x128xf32, #tpu.memory_space<vmem_shared>> -> memref<40x128xf32, #tpu.memory_space<vmem_shared>>
      tpu.wait_dma2 semaphore(%run_scoped3A : memref<!tpu.dma_semaphore, #tpu.memory_space<semaphore_mem>>) src(%dma_wait3A_277 : memref<40x128xf32, #tpu.memory_space<vmem_shared>>) dst(%arg18 : memref<40x128xf32, #tpu.memory_space<vmem>>)
      tpu.yield
    }) : () -> ()
    %mul3A_253 = arith.constant 10240 : i32
    %mul3A_254 = arith.muli %arg0, %mul3A_253 : i32
    %add3A_255 = arith.addi %mul3A_254, %add3A_252 : i32
    "tpu.region"() ({
      %run_scoped3A = tpu.sem_alloc : memref<!tpu.dma_semaphore, #tpu.memory_space<semaphore_mem>>
      %dma_start3A_270 = arith.constant 0 : i32
      %dma_start3A_271 = tpu.memref_slice %arg7[%add3A_255, %dma_start3A_270] : memref<20480x128xf32, #tpu.memory_space<hbm>> -> memref<40x128xf32, #tpu.memory_space<hbm>>
      %dma_start3A_272 = arith.constant 0 : i32
      %dma_start3A_273 = tpu.memref_slice %arg7[%add3A_255, %dma_start3A_272] : memref<20480x128xf32, #tpu.memory_space<hbm>> -> memref<40x128xf32, #tpu.memory_space<hbm>>
      tpu.enqueue_dma source(%arg18 : memref<40x128xf32, #tpu.memory_space<vmem>>) target(%dma_start3A_273 : memref<40x128xf32, #tpu.memory_space<hbm>>) target_semaphore(%run_scoped3A : memref<!tpu.dma_semaphore, #tpu.memory_space<semaphore_mem>>)
      %dma_wait3A_274 = arith.constant 0 : i32
      %dma_wait3A_275 = tpu.memref_slice %arg7[%add3A_255, %dma_wait3A_274] : memref<20480x128xf32, #tpu.memory_space<hbm>> -> memref<40x128xf32, #tpu.memory_space<hbm>>
      %dma_wait3A_276 = arith.constant 0 : i32
      %dma_wait3A_277 = tpu.memref_slice %arg7[%add3A_255, %dma_wait3A_276] : memref<20480x128xf32, #tpu.memory_space<hbm>> -> memref<40x128xf32, #tpu.memory_space<hbm>>
      tpu.wait_dma2 semaphore(%run_scoped3A : memref<!tpu.dma_semaphore, #tpu.memory_space<semaphore_mem>>) src(%arg18 : memref<40x128xf32, #tpu.memory_space<vmem>>) dst(%dma_wait3A_277 : memref<40x128xf32, #tpu.memory_space<hbm>>)
      tpu.yield
    }) : () -> ()
    %mul3A_256 = arith.constant 640 : i32
    %mul3A_257 = arith.muli %arg1, %mul3A_256 : i32
    %add3A_258 = arith.constant 560 : i32
    %add3A_259 = arith.addi %mul3A_257, %add3A_258 : i32
    "tpu.region"() ({
      %run_scoped3A = tpu.sem_alloc : memref<!tpu.dma_semaphore, #tpu.memory_space<semaphore_mem>>
      %dma_start3A_270 = arith.constant 0 : i32
      %dma_start3A_271 = tpu.memref_slice %arg22[%add3A_259, %dma_start3A_270] : memref<10240x128xf32, #tpu.memory_space<vmem_shared>> -> memref<40x128xf32, #tpu.memory_space<vmem_shared>>
      %dma_start3A_272 = arith.constant 0 : i32
      %dma_start3A_273 = tpu.memref_slice %arg22[%add3A_259, %dma_start3A_272] : memref<10240x128xf32, #tpu.memory_space<vmem_shared>> -> memref<40x128xf32, #tpu.memory_space<vmem_shared>>
      tpu.enqueue_dma source(%dma_start3A_273 : memref<40x128xf32, #tpu.memory_space<vmem_shared>>) target(%arg18 : memref<40x128xf32, #tpu.memory_space<vmem>>) target_semaphore(%run_scoped3A : memref<!tpu.dma_semaphore, #tpu.memory_space<semaphore_mem>>)
      %dma_wait3A_274 = arith.constant 0 : i32
      %dma_wait3A_275 = tpu.memref_slice %arg22[%add3A_259, %dma_wait3A_274] : memref<10240x128xf32, #tpu.memory_space<vmem_shared>> -> memref<40x128xf32, #tpu.memory_space<vmem_shared>>
      %dma_wait3A_276 = arith.constant 0 : i32
      %dma_wait3A_277 = tpu.memref_slice %arg22[%add3A_259, %dma_wait3A_276] : memref<10240x128xf32, #tpu.memory_space<vmem_shared>> -> memref<40x128xf32, #tpu.memory_space<vmem_shared>>
      tpu.wait_dma2 semaphore(%run_scoped3A : memref<!tpu.dma_semaphore, #tpu.memory_space<semaphore_mem>>) src(%dma_wait3A_277 : memref<40x128xf32, #tpu.memory_space<vmem_shared>>) dst(%arg18 : memref<40x128xf32, #tpu.memory_space<vmem>>)
      tpu.yield
    }) : () -> ()
    %mul3A_260 = arith.constant 10240 : i32
    %mul3A_261 = arith.muli %arg0, %mul3A_260 : i32
    %add3A_262 = arith.addi %mul3A_261, %add3A_259 : i32
    "tpu.region"() ({
      %run_scoped3A = tpu.sem_alloc : memref<!tpu.dma_semaphore, #tpu.memory_space<semaphore_mem>>
      %dma_start3A_270 = arith.constant 0 : i32
      %dma_start3A_271 = tpu.memref_slice %arg7[%add3A_262, %dma_start3A_270] : memref<20480x128xf32, #tpu.memory_space<hbm>> -> memref<40x128xf32, #tpu.memory_space<hbm>>
      %dma_start3A_272 = arith.constant 0 : i32
      %dma_start3A_273 = tpu.memref_slice %arg7[%add3A_262, %dma_start3A_272] : memref<20480x128xf32, #tpu.memory_space<hbm>> -> memref<40x128xf32, #tpu.memory_space<hbm>>
      tpu.enqueue_dma source(%arg18 : memref<40x128xf32, #tpu.memory_space<vmem>>) target(%dma_start3A_273 : memref<40x128xf32, #tpu.memory_space<hbm>>) target_semaphore(%run_scoped3A : memref<!tpu.dma_semaphore, #tpu.memory_space<semaphore_mem>>)
      %dma_wait3A_274 = arith.constant 0 : i32
      %dma_wait3A_275 = tpu.memref_slice %arg7[%add3A_262, %dma_wait3A_274] : memref<20480x128xf32, #tpu.memory_space<hbm>> -> memref<40x128xf32, #tpu.memory_space<hbm>>
      %dma_wait3A_276 = arith.constant 0 : i32
      %dma_wait3A_277 = tpu.memref_slice %arg7[%add3A_262, %dma_wait3A_276] : memref<20480x128xf32, #tpu.memory_space<hbm>> -> memref<40x128xf32, #tpu.memory_space<hbm>>
      tpu.wait_dma2 semaphore(%run_scoped3A : memref<!tpu.dma_semaphore, #tpu.memory_space<semaphore_mem>>) src(%arg18 : memref<40x128xf32, #tpu.memory_space<vmem>>) dst(%dma_wait3A_277 : memref<40x128xf32, #tpu.memory_space<hbm>>)
      tpu.yield
    }) : () -> ()
    %mul3A_263 = arith.constant 640 : i32
    %mul3A_264 = arith.muli %arg1, %mul3A_263 : i32
    %add3A_265 = arith.constant 600 : i32
    %add3A_266 = arith.addi %mul3A_264, %add3A_265 : i32
    "tpu.region"() ({
      %run_scoped3A = tpu.sem_alloc : memref<!tpu.dma_semaphore, #tpu.memory_space<semaphore_mem>>
      %dma_start3A_270 = arith.constant 0 : i32
      %dma_start3A_271 = tpu.memref_slice %arg22[%add3A_266, %dma_start3A_270] : memref<10240x128xf32, #tpu.memory_space<vmem_shared>> -> memref<40x128xf32, #tpu.memory_space<vmem_shared>>
      %dma_start3A_272 = arith.constant 0 : i32
      %dma_start3A_273 = tpu.memref_slice %arg22[%add3A_266, %dma_start3A_272] : memref<10240x128xf32, #tpu.memory_space<vmem_shared>> -> memref<40x128xf32, #tpu.memory_space<vmem_shared>>
      tpu.enqueue_dma source(%dma_start3A_273 : memref<40x128xf32, #tpu.memory_space<vmem_shared>>) target(%arg18 : memref<40x128xf32, #tpu.memory_space<vmem>>) target_semaphore(%run_scoped3A : memref<!tpu.dma_semaphore, #tpu.memory_space<semaphore_mem>>)
      %dma_wait3A_274 = arith.constant 0 : i32
      %dma_wait3A_275 = tpu.memref_slice %arg22[%add3A_266, %dma_wait3A_274] : memref<10240x128xf32, #tpu.memory_space<vmem_shared>> -> memref<40x128xf32, #tpu.memory_space<vmem_shared>>
      %dma_wait3A_276 = arith.constant 0 : i32
      %dma_wait3A_277 = tpu.memref_slice %arg22[%add3A_266, %dma_wait3A_276] : memref<10240x128xf32, #tpu.memory_space<vmem_shared>> -> memref<40x128xf32, #tpu.memory_space<vmem_shared>>
      tpu.wait_dma2 semaphore(%run_scoped3A : memref<!tpu.dma_semaphore, #tpu.memory_space<semaphore_mem>>) src(%dma_wait3A_277 : memref<40x128xf32, #tpu.memory_space<vmem_shared>>) dst(%arg18 : memref<40x128xf32, #tpu.memory_space<vmem>>)
      tpu.yield
    }) : () -> ()
    %mul3A_267 = arith.constant 10240 : i32
    %mul3A_268 = arith.muli %arg0, %mul3A_267 : i32
    %add3A_269 = arith.addi %mul3A_268, %add3A_266 : i32
    "tpu.region"() ({
      %run_scoped3A = tpu.sem_alloc : memref<!tpu.dma_semaphore, #tpu.memory_space<semaphore_mem>>
      %dma_start3A_270 = arith.constant 0 : i32
      %dma_start3A_271 = tpu.memref_slice %arg7[%add3A_269, %dma_start3A_270] : memref<20480x128xf32, #tpu.memory_space<hbm>> -> memref<40x128xf32, #tpu.memory_space<hbm>>
      %dma_start3A_272 = arith.constant 0 : i32
      %dma_start3A_273 = tpu.memref_slice %arg7[%add3A_269, %dma_start3A_272] : memref<20480x128xf32, #tpu.memory_space<hbm>> -> memref<40x128xf32, #tpu.memory_space<hbm>>
      tpu.enqueue_dma source(%arg18 : memref<40x128xf32, #tpu.memory_space<vmem>>) target(%dma_start3A_273 : memref<40x128xf32, #tpu.memory_space<hbm>>) target_semaphore(%run_scoped3A : memref<!tpu.dma_semaphore, #tpu.memory_space<semaphore_mem>>)
      %dma_wait3A_274 = arith.constant 0 : i32
      %dma_wait3A_275 = tpu.memref_slice %arg7[%add3A_269, %dma_wait3A_274] : memref<20480x128xf32, #tpu.memory_space<hbm>> -> memref<40x128xf32, #tpu.memory_space<hbm>>
      %dma_wait3A_276 = arith.constant 0 : i32
      %dma_wait3A_277 = tpu.memref_slice %arg7[%add3A_269, %dma_wait3A_276] : memref<20480x128xf32, #tpu.memory_space<hbm>> -> memref<40x128xf32, #tpu.memory_space<hbm>>
      tpu.wait_dma2 semaphore(%run_scoped3A : memref<!tpu.dma_semaphore, #tpu.memory_space<semaphore_mem>>) src(%arg18 : memref<40x128xf32, #tpu.memory_space<vmem>>) dst(%dma_wait3A_277 : memref<40x128xf32, #tpu.memory_space<hbm>>)
      tpu.yield
    }) : () -> ()
    return
  }
}

module attributes {stable_mosaic.version = 14 : i64} {
  func.func @_tc_edgeproj_body(%arg0: i32, %arg1: memref<8000x20xf32, #tpu.memory_space<vmem>>, %arg2: memref<20x128xf32, #tpu.memory_space<vmem>>, %arg3: memref<1x128xf32, #tpu.memory_space<vmem>>, %arg4: memref<8000x128xf32, #tpu.memory_space<vmem>>) attributes {dimension_semantics = [#tpu.dimension_semantics<arbitrary>], iteration_bounds = array<i64: 40>, scalar_prefetch = 0 : i64, scratch_operands = 0 : i64, tpu.core_type = #tpu.core_type<tc>, window_params = [{transform_indices = @transform_0, window_bounds = array<i64: 8000, 20>}, {pipeline_mode = #tpu.pipeline_mode<synchronous>, transform_indices = @transform_1, window_bounds = array<i64: 20, 128>}, {pipeline_mode = #tpu.pipeline_mode<synchronous>, transform_indices = @transform_2, window_bounds = array<i64: 1, 128>}, {transform_indices = @transform_3, window_bounds = array<i64: 8000, 128>}]} {
    %get3A = arith.constant 0 : index
    %get3A_0 = arith.constant 0 : index
    %get3A_1 = vector.load %arg1[%get3A, %get3A_0] : memref<8000x20xf32, #tpu.memory_space<vmem>>, vector<8000x20xf32>
    %get3A_2 = arith.constant 0 : index
    %get3A_3 = arith.constant 0 : index
    %get3A_4 = vector.load %arg2[%get3A_2, %get3A_3] : memref<20x128xf32, #tpu.memory_space<vmem>>, vector<20x128xf32>
    %dot_general3A = arith.constant dense<0.000000e+00> : vector<8000x128xf32>
    %dot_general3A_5 = tpu.matmul %get3A_1, %get3A_4, %dot_general3A {dimension_numbers = #tpu.dot_dimension_numbers<[1], [0], [0], [1], [0, 0, 1, 1], [], []>, transpose_lhs_hint = false} : vector<8000x20xf32>, vector<20x128xf32>, vector<8000x128xf32> -> vector<8000x128xf32>
    %get3A_6 = arith.constant 0 : index
    %get3A_7 = arith.constant 0 : index
    %get3A_8 = vector.load %arg3[%get3A_6, %get3A_7] : memref<1x128xf32, #tpu.memory_space<vmem>>, vector<1x128xf32>
    %add3A = vector.broadcast %get3A_8 : vector<1x128xf32> to vector<8000x128xf32>
    %add3A_9 = arith.addf %dot_general3A_5, %add3A : vector<8000x128xf32>
    %swap3A = arith.constant 0 : index
    %swap3A_10 = arith.constant 0 : index
    %swap3A_11 = vector.load %arg4[%swap3A, %swap3A_10] : memref<8000x128xf32, #tpu.memory_space<vmem>>, vector<8000x128xf32>
    tpu.vector_store %arg4[%swap3A, %swap3A_10], %add3A_9 {strides = array<i32>} : memref<8000x128xf32, #tpu.memory_space<vmem>>, vector<8000x128xf32>,
    return
  }
  func.func @transform_0(%arg0: i32) -> (i32, i32) {
    %c0_i32 = arith.constant 0 : i32
    %c0_i32_0 = arith.constant 0 : i32
    return %arg0, %c0_i32 : i32, i32
  }
  func.func @transform_1(%arg0: i32) -> (i32, i32) {
    %c0_i32 = arith.constant 0 : i32
    %c0_i32_0 = arith.constant 0 : i32
    %c0_i32_1 = arith.constant 0 : i32
    return %c0_i32, %c0_i32_0 : i32, i32
  }
  func.func @transform_2(%arg0: i32) -> (i32, i32) {
    %c0_i32 = arith.constant 0 : i32
    %c0_i32_0 = arith.constant 0 : i32
    %c0_i32_1 = arith.constant 0 : i32
    return %c0_i32, %c0_i32_0 : i32, i32
  }
  func.func @transform_3(%arg0: i32) -> (i32, i32) {
    %c0_i32 = arith.constant 0 : i32
    %c0_i32_0 = arith.constant 0 : i32
    return %arg0, %c0_i32 : i32, i32
  }
}

module attributes {stable_mosaic.version = 14 : i64} {
  func.func @_tc_pre_body(%arg0: i32, %arg1: memref<2000x128xf32, #tpu.memory_space<vmem>>, %arg2: memref<2000x1xf32, #tpu.memory_space<vmem>>, %arg3: memref<128x128xf32, #tpu.memory_space<vmem>>, %arg4: memref<1x128xf32, #tpu.memory_space<vmem>>, %arg5: memref<128x128xf32, #tpu.memory_space<vmem>>, %arg6: memref<128x128xf32, #tpu.memory_space<vmem>>, %arg7: memref<2000x128xf32, #tpu.memory_space<vmem>>, %arg8: memref<2000x128xf32, #tpu.memory_space<vmem>>, %arg9: memref<1x128xf32, #tpu.memory_space<vmem>>, %arg10: memref<1x1xf32, #tpu.memory_space<vmem>>) attributes {dimension_semantics = [#tpu.dimension_semantics<arbitrary>], iteration_bounds = array<i64: 5>, scalar_prefetch = 0 : i64, scratch_operands = 0 : i64, tpu.core_type = #tpu.core_type<tc>, window_params = [{transform_indices = @transform_0, window_bounds = array<i64: 2000, 128>}, {transform_indices = @transform_1, window_bounds = array<i64: 2000, 1>}, {pipeline_mode = #tpu.pipeline_mode<synchronous>, transform_indices = @transform_2, window_bounds = array<i64: 128, 128>}, {pipeline_mode = #tpu.pipeline_mode<synchronous>, transform_indices = @transform_3, window_bounds = array<i64: 1, 128>}, {pipeline_mode = #tpu.pipeline_mode<synchronous>, transform_indices = @transform_4, window_bounds = array<i64: 128, 128>}, {pipeline_mode = #tpu.pipeline_mode<synchronous>, transform_indices = @transform_5, window_bounds = array<i64: 128, 128>}, {transform_indices = @transform_6, window_bounds = array<i64: 2000, 128>}, {transform_indices = @transform_7, window_bounds = array<i64: 2000, 128>}, {pipeline_mode = #tpu.pipeline_mode<synchronous>, transform_indices = @transform_8, window_bounds = array<i64: 1, 128>}, {pipeline_mode = #tpu.pipeline_mode<synchronous>, transform_indices = @transform_9, window_bounds = array<i64: 1, 1>}]} {
    %get3A = arith.constant 0 : index
    %get3A_0 = arith.constant 0 : index
    %get3A_1 = vector.load %arg1[%get3A, %get3A_0] : memref<2000x128xf32, #tpu.memory_space<vmem>>, vector<2000x128xf32>
    %get3A_2 = arith.constant 0 : index
    %get3A_3 = arith.constant 0 : index
    %get3A_4 = vector.load %arg3[%get3A_2, %get3A_3] : memref<128x128xf32, #tpu.memory_space<vmem>>, vector<128x128xf32>
    %dot_general3A = arith.constant dense<0.000000e+00> : vector<2000x128xf32>
    %dot_general3A_5 = tpu.matmul %get3A_1, %get3A_4, %dot_general3A {dimension_numbers = #tpu.dot_dimension_numbers<[1], [0], [0], [1], [0, 0, 1, 1], [], []>, transpose_lhs_hint = false} : vector<2000x128xf32>, vector<128x128xf32>, vector<2000x128xf32> -> vector<2000x128xf32>
    %get3A_6 = arith.constant 0 : index
    %get3A_7 = arith.constant 0 : index
    %get3A_8 = vector.load %arg4[%get3A_6, %get3A_7] : memref<1x128xf32, #tpu.memory_space<vmem>>, vector<1x128xf32>
    %add3A = vector.broadcast %get3A_8 : vector<1x128xf32> to vector<2000x128xf32>
    %add3A_9 = arith.addf %dot_general3A_5, %add3A : vector<2000x128xf32>
    %max3A = arith.constant 0.000000e+00 : f32
    %max3A_10 = vector.broadcast %max3A : f32 to vector<2000x128xf32>
    %max3A_11 = arith.maximumf %add3A_9, %max3A_10 : vector<2000x128xf32>
    %get3A_12 = arith.constant 0 : index
    %get3A_13 = arith.constant 0 : index
    %get3A_14 = vector.load %arg2[%get3A_12, %get3A_13] : memref<2000x1xf32, #tpu.memory_space<vmem>>, vector<2000x1xf32>
    %mul3A = vector.broadcast %get3A_14 : vector<2000x1xf32> to vector<2000x128xf32>
    %mul3A_15 = arith.mulf %max3A_11, %mul3A : vector<2000x128xf32>
    %get3A_16 = arith.constant 0 : index
    %get3A_17 = arith.constant 0 : index
    %get3A_18 = vector.load %arg5[%get3A_16, %get3A_17] : memref<128x128xf32, #tpu.memory_space<vmem>>, vector<128x128xf32>
    %dot_general3A_19 = arith.constant dense<0.000000e+00> : vector<2000x128xf32>
    %dot_general3A_20 = tpu.matmul %mul3A_15, %get3A_18, %dot_general3A_19 {dimension_numbers = #tpu.dot_dimension_numbers<[1], [0], [0], [1], [0, 0, 1, 1], [], []>, transpose_lhs_hint = false} : vector<2000x128xf32>, vector<128x128xf32>, vector<2000x128xf32> -> vector<2000x128xf32>
    %swap3A = arith.constant 0 : index
    %swap3A_21 = arith.constant 0 : index
    %swap3A_22 = vector.load %arg7[%swap3A, %swap3A_21] : memref<2000x128xf32, #tpu.memory_space<vmem>>, vector<2000x128xf32>
    tpu.vector_store %arg7[%swap3A, %swap3A_21], %dot_general3A_20 {strides = array<i32>} : memref<2000x128xf32, #tpu.memory_space<vmem>>, vector<2000x128xf32>,
    %get3A_23 = arith.constant 0 : index
    %get3A_24 = arith.constant 0 : index
    %get3A_25 = vector.load %arg6[%get3A_23, %get3A_24] : memref<128x128xf32, #tpu.memory_space<vmem>>, vector<128x128xf32>
    %dot_general3A_26 = arith.constant dense<0.000000e+00> : vector<2000x128xf32>
    %dot_general3A_27 = tpu.matmul %mul3A_15, %get3A_25, %dot_general3A_26 {dimension_numbers = #tpu.dot_dimension_numbers<[1], [0], [0], [1], [0, 0, 1, 1], [], []>, transpose_lhs_hint = false} : vector<2000x128xf32>, vector<128x128xf32>, vector<2000x128xf32> -> vector<2000x128xf32>
    %swap3A_28 = arith.constant 0 : index
    %swap3A_29 = arith.constant 0 : index
    %swap3A_30 = vector.load %arg8[%swap3A_28, %swap3A_29] : memref<2000x128xf32, #tpu.memory_space<vmem>>, vector<2000x128xf32>
    tpu.vector_store %arg8[%swap3A_28, %swap3A_29], %dot_general3A_27 {strides = array<i32>} : memref<2000x128xf32, #tpu.memory_space<vmem>>, vector<2000x128xf32>,
    %reduce_sum3A = arith.constant dense<0.000000e+00> : vector<128xf32>
    %reduce_sum3A_31 = vector.multi_reduction <add>, %mul3A_15, %reduce_sum3A [0] : vector<2000x128xf32> to vector<128xf32>
    %broadcast_in_dim3A = vector.shape_cast %reduce_sum3A_31 : vector<128xf32> to vector<1x128xf32>
    %get3A_32 = arith.constant 0 : index
    %get3A_33 = arith.constant 0 : index
    %get3A_34 = vector.load %arg2[%get3A_32, %get3A_33] : memref<2000x1xf32, #tpu.memory_space<vmem>>, vector<2000x1xf32>
    %reduce_sum3A_35 = arith.constant dense<0.000000e+00> : vector<1xf32>
    %reduce_sum3A_36 = vector.multi_reduction <add>, %get3A_34, %reduce_sum3A_35 [0] : vector<2000x1xf32> to vector<1xf32>
    %broadcast_in_dim3A_37 = vector.shape_cast %reduce_sum3A_36 : vector<1xf32> to vector<1x1xf32>
    %eq3A = arith.constant 0 : i32
    %eq3A_38 = arith.cmpi eq, %arg0, %eq3A : i32
    %convert_element_type3A = arith.extui %eq3A_38 : i1 to i32
    %cond3A = arith.constant 0 : i32
    %cond3A_39 = arith.cmpi ne, %convert_element_type3A, %cond3A : i32
    scf.if %cond3A_39 {
      %swap3A_44 = arith.constant 0 : index
      %swap3A_45 = arith.constant 0 : index
      %swap3A_46 = vector.load %arg9[%swap3A_44, %swap3A_45] : memref<1x128xf32, #tpu.memory_space<vmem>>, vector<1x128xf32>
      tpu.vector_store %arg9[%swap3A_44, %swap3A_45], %broadcast_in_dim3A {strides = array<i32>} : memref<1x128xf32, #tpu.memory_space<vmem>>, vector<1x128xf32>,
      %swap3A_47 = arith.constant 0 : index
      %swap3A_48 = arith.constant 0 : index
      %swap3A_49 = vector.load %arg10[%swap3A_47, %swap3A_48] : memref<1x1xf32, #tpu.memory_space<vmem>>, vector<1x1xf32>
      tpu.vector_store %arg10[%swap3A_47, %swap3A_48], %broadcast_in_dim3A_37 {strides = array<i32>} : memref<1x1xf32, #tpu.memory_space<vmem>>, vector<1x1xf32>,
    } else {
    }
    %gt3A = arith.constant 0 : i32
    %gt3A_40 = arith.cmpi sgt, %arg0, %gt3A : i32
    %convert_element_type3A_41 = arith.extui %gt3A_40 : i1 to i32
    %cond3A_42 = arith.constant 0 : i32
    %cond3A_43 = arith.cmpi ne, %convert_element_type3A_41, %cond3A_42 : i32
    scf.if %cond3A_43 {
      %get3A_44 = arith.constant 0 : index
      %get3A_45 = arith.constant 0 : index
      %get3A_46 = vector.load %arg9[%get3A_44, %get3A_45] : memref<1x128xf32, #tpu.memory_space<vmem>>, vector<1x128xf32>
      %add3A_47 = arith.addf %get3A_46, %broadcast_in_dim3A : vector<1x128xf32>
      %swap3A_48 = arith.constant 0 : index
      %swap3A_49 = arith.constant 0 : index
      %swap3A_50 = vector.load %arg9[%swap3A_48, %swap3A_49] : memref<1x128xf32, #tpu.memory_space<vmem>>, vector<1x128xf32>
      tpu.vector_store %arg9[%swap3A_48, %swap3A_49], %add3A_47 {strides = array<i32>} : memref<1x128xf32, #tpu.memory_space<vmem>>, vector<1x128xf32>,
      %get3A_51 = arith.constant 0 : index
      %get3A_52 = arith.constant 0 : index
      %get3A_53 = vector.load %arg10[%get3A_51, %get3A_52] : memref<1x1xf32, #tpu.memory_space<vmem>>, vector<1x1xf32>
      %add3A_54 = arith.addf %get3A_53, %broadcast_in_dim3A_37 : vector<1x1xf32>
      %swap3A_55 = arith.constant 0 : index
      %swap3A_56 = arith.constant 0 : index
      %swap3A_57 = vector.load %arg10[%swap3A_55, %swap3A_56] : memref<1x1xf32, #tpu.memory_space<vmem>>, vector<1x1xf32>
      tpu.vector_store %arg10[%swap3A_55, %swap3A_56], %add3A_54 {strides = array<i32>} : memref<1x1xf32, #tpu.memory_space<vmem>>, vector<1x1xf32>,
    } else {
    }
    return
  }
  func.func @transform_0(%arg0: i32) -> (i32, i32) {
    %c0_i32 = arith.constant 0 : i32
    %c0_i32_0 = arith.constant 0 : i32
    return %arg0, %c0_i32 : i32, i32
  }
  func.func @transform_1(%arg0: i32) -> (i32, i32) {
    %c0_i32 = arith.constant 0 : i32
    %c0_i32_0 = arith.constant 0 : i32
    return %arg0, %c0_i32 : i32, i32
  }
  func.func @transform_2(%arg0: i32) -> (i32, i32) {
    %c0_i32 = arith.constant 0 : i32
    %c0_i32_0 = arith.constant 0 : i32
    %c0_i32_1 = arith.constant 0 : i32
    return %c0_i32, %c0_i32_0 : i32, i32
  }
  func.func @transform_3(%arg0: i32) -> (i32, i32) {
    %c0_i32 = arith.constant 0 : i32
    %c0_i32_0 = arith.constant 0 : i32
    %c0_i32_1 = arith.constant 0 : i32
    return %c0_i32, %c0_i32_0 : i32, i32
  }
  func.func @transform_4(%arg0: i32) -> (i32, i32) {
    %c0_i32 = arith.constant 0 : i32
    %c0_i32_0 = arith.constant 0 : i32
    %c0_i32_1 = arith.constant 0 : i32
    return %c0_i32, %c0_i32_0 : i32, i32
  }
  func.func @transform_5(%arg0: i32) -> (i32, i32) {
    %c0_i32 = arith.constant 0 : i32
    %c0_i32_0 = arith.constant 0 : i32
    %c0_i32_1 = arith.constant 0 : i32
    return %c0_i32, %c0_i32_0 : i32, i32
  }
  func.func @transform_6(%arg0: i32) -> (i32, i32) {
    %c0_i32 = arith.constant 0 : i32
    %c0_i32_0 = arith.constant 0 : i32
    return %arg0, %c0_i32 : i32, i32
  }
  func.func @transform_7(%arg0: i32) -> (i32, i32) {
    %c0_i32 = arith.constant 0 : i32
    %c0_i32_0 = arith.constant 0 : i32
    return %arg0, %c0_i32 : i32, i32
  }
  func.func @transform_8(%arg0: i32) -> (i32, i32) {
    %c0_i32 = arith.constant 0 : i32
    %c0_i32_0 = arith.constant 0 : i32
    %c0_i32_1 = arith.constant 0 : i32
    return %c0_i32, %c0_i32_0 : i32, i32
  }
  func.func @transform_9(%arg0: i32) -> (i32, i32) {
    %c0_i32 = arith.constant 0 : i32
    %c0_i32_0 = arith.constant 0 : i32
    %c0_i32_1 = arith.constant 0 : i32
    return %c0_i32, %c0_i32_0 : i32, i32
  }
}

module attributes {stable_mosaic.version = 14 : i64} {
  func.func @_tc_mid_body(%arg0: i32, %arg1: memref<2048x128xf32, #tpu.memory_space<vmem>>, %arg2: memref<2048x128xf32, #tpu.memory_space<vmem>>, %arg3: memref<32x2048xf32, #tpu.memory_space<vmem>>, %arg4: memref<32x1xf32, #tpu.memory_space<vmem>>, %arg5: memref<128x128xf32, #tpu.memory_space<vmem>>, %arg6: memref<128x128xf32, #tpu.memory_space<vmem>>, %arg7: memref<2048x128xf32, #tpu.memory_space<vmem>>, %arg8: memref<2048x128xf32, #tpu.memory_space<vmem>>, %arg9: memref<1x128xf32, #tpu.memory_space<vmem>>) attributes {dimension_semantics = [#tpu.dimension_semantics<arbitrary>], iteration_bounds = array<i64: 5>, scalar_prefetch = 0 : i64, scratch_operands = 0 : i64, tpu.core_type = #tpu.core_type<tc>, window_params = [{transform_indices = @transform_0, window_bounds = array<i64: 2048, 128>}, {transform_indices = @transform_1, window_bounds = array<i64: 2048, 128>}, {transform_indices = @transform_2, window_bounds = array<i64: 32, 2048>}, {pipeline_mode = #tpu.pipeline_mode<synchronous>, transform_indices = @transform_3, window_bounds = array<i64: 32, 1>}, {pipeline_mode = #tpu.pipeline_mode<synchronous>, transform_indices = @transform_4, window_bounds = array<i64: 128, 128>}, {pipeline_mode = #tpu.pipeline_mode<synchronous>, transform_indices = @transform_5, window_bounds = array<i64: 128, 128>}, {transform_indices = @transform_6, window_bounds = array<i64: 2048, 128>}, {transform_indices = @transform_7, window_bounds = array<i64: 2048, 128>}, {pipeline_mode = #tpu.pipeline_mode<synchronous>, transform_indices = @transform_8, window_bounds = array<i64: 1, 128>}]} {
    %get3A = arith.constant 0 : index
    %get3A_0 = arith.constant 0 : index
    %get3A_1 = vector.load %arg3[%get3A, %get3A_0] : memref<32x2048xf32, #tpu.memory_space<vmem>>, vector<32x2048xf32>
    %get3A_2 = arith.constant 0 : index
    %get3A_3 = arith.constant 0 : index
    %get3A_4 = vector.load %arg4[%get3A_2, %get3A_3] : memref<32x1xf32, #tpu.memory_space<vmem>>, vector<32x1xf32>
    %dot_general3A = arith.constant dense<0.000000e+00> : vector<2048x1xf32>
    %dot_general3A_5 = tpu.matmul %get3A_1, %get3A_4, %dot_general3A {dimension_numbers = #tpu.dot_dimension_numbers<[0], [0], [1], [1], [0, 1, 1, 1], [], []>, transpose_lhs_hint = false} : vector<32x2048xf32>, vector<32x1xf32>, vector<2048x1xf32> -> vector<2048x1xf32>
    %get3A_6 = arith.constant 0 : index
    %get3A_7 = arith.constant 0 : index
    %get3A_8 = vector.load %arg1[%get3A_6, %get3A_7] : memref<2048x128xf32, #tpu.memory_space<vmem>>, vector<2048x128xf32>
    %get3A_9 = arith.constant 0 : index
    %get3A_10 = arith.constant 0 : index
    %get3A_11 = vector.load %arg2[%get3A_9, %get3A_10] : memref<2048x128xf32, #tpu.memory_space<vmem>>, vector<2048x128xf32>
    %add3A = arith.addf %get3A_8, %get3A_11 : vector<2048x128xf32>
    %max3A = arith.constant 1.000000e+00 : f32
    %max3A_12 = vector.broadcast %max3A : f32 to vector<2048x1xf32>
    %max3A_13 = arith.maximumf %dot_general3A_5, %max3A_12 : vector<2048x1xf32>
    %div3A = vector.broadcast %max3A_13 : vector<2048x1xf32> to vector<2048x128xf32>
    %div3A_14 = arith.divf %add3A, %div3A : vector<2048x128xf32>
    %get3A_15 = arith.constant 0 : index
    %get3A_16 = arith.constant 0 : index
    %get3A_17 = vector.load %arg5[%get3A_15, %get3A_16] : memref<128x128xf32, #tpu.memory_space<vmem>>, vector<128x128xf32>
    %dot_general3A_18 = arith.constant dense<0.000000e+00> : vector<2048x128xf32>
    %dot_general3A_19 = tpu.matmul %div3A_14, %get3A_17, %dot_general3A_18 {dimension_numbers = #tpu.dot_dimension_numbers<[1], [0], [0], [1], [0, 0, 1, 1], [], []>, transpose_lhs_hint = false} : vector<2048x128xf32>, vector<128x128xf32>, vector<2048x128xf32> -> vector<2048x128xf32>
    %swap3A = arith.constant 0 : index
    %swap3A_20 = arith.constant 0 : index
    %swap3A_21 = vector.load %arg7[%swap3A, %swap3A_20] : memref<2048x128xf32, #tpu.memory_space<vmem>>, vector<2048x128xf32>
    tpu.vector_store %arg7[%swap3A, %swap3A_20], %dot_general3A_19 {strides = array<i32>} : memref<2048x128xf32, #tpu.memory_space<vmem>>, vector<2048x128xf32>,
    %get3A_22 = arith.constant 0 : index
    %get3A_23 = arith.constant 0 : index
    %get3A_24 = vector.load %arg6[%get3A_22, %get3A_23] : memref<128x128xf32, #tpu.memory_space<vmem>>, vector<128x128xf32>
    %dot_general3A_25 = arith.constant dense<0.000000e+00> : vector<2048x128xf32>
    %dot_general3A_26 = tpu.matmul %div3A_14, %get3A_24, %dot_general3A_25 {dimension_numbers = #tpu.dot_dimension_numbers<[1], [0], [0], [1], [0, 0, 1, 1], [], []>, transpose_lhs_hint = false} : vector<2048x128xf32>, vector<128x128xf32>, vector<2048x128xf32> -> vector<2048x128xf32>
    %swap3A_27 = arith.constant 0 : index
    %swap3A_28 = arith.constant 0 : index
    %swap3A_29 = vector.load %arg8[%swap3A_27, %swap3A_28] : memref<2048x128xf32, #tpu.memory_space<vmem>>, vector<2048x128xf32>
    tpu.vector_store %arg8[%swap3A_27, %swap3A_28], %dot_general3A_26 {strides = array<i32>} : memref<2048x128xf32, #tpu.memory_space<vmem>>, vector<2048x128xf32>,
    %reduce_sum3A = arith.constant dense<0.000000e+00> : vector<128xf32>
    %reduce_sum3A_30 = vector.multi_reduction <add>, %div3A_14, %reduce_sum3A [0] : vector<2048x128xf32> to vector<128xf32>
    %broadcast_in_dim3A = vector.shape_cast %reduce_sum3A_30 : vector<128xf32> to vector<1x128xf32>
    %eq3A = arith.constant 0 : i32
    %eq3A_31 = arith.cmpi eq, %arg0, %eq3A : i32
    %convert_element_type3A = arith.extui %eq3A_31 : i1 to i32
    %cond3A = arith.constant 0 : i32
    %cond3A_32 = arith.cmpi ne, %convert_element_type3A, %cond3A : i32
    scf.if %cond3A_32 {
      %swap3A_37 = arith.constant 0 : index
      %swap3A_38 = arith.constant 0 : index
      %swap3A_39 = vector.load %arg9[%swap3A_37, %swap3A_38] : memref<1x128xf32, #tpu.memory_space<vmem>>, vector<1x128xf32>
      tpu.vector_store %arg9[%swap3A_37, %swap3A_38], %broadcast_in_dim3A {strides = array<i32>} : memref<1x128xf32, #tpu.memory_space<vmem>>, vector<1x128xf32>,
    } else {
    }
    %gt3A = arith.constant 0 : i32
    %gt3A_33 = arith.cmpi sgt, %arg0, %gt3A : i32
    %convert_element_type3A_34 = arith.extui %gt3A_33 : i1 to i32
    %cond3A_35 = arith.constant 0 : i32
    %cond3A_36 = arith.cmpi ne, %convert_element_type3A_34, %cond3A_35 : i32
    scf.if %cond3A_36 {
      %get3A_37 = arith.constant 0 : index
      %get3A_38 = arith.constant 0 : index
      %get3A_39 = vector.load %arg9[%get3A_37, %get3A_38] : memref<1x128xf32, #tpu.memory_space<vmem>>, vector<1x128xf32>
      %add3A_40 = arith.addf %get3A_39, %broadcast_in_dim3A : vector<1x128xf32>
      %swap3A_41 = arith.constant 0 : index
      %swap3A_42 = arith.constant 0 : index
      %swap3A_43 = vector.load %arg9[%swap3A_41, %swap3A_42] : memref<1x128xf32, #tpu.memory_space<vmem>>, vector<1x128xf32>
      tpu.vector_store %arg9[%swap3A_41, %swap3A_42], %add3A_40 {strides = array<i32>} : memref<1x128xf32, #tpu.memory_space<vmem>>, vector<1x128xf32>,
    } else {
    }
    return
  }
  func.func @transform_0(%arg0: i32) -> (i32, i32) {
    %c0_i32 = arith.constant 0 : i32
    %c0_i32_0 = arith.constant 0 : i32
    return %arg0, %c0_i32 : i32, i32
  }
  func.func @transform_1(%arg0: i32) -> (i32, i32) {
    %c0_i32 = arith.constant 0 : i32
    %c0_i32_0 = arith.constant 0 : i32
    return %arg0, %c0_i32 : i32, i32
  }
  func.func @transform_2(%arg0: i32) -> (i32, i32) {
    %c0_i32 = arith.constant 0 : i32
    %c0_i32_0 = arith.constant 0 : i32
    return %c0_i32, %arg0 : i32, i32
  }
  func.func @transform_3(%arg0: i32) -> (i32, i32) {
    %c0_i32 = arith.constant 0 : i32
    %c0_i32_0 = arith.constant 0 : i32
    %c0_i32_1 = arith.constant 0 : i32
    return %c0_i32, %c0_i32_0 : i32, i32
  }
  func.func @transform_4(%arg0: i32) -> (i32, i32) {
    %c0_i32 = arith.constant 0 : i32
    %c0_i32_0 = arith.constant 0 : i32
    %c0_i32_1 = arith.constant 0 : i32
    return %c0_i32, %c0_i32_0 : i32, i32
  }
  func.func @transform_5(%arg0: i32) -> (i32, i32) {
    %c0_i32 = arith.constant 0 : i32
    %c0_i32_0 = arith.constant 0 : i32
    %c0_i32_1 = arith.constant 0 : i32
    return %c0_i32, %c0_i32_0 : i32, i32
  }
  func.func @transform_6(%arg0: i32) -> (i32, i32) {
    %c0_i32 = arith.constant 0 : i32
    %c0_i32_0 = arith.constant 0 : i32
    return %arg0, %c0_i32 : i32, i32
  }
  func.func @transform_7(%arg0: i32) -> (i32, i32) {
    %c0_i32 = arith.constant 0 : i32
    %c0_i32_0 = arith.constant 0 : i32
    return %arg0, %c0_i32 : i32, i32
  }
  func.func @transform_8(%arg0: i32) -> (i32, i32) {
    %c0_i32 = arith.constant 0 : i32
    %c0_i32_0 = arith.constant 0 : i32
    %c0_i32_1 = arith.constant 0 : i32
    return %c0_i32, %c0_i32_0 : i32, i32
  }
}

module attributes {stable_mosaic.version = 14 : i64} {
  func.func @_tc_mid_body(%arg0: i32, %arg1: memref<2048x128xf32, #tpu.memory_space<vmem>>, %arg2: memref<2048x128xf32, #tpu.memory_space<vmem>>, %arg3: memref<32x2048xf32, #tpu.memory_space<vmem>>, %arg4: memref<32x1xf32, #tpu.memory_space<vmem>>, %arg5: memref<128x128xf32, #tpu.memory_space<vmem>>, %arg6: memref<128x128xf32, #tpu.memory_space<vmem>>, %arg7: memref<2048x128xf32, #tpu.memory_space<vmem>>, %arg8: memref<2048x128xf32, #tpu.memory_space<vmem>>, %arg9: memref<1x128xf32, #tpu.memory_space<vmem>>) attributes {dimension_semantics = [#tpu.dimension_semantics<arbitrary>], iteration_bounds = array<i64: 5>, scalar_prefetch = 0 : i64, scratch_operands = 0 : i64, tpu.core_type = #tpu.core_type<tc>, window_params = [{transform_indices = @transform_0, window_bounds = array<i64: 2048, 128>}, {transform_indices = @transform_1, window_bounds = array<i64: 2048, 128>}, {transform_indices = @transform_2, window_bounds = array<i64: 32, 2048>}, {pipeline_mode = #tpu.pipeline_mode<synchronous>, transform_indices = @transform_3, window_bounds = array<i64: 32, 1>}, {pipeline_mode = #tpu.pipeline_mode<synchronous>, transform_indices = @transform_4, window_bounds = array<i64: 128, 128>}, {pipeline_mode = #tpu.pipeline_mode<synchronous>, transform_indices = @transform_5, window_bounds = array<i64: 128, 128>}, {transform_indices = @transform_6, window_bounds = array<i64: 2048, 128>}, {transform_indices = @transform_7, window_bounds = array<i64: 2048, 128>}, {pipeline_mode = #tpu.pipeline_mode<synchronous>, transform_indices = @transform_8, window_bounds = array<i64: 1, 128>}]} {
    %get3A = arith.constant 0 : index
    %get3A_0 = arith.constant 0 : index
    %get3A_1 = vector.load %arg3[%get3A, %get3A_0] : memref<32x2048xf32, #tpu.memory_space<vmem>>, vector<32x2048xf32>
    %get3A_2 = arith.constant 0 : index
    %get3A_3 = arith.constant 0 : index
    %get3A_4 = vector.load %arg4[%get3A_2, %get3A_3] : memref<32x1xf32, #tpu.memory_space<vmem>>, vector<32x1xf32>
    %dot_general3A = arith.constant dense<0.000000e+00> : vector<2048x1xf32>
    %dot_general3A_5 = tpu.matmul %get3A_1, %get3A_4, %dot_general3A {dimension_numbers = #tpu.dot_dimension_numbers<[0], [0], [1], [1], [0, 1, 1, 1], [], []>, transpose_lhs_hint = false} : vector<32x2048xf32>, vector<32x1xf32>, vector<2048x1xf32> -> vector<2048x1xf32>
    %get3A_6 = arith.constant 0 : index
    %get3A_7 = arith.constant 0 : index
    %get3A_8 = vector.load %arg1[%get3A_6, %get3A_7] : memref<2048x128xf32, #tpu.memory_space<vmem>>, vector<2048x128xf32>
    %get3A_9 = arith.constant 0 : index
    %get3A_10 = arith.constant 0 : index
    %get3A_11 = vector.load %arg2[%get3A_9, %get3A_10] : memref<2048x128xf32, #tpu.memory_space<vmem>>, vector<2048x128xf32>
    %add3A = arith.addf %get3A_8, %get3A_11 : vector<2048x128xf32>
    %max3A = arith.constant 1.000000e+00 : f32
    %max3A_12 = vector.broadcast %max3A : f32 to vector<2048x1xf32>
    %max3A_13 = arith.maximumf %dot_general3A_5, %max3A_12 : vector<2048x1xf32>
    %div3A = vector.broadcast %max3A_13 : vector<2048x1xf32> to vector<2048x128xf32>
    %div3A_14 = arith.divf %add3A, %div3A : vector<2048x128xf32>
    %get3A_15 = arith.constant 0 : index
    %get3A_16 = arith.constant 0 : index
    %get3A_17 = vector.load %arg5[%get3A_15, %get3A_16] : memref<128x128xf32, #tpu.memory_space<vmem>>, vector<128x128xf32>
    %dot_general3A_18 = arith.constant dense<0.000000e+00> : vector<2048x128xf32>
    %dot_general3A_19 = tpu.matmul %div3A_14, %get3A_17, %dot_general3A_18 {dimension_numbers = #tpu.dot_dimension_numbers<[1], [0], [0], [1], [0, 0, 1, 1], [], []>, transpose_lhs_hint = false} : vector<2048x128xf32>, vector<128x128xf32>, vector<2048x128xf32> -> vector<2048x128xf32>
    %swap3A = arith.constant 0 : index
    %swap3A_20 = arith.constant 0 : index
    %swap3A_21 = vector.load %arg7[%swap3A, %swap3A_20] : memref<2048x128xf32, #tpu.memory_space<vmem>>, vector<2048x128xf32>
    tpu.vector_store %arg7[%swap3A, %swap3A_20], %dot_general3A_19 {strides = array<i32>} : memref<2048x128xf32, #tpu.memory_space<vmem>>, vector<2048x128xf32>,
    %get3A_22 = arith.constant 0 : index
    %get3A_23 = arith.constant 0 : index
    %get3A_24 = vector.load %arg6[%get3A_22, %get3A_23] : memref<128x128xf32, #tpu.memory_space<vmem>>, vector<128x128xf32>
    %dot_general3A_25 = arith.constant dense<0.000000e+00> : vector<2048x128xf32>
    %dot_general3A_26 = tpu.matmul %div3A_14, %get3A_24, %dot_general3A_25 {dimension_numbers = #tpu.dot_dimension_numbers<[1], [0], [0], [1], [0, 0, 1, 1], [], []>, transpose_lhs_hint = false} : vector<2048x128xf32>, vector<128x128xf32>, vector<2048x128xf32> -> vector<2048x128xf32>
    %swap3A_27 = arith.constant 0 : index
    %swap3A_28 = arith.constant 0 : index
    %swap3A_29 = vector.load %arg8[%swap3A_27, %swap3A_28] : memref<2048x128xf32, #tpu.memory_space<vmem>>, vector<2048x128xf32>
    tpu.vector_store %arg8[%swap3A_27, %swap3A_28], %dot_general3A_26 {strides = array<i32>} : memref<2048x128xf32, #tpu.memory_space<vmem>>, vector<2048x128xf32>,
    %reduce_sum3A = arith.constant dense<0.000000e+00> : vector<128xf32>
    %reduce_sum3A_30 = vector.multi_reduction <add>, %div3A_14, %reduce_sum3A [0] : vector<2048x128xf32> to vector<128xf32>
    %broadcast_in_dim3A = vector.shape_cast %reduce_sum3A_30 : vector<128xf32> to vector<1x128xf32>
    %eq3A = arith.constant 0 : i32
    %eq3A_31 = arith.cmpi eq, %arg0, %eq3A : i32
    %convert_element_type3A = arith.extui %eq3A_31 : i1 to i32
    %cond3A = arith.constant 0 : i32
    %cond3A_32 = arith.cmpi ne, %convert_element_type3A, %cond3A : i32
    scf.if %cond3A_32 {
      %swap3A_37 = arith.constant 0 : index
      %swap3A_38 = arith.constant 0 : index
      %swap3A_39 = vector.load %arg9[%swap3A_37, %swap3A_38] : memref<1x128xf32, #tpu.memory_space<vmem>>, vector<1x128xf32>
      tpu.vector_store %arg9[%swap3A_37, %swap3A_38], %broadcast_in_dim3A {strides = array<i32>} : memref<1x128xf32, #tpu.memory_space<vmem>>, vector<1x128xf32>,
    } else {
    }
    %gt3A = arith.constant 0 : i32
    %gt3A_33 = arith.cmpi sgt, %arg0, %gt3A : i32
    %convert_element_type3A_34 = arith.extui %gt3A_33 : i1 to i32
    %cond3A_35 = arith.constant 0 : i32
    %cond3A_36 = arith.cmpi ne, %convert_element_type3A_34, %cond3A_35 : i32
    scf.if %cond3A_36 {
      %get3A_37 = arith.constant 0 : index
      %get3A_38 = arith.constant 0 : index
      %get3A_39 = vector.load %arg9[%get3A_37, %get3A_38] : memref<1x128xf32, #tpu.memory_space<vmem>>, vector<1x128xf32>
      %add3A_40 = arith.addf %get3A_39, %broadcast_in_dim3A : vector<1x128xf32>
      %swap3A_41 = arith.constant 0 : index
      %swap3A_42 = arith.constant 0 : index
      %swap3A_43 = vector.load %arg9[%swap3A_41, %swap3A_42] : memref<1x128xf32, #tpu.memory_space<vmem>>, vector<1x128xf32>
      tpu.vector_store %arg9[%swap3A_41, %swap3A_42], %add3A_40 {strides = array<i32>} : memref<1x128xf32, #tpu.memory_space<vmem>>, vector<1x128xf32>,
    } else {
    }
    return
  }
  func.func @transform_0(%arg0: i32) -> (i32, i32) {
    %c0_i32 = arith.constant 0 : i32
    %c0_i32_0 = arith.constant 0 : i32
    return %arg0, %c0_i32 : i32, i32
  }
  func.func @transform_1(%arg0: i32) -> (i32, i32) {
    %c0_i32 = arith.constant 0 : i32
    %c0_i32_0 = arith.constant 0 : i32
    return %arg0, %c0_i32 : i32, i32
  }
  func.func @transform_2(%arg0: i32) -> (i32, i32) {
    %c0_i32 = arith.constant 0 : i32
    %c0_i32_0 = arith.constant 0 : i32
    return %c0_i32, %arg0 : i32, i32
  }
  func.func @transform_3(%arg0: i32) -> (i32, i32) {
    %c0_i32 = arith.constant 0 : i32
    %c0_i32_0 = arith.constant 0 : i32
    %c0_i32_1 = arith.constant 0 : i32
    return %c0_i32, %c0_i32_0 : i32, i32
  }
  func.func @transform_4(%arg0: i32) -> (i32, i32) {
    %c0_i32 = arith.constant 0 : i32
    %c0_i32_0 = arith.constant 0 : i32
    %c0_i32_1 = arith.constant 0 : i32
    return %c0_i32, %c0_i32_0 : i32, i32
  }
  func.func @transform_5(%arg0: i32) -> (i32, i32) {
    %c0_i32 = arith.constant 0 : i32
    %c0_i32_0 = arith.constant 0 : i32
    %c0_i32_1 = arith.constant 0 : i32
    return %c0_i32, %c0_i32_0 : i32, i32
  }
  func.func @transform_6(%arg0: i32) -> (i32, i32) {
    %c0_i32 = arith.constant 0 : i32
    %c0_i32_0 = arith.constant 0 : i32
    return %arg0, %c0_i32 : i32, i32
  }
  func.func @transform_7(%arg0: i32) -> (i32, i32) {
    %c0_i32 = arith.constant 0 : i32
    %c0_i32_0 = arith.constant 0 : i32
    return %arg0, %c0_i32 : i32, i32
  }
  func.func @transform_8(%arg0: i32) -> (i32, i32) {
    %c0_i32 = arith.constant 0 : i32
    %c0_i32_0 = arith.constant 0 : i32
    %c0_i32_1 = arith.constant 0 : i32
    return %c0_i32, %c0_i32_0 : i32, i32
  }
}

module attributes {stable_mosaic.version = 14 : i64} {
  func.func @_tc_head_body(%arg0: memref<1x128xf32, #tpu.memory_space<vmem>>, %arg1: memref<1x128xf32, #tpu.memory_space<vmem>>, %arg2: memref<1x128xf32, #tpu.memory_space<vmem>>, %arg3: memref<1x1xf32, #tpu.memory_space<vmem>>, %arg4: memref<128x128xf32, #tpu.memory_space<vmem>>, %arg5: memref<128x128xf32, #tpu.memory_space<vmem>>, %arg6: memref<128x128xf32, #tpu.memory_space<vmem>>, %arg7: memref<1x128xf32, #tpu.memory_space<vmem>>, %arg8: memref<1x128xf32, #tpu.memory_space<vmem>>) attributes {dimension_semantics = [], scalar_prefetch = 0 : i64, scratch_operands = 0 : i64, tpu.core_type = #tpu.core_type<tc>} {
    %get3A = arith.constant 0 : index
    %get3A_0 = arith.constant 0 : index
    %get3A_1 = vector.load %arg0[%get3A, %get3A_0] : memref<1x128xf32, #tpu.memory_space<vmem>>, vector<1x128xf32>
    %get3A_2 = arith.constant 0 : index
    %get3A_3 = arith.constant 0 : index
    %get3A_4 = vector.load %arg4[%get3A_2, %get3A_3] : memref<128x128xf32, #tpu.memory_space<vmem>>, vector<128x128xf32>
    %dot_general3A = arith.constant dense<0.000000e+00> : vector<1x128xf32>
    %dot_general3A_5 = tpu.matmul %get3A_1, %get3A_4, %dot_general3A {dimension_numbers = #tpu.dot_dimension_numbers<[1], [0], [0], [1], [0, 0, 1, 1], [], []>, transpose_lhs_hint = false} : vector<1x128xf32>, vector<128x128xf32>, vector<1x128xf32> -> vector<1x128xf32>
    %get3A_6 = arith.constant 0 : index
    %get3A_7 = arith.constant 0 : index
    %get3A_8 = vector.load %arg1[%get3A_6, %get3A_7] : memref<1x128xf32, #tpu.memory_space<vmem>>, vector<1x128xf32>
    %get3A_9 = arith.constant 0 : index
    %get3A_10 = arith.constant 0 : index
    %get3A_11 = vector.load %arg5[%get3A_9, %get3A_10] : memref<128x128xf32, #tpu.memory_space<vmem>>, vector<128x128xf32>
    %dot_general3A_12 = arith.constant dense<0.000000e+00> : vector<1x128xf32>
    %dot_general3A_13 = tpu.matmul %get3A_8, %get3A_11, %dot_general3A_12 {dimension_numbers = #tpu.dot_dimension_numbers<[1], [0], [0], [1], [0, 0, 1, 1], [], []>, transpose_lhs_hint = false} : vector<1x128xf32>, vector<128x128xf32>, vector<1x128xf32> -> vector<1x128xf32>
    %add3A = arith.addf %dot_general3A_5, %dot_general3A_13 : vector<1x128xf32>
    %get3A_14 = arith.constant 0 : index
    %get3A_15 = arith.constant 0 : index
    %get3A_16 = vector.load %arg2[%get3A_14, %get3A_15] : memref<1x128xf32, #tpu.memory_space<vmem>>, vector<1x128xf32>
    %get3A_17 = arith.constant 0 : index
    %get3A_18 = arith.constant 0 : index
    %get3A_19 = vector.load %arg6[%get3A_17, %get3A_18] : memref<128x128xf32, #tpu.memory_space<vmem>>, vector<128x128xf32>
    %dot_general3A_20 = arith.constant dense<0.000000e+00> : vector<1x128xf32>
    %dot_general3A_21 = tpu.matmul %get3A_16, %get3A_19, %dot_general3A_20 {dimension_numbers = #tpu.dot_dimension_numbers<[1], [0], [0], [1], [0, 0, 1, 1], [], []>, transpose_lhs_hint = false} : vector<1x128xf32>, vector<128x128xf32>, vector<1x128xf32> -> vector<1x128xf32>
    %add3A_22 = arith.addf %add3A, %dot_general3A_21 : vector<1x128xf32>
    %get3A_23 = arith.constant 0 : index
    %get3A_24 = arith.constant 0 : index
    %get3A_25 = vector.load %arg3[%get3A_23, %get3A_24] : memref<1x1xf32, #tpu.memory_space<vmem>>, vector<1x1xf32>
    %get3A_26 = vector.extract %get3A_25[0, 0] : f32 from vector<1x1xf32>
    %div3A = vector.broadcast %get3A_26 : f32 to vector<1x128xf32>
    %div3A_27 = arith.divf %add3A_22, %div3A : vector<1x128xf32>
    %get3A_28 = arith.constant 0 : index
    %get3A_29 = arith.constant 0 : index
    %get3A_30 = vector.load %arg7[%get3A_28, %get3A_29] : memref<1x128xf32, #tpu.memory_space<vmem>>, vector<1x128xf32>
    %add3A_31 = arith.addf %div3A_27, %get3A_30 : vector<1x128xf32>
    %max3A = arith.constant 0.000000e+00 : f32
    %max3A_32 = vector.broadcast %max3A : f32 to vector<1x128xf32>
    %max3A_33 = arith.maximumf %add3A_31, %max3A_32 : vector<1x128xf32>
    %swap3A = arith.constant 0 : index
    %swap3A_34 = arith.constant 0 : index
    %swap3A_35 = vector.load %arg8[%swap3A, %swap3A_34] : memref<1x128xf32, #tpu.memory_space<vmem>>, vector<1x128xf32>
    tpu.vector_store %arg8[%swap3A, %swap3A_34], %max3A_33 {strides = array<i32>} : memref<1x128xf32, #tpu.memory_space<vmem>>, vector<1x128xf32>,
    return
  }
}

</mosaic_0001>

<sc_bundles>
// kernel: kernel.10.cloned.1.call-start
scs
__scs_entry_jumppad:
0x0: {  	(pc) =	sbr.rel $0x88, $3  }
0x1: {  	(tag) =	ssettag $0x0;
	lr =	simm.s32 $0x1  }
0x2: {  	[smem:$0x3F96] =	sst lr;
	_ =	strace $0xD0000000  }
0x3: {  	_ = 	snop  }
0x4: {  	_ = 	snop  }
0x5: {  	_ = 	snop  }
0x6: {  	_ = 	snop  }
0x7: {  	_ = 	snop  }
__scs_overlays_trampoline_lowered:
0x8: {  	[smem:$0x3FA5] =	sst s0  }
0x9: {  	[smem:$0x3FA6] =	sst s1  }
0xa: {  	[smem:$0x3FA7] =	sst s2  }
0xb: {  	[smem:$0x3FA8] =	sst s3  }
0xc: {  	[smem:$0x3FA9] =	sst s4  }
0xd: {  	[smem:$0x3FAA] =	sst s5  }
0xe: {  	[smem:$0x3FAB] =	sst s6  }
0xf: {  	[smem:$0x3FAC] =	sst s7  }
0x10: {  	[smem:$0x3FAD] =	sst s8  }
0x11: {  	[smem:$0x3FAE] =	sst s9;
	s0 =	simm.s32 @!p0 $0x0  }
0x12: {  	s1 =	sld [smem:$0x3F94];
	s0 =	simm.s32 @p0 $0x1  }
0x13: {  	[smem:$0x3FAF] =	sst s0;
	s0 =	simm.s32 @!p1 $0x0  }
0x14: {  	s2 =	sld [smem:$0x3F93];
	s0 =	simm.s32 @p1 $0x1  }
0x15: {  	[smem:$0x3FB0] =	sst s0;
	s0 =	simm.s32 @!p2 $0x0  }
0x16: {  	s3 =	sld [smem:$0x3FDB];
	s0 =	simm.s32 @p2 $0x1  }
0x17: {  	s4 =	simm.s32 $0x1BF5;
	[smem:$0x3FB2] =	sst s0  }
0x18: {  	s0 =	sld [smem:$0x3F95];
	_ =	swait.ge [sflag:s4], $0x0  }
0x19: {  	s7 =	sld [smem:$0x3F96]  }
0x1a: {  	s8 =	sadd.s32 $0xFFFFE003, lr  }
0x1b: {  	s9 =	sadd.s32 $0xFFFFFEF7, lr;
	s5 =	simm.s32 $0xFFFFFFFF;
	p2 =	slt.u32 s8, $0xFFFFF086  }
0x1c: {  	p1 =	slt.u32 s9, $0xF7A;
	s5 =	simm.s32 @!p2 $0x0  }
0x1d: {  	s5 =	simm.s32 @p1 $0x1;
	p0 =	seq.s32 s7, s2  }
0x1e: {  	s7 =	smul.u32 @!p0 $0xF7A, s2;
	p2 =	seq.s32 @!p0 s5, $0x0  }
0x1f: {  	s9 =	smul.u32 $0xF7A, s1;
	s8 =	simm.s32 @!p0 $0x1BF5;
	p2 =	por !p2, p0  }
0x20: {  	[sflag:s8] =	ssyncset.s32 @!p0 $0xFFFFF086;
	s6 =	sadd.s32 @!p0 s3, s7;
	s7 =	simm.s32 @!p0 $0x108  }
0x21: {  	s3 =	sadd.s32 s3, s9;
	s6 =	sadd.s32 @!p0 $0x88, s6;
	s7 =	simm.s32 @p2 $0x1082  }
0x22: {  	[simem:s7], [sflag:s8] =	dma.local @!p0 [hbm:s6], $0xF7A  }
0x23: {  	s9 =	sor.u32 $0xD0000000, s2;
	s6 =	simm.s32 $0x108;
	_ =	swait.ge @!p0 [sflag:s8], $0x0  }
0x24: {  	s3 =	sadd.s32 $0x88, s3;
	s6 =	simm.s32 @!p1 $0x1082;
	[sflag:s4] =	ssyncset.s32 $0xFFFFF086  }
0x25: {  	[simem:s6], [sflag:s4] =	dma.local [hbm:s3], $0xF7A  }
0x26: {  	[smem:$0x3F96] =	sst s1;
	(tag) =	ssettag s2;
	_ =	strace s9  }
0x27: {  	s1 =	sld [smem:$0x3FA6]  }
0x28: {  	s2 =	sld [smem:$0x3FA7]  }
0x29: {  	s4 =	sld [smem:$0x3FA9]  }
0x2a: {  	p0 =	seq.s32 s5, $0x0;
	s5 =	sld [smem:$0x3FAA]  }
0x2b: {  	s6 =	sld [smem:$0x3FAB]  }
0x2c: {  	s7 =	sld [smem:$0x3FAC]  }
0x2d: {  	s3 =	simm.s32 $0x108;
	s8 =	sld [smem:$0x3FAD]  }
0x2e: {  	s3 =	simm.s32 @!p0 $0x1082;
	s9 =	sld [smem:$0x3FAE]  }
0x2f: {  	lr =	sadd.s32 s0, s3;
	s0 =	sld [smem:$0x3FA5]  }
0x30: {  	s3 =	sld [smem:$0x3FA8]  }
0x31: {  	[smem:$0x3FB1] =	sst s10  }
0x32: {  	s10 =	sld [smem:$0x3FAF];
	_ =	sdelay $0x3  }
0x33: {  	p0 =	seq.s32 s10, $0x1;
	s10 =	sld [smem:$0x3FB1];
	_ =	sdelay $0x3  }
0x34: {  	[smem:$0x3FB1] =	sst s10  }
0x35: {  	s10 =	sld [smem:$0x3FB0];
	_ =	sdelay $0x3  }
0x36: {  	p1 =	seq.s32 s10, $0x1;
	s10 =	sld [smem:$0x3FB1];
	_ =	sdelay $0x3  }
0x37: {  	[smem:$0x3FB1] =	sst s10  }
0x38: {  	s10 =	sld [smem:$0x3FB2]  }
0x39: {  	_ = 	snop;
	(pc) =	sbr.ind lr, $3  }
0x3a: {  	_ = 	snop  }
0x3b: {  	_ = 	snop  }
0x3c: {  	p2 =	seq.s32 s10, $0x1;
	s10 =	sld [smem:$0x3FB1]  }
0x3d: {  	_ =	shalt  }
0x3e: {  	_ =	shalt  }
0x3f: {  	_ =	shalt  }
0x40: {  	_ =	shalt  }
0x41: {  	_ =	shalt  }
0x42: {  	_ =	shalt  }
0x43: {  	_ =	shalt  }
0x44: {  	_ =	shalt  }
0x45: {  	_ =	shalt  }
0x46: {  	_ =	shalt  }
0x47: {  	_ =	shalt  }
0x48: {  	_ =	shalt  }
0x49: {  	_ =	shalt  }
0x4a: {  	_ =	shalt  }
0x4b: {  	_ =	shalt  }
0x4c: {  	_ =	shalt  }
0x4d: {  	_ =	shalt  }
0x4e: {  	_ =	shalt  }
0x4f: {  	_ =	shalt  }
0x50: {  	_ =	shalt  }
0x51: {  	_ =	shalt  }
0x52: {  	_ =	shalt  }
0x53: {  	_ =	shalt  }
0x54: {  	_ =	shalt  }
0x55: {  	_ =	shalt  }
0x56: {  	_ =	shalt  }
0x57: {  	_ =	shalt  }
0x58: {  	_ =	shalt  }
0x59: {  	_ =	shalt  }
0x5a: {  	_ =	shalt  }
0x5b: {  	_ =	shalt  }
0x5c: {  	_ =	shalt  }
0x5d: {  	_ =	shalt  }
0x5e: {  	_ =	shalt  }
0x5f: {  	_ =	shalt  }
0x60: {  	_ =	shalt  }
0x61: {  	_ =	shalt  }
0x62: {  	_ =	shalt  }
0x63: {  	_ =	shalt  }
0x64: {  	_ =	shalt  }
0x65: {  	_ =	shalt  }
0x66: {  	_ =	shalt  }
0x67: {  	_ =	shalt  }
0x68: {  	_ =	shalt  }
0x69: {  	_ =	shalt  }
0x6a: {  	_ =	shalt  }
0x6b: {  	_ =	shalt  }
0x6c: {  	_ =	shalt  }
0x6d: {  	_ =	shalt  }
0x6e: {  	_ =	shalt  }
0x6f: {  	_ =	shalt  }
0x70: {  	_ =	shalt  }
0x71: {  	_ =	shalt  }
0x72: {  	_ =	shalt  }
0x73: {  	_ =	shalt  }
0x74: {  	_ =	shalt  }
0x75: {  	_ =	shalt  }
0x76: {  	_ =	shalt  }
0x77: {  	_ =	shalt  }
0x78: {  	_ =	shalt  }
0x79: {  	_ =	shalt  }
0x7a: {  	_ =	shalt  }
0x7b: {  	_ =	shalt  }
0x7c: {  	_ =	shalt  }
0x7d: {  	_ =	shalt  }
0x7e: {  	_ =	shalt  }
0x7f: {  	_ =	shalt  }
0x80: {  	_ =	shalt  }
0x81: {  	_ =	shalt  }
0x82: {  	_ =	shalt  }
0x83: {  	_ =	shalt  }
0x84: {  	_ =	shalt  }
0x85: {  	_ =	shalt  }
0x86: {  	_ =	shalt  }
0x87: {  	_ =	shalt  }
.Lfunc_end0:
.L_simem_size_0:
called_computation_lowered:
.L_overlay_start_0:
0x88: {  	s2 =	sld [smem:$0x3FD9]  }
0x89: {  	s3 =	sld [smem:$0x3FFE];
	_ =	sdelay $0x1  }
0x8a: {  	s1 =	srdreg.scid  }
0x8b: {  	s0 =	sand.u32 $0x1, s1  }
0x8c: {  	s17 =	sshll.u32 s0, $0xA;
	s2 =	sadd.s32 s3, s2  }
0x8d: {  	s2 =	sadd.s32 s2, s17  }
0x8e: {  	[smem:$0x3FBD] =	sst s2  }
0x8f: {  	_ = 	snop  }
0x90: {  	(tm) =	ssettm $0x1  }
0x91: {  	s18 =	sld [smem:$0x3FFB];
	_ =	sdelay $0x3  }
0x92: {  	_ =	strace s18  }
0x93: {  	s2 =	sld [smem:$0x3FFC];
	_ =	sdelay $0x3  }
0x94: {  	_ =	strace s2  }
0x95: {  	s2 =	sld [smem:$0x3FFD];
	_ =	sdelay $0x3  }
0x96: {  	_ =	strace s2  }
0x97: {  	_ =	strace $0x8FFFFFFF  }
0x98: {  	s19 =	sld [smem:$0x3FDB];
	_ =	sdelay $0x1  }
0x99: {  	s20 =	simm.s32 $_scs_section_size  }
0x9a: {  	s4 =	simm.s32 $_size__tile_overlayer_lowered;
	s5 =	simm.s32 $_tile_overlayer_lowered  }
0x9b: {  	s6 =	simm.s32 $0x1BFF;
	s21 =	sshll.u32 s5, $0x1;
	s3 =	sadd.s32 s20, s19  }
0x9c: {  	s22 =	simm.s32 $0x0;
	s4 =	sshll.u32 s4, $0x1;
	s5 =	sadd.s32 s21, s3  }
0x9d: {  	[timem:s22], [sflag:s6] =	dma.local [hbm:s5], s4  }
0x9e: {  	_ =	swait.ge [sflag:s6], s4  }
0x9f: {  	s4 =	ssub.s32 $0x0, s4;
	[sflag:s6] =	ssyncset.done $0x0  }
0xa0: {  	[sflag:s6] =	ssyncadd.s32 s4;
	_ =	sdelay $0x1  }
0xa1: {  	s23 =	simm.s32 $0x1B8B  }
0xa2: {  	_ =	swait.ge [sflag:s23], $0x1  }
0xa3: {  	[sflag:s23] =	ssyncset.done $0x0  }
0xa4: {  	[sflag:s23] =	ssyncadd.s32 $0xFFFFFFFF  }
0xa5: {  	s4 =	sld [smem:$0x0]  }
0xa6: {  	s5 =	sand.u32 $0xFFFFFFFE, s1  }
0xa7: {  	p0 =	sne.s32 s1, s5  }
0xa8: {  	s5 =	sshll.u32 @p0 s5, $0xE  }
0xa9: {  	s5 =	sadd.s32 @p0 $0x11B8D, s5;
	s6 =	sshll.u32 @p0 s4, $0x11  }
0xaa: {  	s5 =	sor.u32 @p0 s6, s5  }
0xab: {  	[sflag:s5] =	ssyncadd.remote.s32 @p0 $0x1;
	_ =	sdelay $0x1  }
0xac: {  	s5 =	simm.s32 @p0 $0x1B8D  }
0xad: {  	_ =	swait.eq @p0 [sflag:s5], $0x1  }
0xae: {  	[sflag:s5] =	ssyncadd.s32 @p0 $0xFFFFFFFF  }
0xaf: {  	s6 =	sshll.u32 @!p0 s1, $0xE  }
0xb0: {  	s6 =	sor.u32 @!p0 $0x4000, s6;
	s5 =	simm.s32 @!p0 $0x1B8D  }
0xb1: {  	s4 =	sshll.u32 @!p0 s4, $0x11;
	s6 =	sadd.s32 @!p0 $0x11B8D, s6;
	_ =	swait.eq @!p0 [sflag:s5], $0x1  }
0xb2: {  	s4 =	sor.u32 @!p0 s4, s6;
	[sflag:s5] =	ssyncadd.s32 @!p0 $0xFFFFFFFF  }
0xb3: {  	s25 =	simm.s32 $0x1B8E;
	s24 =	sld [smem:$0x3FFE];
	[sflag:s4] =	ssyncadd.remote.s32 @!p0 $0x1  }
0xb4: {  	s26 =	simm.s32 $execute0_lowered;
	[smem:$0x3FD2] =	sst s25  }
0xb5: {  	s5 =	sshll.u32 s26, $0x1;
	_ =	strace $0x80000049;
	[dreg:$0x1] =	wrdreg $0xFFFFFFFF  }
0xb6: {  	s28 =	simm.s32 $_size_execute0_lowered;
	s3 =	sadd.s32 s3, s5;
	[dreg:$0x0] =	wrdreg $0x0  }
0xb7: {  	s5 =	sshll.u32 s28, $0x1;
	[dreg:$0x2] =	wrdreg s3  }
0xb8: {  	[dreg:$0x3] =	wrdreg s5  }
0xb9: {  	[dreg:$0x4] =	wrdreg $0xC0  }
0xba: {  	_ =	task [dreg:s22], $0x5FFFF  }
0xbb: {  	[dreg:$0x1] =	wrdreg $0xFFFFFFFF  }
0xbc: {  	[dreg:$0x0] =	wrdreg $0x60  }
0xbd: {  	[dreg:$0x2] =	wrdreg s24  }
0xbe: {  	[dreg:$0x3] =	wrdreg $0x9  }
0xbf: {  	_ =	task.clear_ibuf [dreg:s22], $0x4FFFF;
	_ =	strace $0x90000049  }
0xc0: {  	s29 =	simm.s32 $0x9;
	_ =	strace $0x8000004B  }
0xc1: {  	_ =	swait.ge [sflag:s29], $0x1  }
0xc2: {  	[sflag:s29] =	ssyncadd.s32 $0xFFFFFFFF  }
0xc3: {  	_ =	strace $0x9000004B  }
0xc4: {  	_ =	sfence  }
0xc5: {  	s30 =	sld [smem:$0x0];
	_ =	sdelay $0x2  }
0xc6: {  	s31 =	sshll.u32 s1, $0xD;
	s1 =	sshrl.u32 s1, $0x2  }
0xc7: {  	s4 =	sand.u32 $0x4000, s31;
	s1 =	sadd.s32 s1, s30  }
0xc8: {  	s0 =	sor.u32 s4, s0;
	s1 =	sshll.u32 s1, $0x11  }
0xc9: {  	s0 =	sor.u32 s1, s0  }
0xca: {  	s0 =	sadd.s32 $0x8F2B, s0  }
0xcb: {  	[sflag:s0] =	ssyncadd.remote.s32 $0x1  }
0xcc: {  	_ =	sfence.sel $0xFFFF  }
0xcd: {  	[dreg:$0x0] =	wrdreg $0xFFFFFFFF;
	(pc) =	sbr.abs _section_cstart, $3  }
0xce: {  	[dreg:$0x1] =	wrdreg $0xFFFFFFFF  }
0xcf: {  	_ =	task.clear_ibuf [dreg:s22], $0x2FFFF;
	_ =	strace $0x9FFFFFFF  }
0xd0: {  	(tm) =	ssettm $0x7FFFFFFF  }
0xd1: {  	_ =	shalt  }
tec
execute0_lowered:
.L_overlay_start_1:
0x0: {  	(tag) =	ssettag $0x1  }
0x1: {  	s3 =	rddreg [dreg:$0x0];
	s1 =	srdreg.scid  }
0x2: {  	s0 =	rddreg [dreg:$0x1];
	s2 =	simm.s32 $0x0;
	s4 =	sand.u32 $0x1, s1  }
0x3: {  	s8 =	simm.s32 $0x0;
	s1 =	stileid.u32;
	s5 =	smul.u32 $0x27100, s4  }
0x4: {  	[smem:$0x7FF] =	sst s2;
	s6 =	smul.u32 $0x2710, s1;
	s7 =	sshll.u32 s4, $0x4  }
0x5: {  	s4 =	ssub.s32 $0x2, s4;
	_ =	strace $0x8000004A;
	s7 =	sor.u32 s1, s7  }
0x6: {  	s31 =	sshrl.u32 s4, $0x1;
	s5 =	sadd.s32 s6, s5;
	s30 =	smul.u32 $0x500, s7  }
0x7: {  	s4 =	ssub.s32 s4, s31;
	s6 =	simm.s32 $0x1;
	s5 =	sshrl.u32 s5, $0x3  }
0x8: {  	s7 =	simm.s32 $0x80;
	s5 =	sadd.s32 s5, s3;
	s3 =	sadd.s32 s30, s3  }
0x9: {  	v0 =	vimm.f32 $0.0e+00;
	v1 =	vimm.f32 $1.000000000e+00;
	s4 =	smax.u32 s4, $0x1;
	s3 =	sadd.s32 $0xB8E00, s3;
	s5 =	sadd.s32 $0x37E00, s5  }
.LBB2_1:
0xa: {  	s9 =	simm.s32 $0x0  }
.LBB2_2:
0xb: {  	p0 =	sne.s32 s9, $0x9FC0  }
.Ltmp0:
0xc: {  	_ = 	snop;
	(pc) =	sbr.rel @p0 .LBB2_2-.Ltmp0, $3  }
0xd: {  	_ =	sdelay $0x1  }
0xe: {  	s10 =	sshra.s32 s9, $0x2  }
0xf: {  	s9 =	sadd.s32 $0x40, s9;
	[tilespmem:s10+$0x80] =	vst v0  }
0x10: {  	s9 =	simm.s32 $0x0  }
.LBB2_4:
0x11: {  	s10 =	sadd.s32 s9, s5  }
0x12: {  	[tilespmem:s2], [sflag:$0x1] =	stream.linear.gather [hbm4b:s10+s2], $0x50, $0x38;
	[tilespmem:$0x2880] =	vst v63  }
0x13: {  	_ =	swait.ge [sflag:s6], $0x50  }
0x14: {  	[sflag:s6] =	ssyncset.done $0x0  }
0x15: {  	[sflag:s6] =	ssyncadd.s32 $0xFFFFFFB0  }
0x16: {  	v2 =	vld [tilespmem:$0x0];
	_ =	sdelay $0x7  }
0x17: {  	[tilespmem:v2+s7+$0x0] =	vst.idx.add.f32.msk $0xffff, v1  }
0x18: {  	v2 =	vld [tilespmem:$0x10];
	_ =	sdelay $0x7  }
0x19: {  	[tilespmem:v2+s7+$0x0] =	vst.idx.add.f32.msk $0xffff, v1  }
0x1a: {  	v2 =	vld [tilespmem:$0x20];
	_ =	sdelay $0x7  }
0x1b: {  	[tilespmem:v2+s7+$0x0] =	vst.idx.add.f32.msk $0xffff, v1  }
0x1c: {  	v2 =	vld [tilespmem:$0x30];
	_ =	sdelay $0x7  }
0x1d: {  	[tilespmem:v2+s7+$0x0] =	vst.idx.add.f32.msk $0xffff, v1  }
0x1e: {  	v2 =	vld [tilespmem:$0x40];
	_ =	sdelay $0x2  }
0x1f: {  	p0 =	sne.s32 s9, $0x4D8  }
.Ltmp1:
0x20: {  	_ = 	snop;
	(pc) =	sbr.rel @p0 .LBB2_4-.Ltmp1, $2  }
0x21: {  	_ =	sdelay $0x2  }
0x22: {  	s9 =	sadd.s32 $0xA, s9;
	[tilespmem:v2+s7+$0x0] =	vst.idx.add.f32.msk $0xffff, v1  }
0x23: {  	s8 =	sadd.s32 $0x1, s8  }
0x24: {  	p0 =	sne.s32 s8, s4  }
.Ltmp2:
0x25: {  	_ = 	snop;
	(pc) =	sbr.rel @p0 .LBB2_1-.Ltmp2, $4  }
0x26: {  	[hbm4b:s3+s2] =	stream.linear.scatter [tilespmem:s7], [sflag:$0x1], $0x2800, $0x38;
	[tilespmem:$0x2880] =	vst v63  }
0x27: {  	_ =	swait.ge [sflag:s6], $0x2800  }
0x28: {  	[sflag:s6] =	ssyncset.done $0x0  }
0x29: {  	[sflag:s6] =	ssyncadd.s32 $0xFFFFD800  }
0x2a: {  	_ =	sfence.sel $0x180000  }
0x2b: {  	[bflag:$0x0] =	sbarrier.arrive $0xFFFF  }
0x2c: {  	p0 =	sne.s32 s1, $0x0;
	_ =	strace $0x9000004A  }
0x2d: {  	s0 =	sadd.s32 @!p0 $0x100000, s0;
	[bflag:$0x2] =	sbarrier.arrive $0xFFFF  }
0x2e: {  	[sflag:s0] =	ssyncadd.tile.s32 @!p0 $0x1;
	_ =	shalt  }
.Lfunc_end2:
_tile_overlayer_lowered:
.L_overlay_start_2:
0x2f: {  	(tag) =	ssettag $0x2  }
0x30: {  	s0 =	rddreg [dreg:$0x0];
	s2 =	stileid.u32  }
0x31: {  	s1 =	rddreg [dreg:$0x1];
	p0 =	sne.s32 s2, $0x0  }
0x32: {  	s3 =	rddreg [dreg:$0x2];
	[bflag:$0x3] =	sbarrier.arrive $0xFFFF;
	s2 =	simm.s32 @!p0 $0x1C01  }
0x33: {  	[timem:s3], [sflag:s2] =	dma.local @!p0 [hbm:s0], s1  }
0x34: {  	s0 =	simm.s32 @!p0 $0x1  }
0x35: {  	_ =	swait.ge @!p0 [sflag:s0], s1  }
0x36: {  	s1 =	ssub.s32 @!p0 $0x0, s1;
	[sflag:s0] =	ssyncset.done @!p0 $0x0  }
0x37: {  	[sflag:s0] =	ssyncadd.s32 @!p0 s1  }
0x38: {  	[bflag:$0x3] =	sbarrier.arrive $0xFFFF  }
0x39: {  	_ =	shalt  }

// kernel: kernel.13.cloned.1.call-start
scs
__scs_entry_jumppad:
0x0: {  	(pc) =	sbr.rel $0x88, $3  }
0x1: {  	(tag) =	ssettag $0x0;
	lr =	simm.s32 $0x1  }
0x2: {  	[smem:$0x3F96] =	sst lr;
	_ =	strace $0xD0000000  }
0x3: {  	_ = 	snop  }
0x4: {  	_ = 	snop  }
0x5: {  	_ = 	snop  }
0x6: {  	_ = 	snop  }
0x7: {  	_ = 	snop  }
__scs_overlays_trampoline_lowered:
0x8: {  	[smem:$0x3FA5] =	sst s0  }
0x9: {  	[smem:$0x3FA6] =	sst s1  }
0xa: {  	[smem:$0x3FA7] =	sst s2  }
0xb: {  	[smem:$0x3FA8] =	sst s3  }
0xc: {  	[smem:$0x3FA9] =	sst s4  }
0xd: {  	[smem:$0x3FAA] =	sst s5  }
0xe: {  	[smem:$0x3FAB] =	sst s6  }
0xf: {  	[smem:$0x3FAC] =	sst s7  }
0x10: {  	[smem:$0x3FAD] =	sst s8  }
0x11: {  	[smem:$0x3FAE] =	sst s9;
	s0 =	simm.s32 @!p0 $0x0  }
0x12: {  	s1 =	sld [smem:$0x3F94];
	s0 =	simm.s32 @p0 $0x1  }
0x13: {  	[smem:$0x3FAF] =	sst s0;
	s0 =	simm.s32 @!p1 $0x0  }
0x14: {  	s2 =	sld [smem:$0x3F93];
	s0 =	simm.s32 @p1 $0x1  }
0x15: {  	[smem:$0x3FB0] =	sst s0;
	s0 =	simm.s32 @!p2 $0x0  }
0x16: {  	s3 =	sld [smem:$0x3FDB];
	s0 =	simm.s32 @p2 $0x1  }
0x17: {  	s4 =	simm.s32 $0x1BF5;
	[smem:$0x3FB2] =	sst s0  }
0x18: {  	s0 =	sld [smem:$0x3F95];
	_ =	swait.ge [sflag:s4], $0x0  }
0x19: {  	s7 =	sld [smem:$0x3F96]  }
0x1a: {  	s8 =	sadd.s32 $0xFFFFE003, lr  }
0x1b: {  	s9 =	sadd.s32 $0xFFFFFEF7, lr;
	s5 =	simm.s32 $0xFFFFFFFF;
	p2 =	slt.u32 s8, $0xFFFFF086  }
0x1c: {  	p1 =	slt.u32 s9, $0xF7A;
	s5 =	simm.s32 @!p2 $0x0  }
0x1d: {  	s5 =	simm.s32 @p1 $0x1;
	p0 =	seq.s32 s7, s2  }
0x1e: {  	s7 =	smul.u32 @!p0 $0xF7A, s2;
	p2 =	seq.s32 @!p0 s5, $0x0  }
0x1f: {  	s9 =	smul.u32 $0xF7A, s1;
	s8 =	simm.s32 @!p0 $0x1BF5;
	p2 =	por !p2, p0  }
0x20: {  	[sflag:s8] =	ssyncset.s32 @!p0 $0xFFFFF086;
	s6 =	sadd.s32 @!p0 s3, s7;
	s7 =	simm.s32 @!p0 $0x108  }
0x21: {  	s3 =	sadd.s32 s3, s9;
	s6 =	sadd.s32 @!p0 $0x88, s6;
	s7 =	simm.s32 @p2 $0x1082  }
0x22: {  	[simem:s7], [sflag:s8] =	dma.local @!p0 [hbm:s6], $0xF7A  }
0x23: {  	s9 =	sor.u32 $0xD0000000, s2;
	s6 =	simm.s32 $0x108;
	_ =	swait.ge @!p0 [sflag:s8], $0x0  }
0x24: {  	s3 =	sadd.s32 $0x88, s3;
	s6 =	simm.s32 @!p1 $0x1082;
	[sflag:s4] =	ssyncset.s32 $0xFFFFF086  }
0x25: {  	[simem:s6], [sflag:s4] =	dma.local [hbm:s3], $0xF7A  }
0x26: {  	[smem:$0x3F96] =	sst s1;
	(tag) =	ssettag s2;
	_ =	strace s9  }
0x27: {  	s1 =	sld [smem:$0x3FA6]  }
0x28: {  	s2 =	sld [smem:$0x3FA7]  }
0x29: {  	s4 =	sld [smem:$0x3FA9]  }
0x2a: {  	p0 =	seq.s32 s5, $0x0;
	s5 =	sld [smem:$0x3FAA]  }
0x2b: {  	s6 =	sld [smem:$0x3FAB]  }
0x2c: {  	s7 =	sld [smem:$0x3FAC]  }
0x2d: {  	s3 =	simm.s32 $0x108;
	s8 =	sld [smem:$0x3FAD]  }
0x2e: {  	s3 =	simm.s32 @!p0 $0x1082;
	s9 =	sld [smem:$0x3FAE]  }
0x2f: {  	lr =	sadd.s32 s0, s3;
	s0 =	sld [smem:$0x3FA5]  }
0x30: {  	s3 =	sld [smem:$0x3FA8]  }
0x31: {  	[smem:$0x3FB1] =	sst s10  }
0x32: {  	s10 =	sld [smem:$0x3FAF];
	_ =	sdelay $0x3  }
0x33: {  	p0 =	seq.s32 s10, $0x1;
	s10 =	sld [smem:$0x3FB1];
	_ =	sdelay $0x3  }
0x34: {  	[smem:$0x3FB1] =	sst s10  }
0x35: {  	s10 =	sld [smem:$0x3FB0];
	_ =	sdelay $0x3  }
0x36: {  	p1 =	seq.s32 s10, $0x1;
	s10 =	sld [smem:$0x3FB1];
	_ =	sdelay $0x3  }
0x37: {  	[smem:$0x3FB1] =	sst s10  }
0x38: {  	s10 =	sld [smem:$0x3FB2]  }
0x39: {  	_ = 	snop;
	(pc) =	sbr.ind lr, $3  }
0x3a: {  	_ = 	snop  }
0x3b: {  	_ = 	snop  }
0x3c: {  	p2 =	seq.s32 s10, $0x1;
	s10 =	sld [smem:$0x3FB1]  }
0x3d: {  	_ =	shalt  }
0x3e: {  	_ =	shalt  }
0x3f: {  	_ =	shalt  }
0x40: {  	_ =	shalt  }
0x41: {  	_ =	shalt  }
0x42: {  	_ =	shalt  }
0x43: {  	_ =	shalt  }
0x44: {  	_ =	shalt  }
0x45: {  	_ =	shalt  }
0x46: {  	_ =	shalt  }
0x47: {  	_ =	shalt  }
0x48: {  	_ =	shalt  }
0x49: {  	_ =	shalt  }
0x4a: {  	_ =	shalt  }
0x4b: {  	_ =	shalt  }
0x4c: {  	_ =	shalt  }
0x4d: {  	_ =	shalt  }
0x4e: {  	_ =	shalt  }
0x4f: {  	_ =	shalt  }
0x50: {  	_ =	shalt  }
0x51: {  	_ =	shalt  }
0x52: {  	_ =	shalt  }
0x53: {  	_ =	shalt  }
0x54: {  	_ =	shalt  }
0x55: {  	_ =	shalt  }
0x56: {  	_ =	shalt  }
0x57: {  	_ =	shalt  }
0x58: {  	_ =	shalt  }
0x59: {  	_ =	shalt  }
0x5a: {  	_ =	shalt  }
0x5b: {  	_ =	shalt  }
0x5c: {  	_ =	shalt  }
0x5d: {  	_ =	shalt  }
0x5e: {  	_ =	shalt  }
0x5f: {  	_ =	shalt  }
0x60: {  	_ =	shalt  }
0x61: {  	_ =	shalt  }
0x62: {  	_ =	shalt  }
0x63: {  	_ =	shalt  }
0x64: {  	_ =	shalt  }
0x65: {  	_ =	shalt  }
0x66: {  	_ =	shalt  }
0x67: {  	_ =	shalt  }
0x68: {  	_ =	shalt  }
0x69: {  	_ =	shalt  }
0x6a: {  	_ =	shalt  }
0x6b: {  	_ =	shalt  }
0x6c: {  	_ =	shalt  }
0x6d: {  	_ =	shalt  }
0x6e: {  	_ =	shalt  }
0x6f: {  	_ =	shalt  }
0x70: {  	_ =	shalt  }
0x71: {  	_ =	shalt  }
0x72: {  	_ =	shalt  }
0x73: {  	_ =	shalt  }
0x74: {  	_ =	shalt  }
0x75: {  	_ =	shalt  }
0x76: {  	_ =	shalt  }
0x77: {  	_ =	shalt  }
0x78: {  	_ =	shalt  }
0x79: {  	_ =	shalt  }
0x7a: {  	_ =	shalt  }
0x7b: {  	_ =	shalt  }
0x7c: {  	_ =	shalt  }
0x7d: {  	_ =	shalt  }
0x7e: {  	_ =	shalt  }
0x7f: {  	_ =	shalt  }
0x80: {  	_ =	shalt  }
0x81: {  	_ =	shalt  }
0x82: {  	_ =	shalt  }
0x83: {  	_ =	shalt  }
0x84: {  	_ =	shalt  }
0x85: {  	_ =	shalt  }
0x86: {  	_ =	shalt  }
0x87: {  	_ =	shalt  }
.Lfunc_end0:
.L_simem_size_0:
called_computation.1_lowered:
.L_overlay_start_0:
0x88: {  	s2 =	sld [smem:$0x3FD9]  }
0x89: {  	s3 =	sld [smem:$0x3FFE];
	_ =	sdelay $0x1  }
0x8a: {  	s1 =	srdreg.scid  }
0x8b: {  	s0 =	sand.u32 $0x1, s1  }
0x8c: {  	s16 =	sshll.u32 s0, $0xA;
	s2 =	sadd.s32 s3, s2  }
0x8d: {  	s2 =	sadd.s32 s2, s16  }
0x8e: {  	[smem:$0x3FBD] =	sst s2  }
0x8f: {  	_ = 	snop  }
0x90: {  	(tm) =	ssettm $0x1  }
0x91: {  	s17 =	sld [smem:$0x3FFB];
	_ =	sdelay $0x3  }
0x92: {  	_ =	strace s17  }
0x93: {  	s2 =	sld [smem:$0x3FFC];
	_ =	sdelay $0x3  }
0x94: {  	_ =	strace s2  }
0x95: {  	s2 =	sld [smem:$0x3FFD];
	_ =	sdelay $0x3  }
0x96: {  	_ =	strace s2  }
0x97: {  	_ =	strace $0x8FFFFFFF  }
0x98: {  	s18 =	sld [smem:$0x3FDB];
	_ =	sdelay $0x1  }
0x99: {  	s19 =	simm.s32 $_scs_section_size  }
0x9a: {  	s4 =	simm.s32 $_size__tile_overlayer_lowered;
	s5 =	simm.s32 $_tile_overlayer_lowered  }
0x9b: {  	s22 =	simm.s32 $0x1BFF;
	s21 =	sshll.u32 s5, $0x1;
	s2 =	sadd.s32 s19, s18  }
0x9c: {  	s6 =	simm.s32 $0x0;
	s20 =	sshll.u32 s4, $0x1;
	s4 =	sadd.s32 s21, s2  }
0x9d: {  	[timem:s6], [sflag:s22] =	dma.local [hbm:s4], s20  }
0x9e: {  	_ =	swait.ge [sflag:s22], s20  }
0x9f: {  	s3 =	ssub.s32 $0x0, s20;
	[sflag:s22] =	ssyncset.done $0x0  }
0xa0: {  	[sflag:s22] =	ssyncadd.s32 s3;
	_ =	sdelay $0x1  }
0xa1: {  	s23 =	simm.s32 $0x1B8B  }
0xa2: {  	_ =	swait.ge [sflag:s23], $0x1  }
0xa3: {  	[sflag:s23] =	ssyncset.done $0x0  }
0xa4: {  	s25 =	simm.s32 $0x1B8E;
	s24 =	sld [smem:$0x3FFE];
	[sflag:s23] =	ssyncadd.s32 $0xFFFFFFFF  }
0xa5: {  	s26 =	simm.s32 $execute0_lowered;
	[smem:$0x3FD2] =	sst s25  }
0xa6: {  	s4 =	sshll.u32 s26, $0x1;
	_ =	strace $0x80000046;
	[dreg:$0x1] =	wrdreg $0xFFFFFFFF  }
0xa7: {  	s28 =	simm.s32 $_size_execute0_lowered;
	s2 =	sadd.s32 s2, s4;
	[dreg:$0x0] =	wrdreg $0x0  }
0xa8: {  	s4 =	sshll.u32 s28, $0x1;
	[dreg:$0x2] =	wrdreg s2  }
0xa9: {  	[dreg:$0x3] =	wrdreg s4  }
0xaa: {  	[dreg:$0x4] =	wrdreg $0xC0  }
0xab: {  	_ =	task [dreg:s6], $0x5FFFF  }
0xac: {  	[dreg:$0x1] =	wrdreg $0xFFFFFFFF  }
0xad: {  	[dreg:$0x0] =	wrdreg $0x60  }
0xae: {  	[dreg:$0x2] =	wrdreg s24  }
0xaf: {  	[dreg:$0x3] =	wrdreg $0xA3000  }
0xb0: {  	[dreg:$0x4] =	wrdreg $0xA  }
0xb1: {  	_ =	task.clear_ibuf [dreg:s6], $0x5FFFF;
	_ =	strace $0x90000046  }
0xb2: {  	s29 =	simm.s32 $0xA;
	_ =	strace $0x80000048  }
0xb3: {  	_ =	swait.ge [sflag:s29], $0x1  }
0xb4: {  	[sflag:s29] =	ssyncadd.s32 $0xFFFFFFFF  }
0xb5: {  	_ =	strace $0x90000048  }
0xb6: {  	_ =	sfence  }
0xb7: {  	s30 =	sld [smem:$0x0];
	_ =	sdelay $0x2  }
0xb8: {  	s31 =	sshll.u32 s1, $0xD;
	s1 =	sshrl.u32 s1, $0x2  }
0xb9: {  	s3 =	sand.u32 $0x4000, s31;
	s1 =	sadd.s32 s1, s30  }
0xba: {  	s0 =	sor.u32 s3, s0;
	s1 =	sshll.u32 s1, $0x11  }
0xbb: {  	s0 =	sor.u32 s1, s0  }
0xbc: {  	s0 =	sadd.s32 $0x8F2B, s0  }
0xbd: {  	[sflag:s0] =	ssyncadd.remote.s32 $0x1  }
0xbe: {  	_ =	sfence.sel $0xFFFF  }
0xbf: {  	[dreg:$0x0] =	wrdreg $0xFFFFFFFF;
	(pc) =	sbr.abs _section_cstart, $3  }
0xc0: {  	[dreg:$0x1] =	wrdreg $0xFFFFFFFF  }
0xc1: {  	_ =	task.clear_ibuf [dreg:s6], $0x2FFFF;
	_ =	strace $0x9FFFFFFF  }
0xc2: {  	(tm) =	ssettm $0x7FFFFFFF  }
0xc3: {  	_ =	shalt  }
tec
execute0_lowered:
.L_overlay_start_1:
0x0: {  	(tag) =	ssettag $0x1  }
0x1: {  	s0 =	srdreg.scid  }
0x2: {  	s9 =	rddreg [dreg:$0x0];
	s26 =	stileid.u32;
	s1 =	simm.s32 $0x0  }
0x3: {  	s29 =	simm.s32 $0x1;
	s30 =	simm.s32 $0x2;
	s31 =	simm.s32 $0x3  }
0x4: {  	s19 =	sand.u32 $0x1, s0;
	s4 =	smul.u32 $0x280, s26;
	[smem:$0x7FF] =	sst s1  }
0x5: {  	s20 =	sadd.s32 $0x68E00, s9;
	s0 =	ssub.s32 $0x2, s19;
	s17 =	smul.u32 $0x2800, s19  }
0x6: {  	s19 =	sshll.u32 s19, $0x4;
	s2 =	sshrl.u32 s0, $0x1;
	s16 =	sor.u32 $0x28, s4  }
0x7: {  	s18 =	sor.u32 $0x50, s4;
	s15 =	sor.u32 $0x78, s4;
	s13 =	sadd.s32 $0xA0, s4  }
0x8: {  	s14 =	sadd.s32 $0xC8, s4;
	s12 =	sadd.s32 $0xF0, s4;
	s10 =	sadd.s32 $0x118, s4  }
0x9: {  	s11 =	sadd.s32 $0x140, s4;
	s5 =	sadd.s32 $0x168, s4;
	s6 =	sadd.s32 $0x190, s4  }
0xa: {  	s7 =	sadd.s32 $0x1B8, s4;
	s3 =	sadd.s32 $0x208, s4;
	s8 =	sadd.s32 $0x230, s4  }
0xb: {  	s0 =	ssub.s32 s0, s2;
	s2 =	sadd.s32 $0x1E0, s4;
	s21 =	sadd.s32 s4, s17  }
0xc: {  	s22 =	sadd.s32 s17, s16;
	s4 =	sadd.s32 $0x258, s4;
	s25 =	sadd.s32 s17, s18  }
0xd: {  	s28 =	sadd.s32 s17, s15;
	s23 =	sadd.s32 s17, s13;
	s16 =	sshll.u32 s16, $0x7  }
0xe: {  	s18 =	sshll.u32 s18, $0x7;
	s15 =	sshll.u32 s15, $0x7;
	s13 =	sshll.u32 s13, $0x7  }
0xf: {  	s21 =	sshll.u32 s21, $0x4;
	s22 =	sshll.u32 s22, $0x4;
	s23 =	sshll.u32 s23, $0x4  }
0x10: {  	s0 =	smax.u32 s0, $0x1;
	s21 =	sadd.s32 s20, s21;
	s24 =	sadd.s32 s20, s22  }
0x11: {  	s22 =	sshll.u32 s28, $0x4;
	s23 =	sadd.s32 s20, s23;
	[dreg:$0x3] =	wrdreg s21  }
0x12: {  	s28 =	sadd.s32 s17, s10;
	s10 =	sshll.u32 s10, $0x7;
	[dreg:$0x4] =	wrdreg s24  }
0x13: {  	s21 =	sshll.u32 s25, $0x4;
	s22 =	sadd.s32 s20, s22;
	[dreg:$0x7] =	wrdreg s23  }
0x14: {  	s24 =	sadd.s32 s17, s14;
	s25 =	sadd.s32 s17, s12;
	s23 =	sshll.u32 s28, $0x4  }
0x15: {  	s28 =	sadd.s32 s17, s6;
	s14 =	sshll.u32 s14, $0x7;
	s12 =	sshll.u32 s12, $0x7  }
0x16: {  	s21 =	sadd.s32 s20, s21;
	[dreg:$0x6] =	wrdreg s22;
	s22 =	sshll.u32 s25, $0x4  }
0x17: {  	s23 =	sadd.s32 s20, s23;
	s25 =	sadd.s32 s17, s5;
	s5 =	sshll.u32 s5, $0x7  }
0x18: {  	[dreg:$0x5] =	wrdreg s21;
	s21 =	sshll.u32 s24, $0x4;
	s22 =	sadd.s32 s20, s22  }
0x19: {  	[dreg:$0xa] =	wrdreg s23;
	s24 =	sadd.s32 s17, s11;
	s23 =	sshll.u32 s28, $0x4  }
0x1a: {  	s28 =	sadd.s32 s17, s3;
	s11 =	sshll.u32 s11, $0x7;
	s3 =	sshll.u32 s3, $0x7  }
0x1b: {  	s21 =	sadd.s32 s20, s21;
	[dreg:$0x9] =	wrdreg s22;
	s22 =	sshll.u32 s25, $0x4  }
0x1c: {  	s23 =	sadd.s32 s20, s23;
	s25 =	sadd.s32 s17, s2;
	s2 =	sshll.u32 s2, $0x7  }
0x1d: {  	[dreg:$0x8] =	wrdreg s21;
	s21 =	sshll.u32 s24, $0x4;
	s22 =	sadd.s32 s20, s22  }
0x1e: {  	[dreg:$0xd] =	wrdreg s23;
	s24 =	sadd.s32 s17, s7;
	s23 =	sshll.u32 s28, $0x4  }
0x1f: {  	s21 =	sadd.s32 s20, s21;
	[dreg:$0xc] =	wrdreg s22;
	s22 =	sshll.u32 s25, $0x4  }
0x20: {  	s23 =	sadd.s32 s20, s23;
	s25 =	sadd.s32 s17, s4;
	[dreg:$0xb] =	wrdreg s21  }
0x21: {  	s21 =	sshll.u32 s24, $0x4;
	s22 =	sadd.s32 s20, s22;
	[dreg:$0x10] =	wrdreg s23  }
0x22: {  	s24 =	sadd.s32 s17, s8;
	s17 =	rddreg [dreg:$0x1];
	s21 =	sadd.s32 s20, s21  }
0x23: {  	s23 =	sadd.s32 $0x37E00, s9;
	[dreg:$0xe] =	wrdreg s21;
	s21 =	sshll.u32 s24, $0x4  }
0x24: {  	[dreg:$0xf] =	wrdreg s22;
	s22 =	sshll.u32 s25, $0x4;
	s21 =	sadd.s32 s20, s21  }
0x25: {  	s8 =	sshll.u32 s8, $0x7;
	s20 =	sadd.s32 s20, s22;
	[dreg:$0x11] =	wrdreg s21  }
0x26: {  	s25 =	smul.u32 $0x50000, s26;
	s28 =	sadd.s32 s18, s17;
	[dreg:$0x12] =	wrdreg s20  }
0x27: {  	s15 =	sadd.s32 s15, s17;
	_ =	strace $0x80000047;
	[dreg:$0x15] =	wrdreg s28  }
0x28: {  	s13 =	sadd.s32 s13, s17;
	s18 =	sadd.s32 s14, s17;
	[dreg:$0x16] =	wrdreg s15  }
0x29: {  	s12 =	sadd.s32 s12, s17;
	s10 =	sadd.s32 s10, s17;
	[dreg:$0x17] =	wrdreg s13  }
0x2a: {  	s11 =	sadd.s32 s11, s17;
	s5 =	sadd.s32 s5, s17;
	[dreg:$0x18] =	wrdreg s18  }
0x2b: {  	s2 =	sadd.s32 s2, s17;
	s24 =	sadd.s32 $0x2E000, s9;
	[dreg:$0x19] =	wrdreg s12  }
0x2c: {  	s22 =	sadd.s32 $0x5FA600, s9;
	s20 =	sadd.s32 $0x6800, s9;
	[dreg:$0x1b] =	wrdreg s11  }
0x2d: {  	s21 =	sadd.s32 $0x41C00, s9;
	s9 =	sor.u32 s26, s19;
	[dreg:$0x1c] =	wrdreg s5  }
0x2e: {  	s26 =	sshrl.u32 s25, $0x2;
	s19 =	sshll.u32 s6, $0x7;
	[dreg:$0x1f] =	wrdreg s2  }
0x2f: {  	s25 =	sadd.s32 s26, s17;
	s26 =	sadd.s32 s16, s17;
	[smem:$0x7FD] =	sst s0  }
0x30: {  	s28 =	sshll.u32 s7, $0x7;
	s5 =	sadd.s32 s19, s17;
	[dreg:$0x1a] =	wrdreg s10  }
0x31: {  	s6 =	smul.u32 $0x2710, s9;
	s11 =	sadd.s32 s3, s17;
	[dreg:$0x1d] =	wrdreg s5  }
0x32: {  	s12 =	sadd.s32 s8, s17;
	s13 =	sshll.u32 s4, $0x7;
	[smem:$0x7F4] =	sst s11  }
0x33: {  	s14 =	smul.u32 $0x27100, s9;
	s0 =	simm.s32 $0x4;
	[smem:$0x7F5] =	sst s12  }
0x34: {  	s9 =	simm.s32 $0x0;
	s7 =	sadd.s32 s28, s17;
	[dreg:$0x13] =	wrdreg s25  }
0x35: {  	s2 =	sadd.s32 s13, s17;
	s11 =	simm.s32 $0x7A00;
	[dreg:$0x14] =	wrdreg s26  }
0x36: {  	s12 =	simm.s32 $0xD;
	s13 =	simm.s32 $0x8;
	[dreg:$0x1e] =	wrdreg s7  }
0x37: {  	s5 =	simm.s32 $0x8E00;
	s15 =	sshrl.u32 s6, $0x3;
	[smem:$0x7F6] =	sst s2  }
0x38: {  	s18 =	sadd.s32 $0x28, s6;
	s3 =	sadd.s32 s22, s14;
	s14 =	simm.s32 $0xA  }
0x39: {  	s7 =	simm.s32 $0xB;
	s16 =	sadd.s32 s23, s15;
	s4 =	sadd.s32 s24, s15  }
0x3a: {  	[smem:$0x7F9] =	sst s3;
	s19 =	sshrl.u32 s18, $0x3;
	s2 =	sshll.u32 s18, $0x4  }
.Ltmp0:
0x3b: {  	s18 =	simm.s32 $0x3D00;
	[smem:$0x7F7] =	sst s16;
	(pc) =	sbr.rel .LBB2_1-.Ltmp0, $4  }
0x3c: {  	[smem:$0x7F8] =	sst s4;
	s28 =	sadd.s32 s23, s19;
	s3 =	sadd.s32 s24, s19  }
0x3d: {  	s2 =	sadd.s32 s22, s2;
	s16 =	simm.s32 $0x28;
	[smem:$0x7FA] =	sst s28  }
0x3e: {  	s19 =	simm.s32 $0x3D80;
	s4 =	simm.s32 $0xA280;
	[smem:$0x7FB] =	sst s3  }
0x3f: {  	v0 =	vimm.f32 $0.0e+00;
	[smem:$0x7FC] =	sst s2;
	s2 =	simm.s32 $0x5;
	s3 =	simm.s32 $0x6  }
.LBB2_13:
0x40: {  	_ =	swait.ge [sflag:s7], $0x1400  }
0x41: {  	[sflag:s7] =	ssyncset.done $0x0  }
0x42: {  	s8 =	simm.s32 $0xC;
	[sflag:s7] =	ssyncadd.s32 $0xFFFFEC00  }
0x43: {  	_ =	swait.ge [sflag:s8], $0x1400  }
0x44: {  	[sflag:s8] =	ssyncset.done $0x0  }
0x45: {  	[sflag:s8] =	ssyncadd.s32 $0xFFFFEC00  }
0x46: {  	[bflag:$0x0] =	sbarrier.arrive $0xFFFF  }
0x47: {  	s25 =	rddreg [dreg:$0x13]  }
0x48: {  	[tilespmem:s11], [sflag:$0xD] =	stream.linear.gather [spmem:s25], $0x1400, $0x38;
	[tilespmem:$0x1E300] =	vst v63  }
0x49: {  	_ =	swait.ge [sflag:s12], $0x1400  }
0x4a: {  	[sflag:s12] =	ssyncset.done $0x0  }
0x4b: {  	s9 =	rddreg [dreg:$0x3];
	[sflag:s12] =	ssyncadd.s32 $0xFFFFEC00  }
0x4c: {  	[hbm4b:s9+s1] =	stream.linear.scatter [tilespmem:s11], [sflag:$0xD], $0x1400, $0x38;
	[tilespmem:$0x1E300] =	vst v63  }
0x4d: {  	_ =	swait.ge [sflag:s12], $0x1400  }
0x4e: {  	[sflag:s12] =	ssyncset.done $0x0  }
0x4f: {  	s26 =	rddreg [dreg:$0x14];
	[sflag:s12] =	ssyncadd.s32 $0xFFFFEC00  }
0x50: {  	[tilespmem:s11], [sflag:$0xD] =	stream.linear.gather [spmem:s26], $0x1400, $0x38;
	[tilespmem:$0x1E300] =	vst v63  }
0x51: {  	_ =	swait.ge [sflag:s12], $0x1400  }
0x52: {  	[sflag:s12] =	ssyncset.done $0x0  }
0x53: {  	s10 =	rddreg [dreg:$0x4];
	[sflag:s12] =	ssyncadd.s32 $0xFFFFEC00  }
0x54: {  	[hbm4b:s10+s1] =	stream.linear.scatter [tilespmem:s11], [sflag:$0xD], $0x1400, $0x38;
	[tilespmem:$0x1E300] =	vst v63  }
0x55: {  	_ =	swait.ge [sflag:s12], $0x1400  }
0x56: {  	[sflag:s12] =	ssyncset.done $0x0  }
0x57: {  	s15 =	rddreg [dreg:$0x15];
	[sflag:s12] =	ssyncadd.s32 $0xFFFFEC00  }
0x58: {  	[tilespmem:s11], [sflag:$0xD] =	stream.linear.gather [spmem:s15], $0x1400, $0x38;
	[tilespmem:$0x1E300] =	vst v63  }
0x59: {  	_ =	swait.ge [sflag:s12], $0x1400  }
0x5a: {  	[sflag:s12] =	ssyncset.done $0x0  }
0x5b: {  	s28 =	rddreg [dreg:$0x5];
	[sflag:s12] =	ssyncadd.s32 $0xFFFFEC00  }
0x5c: {  	[hbm4b:s28+s1] =	stream.linear.scatter [tilespmem:s11], [sflag:$0xD], $0x1400, $0x38;
	[tilespmem:$0x1E300] =	vst v63  }
0x5d: {  	_ =	swait.ge [sflag:s12], $0x1400  }
0x5e: {  	[sflag:s12] =	ssyncset.done $0x0  }
0x5f: {  	s9 =	rddreg [dreg:$0x16];
	[sflag:s12] =	ssyncadd.s32 $0xFFFFEC00  }
0x60: {  	[tilespmem:s11], [sflag:$0xD] =	stream.linear.gather [spmem:s9], $0x1400, $0x38;
	[tilespmem:$0x1E300] =	vst v63  }
0x61: {  	_ =	swait.ge [sflag:s12], $0x1400  }
0x62: {  	[sflag:s12] =	ssyncset.done $0x0  }
0x63: {  	s10 =	rddreg [dreg:$0x6];
	[sflag:s12] =	ssyncadd.s32 $0xFFFFEC00  }
0x64: {  	[hbm4b:s10+s1] =	stream.linear.scatter [tilespmem:s11], [sflag:$0xD], $0x1400, $0x38;
	[tilespmem:$0x1E300] =	vst v63  }
0x65: {  	_ =	swait.ge [sflag:s12], $0x1400  }
0x66: {  	[sflag:s12] =	ssyncset.done $0x0  }
0x67: {  	s15 =	rddreg [dreg:$0x17];
	[sflag:s12] =	ssyncadd.s32 $0xFFFFEC00  }
0x68: {  	[tilespmem:s11], [sflag:$0xD] =	stream.linear.gather [spmem:s15], $0x1400, $0x38;
	[tilespmem:$0x1E300] =	vst v63  }
0x69: {  	_ =	swait.ge [sflag:s12], $0x1400  }
0x6a: {  	[sflag:s12] =	ssyncset.done $0x0  }
0x6b: {  	s28 =	rddreg [dreg:$0x7];
	[sflag:s12] =	ssyncadd.s32 $0xFFFFEC00  }
0x6c: {  	[hbm4b:s28+s1] =	stream.linear.scatter [tilespmem:s11], [sflag:$0xD], $0x1400, $0x38;
	[tilespmem:$0x1E300] =	vst v63  }
0x6d: {  	_ =	swait.ge [sflag:s12], $0x1400  }
0x6e: {  	[sflag:s12] =	ssyncset.done $0x0  }
0x6f: {  	s9 =	rddreg [dreg:$0x18];
	[sflag:s12] =	ssyncadd.s32 $0xFFFFEC00  }
0x70: {  	[tilespmem:s11], [sflag:$0xD] =	stream.linear.gather [spmem:s9], $0x1400, $0x38;
	[tilespmem:$0x1E300] =	vst v63  }
0x71: {  	_ =	swait.ge [sflag:s12], $0x1400  }
0x72: {  	[sflag:s12] =	ssyncset.done $0x0  }
0x73: {  	s10 =	rddreg [dreg:$0x8];
	[sflag:s12] =	ssyncadd.s32 $0xFFFFEC00  }
0x74: {  	[hbm4b:s10+s1] =	stream.linear.scatter [tilespmem:s11], [sflag:$0xD], $0x1400, $0x38;
	[tilespmem:$0x1E300] =	vst v63  }
0x75: {  	_ =	swait.ge [sflag:s12], $0x1400  }
0x76: {  	[sflag:s12] =	ssyncset.done $0x0  }
0x77: {  	s15 =	rddreg [dreg:$0x19];
	[sflag:s12] =	ssyncadd.s32 $0xFFFFEC00  }
0x78: {  	[tilespmem:s11], [sflag:$0xD] =	stream.linear.gather [spmem:s15], $0x1400, $0x38;
	[tilespmem:$0x1E300] =	vst v63  }
0x79: {  	_ =	swait.ge [sflag:s12], $0x1400  }
0x7a: {  	[sflag:s12] =	ssyncset.done $0x0  }
0x7b: {  	s28 =	rddreg [dreg:$0x9];
	[sflag:s12] =	ssyncadd.s32 $0xFFFFEC00  }
0x7c: {  	[hbm4b:s28+s1] =	stream.linear.scatter [tilespmem:s11], [sflag:$0xD], $0x1400, $0x38;
	[tilespmem:$0x1E300] =	vst v63  }
0x7d: {  	_ =	swait.ge [sflag:s12], $0x1400  }
0x7e: {  	[sflag:s12] =	ssyncset.done $0x0  }
0x7f: {  	s10 =	rddreg [dreg:$0x1a];
	[sflag:s12] =	ssyncadd.s32 $0xFFFFEC00  }
0x80: {  	[tilespmem:s11], [sflag:$0xD] =	stream.linear.gather [spmem:s10], $0x1400, $0x38;
	[tilespmem:$0x1E300] =	vst v63  }
0x81: {  	_ =	swait.ge [sflag:s12], $0x1400  }
0x82: {  	[sflag:s12] =	ssyncset.done $0x0  }
0x83: {  	s9 =	rddreg [dreg:$0xa];
	[sflag:s12] =	ssyncadd.s32 $0xFFFFEC00  }
0x84: {  	[hbm4b:s9+s1] =	stream.linear.scatter [tilespmem:s11], [sflag:$0xD], $0x1400, $0x38;
	[tilespmem:$0x1E300] =	vst v63  }
0x85: {  	_ =	swait.ge [sflag:s12], $0x1400  }
0x86: {  	[sflag:s12] =	ssyncset.done $0x0  }
0x87: {  	s15 =	rddreg [dreg:$0x1b];
	[sflag:s12] =	ssyncadd.s32 $0xFFFFEC00  }
0x88: {  	[tilespmem:s11], [sflag:$0xD] =	stream.linear.gather [spmem:s15], $0x1400, $0x38;
	[tilespmem:$0x1E300] =	vst v63  }
0x89: {  	_ =	swait.ge [sflag:s12], $0x1400  }
0x8a: {  	[sflag:s12] =	ssyncset.done $0x0  }
0x8b: {  	s28 =	rddreg [dreg:$0xb];
	[sflag:s12] =	ssyncadd.s32 $0xFFFFEC00  }
0x8c: {  	[hbm4b:s28+s1] =	stream.linear.scatter [tilespmem:s11], [sflag:$0xD], $0x1400, $0x38;
	[tilespmem:$0x1E300] =	vst v63  }
0x8d: {  	_ =	swait.ge [sflag:s12], $0x1400  }
0x8e: {  	[sflag:s12] =	ssyncset.done $0x0  }
0x8f: {  	s9 =	rddreg [dreg:$0x1c];
	[sflag:s12] =	ssyncadd.s32 $0xFFFFEC00  }
0x90: {  	[tilespmem:s11], [sflag:$0xD] =	stream.linear.gather [spmem:s9], $0x1400, $0x38;
	[tilespmem:$0x1E300] =	vst v63  }
0x91: {  	_ =	swait.ge [sflag:s12], $0x1400  }
0x92: {  	[sflag:s12] =	ssyncset.done $0x0  }
0x93: {  	s15 =	rddreg [dreg:$0xc];
	[sflag:s12] =	ssyncadd.s32 $0xFFFFEC00  }
0x94: {  	[hbm4b:s15+s1] =	stream.linear.scatter [tilespmem:s11], [sflag:$0xD], $0x1400, $0x38;
	[tilespmem:$0x1E300] =	vst v63  }
0x95: {  	_ =	swait.ge [sflag:s12], $0x1400  }
0x96: {  	[sflag:s12] =	ssyncset.done $0x0  }
0x97: {  	s28 =	rddreg [dreg:$0x1d];
	[sflag:s12] =	ssyncadd.s32 $0xFFFFEC00  }
0x98: {  	[tilespmem:s11], [sflag:$0xD] =	stream.linear.gather [spmem:s28], $0x1400, $0x38;
	[tilespmem:$0x1E300] =	vst v63  }
0x99: {  	_ =	swait.ge [sflag:s12], $0x1400  }
0x9a: {  	[sflag:s12] =	ssyncset.done $0x0  }
0x9b: {  	s9 =	rddreg [dreg:$0xd];
	[sflag:s12] =	ssyncadd.s32 $0xFFFFEC00  }
0x9c: {  	[hbm4b:s9+s1] =	stream.linear.scatter [tilespmem:s11], [sflag:$0xD], $0x1400, $0x38;
	[tilespmem:$0x1E300] =	vst v63  }
0x9d: {  	_ =	swait.ge [sflag:s12], $0x1400  }
0x9e: {  	[sflag:s12] =	ssyncset.done $0x0  }
0x9f: {  	s15 =	rddreg [dreg:$0x1e];
	[sflag:s12] =	ssyncadd.s32 $0xFFFFEC00  }
0xa0: {  	[tilespmem:s11], [sflag:$0xD] =	stream.linear.gather [spmem:s15], $0x1400, $0x38;
	[tilespmem:$0x1E300] =	vst v63  }
0xa1: {  	_ =	swait.ge [sflag:s12], $0x1400  }
0xa2: {  	[sflag:s12] =	ssyncset.done $0x0  }
0xa3: {  	s28 =	rddreg [dreg:$0xe];
	[sflag:s12] =	ssyncadd.s32 $0xFFFFEC00  }
0xa4: {  	[hbm4b:s28+s1] =	stream.linear.scatter [tilespmem:s11], [sflag:$0xD], $0x1400, $0x38;
	[tilespmem:$0x1E300] =	vst v63  }
0xa5: {  	_ =	swait.ge [sflag:s12], $0x1400  }
0xa6: {  	[sflag:s12] =	ssyncset.done $0x0  }
0xa7: {  	s9 =	rddreg [dreg:$0x1f];
	[sflag:s12] =	ssyncadd.s32 $0xFFFFEC00  }
0xa8: {  	[tilespmem:s11], [sflag:$0xD] =	stream.linear.gather [spmem:s9], $0x1400, $0x38;
	[tilespmem:$0x1E300] =	vst v63  }
0xa9: {  	_ =	swait.ge [sflag:s12], $0x1400  }
0xaa: {  	[sflag:s12] =	ssyncset.done $0x0  }
0xab: {  	s15 =	rddreg [dreg:$0xf];
	[sflag:s12] =	ssyncadd.s32 $0xFFFFEC00  }
0xac: {  	[hbm4b:s15+s1] =	stream.linear.scatter [tilespmem:s11], [sflag:$0xD], $0x1400, $0x38;
	[tilespmem:$0x1E300] =	vst v63  }
0xad: {  	_ =	swait.ge [sflag:s12], $0x1400  }
0xae: {  	s28 =	sld [smem:$0x7F4]  }
0xaf: {  	[sflag:s12] =	ssyncset.done $0x0  }
0xb0: {  	[sflag:s12] =	ssyncadd.s32 $0xFFFFEC00  }
0xb1: {  	[tilespmem:s11], [sflag:$0xD] =	stream.linear.gather [spmem:s28], $0x1400, $0x38;
	[tilespmem:$0x1E300] =	vst v63  }
0xb2: {  	_ =	swait.ge [sflag:s12], $0x1400  }
0xb3: {  	[sflag:s12] =	ssyncset.done $0x0  }
0xb4: {  	s9 =	rddreg [dreg:$0x10];
	[sflag:s12] =	ssyncadd.s32 $0xFFFFEC00  }
0xb5: {  	[hbm4b:s9+s1] =	stream.linear.scatter [tilespmem:s11], [sflag:$0xD], $0x1400, $0x38;
	[tilespmem:$0x1E300] =	vst v63  }
0xb6: {  	_ =	swait.ge [sflag:s12], $0x1400  }
0xb7: {  	s15 =	sld [smem:$0x7F5]  }
0xb8: {  	[sflag:s12] =	ssyncset.done $0x0  }
0xb9: {  	[sflag:s12] =	ssyncadd.s32 $0xFFFFEC00  }
0xba: {  	[tilespmem:s11], [sflag:$0xD] =	stream.linear.gather [spmem:s15], $0x1400, $0x38;
	[tilespmem:$0x1E300] =	vst v63  }
0xbb: {  	_ =	swait.ge [sflag:s12], $0x1400  }
0xbc: {  	[sflag:s12] =	ssyncset.done $0x0  }
0xbd: {  	s28 =	rddreg [dreg:$0x11];
	[sflag:s12] =	ssyncadd.s32 $0xFFFFEC00  }
0xbe: {  	[hbm4b:s28+s1] =	stream.linear.scatter [tilespmem:s11], [sflag:$0xD], $0x1400, $0x38;
	[tilespmem:$0x1E300] =	vst v63  }
0xbf: {  	_ =	swait.ge [sflag:s12], $0x1400  }
0xc0: {  	s9 =	sld [smem:$0x7F6]  }
0xc1: {  	[sflag:s12] =	ssyncset.done $0x0  }
0xc2: {  	[sflag:s12] =	ssyncadd.s32 $0xFFFFEC00  }
0xc3: {  	[tilespmem:s11], [sflag:$0xD] =	stream.linear.gather [spmem:s9], $0x1400, $0x38;
	[tilespmem:$0x1E300] =	vst v63  }
0xc4: {  	_ =	swait.ge [sflag:s12], $0x1400  }
0xc5: {  	[sflag:s12] =	ssyncset.done $0x0  }
0xc6: {  	s15 =	rddreg [dreg:$0x12];
	[sflag:s12] =	ssyncadd.s32 $0xFFFFEC00  }
0xc7: {  	[hbm4b:s15+s1] =	stream.linear.scatter [tilespmem:s11], [sflag:$0xD], $0x1400, $0x38;
	[tilespmem:$0x1E300] =	vst v63  }
0xc8: {  	_ =	swait.ge [sflag:s12], $0x1400  }
0xc9: {  	s9 =	sld [smem:$0x7F3]  }
0xca: {  	s28 =	sld [smem:$0x7FD];
	_ =	sdelay $0x1  }
0xcb: {  	s9 =	sadd.s32 $0x1, s9  }
0xcc: {  	p0 =	sne.s32 s9, s28  }
.Ltmp1:
0xcd: {  	_ = 	snop;
	(pc) =	sbr.rel @!p0 .LBB2_14-.Ltmp1, $3  }
0xce: {  	_ =	sdelay $0x1  }
0xcf: {  	[sflag:s12] =	ssyncset.done $0x0  }
0xd0: {  	[sflag:s12] =	ssyncadd.s32 $0xFFFFEC00  }
.LBB2_1:
0xd1: {  	[smem:$0x7F3] =	sst s9;
	s8 =	simm.s32 $0x0;
	s9 =	simm.s32 $0x200  }
.LBB2_2:
0xd2: {  	p0 =	sne.s32 s9, $0x4E00;
	[tilespmem:s8+$0x7A70] =	vst v0  }
0xd3: {  	[tilespmem:s8+$0x7A00] =	vst v0  }
0xd4: {  	[tilespmem:s8+$0x7A10] =	vst v0  }
.Ltmp2:
0xd5: {  	[tilespmem:s8+$0x7A20] =	vst v0;
	(pc) =	sbr.rel @p0 .LBB2_2-.Ltmp2, $4  }
0xd6: {  	[tilespmem:s8+$0x7A30] =	vst v0  }
0xd7: {  	[tilespmem:s8+$0x7A40] =	vst v0  }
0xd8: {  	[tilespmem:s8+$0x7A50] =	vst v0  }
0xd9: {  	[tilespmem:s8+$0x7A60] =	vst v0;
	s8 =	sshra.s32 s9, $0x2;
	s9 =	sadd.s32 $0x200, s9  }
0xda: {  	[tilespmem:s8+$0x7A70] =	vst v0  }
0xdb: {  	[tilespmem:s8+$0x7A00] =	vst v0  }
0xdc: {  	[tilespmem:s8+$0x7A10] =	vst v0  }
0xdd: {  	[tilespmem:s8+$0x7A20] =	vst v0  }
0xde: {  	[tilespmem:s8+$0x7A30] =	vst v0  }
0xdf: {  	[tilespmem:s8+$0x7A40] =	vst v0  }
0xe0: {  	[tilespmem:s8+$0x7A50] =	vst v0  }
0xe1: {  	[tilespmem:s8+$0x7A60] =	vst v0  }
0xe2: {  	[spmem:s25] =	stream.linear.scatter [tilespmem:s11], [sflag:$0xD], $0x1400, $0x38;
	[tilespmem:$0x1E300] =	vst v63  }
0xe3: {  	_ =	swait.ge [sflag:s12], $0x1400  }
0xe4: {  	[sflag:s12] =	ssyncset.done $0x0  }
0xe5: {  	[sflag:s12] =	ssyncadd.s32 $0xFFFFEC00  }
0xe6: {  	[spmem:s26] =	stream.linear.scatter [tilespmem:s11], [sflag:$0xD], $0x1400, $0x38;
	[tilespmem:$0x1E300] =	vst v63  }
0xe7: {  	_ =	swait.ge [sflag:s12], $0x1400  }
0xe8: {  	[sflag:s12] =	ssyncset.done $0x0  }
0xe9: {  	s28 =	rddreg [dreg:$0x15];
	[sflag:s12] =	ssyncadd.s32 $0xFFFFEC00  }
0xea: {  	[spmem:s28] =	stream.linear.scatter [tilespmem:s11], [sflag:$0xD], $0x1400, $0x38;
	[tilespmem:$0x1E300] =	vst v63  }
0xeb: {  	_ =	swait.ge [sflag:s12], $0x1400  }
0xec: {  	[sflag:s12] =	ssyncset.done $0x0  }
0xed: {  	s9 =	rddreg [dreg:$0x16];
	[sflag:s12] =	ssyncadd.s32 $0xFFFFEC00  }
0xee: {  	[spmem:s9] =	stream.linear.scatter [tilespmem:s11], [sflag:$0xD], $0x1400, $0x38;
	[tilespmem:$0x1E300] =	vst v63  }
0xef: {  	_ =	swait.ge [sflag:s12], $0x1400  }
0xf0: {  	[sflag:s12] =	ssyncset.done $0x0  }
0xf1: {  	s15 =	rddreg [dreg:$0x17];
	[sflag:s12] =	ssyncadd.s32 $0xFFFFEC00  }
0xf2: {  	[spmem:s15] =	stream.linear.scatter [tilespmem:s11], [sflag:$0xD], $0x1400, $0x38;
	[tilespmem:$0x1E300] =	vst v63  }
0xf3: {  	_ =	swait.ge [sflag:s12], $0x1400  }
0xf4: {  	[sflag:s12] =	ssyncset.done $0x0  }
0xf5: {  	s25 =	rddreg [dreg:$0x18];
	[sflag:s12] =	ssyncadd.s32 $0xFFFFEC00  }
0xf6: {  	[spmem:s25] =	stream.linear.scatter [tilespmem:s11], [sflag:$0xD], $0x1400, $0x38;
	[tilespmem:$0x1E300] =	vst v63  }
0xf7: {  	_ =	swait.ge [sflag:s12], $0x1400  }
0xf8: {  	[sflag:s12] =	ssyncset.done $0x0  }
0xf9: {  	s26 =	rddreg [dreg:$0x19];
	[sflag:s12] =	ssyncadd.s32 $0xFFFFEC00  }
0xfa: {  	[spmem:s26] =	stream.linear.scatter [tilespmem:s11], [sflag:$0xD], $0x1400, $0x38;
	[tilespmem:$0x1E300] =	vst v63  }
0xfb: {  	_ =	swait.ge [sflag:s12], $0x1400  }
0xfc: {  	[sflag:s12] =	ssyncset.done $0x0  }
0xfd: {  	[sflag:s12] =	ssyncadd.s32 $0xFFFFEC00  }
0xfe: {  	[spmem:s10] =	stream.linear.scatter [tilespmem:s11], [sflag:$0xD], $0x1400, $0x38;
	[tilespmem:$0x1E300] =	vst v63  }
0xff: {  	_ =	swait.ge [sflag:s12], $0x1400  }
0x100: {  	[sflag:s12] =	ssyncset.done $0x0  }
0x101: {  	s28 =	rddreg [dreg:$0x1b];
	[sflag:s12] =	ssyncadd.s32 $0xFFFFEC00  }
0x102: {  	[spmem:s28] =	stream.linear.scatter [tilespmem:s11], [sflag:$0xD], $0x1400, $0x38;
	[tilespmem:$0x1E300] =	vst v63  }
0x103: {  	_ =	swait.ge [sflag:s12], $0x1400  }
0x104: {  	[sflag:s12] =	ssyncset.done $0x0  }
0x105: {  	s9 =	rddreg [dreg:$0x1c];
	[sflag:s12] =	ssyncadd.s32 $0xFFFFEC00  }
0x106: {  	[spmem:s9] =	stream.linear.scatter [tilespmem:s11], [sflag:$0xD], $0x1400, $0x38;
	[tilespmem:$0x1E300] =	vst v63  }
0x107: {  	_ =	swait.ge [sflag:s12], $0x1400  }
0x108: {  	[sflag:s12] =	ssyncset.done $0x0  }
0x109: {  	s10 =	rddreg [dreg:$0x1d];
	[sflag:s12] =	ssyncadd.s32 $0xFFFFEC00  }
0x10a: {  	[spmem:s10] =	stream.linear.scatter [tilespmem:s11], [sflag:$0xD], $0x1400, $0x38;
	[tilespmem:$0x1E300] =	vst v63  }
0x10b: {  	_ =	swait.ge [sflag:s12], $0x1400  }
0x10c: {  	[sflag:s12] =	ssyncset.done $0x0  }
0x10d: {  	s15 =	rddreg [dreg:$0x1e];
	[sflag:s12] =	ssyncadd.s32 $0xFFFFEC00  }
0x10e: {  	[spmem:s15] =	stream.linear.scatter [tilespmem:s11], [sflag:$0xD], $0x1400, $0x38;
	[tilespmem:$0x1E300] =	vst v63  }
0x10f: {  	_ =	swait.ge [sflag:s12], $0x1400  }
0x110: {  	[sflag:s12] =	ssyncset.done $0x0  }
0x111: {  	s25 =	rddreg [dreg:$0x1f];
	[sflag:s12] =	ssyncadd.s32 $0xFFFFEC00  }
0x112: {  	[spmem:s25] =	stream.linear.scatter [tilespmem:s11], [sflag:$0xD], $0x1400, $0x38;
	[tilespmem:$0x1E300] =	vst v63  }
0x113: {  	_ =	swait.ge [sflag:s12], $0x1400  }
0x114: {  	s26 =	sld [smem:$0x7F4]  }
0x115: {  	[sflag:s12] =	ssyncset.done $0x0  }
0x116: {  	[sflag:s12] =	ssyncadd.s32 $0xFFFFEC00  }
0x117: {  	[spmem:s26] =	stream.linear.scatter [tilespmem:s11], [sflag:$0xD], $0x1400, $0x38;
	[tilespmem:$0x1E300] =	vst v63  }
0x118: {  	_ =	swait.ge [sflag:s12], $0x1400  }
0x119: {  	s28 =	sld [smem:$0x7F5]  }
0x11a: {  	[sflag:s12] =	ssyncset.done $0x0  }
0x11b: {  	[sflag:s12] =	ssyncadd.s32 $0xFFFFEC00  }
0x11c: {  	[spmem:s28] =	stream.linear.scatter [tilespmem:s11], [sflag:$0xD], $0x1400, $0x38;
	[tilespmem:$0x1E300] =	vst v63  }
0x11d: {  	_ =	swait.ge [sflag:s12], $0x1400  }
0x11e: {  	s9 =	sld [smem:$0x7F6]  }
0x11f: {  	[sflag:s12] =	ssyncset.done $0x0  }
0x120: {  	[sflag:s12] =	ssyncadd.s32 $0xFFFFEC00  }
0x121: {  	[spmem:s9] =	stream.linear.scatter [tilespmem:s11], [sflag:$0xD], $0x1400, $0x38;
	[tilespmem:$0x1E300] =	vst v63  }
0x122: {  	_ =	swait.ge [sflag:s12], $0x1400  }
0x123: {  	[sflag:s12] =	ssyncset.done $0x0  }
0x124: {  	[sflag:s12] =	ssyncadd.s32 $0xFFFFEC00  }
0x125: {  	[bflag:$0x0] =	sbarrier.arrive $0xFFFF  }
0x126: {  	s10 =	sld [smem:$0x7F7];
	_ =	sdelay $0x1  }
0x127: {  	s9 =	simm.s32 $0x0;
	s15 =	sld [smem:$0x7F8]  }
0x128: {  	[tilespmem:s9], [sflag:$0x7] =	stream.linear.gather [hbm4b:s10+s9], $0x28, $0x38;
	[tilespmem:$0x1E300] =	vst v63  }
0x129: {  	s25 =	simm.s32 $0x7;
	s10 =	simm.s32 $0x80  }
0x12a: {  	[tilespmem:s10], [sflag:$0x9] =	stream.linear.gather [hbm4b:s15+s9], $0x28, $0x38;
	[tilespmem:$0x1E300] =	vst v63  }
0x12b: {  	_ =	swait.ge [sflag:s25], $0x28  }
0x12c: {  	[sflag:s25] =	ssyncset.done $0x0  }
0x12d: {  	s26 =	simm.s32 $0x9;
	[sflag:s25] =	ssyncadd.s32 $0xFFFFFFD8  }
0x12e: {  	_ =	swait.ge [sflag:s26], $0x28  }
0x12f: {  	[sflag:s26] =	ssyncset.done $0x0  }
0x130: {  	[sflag:s26] =	ssyncadd.s32 $0xFFFFFFD8  }
0x131: {  	v1 =	vld [tilespmem:$0x0]  }
0x132: {  	v2 =	vld [tilespmem:$0x10]  }
0x133: {  	v3 =	vld [tilespmem:$0x18];
	_ =	sdelay $0x2  }
0x134: {  	[tilespmem:$0xA200] =	vst v1  }
0x135: {  	[tilespmem:$0xA210] =	vst v2  }
0x136: {  	s28 =	simm.s32 $0x100;
	[tilespmem:$0xA218] =	vst v3  }
0x137: {  	[tilespmem:s28], [sflag:$0x1] =	stream.indirect.gather [hbm4b:s20+s16], $0x80, s9, s16, $0xb8;
	[tilespmem:$0x1E300] =	vst v63  }
0x138: {  	s15 =	simm.s32 $0x1500;
	s25 =	sld [smem:$0x7F9]  }
0x139: {  	[tilespmem:s15], [sflag:$0x2] =	stream.indirect.gather [hbm4b:s21+s16], $0x80, s10, s16, $0xb8;
	[tilespmem:$0x1E300] =	vst v63  }
0x13a: {  	s26 =	simm.s32 $0x2900;
	s28 =	sld [smem:$0x7FA]  }
0x13b: {  	[tilespmem:s26], [sflag:$0x3] =	stream.linear.gather [hbm4b:s25+s9], $0x1400, $0x38;
	[tilespmem:$0x1E300] =	vst v63  }
0x13c: {  	s10 =	sld [smem:$0x7FB]  }
0x13d: {  	[tilespmem:s18], [sflag:$0x8] =	stream.linear.gather [hbm4b:s28+s9], $0x28, $0x38;
	[tilespmem:$0x1E300] =	vst v63  }
0x13e: {  	_ = 	snop  }
0x13f: {  	[tilespmem:s19], [sflag:$0xA] =	stream.linear.gather [hbm4b:s10+s9], $0x28, $0x38;
	[tilespmem:$0x1E300] =	vst v63  }
0x140: {  	_ =	swait.ge [sflag:s13], $0x28  }
0x141: {  	[sflag:s13] =	ssyncset.done $0x0  }
0x142: {  	[sflag:s13] =	ssyncadd.s32 $0xFFFFFFD8  }
0x143: {  	_ =	swait.ge [sflag:s14], $0x28  }
0x144: {  	[sflag:s14] =	ssyncset.done $0x0  }
0x145: {  	[sflag:s14] =	ssyncadd.s32 $0xFFFFFFD8  }
0x146: {  	v1 =	vld [tilespmem:$0x3D00]  }
0x147: {  	v2 =	vld [tilespmem:$0x3D10]  }
0x148: {  	v3 =	vld [tilespmem:$0x3D18];
	_ =	sdelay $0x2  }
0x149: {  	[tilespmem:$0xA280] =	vst v1  }
0x14a: {  	[tilespmem:$0xA290] =	vst v2  }
0x14b: {  	s15 =	simm.s32 $0x3E00;
	[tilespmem:$0xA298] =	vst v3  }
0x14c: {  	[tilespmem:s15], [sflag:$0x4] =	stream.indirect.gather [hbm4b:s20+s16], $0x80, s18, s16, $0xb8;
	[tilespmem:$0x1E300] =	vst v63  }
0x14d: {  	s25 =	simm.s32 $0x5200;
	s26 =	sld [smem:$0x7FC]  }
0x14e: {  	[tilespmem:s25], [sflag:$0x5] =	stream.indirect.gather [hbm4b:s21+s16], $0x80, s19, s16, $0xb8;
	[tilespmem:$0x1E300] =	vst v63  }
0x14f: {  	s28 =	simm.s32 $0x6600  }
0x150: {  	[tilespmem:s28], [sflag:$0x6] =	stream.linear.gather [hbm4b:s26+s9], $0x1400, $0x38;
	[tilespmem:$0x1E300] =	vst v63  }
.LBB2_4:
0x151: {  	_ =	swait.ge [sflag:s29], $0x1400  }
0x152: {  	[sflag:s29] =	ssyncset.done $0x0  }
0x153: {  	s10 =	sshll.u32 s9, $0x1;
	[sflag:s29] =	ssyncadd.s32 $0xFFFFEC00  }
0x154: {  	p0 =	seq.s32 s9, $0x7C;
	s8 =	sadd.s32 $0x2, s10;
	_ =	swait.ge [sflag:s30], $0x1400  }
0x155: {  	s8 =	smul.u32 @!p0 $0x28, s8;
	[sflag:s30] =	ssyncset.done $0x0  }
0x156: {  	p1 =	seq.s32 @!p0 s9, $0x0;
	[sflag:s30] =	ssyncadd.s32 $0xFFFFEC00  }
0x157: {  	p1 =	por p0, !p1;
	s8 =	sadd.s32 @!p0 s6, s8;
	_ =	swait.ge [sflag:s31], $0x1400  }
.Ltmp3:
0x158: {  	s25 =	sshrl.u32 @!p0 s8, $0x3;
	[sflag:s31] =	ssyncset.done $0x0;
	(pc) =	sbr.rel @!p1 .LBB2_5-.Ltmp3, $4  }
0x159: {  	s28 =	simm.s32 @!p0 $0x0;
	s26 =	sadd.s32 @!p0 s23, s25;
	[sflag:s31] =	ssyncadd.s32 $0xFFFFEC00  }
0x15a: {  	[tilespmem:s28], [sflag:$0x7] =	stream.linear.gather @!p0 [hbm4b:s26+s28], $0x28, $0x38;
	[tilespmem:$0x1E300] =	vst v63  }
0x15b: {  	s25 =	sadd.s32 @!p0 s24, s25;
	s26 =	simm.s32 @!p0 $0x80  }
0x15c: {  	[tilespmem:s26], [sflag:$0x9] =	stream.linear.gather @!p0 [hbm4b:s25+s28], $0x28, $0x38;
	[tilespmem:$0x1E300] =	vst v63  }
.Ltmp4:
0x15d: {  	(pc) =	sbr.rel .LBB2_7-.Ltmp4, $4  }
0x15e: {  	_ = 	snop  }
0x15f: {  	_ =	swait.ge [sflag:s7], $0x1400  }
0x160: {  	[sflag:s7] =	ssyncset.done $0x0  }
0x161: {  	p1 =	por $0x0, $0x0;
	[sflag:s7] =	ssyncadd.s32 $0xFFFFEC00  }
.LBB2_5:
0x162: {  	p1 =	por @!p0 $0x1, $0x1  }
.LBB2_7:
0x163: {  	s25 =	simm.s32 $0x0  }
0x164: {  	v1 =	vld [tilespmem:s25+$0x170]  }
0x165: {  	v2 =	vld [tilespmem:s25+$0x1570]  }
0x166: {  	v3 =	vld [tilespmem:s25+$0x100]  }
0x167: {  	v4 =	vld [tilespmem:s25+$0x2970]  }
0x168: {  	v5 =	vld [tilespmem:s25+$0x1500]  }
0x169: {  	v6 =	vld [tilespmem:s25+$0x110]  }
0x16a: {  	v7 =	vld [tilespmem:s25+$0x1510]  }
0x16b: {  	v8 =	vld [tilespmem:s25+$0x1520]  }
0x16c: {  	v10 =	vld [tilespmem:s25+$0x1530]  }
0x16d: {  	v11 =	vld [tilespmem:s25+$0x140]  }
0x16e: {  	v12 =	vld [tilespmem:s25+$0x150]  }
0x16f: {  	v13 =	vld [tilespmem:s25+$0x1550]  }
0x170: {  	v14 =	vld [tilespmem:s25+$0x160];
	v1 =	vadd.f32 v2, v1  }
0x171: {  	v15 =	vld [tilespmem:s25+$0x1560]  }
0x172: {  	v16 =	vld [tilespmem:s25+$0x2900];
	v1 =	vadd.f32 v4, v1  }
0x173: {  	v2 =	vld [tilespmem:s25+$0x120]  }
0x174: {  	v4 =	vld [tilespmem:s25+$0x130];
	v1 =	vmax.f32 v1, $0.0e+00  }
0x175: {  	[tilespmem:s25+$0x7A70] =	vst v1;
	v1 =	vld [tilespmem:s25+$0x1540]  }
0x176: {  	v17 =	vld [tilespmem:s25+$0x2910]  }
0x177: {  	v18 =	vld [tilespmem:s25+$0x2920]  }
0x178: {  	v9 =	vld [tilespmem:s25+$0x2930];
	v3 =	vadd.f32 v5, v3;
	v19 =	vadd.f32 v7, v6  }
0x179: {  	v20 =	vadd.f32 v8, v2;
	v8 =	vld [tilespmem:s25+$0x2940];
	v5 =	vadd.f32 v10, v4  }
0x17a: {  	v7 =	vld [tilespmem:s25+$0x2950];
	v4 =	vadd.f32 v1, v11;
	v11 =	vadd.f32 v16, v3  }
0x17b: {  	s26 =	simm.s32 $0x80;
	v6 =	vld [tilespmem:s25+$0x2960];
	v10 =	vadd.f32 v17, v19;
	v3 =	vadd.f32 v13, v12  }
0x17c: {  	s28 =	simm.s32 $0x400;
	v2 =	vld [tilespmem:s26+$0x170];
	v1 =	vadd.f32 v15, v14;
	v12 =	vmax.f32 v11, $0.0e+00;
	v11 =	vadd.f32 v18, v20  }
.LBB2_8:
0x17d: {  	p2 =	sne.s32 s28, $0x4E00;
	v13 =	vld [tilespmem:s26+$0x1570];
	[tilespmem:s25+$0x7A00] =	vst v12;
	v10 =	vmax.f32 v10, $0.0e+00;
	v5 =	vadd.f32 v9, v5  }
0x17e: {  	v9 =	vld [tilespmem:s26+$0x100];
	[tilespmem:s25+$0x7A10] =	vst v10;
	v10 =	vmax.f32 v11, $0.0e+00;
	v4 =	vadd.f32 v8, v4  }
0x17f: {  	v8 =	vld [tilespmem:s26+$0x2970];
	[tilespmem:s25+$0x7A20] =	vst v10;
	v5 =	vmax.f32 v5, $0.0e+00;
	v3 =	vadd.f32 v7, v3  }
0x180: {  	v7 =	vld [tilespmem:s26+$0x1500];
	[tilespmem:s25+$0x7A30] =	vst v5;
	v4 =	vmax.f32 v4, $0.0e+00;
	v1 =	vadd.f32 v6, v1  }
0x181: {  	v5 =	vld [tilespmem:s26+$0x110];
	[tilespmem:s25+$0x7A40] =	vst v4;
	v3 =	vmax.f32 v3, $0.0e+00  }
0x182: {  	v4 =	vld [tilespmem:s26+$0x1510];
	v2 =	vadd.f32 v13, v2;
	[tilespmem:s25+$0x7A50] =	vst v3;
	v1 =	vmax.f32 v1, $0.0e+00  }
0x183: {  	v3 =	vld [tilespmem:s26+$0x120];
	[tilespmem:s25+$0x7A60] =	vst v1;
	s25 =	smov.u32 s26  }
0x184: {  	v1 =	vld [tilespmem:s25+$0x1520];
	v2 =	vadd.f32 v8, v2  }
0x185: {  	v6 =	vadd.f32 v7, v9;
	v7 =	vld [tilespmem:s25+$0x130]  }
0x186: {  	v8 =	vld [tilespmem:s25+$0x1530];
	v2 =	vmax.f32 v2, $0.0e+00  }
0x187: {  	v10 =	vadd.f32 v4, v5;
	v4 =	vld [tilespmem:s25+$0x140];
	[tilespmem:s25+$0x7A70] =	vst v2  }
0x188: {  	v2 =	vld [tilespmem:s25+$0x1540]  }
0x189: {  	v11 =	vadd.f32 v1, v3;
	v1 =	vld [tilespmem:s25+$0x150]  }
0x18a: {  	v3 =	vld [tilespmem:s25+$0x1550]  }
0x18b: {  	v5 =	vadd.f32 v8, v7;
	v7 =	vld [tilespmem:s25+$0x160]  }
0x18c: {  	v12 =	vld [tilespmem:s25+$0x1560]  }
0x18d: {  	v13 =	vld [tilespmem:s25+$0x2900];
	v4 =	vadd.f32 v2, v4  }
0x18e: {  	v2 =	vld [tilespmem:s25+$0x2910]  }
0x18f: {  	v14 =	vld [tilespmem:s25+$0x2920];
	v3 =	vadd.f32 v3, v1  }
.Ltmp5:
0x190: {  	v9 =	vld [tilespmem:s25+$0x2930];
	(pc) =	sbr.rel @p2 .LBB2_8-.Ltmp5, $4  }
0x191: {  	v8 =	vld [tilespmem:s25+$0x2940];
	v1 =	vadd.f32 v12, v7  }
0x192: {  	v12 =	vadd.f32 v13, v6;
	v7 =	vld [tilespmem:s25+$0x2950]  }
0x193: {  	s26 =	sshra.s32 s28, $0x2;
	v10 =	vadd.f32 v2, v10;
	v6 =	vld [tilespmem:s25+$0x2960]  }
0x194: {  	s28 =	sadd.s32 $0x200, s28;
	v2 =	vld [tilespmem:s26+$0x170];
	v12 =	vmax.f32 v12, $0.0e+00;
	v11 =	vadd.f32 v14, v11  }
0x195: {  	v13 =	vld [tilespmem:s26+$0x1570];
	[tilespmem:s25+$0x7A00] =	vst v12;
	v10 =	vmax.f32 v10, $0.0e+00;
	v5 =	vadd.f32 v9, v5  }
0x196: {  	v12 =	vld [tilespmem:s26+$0x100];
	[tilespmem:s25+$0x7A10] =	vst v10;
	v9 =	vmax.f32 v11, $0.0e+00;
	v4 =	vadd.f32 v8, v4  }
0x197: {  	v10 =	vld [tilespmem:s26+$0x2970];
	[tilespmem:s25+$0x7A20] =	vst v9;
	v5 =	vmax.f32 v5, $0.0e+00;
	v3 =	vadd.f32 v7, v3  }
0x198: {  	v8 =	vld [tilespmem:s26+$0x1500];
	[tilespmem:s25+$0x7A30] =	vst v5;
	v4 =	vmax.f32 v4, $0.0e+00;
	v1 =	vadd.f32 v6, v1  }
0x199: {  	v5 =	vld [tilespmem:s26+$0x110];
	[tilespmem:s25+$0x7A40] =	vst v4;
	v3 =	vmax.f32 v3, $0.0e+00  }
0x19a: {  	v4 =	vld [tilespmem:s26+$0x1510];
	[tilespmem:s25+$0x7A50] =	vst v3;
	v1 =	vmax.f32 v1, $0.0e+00  }
0x19b: {  	v3 =	vld [tilespmem:s26+$0x120];
	[tilespmem:s25+$0x7A60] =	vst v1  }
0x19c: {  	v1 =	vld [tilespmem:s26+$0x1520]  }
0x19d: {  	v6 =	vld [tilespmem:s26+$0x130]  }
0x19e: {  	v2 =	vadd.f32 v13, v2;
	v7 =	vld [tilespmem:s26+$0x1530]  }
0x19f: {  	v9 =	vld [tilespmem:s26+$0x140]  }
0x1a0: {  	v2 =	vadd.f32 v10, v2;
	v10 =	vld [tilespmem:s26+$0x150]  }
0x1a1: {  	v11 =	vld [tilespmem:s26+$0x1550]  }
0x1a2: {  	v13 =	vld [tilespmem:s26+$0x160]  }
0x1a3: {  	v14 =	vld [tilespmem:s26+$0x1560]  }
0x1a4: {  	v15 =	vld [tilespmem:s26+$0x2900]  }
0x1a5: {  	v16 =	vld [tilespmem:s26+$0x2910]  }
0x1a6: {  	v17 =	vld [tilespmem:s26+$0x2920];
	v2 =	vmax.f32 v2, $0.0e+00  }
0x1a7: {  	[tilespmem:s26+$0x7A70] =	vst v2;
	v2 =	vld [tilespmem:s26+$0x1540]  }
0x1a8: {  	v8 =	vadd.f32 v8, v12;
	v12 =	vld [tilespmem:s26+$0x2930]  }
0x1a9: {  	v4 =	vadd.f32 v4, v5;
	v5 =	vld [tilespmem:s26+$0x2940]  }
0x1aa: {  	v1 =	vadd.f32 v1, v3;
	v3 =	vadd.f32 v15, v8;
	v8 =	vld [tilespmem:s26+$0x2950]  }
0x1ab: {  	v6 =	vadd.f32 v7, v6;
	v4 =	vadd.f32 v16, v4;
	v7 =	vld [tilespmem:s26+$0x2960]  }
0x1ac: {  	v3 =	vmax.f32 v3, $0.0e+00;
	v1 =	vadd.f32 v17, v1;
	v2 =	vadd.f32 v2, v9  }
0x1ad: {  	v9 =	vadd.f32 v11, v10;
	[tilespmem:s26+$0x7A00] =	vst v3;
	v3 =	vmax.f32 v4, $0.0e+00;
	v4 =	vadd.f32 v12, v6  }
0x1ae: {  	v6 =	vadd.f32 v14, v13;
	[tilespmem:s26+$0x7A10] =	vst v3;
	v1 =	vmax.f32 v1, $0.0e+00;
	v2 =	vadd.f32 v5, v2  }
0x1af: {  	[tilespmem:s26+$0x7A20] =	vst v1;
	v1 =	vmax.f32 v4, $0.0e+00;
	v3 =	vadd.f32 v8, v9  }
0x1b0: {  	[tilespmem:s26+$0x7A30] =	vst v1;
	v1 =	vmax.f32 v2, $0.0e+00;
	v2 =	vadd.f32 v7, v6  }
0x1b1: {  	[tilespmem:s26+$0x7A40] =	vst v1;
	v1 =	vmax.f32 v3, $0.0e+00  }
0x1b2: {  	[tilespmem:s26+$0x7A50] =	vst v1;
	v1 =	vmax.f32 v2, $0.0e+00  }
0x1b3: {  	s15 =	simm.s32 $0xA200;
	s25 =	simm.s32 @!p0 $0x7;
	[tilespmem:s26+$0x7A60] =	vst v1  }
0x1b4: {  	[spmem:s17] =	stream.indirect.scatter.add.f32 [tilespmem:s11], [sflag:$0xB], $0x80, s15, s16, $0xb8;
	[tilespmem:$0x1E300] =	vst v63  }
0x1b5: {  	_ =	swait.ge @!p0 [sflag:s25], $0x28  }
0x1b6: {  	[sflag:s25] =	ssyncset.done @!p0 $0x0  }
0x1b7: {  	[sflag:s25] =	ssyncadd.s32 @!p0 $0xFFFFFFD8;
	s25 =	simm.s32 @!p0 $0x9  }
0x1b8: {  	_ =	swait.ge @!p0 [sflag:s25], $0x28  }
0x1b9: {  	[sflag:s25] =	ssyncset.done @!p0 $0x0  }
0x1ba: {  	[sflag:s25] =	ssyncadd.s32 @!p0 $0xFFFFFFD8  }
0x1bb: {  	v1 =	vld @!p0 [tilespmem:$0x0]  }
0x1bc: {  	v2 =	vld @!p0 [tilespmem:$0x10]  }
0x1bd: {  	v3 =	vld @!p0 [tilespmem:$0x18];
	_ =	sdelay $0x2  }
0x1be: {  	[tilespmem:$0xA200] =	vst @!p0 v1  }
0x1bf: {  	[tilespmem:$0xA210] =	vst @!p0 v2  }
0x1c0: {  	s28 =	simm.s32 @!p0 $0x100;
	s26 =	simm.s32 @!p0 $0x0;
	s25 =	simm.s32 @!p0 $0x28;
	[tilespmem:$0xA218] =	vst @!p0 v3  }
0x1c1: {  	[tilespmem:s28], [sflag:$0x1] =	stream.indirect.gather @!p0 [hbm4b:s20+s25], $0x80, s26, s25, $0xb8;
	[tilespmem:$0x1E300] =	vst v63  }
0x1c2: {  	s8 =	sshll.u32 @!p0 s8, $0x4;
	s15 =	simm.s32 @!p0 $0x1500;
	s28 =	simm.s32 @!p0 $0x80  }
0x1c3: {  	[tilespmem:s15], [sflag:$0x2] =	stream.indirect.gather @!p0 [hbm4b:s21+s25], $0x80, s28, s25, $0xb8;
	[tilespmem:$0x1E300] =	vst v63  }
0x1c4: {  	s8 =	sadd.s32 @!p0 s22, s8;
	s15 =	simm.s32 @!p0 $0x2900  }
0x1c5: {  	[tilespmem:s15], [sflag:$0x3] =	stream.linear.gather @!p0 [hbm4b:s8+s26], $0x1400, $0x38;
	[tilespmem:$0x1E300] =	vst v63  }
0x1c6: {  	_ =	swait.ge [sflag:s0], $0x1400  }
0x1c7: {  	[sflag:s0] =	ssyncset.done $0x0  }
0x1c8: {  	[sflag:s0] =	ssyncadd.s32 $0xFFFFEC00  }
0x1c9: {  	s8 =	sadd.s32 $0x3, s10;
	_ =	swait.ge [sflag:s2], $0x1400  }
0x1ca: {  	s10 =	smul.u32 @!p0 $0x28, s8;
	[sflag:s2] =	ssyncset.done $0x0  }
0x1cb: {  	[sflag:s2] =	ssyncadd.s32 $0xFFFFEC00  }
0x1cc: {  	s10 =	sadd.s32 @!p0 s6, s10;
	_ =	swait.ge [sflag:s3], $0x1400  }
0x1cd: {  	s10 =	sshrl.u32 @!p0 s10, $0x3;
	[sflag:s3] =	ssyncset.done $0x0  }
0x1ce: {  	s25 =	simm.s32 @!p0 $0x3D00;
	s15 =	sadd.s32 @!p0 s23, s10;
	[sflag:s3] =	ssyncadd.s32 $0xFFFFEC00  }
0x1cf: {  	[tilespmem:s25], [sflag:$0x8] =	stream.linear.gather @!p0 [hbm4b:s15+s26], $0x28, $0x38;
	[tilespmem:$0x1E300] =	vst v63  }
0x1d0: {  	s10 =	sadd.s32 @!p0 s24, s10;
	s15 =	simm.s32 @!p0 $0x3D80  }
0x1d1: {  	[tilespmem:s15], [sflag:$0xA] =	stream.linear.gather @!p0 [hbm4b:s10+s26], $0x28, $0x38;
	[tilespmem:$0x1E300] =	vst v63  }
0x1d2: {  	s10 =	simm.s32 @!p1 $0xC  }
0x1d3: {  	_ =	swait.ge @!p1 [sflag:s10], $0x1400  }
0x1d4: {  	[sflag:s10] =	ssyncset.done @!p1 $0x0  }
0x1d5: {  	[sflag:s10] =	ssyncadd.s32 @!p1 $0xFFFFEC00;
	s10 =	simm.s32 $0x0  }
0x1d6: {  	v1 =	vld [tilespmem:s10+$0x3E70]  }
0x1d7: {  	v2 =	vld [tilespmem:s10+$0x5270]  }
0x1d8: {  	v3 =	vld [tilespmem:s10+$0x3E00]  }
0x1d9: {  	v4 =	vld [tilespmem:s10+$0x6670]  }
0x1da: {  	v5 =	vld [tilespmem:s10+$0x5200]  }
0x1db: {  	v6 =	vld [tilespmem:s10+$0x3E10]  }
0x1dc: {  	v7 =	vld [tilespmem:s10+$0x5210]  }
0x1dd: {  	v8 =	vld [tilespmem:s10+$0x5220]  }
0x1de: {  	v10 =	vld [tilespmem:s10+$0x5230]  }
0x1df: {  	v11 =	vld [tilespmem:s10+$0x3E40]  }
0x1e0: {  	v12 =	vld [tilespmem:s10+$0x3E50]  }
0x1e1: {  	v13 =	vld [tilespmem:s10+$0x5250]  }
0x1e2: {  	v14 =	vld [tilespmem:s10+$0x3E60];
	v1 =	vadd.f32 v2, v1  }
0x1e3: {  	v15 =	vld [tilespmem:s10+$0x5260]  }
0x1e4: {  	v62 =	vld [tilespmem:s10+$0x6600];
	v1 =	vadd.f32 v4, v1  }
0x1e5: {  	v2 =	vld [tilespmem:s10+$0x3E20]  }
0x1e6: {  	v4 =	vld [tilespmem:s10+$0x3E30];
	v1 =	vmax.f32 v1, $0.0e+00  }
0x1e7: {  	[tilespmem:s10+$0x8E70] =	vst v1;
	v1 =	vld [tilespmem:s10+$0x5240]  }
0x1e8: {  	v63 =	vld [tilespmem:s10+$0x6610]  }
0x1e9: {  	v18 =	vld [tilespmem:s10+$0x6620]  }
0x1ea: {  	v9 =	vld [tilespmem:s10+$0x6630];
	v3 =	vadd.f32 v5, v3;
	v19 =	vadd.f32 v7, v6  }
0x1eb: {  	v20 =	vadd.f32 v8, v2;
	v8 =	vld [tilespmem:s10+$0x6640];
	v5 =	vadd.f32 v10, v4  }
0x1ec: {  	v7 =	vld [tilespmem:s10+$0x6650];
	v4 =	vadd.f32 v1, v11;
	v11 =	vadd.f32 v62, v3  }
0x1ed: {  	s25 =	simm.s32 $0x80;
	v6 =	vld [tilespmem:s10+$0x6660];
	v10 =	vadd.f32 v63, v19;
	v3 =	vadd.f32 v13, v12  }
0x1ee: {  	s26 =	simm.s32 $0x400;
	v2 =	vld [tilespmem:s25+$0x3E70];
	v1 =	vadd.f32 v15, v14;
	v12 =	vmax.f32 v11, $0.0e+00;
	v11 =	vadd.f32 v18, v20  }
.LBB2_10:
0x1ef: {  	p1 =	sne.s32 s26, $0x4E00;
	v13 =	vld [tilespmem:s25+$0x5270];
	[tilespmem:s10+$0x8E00] =	vst v12;
	v10 =	vmax.f32 v10, $0.0e+00;
	v5 =	vadd.f32 v9, v5  }
0x1f0: {  	v9 =	vld [tilespmem:s25+$0x3E00];
	[tilespmem:s10+$0x8E10] =	vst v10;
	v10 =	vmax.f32 v11, $0.0e+00;
	v4 =	vadd.f32 v8, v4  }
0x1f1: {  	v8 =	vld [tilespmem:s25+$0x6670];
	[tilespmem:s10+$0x8E20] =	vst v10;
	v5 =	vmax.f32 v5, $0.0e+00;
	v3 =	vadd.f32 v7, v3  }
0x1f2: {  	v7 =	vld [tilespmem:s25+$0x5200];
	[tilespmem:s10+$0x8E30] =	vst v5;
	v4 =	vmax.f32 v4, $0.0e+00;
	v1 =	vadd.f32 v6, v1  }
0x1f3: {  	v5 =	vld [tilespmem:s25+$0x3E10];
	[tilespmem:s10+$0x8E40] =	vst v4;
	v3 =	vmax.f32 v3, $0.0e+00  }
0x1f4: {  	v4 =	vld [tilespmem:s25+$0x5210];
	v2 =	vadd.f32 v13, v2;
	[tilespmem:s10+$0x8E50] =	vst v3;
	v1 =	vmax.f32 v1, $0.0e+00  }
0x1f5: {  	v3 =	vld [tilespmem:s25+$0x3E20];
	[tilespmem:s10+$0x8E60] =	vst v1;
	s10 =	smov.u32 s25  }
0x1f6: {  	v1 =	vld [tilespmem:s10+$0x5220];
	v2 =	vadd.f32 v8, v2  }
0x1f7: {  	v6 =	vadd.f32 v7, v9;
	v7 =	vld [tilespmem:s10+$0x3E30]  }
0x1f8: {  	v8 =	vld [tilespmem:s10+$0x5230];
	v2 =	vmax.f32 v2, $0.0e+00  }
0x1f9: {  	v10 =	vadd.f32 v4, v5;
	v4 =	vld [tilespmem:s10+$0x3E40];
	[tilespmem:s10+$0x8E70] =	vst v2  }
0x1fa: {  	v2 =	vld [tilespmem:s10+$0x5240]  }
0x1fb: {  	v11 =	vadd.f32 v1, v3;
	v1 =	vld [tilespmem:s10+$0x3E50]  }
0x1fc: {  	v3 =	vld [tilespmem:s10+$0x5250]  }
0x1fd: {  	v5 =	vadd.f32 v8, v7;
	v7 =	vld [tilespmem:s10+$0x3E60]  }
0x1fe: {  	v12 =	vld [tilespmem:s10+$0x5260]  }
0x1ff: {  	v13 =	vld [tilespmem:s10+$0x6600];
	v4 =	vadd.f32 v2, v4  }
0x200: {  	v2 =	vld [tilespmem:s10+$0x6610]  }
0x201: {  	v14 =	vld [tilespmem:s10+$0x6620];
	v3 =	vadd.f32 v3, v1  }
.Ltmp6:
0x202: {  	v9 =	vld [tilespmem:s10+$0x6630];
	(pc) =	sbr.rel @p1 .LBB2_10-.Ltmp6, $4  }
0x203: {  	v8 =	vld [tilespmem:s10+$0x6640];
	v1 =	vadd.f32 v12, v7  }
0x204: {  	v12 =	vadd.f32 v13, v6;
	v7 =	vld [tilespmem:s10+$0x6650]  }
0x205: {  	s25 =	sshra.s32 s26, $0x2;
	v10 =	vadd.f32 v2, v10;
	v6 =	vld [tilespmem:s10+$0x6660]  }
0x206: {  	s26 =	sadd.s32 $0x200, s26;
	v2 =	vld [tilespmem:s25+$0x3E70];
	v12 =	vmax.f32 v12, $0.0e+00;
	v11 =	vadd.f32 v14, v11  }
0x207: {  	v13 =	vld [tilespmem:s25+$0x5270];
	[tilespmem:s10+$0x8E00] =	vst v12;
	v10 =	vmax.f32 v10, $0.0e+00;
	v5 =	vadd.f32 v9, v5  }
0x208: {  	v12 =	vld [tilespmem:s25+$0x3E00];
	[tilespmem:s10+$0x8E10] =	vst v10;
	v50 =	vmax.f32 v11, $0.0e+00;
	v4 =	vadd.f32 v8, v4  }
0x209: {  	v10 =	vld [tilespmem:s25+$0x6670];
	[tilespmem:s10+$0x8E20] =	vst v50;
	v5 =	vmax.f32 v5, $0.0e+00;
	v3 =	vadd.f32 v7, v3  }
0x20a: {  	v51 =	vld [tilespmem:s25+$0x5200];
	[tilespmem:s10+$0x8E30] =	vst v5;
	v4 =	vmax.f32 v4, $0.0e+00;
	v1 =	vadd.f32 v6, v1  }
0x20b: {  	v5 =	vld [tilespmem:s25+$0x3E10];
	[tilespmem:s10+$0x8E40] =	vst v4;
	v3 =	vmax.f32 v3, $0.0e+00  }
0x20c: {  	v4 =	vld [tilespmem:s25+$0x5210];
	[tilespmem:s10+$0x8E50] =	vst v3;
	v1 =	vmax.f32 v1, $0.0e+00  }
0x20d: {  	v3 =	vld [tilespmem:s25+$0x3E20];
	[tilespmem:s10+$0x8E60] =	vst v1  }
0x20e: {  	v1 =	vld [tilespmem:s25+$0x5220]  }
0x20f: {  	v52 =	vld [tilespmem:s25+$0x3E30]  }
0x210: {  	v53 =	vld [tilespmem:s25+$0x5230]  }
0x211: {  	v9 =	vld [tilespmem:s25+$0x3E40]  }
0x212: {  	v54 =	vld [tilespmem:s25+$0x3E50]  }
0x213: {  	v55 =	vld [tilespmem:s25+$0x5250]  }
0x214: {  	v2 =	vadd.f32 v13, v2;
	v56 =	vld [tilespmem:s25+$0x3E60]  }
0x215: {  	v14 =	vld [tilespmem:s25+$0x5260]  }
0x216: {  	v2 =	vadd.f32 v10, v2;
	v15 =	vld [tilespmem:s25+$0x6600]  }
0x217: {  	v16 =	vld [tilespmem:s25+$0x6610]  }
0x218: {  	v17 =	vld [tilespmem:s25+$0x6620];
	v2 =	vmax.f32 v2, $0.0e+00  }
0x219: {  	[tilespmem:s25+$0x8E70] =	vst v2;
	v2 =	vld [tilespmem:s25+$0x5240]  }
0x21a: {  	v57 =	vld [tilespmem:s25+$0x6630];
	v8 =	vadd.f32 v51, v12  }
0x21b: {  	v58 =	vld [tilespmem:s25+$0x6640];
	v4 =	vadd.f32 v4, v5  }
0x21c: {  	v59 =	vld [tilespmem:s25+$0x6650];
	v1 =	vadd.f32 v1, v3;
	v3 =	vadd.f32 v15, v8  }
0x21d: {  	v60 =	vld [tilespmem:s25+$0x6660];
	v6 =	vadd.f32 v53, v52;
	v4 =	vadd.f32 v16, v4  }
0x21e: {  	v1 =	vadd.f32 v17, v1;
	v3 =	vmax.f32 v3, $0.0e+00;
	v2 =	vadd.f32 v2, v9  }
0x21f: {  	v61 =	vadd.f32 v55, v54;
	v62 =	vadd.f32 v57, v6;
	[tilespmem:s25+$0x8E00] =	vst v3;
	v3 =	vmax.f32 v4, $0.0e+00  }
0x220: {  	v63 =	vadd.f32 v14, v56;
	[tilespmem:s25+$0x8E10] =	vst v3;
	v1 =	vmax.f32 v1, $0.0e+00;
	v2 =	vadd.f32 v58, v2  }
0x221: {  	v3 =	vadd.f32 v59, v61;
	[tilespmem:s25+$0x8E20] =	vst v1;
	v1 =	vmax.f32 v62, $0.0e+00  }
.Ltmp7:
0x222: {  	[tilespmem:s25+$0x8E30] =	vst v1;
	v1 =	vmax.f32 v2, $0.0e+00;
	v2 =	vadd.f32 v60, v63;
	(pc) =	sbr.rel @p0 .LBB2_13-.Ltmp7, $4  }
0x223: {  	[tilespmem:s25+$0x8E40] =	vst v1;
	v1 =	vmax.f32 v3, $0.0e+00  }
0x224: {  	[tilespmem:s25+$0x8E50] =	vst v1;
	v1 =	vmax.f32 v2, $0.0e+00  }
0x225: {  	[tilespmem:s25+$0x8E60] =	vst v1  }
0x226: {  	[spmem:s17] =	stream.indirect.scatter.add.f32 [tilespmem:s5], [sflag:$0xC], $0x80, s4, s16, $0xb8;
	[tilespmem:$0x1E300] =	vst v63  }
0x227: {  	_ =	swait.ge [sflag:s13], $0x28  }
0x228: {  	[sflag:s13] =	ssyncset.done $0x0  }
0x229: {  	[sflag:s13] =	ssyncadd.s32 $0xFFFFFFD8  }
0x22a: {  	_ =	swait.ge [sflag:s14], $0x28  }
0x22b: {  	[sflag:s14] =	ssyncset.done $0x0  }
0x22c: {  	[sflag:s14] =	ssyncadd.s32 $0xFFFFFFD8  }
0x22d: {  	v1 =	vld [tilespmem:$0x3D00]  }
0x22e: {  	v2 =	vld [tilespmem:$0x3D10]  }
0x22f: {  	v3 =	vld [tilespmem:$0x3D18];
	_ =	sdelay $0x2  }
0x230: {  	[tilespmem:$0xA280] =	vst v1  }
0x231: {  	[tilespmem:$0xA290] =	vst v2  }
0x232: {  	s10 =	simm.s32 $0x3E00;
	s8 =	smul.u32 $0x28, s8;
	[tilespmem:$0xA298] =	vst v3  }
0x233: {  	[tilespmem:s10], [sflag:$0x4] =	stream.indirect.gather [hbm4b:s20+s16], $0x80, s18, s16, $0xb8;
	[tilespmem:$0x1E300] =	vst v63  }
.Ltmp8:
0x234: {  	s8 =	sadd.s32 s6, s8;
	(pc) =	sbr.rel .LBB2_4-.Ltmp8, $4  }
0x235: {  	s26 =	simm.s32 $0x5200;
	s8 =	sshll.u32 s8, $0x4  }
0x236: {  	[tilespmem:s26], [sflag:$0x5] =	stream.indirect.gather [hbm4b:s21+s16], $0x80, s19, s16, $0xb8;
	[tilespmem:$0x1E300] =	vst v63  }
0x237: {  	s28 =	simm.s32 $0x6600;
	s9 =	sadd.s32 $0x1, s9;
	s8 =	sadd.s32 s22, s8  }
0x238: {  	[tilespmem:s28], [sflag:$0x6] =	stream.linear.gather [hbm4b:s8+s1], $0x1400, $0x38;
	[tilespmem:$0x1E300] =	vst v63  }
.LBB2_14:
0x239: {  	_ =	sfence.sel $0x180000  }
0x23a: {  	[bflag:$0x0] =	sbarrier.arrive $0xFFFF  }
0x23b: {  	_ =	strace $0x90000047  }
0x23c: {  	s0 =	stileid.u32;
	[bflag:$0x2] =	sbarrier.arrive $0xFFFF  }
0x23d: {  	p0 =	sne.s32 s0, $0x0;
	s0 =	rddreg [dreg:$0x2]  }
0x23e: {  	s0 =	sadd.s32 @!p0 $0x100000, s0  }
0x23f: {  	[sflag:s0] =	ssyncadd.tile.s32 @!p0 $0x1;
	_ =	shalt  }
.Lfunc_end2:
_tile_overlayer_lowered:
.L_overlay_start_2:
0x240: {  	(tag) =	ssettag $0x2  }
0x241: {  	s0 =	rddreg [dreg:$0x0];
	s2 =	stileid.u32  }
0x242: {  	s1 =	rddreg [dreg:$0x1];
	p0 =	sne.s32 s2, $0x0  }
0x243: {  	s3 =	rddreg [dreg:$0x2];
	[bflag:$0x3] =	sbarrier.arrive $0xFFFF;
	s2 =	simm.s32 @!p0 $0x1C0D  }
0x244: {  	[timem:s3], [sflag:s2] =	dma.local @!p0 [hbm:s0], s1  }
0x245: {  	s0 =	simm.s32 @!p0 $0xD  }
0x246: {  	_ =	swait.ge @!p0 [sflag:s0], s1  }
0x247: {  	s1 =	ssub.s32 @!p0 $0x0, s1;
	[sflag:s0] =	ssyncset.done @!p0 $0x0  }
0x248: {  	[sflag:s0] =	ssyncadd.s32 @!p0 s1  }
0x249: {  	[bflag:$0x3] =	sbarrier.arrive $0xFFFF  }
0x24a: {  	_ =	shalt  }

// kernel: kernel.16.cloned.1.call-start
scs
__scs_entry_jumppad:
0x0: {  	(pc) =	sbr.rel $0x88, $3  }
0x1: {  	(tag) =	ssettag $0x0;
	lr =	simm.s32 $0x1  }
0x2: {  	[smem:$0x3F96] =	sst lr;
	_ =	strace $0xD0000000  }
0x3: {  	_ = 	snop  }
0x4: {  	_ = 	snop  }
0x5: {  	_ = 	snop  }
0x6: {  	_ = 	snop  }
0x7: {  	_ = 	snop  }
__scs_overlays_trampoline_lowered:
0x8: {  	[smem:$0x3FA5] =	sst s0  }
0x9: {  	[smem:$0x3FA6] =	sst s1  }
0xa: {  	[smem:$0x3FA7] =	sst s2  }
0xb: {  	[smem:$0x3FA8] =	sst s3  }
0xc: {  	[smem:$0x3FA9] =	sst s4  }
0xd: {  	[smem:$0x3FAA] =	sst s5  }
0xe: {  	[smem:$0x3FAB] =	sst s6  }
0xf: {  	[smem:$0x3FAC] =	sst s7  }
0x10: {  	[smem:$0x3FAD] =	sst s8  }
0x11: {  	[smem:$0x3FAE] =	sst s9;
	s0 =	simm.s32 @!p0 $0x0  }
0x12: {  	s1 =	sld [smem:$0x3F94];
	s0 =	simm.s32 @p0 $0x1  }
0x13: {  	[smem:$0x3FAF] =	sst s0;
	s0 =	simm.s32 @!p1 $0x0  }
0x14: {  	s2 =	sld [smem:$0x3F93];
	s0 =	simm.s32 @p1 $0x1  }
0x15: {  	[smem:$0x3FB0] =	sst s0;
	s0 =	simm.s32 @!p2 $0x0  }
0x16: {  	s3 =	sld [smem:$0x3FDB];
	s0 =	simm.s32 @p2 $0x1  }
0x17: {  	s4 =	simm.s32 $0x1BF5;
	[smem:$0x3FB2] =	sst s0  }
0x18: {  	s0 =	sld [smem:$0x3F95];
	_ =	swait.ge [sflag:s4], $0x0  }
0x19: {  	s7 =	sld [smem:$0x3F96]  }
0x1a: {  	s8 =	sadd.s32 $0xFFFFE003, lr  }
0x1b: {  	s9 =	sadd.s32 $0xFFFFFEF7, lr;
	s5 =	simm.s32 $0xFFFFFFFF;
	p2 =	slt.u32 s8, $0xFFFFF086  }
0x1c: {  	p1 =	slt.u32 s9, $0xF7A;
	s5 =	simm.s32 @!p2 $0x0  }
0x1d: {  	s5 =	simm.s32 @p1 $0x1;
	p0 =	seq.s32 s7, s2  }
0x1e: {  	s7 =	smul.u32 @!p0 $0xF7A, s2;
	p2 =	seq.s32 @!p0 s5, $0x0  }
0x1f: {  	s9 =	smul.u32 $0xF7A, s1;
	s8 =	simm.s32 @!p0 $0x1BF5;
	p2 =	por !p2, p0  }
0x20: {  	[sflag:s8] =	ssyncset.s32 @!p0 $0xFFFFF086;
	s6 =	sadd.s32 @!p0 s3, s7;
	s7 =	simm.s32 @!p0 $0x108  }
0x21: {  	s3 =	sadd.s32 s3, s9;
	s6 =	sadd.s32 @!p0 $0x88, s6;
	s7 =	simm.s32 @p2 $0x1082  }
0x22: {  	[simem:s7], [sflag:s8] =	dma.local @!p0 [hbm:s6], $0xF7A  }
0x23: {  	s9 =	sor.u32 $0xD0000000, s2;
	s6 =	simm.s32 $0x108;
	_ =	swait.ge @!p0 [sflag:s8], $0x0  }
0x24: {  	s3 =	sadd.s32 $0x88, s3;
	s6 =	simm.s32 @!p1 $0x1082;
	[sflag:s4] =	ssyncset.s32 $0xFFFFF086  }
0x25: {  	[simem:s6], [sflag:s4] =	dma.local [hbm:s3], $0xF7A  }
0x26: {  	[smem:$0x3F96] =	sst s1;
	(tag) =	ssettag s2;
	_ =	strace s9  }
0x27: {  	s1 =	sld [smem:$0x3FA6]  }
0x28: {  	s2 =	sld [smem:$0x3FA7]  }
0x29: {  	s4 =	sld [smem:$0x3FA9]  }
0x2a: {  	p0 =	seq.s32 s5, $0x0;
	s5 =	sld [smem:$0x3FAA]  }
0x2b: {  	s6 =	sld [smem:$0x3FAB]  }
0x2c: {  	s7 =	sld [smem:$0x3FAC]  }
0x2d: {  	s3 =	simm.s32 $0x108;
	s8 =	sld [smem:$0x3FAD]  }
0x2e: {  	s3 =	simm.s32 @!p0 $0x1082;
	s9 =	sld [smem:$0x3FAE]  }
0x2f: {  	lr =	sadd.s32 s0, s3;
	s0 =	sld [smem:$0x3FA5]  }
0x30: {  	s3 =	sld [smem:$0x3FA8]  }
0x31: {  	[smem:$0x3FB1] =	sst s10  }
0x32: {  	s10 =	sld [smem:$0x3FAF];
	_ =	sdelay $0x3  }
0x33: {  	p0 =	seq.s32 s10, $0x1;
	s10 =	sld [smem:$0x3FB1];
	_ =	sdelay $0x3  }
0x34: {  	[smem:$0x3FB1] =	sst s10  }
0x35: {  	s10 =	sld [smem:$0x3FB0];
	_ =	sdelay $0x3  }
0x36: {  	p1 =	seq.s32 s10, $0x1;
	s10 =	sld [smem:$0x3FB1];
	_ =	sdelay $0x3  }
0x37: {  	[smem:$0x3FB1] =	sst s10  }
0x38: {  	s10 =	sld [smem:$0x3FB2]  }
0x39: {  	_ = 	snop;
	(pc) =	sbr.ind lr, $3  }
0x3a: {  	_ = 	snop  }
0x3b: {  	_ = 	snop  }
0x3c: {  	p2 =	seq.s32 s10, $0x1;
	s10 =	sld [smem:$0x3FB1]  }
0x3d: {  	_ =	shalt  }
0x3e: {  	_ =	shalt  }
0x3f: {  	_ =	shalt  }
0x40: {  	_ =	shalt  }
0x41: {  	_ =	shalt  }
0x42: {  	_ =	shalt  }
0x43: {  	_ =	shalt  }
0x44: {  	_ =	shalt  }
0x45: {  	_ =	shalt  }
0x46: {  	_ =	shalt  }
0x47: {  	_ =	shalt  }
0x48: {  	_ =	shalt  }
0x49: {  	_ =	shalt  }
0x4a: {  	_ =	shalt  }
0x4b: {  	_ =	shalt  }
0x4c: {  	_ =	shalt  }
0x4d: {  	_ =	shalt  }
0x4e: {  	_ =	shalt  }
0x4f: {  	_ =	shalt  }
0x50: {  	_ =	shalt  }
0x51: {  	_ =	shalt  }
0x52: {  	_ =	shalt  }
0x53: {  	_ =	shalt  }
0x54: {  	_ =	shalt  }
0x55: {  	_ =	shalt  }
0x56: {  	_ =	shalt  }
0x57: {  	_ =	shalt  }
0x58: {  	_ =	shalt  }
0x59: {  	_ =	shalt  }
0x5a: {  	_ =	shalt  }
0x5b: {  	_ =	shalt  }
0x5c: {  	_ =	shalt  }
0x5d: {  	_ =	shalt  }
0x5e: {  	_ =	shalt  }
0x5f: {  	_ =	shalt  }
0x60: {  	_ =	shalt  }
0x61: {  	_ =	shalt  }
0x62: {  	_ =	shalt  }
0x63: {  	_ =	shalt  }
0x64: {  	_ =	shalt  }
0x65: {  	_ =	shalt  }
0x66: {  	_ =	shalt  }
0x67: {  	_ =	shalt  }
0x68: {  	_ =	shalt  }
0x69: {  	_ =	shalt  }
0x6a: {  	_ =	shalt  }
0x6b: {  	_ =	shalt  }
0x6c: {  	_ =	shalt  }
0x6d: {  	_ =	shalt  }
0x6e: {  	_ =	shalt  }
0x6f: {  	_ =	shalt  }
0x70: {  	_ =	shalt  }
0x71: {  	_ =	shalt  }
0x72: {  	_ =	shalt  }
0x73: {  	_ =	shalt  }
0x74: {  	_ =	shalt  }
0x75: {  	_ =	shalt  }
0x76: {  	_ =	shalt  }
0x77: {  	_ =	shalt  }
0x78: {  	_ =	shalt  }
0x79: {  	_ =	shalt  }
0x7a: {  	_ =	shalt  }
0x7b: {  	_ =	shalt  }
0x7c: {  	_ =	shalt  }
0x7d: {  	_ =	shalt  }
0x7e: {  	_ =	shalt  }
0x7f: {  	_ =	shalt  }
0x80: {  	_ =	shalt  }
0x81: {  	_ =	shalt  }
0x82: {  	_ =	shalt  }
0x83: {  	_ =	shalt  }
0x84: {  	_ =	shalt  }
0x85: {  	_ =	shalt  }
0x86: {  	_ =	shalt  }
0x87: {  	_ =	shalt  }
.Lfunc_end0:
.L_simem_size_0:
called_computation.2_lowered:
.L_overlay_start_0:
0x88: {  	s2 =	sld [smem:$0x3FD9]  }
0x89: {  	s3 =	sld [smem:$0x3FFE];
	_ =	sdelay $0x1  }
0x8a: {  	s1 =	srdreg.scid  }
0x8b: {  	s0 =	sand.u32 $0x1, s1  }
0x8c: {  	s16 =	sshll.u32 s0, $0xA;
	s2 =	sadd.s32 s3, s2  }
0x8d: {  	s2 =	sadd.s32 s2, s16  }
0x8e: {  	[smem:$0x3FBD] =	sst s2  }
0x8f: {  	_ = 	snop  }
0x90: {  	(tm) =	ssettm $0x1  }
0x91: {  	s17 =	sld [smem:$0x3FFB];
	_ =	sdelay $0x3  }
0x92: {  	_ =	strace s17  }
0x93: {  	s2 =	sld [smem:$0x3FFC];
	_ =	sdelay $0x3  }
0x94: {  	_ =	strace s2  }
0x95: {  	s2 =	sld [smem:$0x3FFD];
	_ =	sdelay $0x3  }
0x96: {  	_ =	strace s2  }
0x97: {  	_ =	strace $0x8FFFFFFF  }
0x98: {  	s18 =	sld [smem:$0x3FDB];
	_ =	sdelay $0x1  }
0x99: {  	s19 =	simm.s32 $_scs_section_size  }
0x9a: {  	s4 =	simm.s32 $_size__tile_overlayer_lowered;
	s5 =	simm.s32 $_tile_overlayer_lowered  }
0x9b: {  	s22 =	simm.s32 $0x1BFF;
	s21 =	sshll.u32 s5, $0x1;
	s2 =	sadd.s32 s19, s18  }
0x9c: {  	s6 =	simm.s32 $0x0;
	s20 =	sshll.u32 s4, $0x1;
	s4 =	sadd.s32 s21, s2  }
0x9d: {  	[timem:s6], [sflag:s22] =	dma.local [hbm:s4], s20  }
0x9e: {  	_ =	swait.ge [sflag:s22], s20  }
0x9f: {  	s3 =	ssub.s32 $0x0, s20;
	[sflag:s22] =	ssyncset.done $0x0  }
0xa0: {  	[sflag:s22] =	ssyncadd.s32 s3;
	_ =	sdelay $0x1  }
0xa1: {  	s23 =	simm.s32 $0x1B8B  }
0xa2: {  	_ =	swait.ge [sflag:s23], $0x1  }
0xa3: {  	[sflag:s23] =	ssyncset.done $0x0  }
0xa4: {  	s25 =	simm.s32 $0x1B8E;
	s24 =	sld [smem:$0x3FFE];
	[sflag:s23] =	ssyncadd.s32 $0xFFFFFFFF  }
0xa5: {  	s26 =	simm.s32 $execute0_lowered;
	[smem:$0x3FD2] =	sst s25  }
0xa6: {  	s4 =	sshll.u32 s26, $0x1;
	_ =	strace $0x8000004C;
	[dreg:$0x1] =	wrdreg $0xFFFFFFFF  }
0xa7: {  	s28 =	simm.s32 $_size_execute0_lowered;
	s2 =	sadd.s32 s2, s4;
	[dreg:$0x0] =	wrdreg $0x0  }
0xa8: {  	s4 =	sshll.u32 s28, $0x1;
	[dreg:$0x2] =	wrdreg s2  }
0xa9: {  	[dreg:$0x3] =	wrdreg s4  }
0xaa: {  	[dreg:$0x4] =	wrdreg $0xC0  }
0xab: {  	_ =	task [dreg:s6], $0x5FFFF  }
0xac: {  	[dreg:$0x1] =	wrdreg $0xFFFFFFFF  }
0xad: {  	[dreg:$0x0] =	wrdreg $0x60  }
0xae: {  	[dreg:$0x2] =	wrdreg s24  }
0xaf: {  	[dreg:$0x3] =	wrdreg $0xA3000  }
0xb0: {  	[dreg:$0x4] =	wrdreg $0x9  }
0xb1: {  	_ =	task.clear_ibuf [dreg:s6], $0x5FFFF;
	_ =	strace $0x9000004C  }
0xb2: {  	s29 =	simm.s32 $0x9;
	_ =	strace $0x8000004E  }
0xb3: {  	_ =	swait.ge [sflag:s29], $0x1  }
0xb4: {  	[sflag:s29] =	ssyncadd.s32 $0xFFFFFFFF  }
0xb5: {  	_ =	strace $0x9000004E  }
0xb6: {  	_ =	sfence  }
0xb7: {  	s30 =	sld [smem:$0x0];
	_ =	sdelay $0x2  }
0xb8: {  	s31 =	sshll.u32 s1, $0xD;
	s1 =	sshrl.u32 s1, $0x2  }
0xb9: {  	s3 =	sand.u32 $0x4000, s31;
	s1 =	sadd.s32 s1, s30  }
0xba: {  	s0 =	sor.u32 s3, s0;
	s1 =	sshll.u32 s1, $0x11  }
0xbb: {  	s0 =	sor.u32 s1, s0  }
0xbc: {  	s0 =	sadd.s32 $0x8F2B, s0  }
0xbd: {  	[sflag:s0] =	ssyncadd.remote.s32 $0x1  }
0xbe: {  	_ =	sfence.sel $0xFFFF  }
0xbf: {  	[dreg:$0x0] =	wrdreg $0xFFFFFFFF;
	(pc) =	sbr.abs _section_cstart, $3  }
0xc0: {  	[dreg:$0x1] =	wrdreg $0xFFFFFFFF  }
0xc1: {  	_ =	task.clear_ibuf [dreg:s6], $0x2FFFF;
	_ =	strace $0x9FFFFFFF  }
0xc2: {  	(tm) =	ssettm $0x7FFFFFFF  }
0xc3: {  	_ =	shalt  }
tec
execute0_lowered:
.L_overlay_start_1:
0x0: {  	(tag) =	ssettag $0x1  }
0x1: {  	s0 =	srdreg.scid  }
0x2: {  	s9 =	rddreg [dreg:$0x0];
	s26 =	stileid.u32;
	s1 =	simm.s32 $0x0  }
0x3: {  	s29 =	simm.s32 $0x1;
	s30 =	simm.s32 $0x2;
	s31 =	simm.s32 $0x3  }
0x4: {  	s19 =	sand.u32 $0x1, s0;
	s4 =	smul.u32 $0x280, s26;
	[smem:$0x7FF] =	sst s1  }
0x5: {  	s20 =	sadd.s32 $0x91C00, s9;
	s0 =	ssub.s32 $0x2, s19;
	s17 =	smul.u32 $0x2800, s19  }
0x6: {  	s19 =	sshll.u32 s19, $0x4;
	s2 =	sshrl.u32 s0, $0x1;
	s16 =	sor.u32 $0x28, s4  }
0x7: {  	s18 =	sor.u32 $0x50, s4;
	s15 =	sor.u32 $0x78, s4;
	s13 =	sadd.s32 $0xA0, s4  }
0x8: {  	s14 =	sadd.s32 $0xC8, s4;
	s12 =	sadd.s32 $0xF0, s4;
	s10 =	sadd.s32 $0x118, s4  }
0x9: {  	s11 =	sadd.s32 $0x140, s4;
	s5 =	sadd.s32 $0x168, s4;
	s6 =	sadd.s32 $0x190, s4  }
0xa: {  	s7 =	sadd.s32 $0x1B8, s4;
	s3 =	sadd.s32 $0x208, s4;
	s8 =	sadd.s32 $0x230, s4  }
0xb: {  	s0 =	ssub.s32 s0, s2;
	s2 =	sadd.s32 $0x1E0, s4;
	s21 =	sadd.s32 s4, s17  }
0xc: {  	s22 =	sadd.s32 s17, s16;
	s4 =	sadd.s32 $0x258, s4;
	s25 =	sadd.s32 s17, s18  }
0xd: {  	s28 =	sadd.s32 s17, s15;
	s23 =	sadd.s32 s17, s13;
	s16 =	sshll.u32 s16, $0x7  }
0xe: {  	s18 =	sshll.u32 s18, $0x7;
	s15 =	sshll.u32 s15, $0x7;
	s13 =	sshll.u32 s13, $0x7  }
0xf: {  	s21 =	sshll.u32 s21, $0x4;
	s22 =	sshll.u32 s22, $0x4;
	s23 =	sshll.u32 s23, $0x4  }
0x10: {  	s0 =	smax.u32 s0, $0x1;
	s21 =	sadd.s32 s20, s21;
	s24 =	sadd.s32 s20, s22  }
0x11: {  	s22 =	sshll.u32 s28, $0x4;
	s23 =	sadd.s32 s20, s23;
	[dreg:$0x3] =	wrdreg s21  }
0x12: {  	s28 =	sadd.s32 s17, s10;
	s10 =	sshll.u32 s10, $0x7;
	[dreg:$0x4] =	wrdreg s24  }
0x13: {  	s21 =	sshll.u32 s25, $0x4;
	s22 =	sadd.s32 s20, s22;
	[dreg:$0x7] =	wrdreg s23  }
0x14: {  	s24 =	sadd.s32 s17, s14;
	s25 =	sadd.s32 s17, s12;
	s23 =	sshll.u32 s28, $0x4  }
0x15: {  	s28 =	sadd.s32 s17, s6;
	s14 =	sshll.u32 s14, $0x7;
	s12 =	sshll.u32 s12, $0x7  }
0x16: {  	s21 =	sadd.s32 s20, s21;
	[dreg:$0x6] =	wrdreg s22;
	s22 =	sshll.u32 s25, $0x4  }
0x17: {  	s23 =	sadd.s32 s20, s23;
	s25 =	sadd.s32 s17, s5;
	s5 =	sshll.u32 s5, $0x7  }
0x18: {  	[dreg:$0x5] =	wrdreg s21;
	s21 =	sshll.u32 s24, $0x4;
	s22 =	sadd.s32 s20, s22  }
0x19: {  	[dreg:$0xa] =	wrdreg s23;
	s24 =	sadd.s32 s17, s11;
	s23 =	sshll.u32 s28, $0x4  }
0x1a: {  	s28 =	sadd.s32 s17, s3;
	s11 =	sshll.u32 s11, $0x7;
	s3 =	sshll.u32 s3, $0x7  }
0x1b: {  	s21 =	sadd.s32 s20, s21;
	[dreg:$0x9] =	wrdreg s22;
	s22 =	sshll.u32 s25, $0x4  }
0x1c: {  	s23 =	sadd.s32 s20, s23;
	s25 =	sadd.s32 s17, s2;
	s2 =	sshll.u32 s2, $0x7  }
0x1d: {  	[dreg:$0x8] =	wrdreg s21;
	s21 =	sshll.u32 s24, $0x4;
	s22 =	sadd.s32 s20, s22  }
0x1e: {  	[dreg:$0xd] =	wrdreg s23;
	s24 =	sadd.s32 s17, s7;
	s23 =	sshll.u32 s28, $0x4  }
0x1f: {  	s21 =	sadd.s32 s20, s21;
	[dreg:$0xc] =	wrdreg s22;
	s22 =	sshll.u32 s25, $0x4  }
0x20: {  	s23 =	sadd.s32 s20, s23;
	s25 =	sadd.s32 s17, s4;
	[dreg:$0xb] =	wrdreg s21  }
0x21: {  	s21 =	sshll.u32 s24, $0x4;
	s22 =	sadd.s32 s20, s22;
	[dreg:$0x10] =	wrdreg s23  }
0x22: {  	s24 =	sadd.s32 s17, s8;
	s17 =	rddreg [dreg:$0x1];
	s21 =	sadd.s32 s20, s21  }
0x23: {  	s23 =	sadd.s32 $0x37E00, s9;
	[dreg:$0xe] =	wrdreg s21;
	s21 =	sshll.u32 s24, $0x4  }
0x24: {  	[dreg:$0xf] =	wrdreg s22;
	s22 =	sshll.u32 s25, $0x4;
	s21 =	sadd.s32 s20, s21  }
0x25: {  	s8 =	sshll.u32 s8, $0x7;
	s20 =	sadd.s32 s20, s22;
	[dreg:$0x11] =	wrdreg s21  }
0x26: {  	s25 =	smul.u32 $0x50000, s26;
	s28 =	sadd.s32 s18, s17;
	[dreg:$0x12] =	wrdreg s20  }
0x27: {  	s15 =	sadd.s32 s15, s17;
	_ =	strace $0x8000004D;
	[dreg:$0x15] =	wrdreg s28  }
0x28: {  	s13 =	sadd.s32 s13, s17;
	s18 =	sadd.s32 s14, s17;
	[dreg:$0x16] =	wrdreg s15  }
0x29: {  	s12 =	sadd.s32 s12, s17;
	s10 =	sadd.s32 s10, s17;
	[dreg:$0x17] =	wrdreg s13  }
0x2a: {  	s11 =	sadd.s32 s11, s17;
	s5 =	sadd.s32 s5, s17;
	[dreg:$0x18] =	wrdreg s18  }
0x2b: {  	s2 =	sadd.s32 s2, s17;
	s24 =	sadd.s32 $0x2E000, s9;
	[dreg:$0x19] =	wrdreg s12  }
0x2c: {  	s22 =	sadd.s32 $0x5FA600, s9;
	s20 =	sadd.s32 $0x41C00, s9;
	[dreg:$0x1b] =	wrdreg s11  }
0x2d: {  	s21 =	sadd.s32 $0x69C00, s9;
	s9 =	sor.u32 s26, s19;
	[dreg:$0x1c] =	wrdreg s5  }
0x2e: {  	s26 =	sshrl.u32 s25, $0x2;
	s19 =	sshll.u32 s6, $0x7;
	[dreg:$0x1f] =	wrdreg s2  }
0x2f: {  	s25 =	sadd.s32 s26, s17;
	s26 =	sadd.s32 s16, s17;
	[smem:$0x7FD] =	sst s0  }
0x30: {  	s28 =	sshll.u32 s7, $0x7;
	s5 =	sadd.s32 s19, s17;
	[dreg:$0x1a] =	wrdreg s10  }
0x31: {  	s6 =	smul.u32 $0x2710, s9;
	s11 =	sadd.s32 s3, s17;
	[dreg:$0x1d] =	wrdreg s5  }
0x32: {  	s12 =	sadd.s32 s8, s17;
	s13 =	sshll.u32 s4, $0x7;
	[smem:$0x7F4] =	sst s11  }
0x33: {  	s14 =	smul.u32 $0x27100, s9;
	s0 =	simm.s32 $0x4;
	[smem:$0x7F5] =	sst s12  }
0x34: {  	s9 =	simm.s32 $0x0;
	s7 =	sadd.s32 s28, s17;
	[dreg:$0x13] =	wrdreg s25  }
0x35: {  	s2 =	sadd.s32 s13, s17;
	s11 =	simm.s32 $0x7A00;
	[dreg:$0x14] =	wrdreg s26  }
0x36: {  	s12 =	simm.s32 $0xD;
	s13 =	simm.s32 $0x8;
	[dreg:$0x1e] =	wrdreg s7  }
0x37: {  	s5 =	simm.s32 $0x8E00;
	s15 =	sshrl.u32 s6, $0x3;
	[smem:$0x7F6] =	sst s2  }
0x38: {  	s18 =	sadd.s32 $0x28, s6;
	s3 =	sadd.s32 s22, s14;
	s14 =	simm.s32 $0xA  }
0x39: {  	s7 =	simm.s32 $0xB;
	s16 =	sadd.s32 s23, s15;
	s4 =	sadd.s32 s24, s15  }
0x3a: {  	[smem:$0x7F9] =	sst s3;
	s19 =	sshrl.u32 s18, $0x3;
	s2 =	sshll.u32 s18, $0x4  }
.Ltmp0:
0x3b: {  	s18 =	simm.s32 $0x3D00;
	[smem:$0x7F7] =	sst s16;
	(pc) =	sbr.rel .LBB2_1-.Ltmp0, $4  }
0x3c: {  	[smem:$0x7F8] =	sst s4;
	s28 =	sadd.s32 s23, s19;
	s3 =	sadd.s32 s24, s19  }
0x3d: {  	s2 =	sadd.s32 s22, s2;
	s16 =	simm.s32 $0x28;
	[smem:$0x7FA] =	sst s28  }
0x3e: {  	s19 =	simm.s32 $0x3D80;
	s4 =	simm.s32 $0xA280;
	[smem:$0x7FB] =	sst s3  }
0x3f: {  	v0 =	vimm.f32 $0.0e+00;
	[smem:$0x7FC] =	sst s2;
	s2 =	simm.s32 $0x5;
	s3 =	simm.s32 $0x6  }
.LBB2_13:
0x40: {  	_ =	swait.ge [sflag:s7], $0x1400  }
0x41: {  	[sflag:s7] =	ssyncset.done $0x0  }
0x42: {  	s8 =	simm.s32 $0xC;
	[sflag:s7] =	ssyncadd.s32 $0xFFFFEC00  }
0x43: {  	_ =	swait.ge [sflag:s8], $0x1400  }
0x44: {  	[sflag:s8] =	ssyncset.done $0x0  }
0x45: {  	[sflag:s8] =	ssyncadd.s32 $0xFFFFEC00  }
0x46: {  	[bflag:$0x0] =	sbarrier.arrive $0xFFFF  }
0x47: {  	s25 =	rddreg [dreg:$0x13]  }
0x48: {  	[tilespmem:s11], [sflag:$0xD] =	stream.linear.gather [spmem:s25], $0x1400, $0x38;
	[tilespmem:$0x1E300] =	vst v63  }
0x49: {  	_ =	swait.ge [sflag:s12], $0x1400  }
0x4a: {  	[sflag:s12] =	ssyncset.done $0x0  }
0x4b: {  	s9 =	rddreg [dreg:$0x3];
	[sflag:s12] =	ssyncadd.s32 $0xFFFFEC00  }
0x4c: {  	[hbm4b:s9+s1] =	stream.linear.scatter [tilespmem:s11], [sflag:$0xD], $0x1400, $0x38;
	[tilespmem:$0x1E300] =	vst v63  }
0x4d: {  	_ =	swait.ge [sflag:s12], $0x1400  }
0x4e: {  	[sflag:s12] =	ssyncset.done $0x0  }
0x4f: {  	s26 =	rddreg [dreg:$0x14];
	[sflag:s12] =	ssyncadd.s32 $0xFFFFEC00  }
0x50: {  	[tilespmem:s11], [sflag:$0xD] =	stream.linear.gather [spmem:s26], $0x1400, $0x38;
	[tilespmem:$0x1E300] =	vst v63  }
0x51: {  	_ =	swait.ge [sflag:s12], $0x1400  }
0x52: {  	[sflag:s12] =	ssyncset.done $0x0  }
0x53: {  	s10 =	rddreg [dreg:$0x4];
	[sflag:s12] =	ssyncadd.s32 $0xFFFFEC00  }
0x54: {  	[hbm4b:s10+s1] =	stream.linear.scatter [tilespmem:s11], [sflag:$0xD], $0x1400, $0x38;
	[tilespmem:$0x1E300] =	vst v63  }
0x55: {  	_ =	swait.ge [sflag:s12], $0x1400  }
0x56: {  	[sflag:s12] =	ssyncset.done $0x0  }
0x57: {  	s15 =	rddreg [dreg:$0x15];
	[sflag:s12] =	ssyncadd.s32 $0xFFFFEC00  }
0x58: {  	[tilespmem:s11], [sflag:$0xD] =	stream.linear.gather [spmem:s15], $0x1400, $0x38;
	[tilespmem:$0x1E300] =	vst v63  }
0x59: {  	_ =	swait.ge [sflag:s12], $0x1400  }
0x5a: {  	[sflag:s12] =	ssyncset.done $0x0  }
0x5b: {  	s28 =	rddreg [dreg:$0x5];
	[sflag:s12] =	ssyncadd.s32 $0xFFFFEC00  }
0x5c: {  	[hbm4b:s28+s1] =	stream.linear.scatter [tilespmem:s11], [sflag:$0xD], $0x1400, $0x38;
	[tilespmem:$0x1E300] =	vst v63  }
0x5d: {  	_ =	swait.ge [sflag:s12], $0x1400  }
0x5e: {  	[sflag:s12] =	ssyncset.done $0x0  }
0x5f: {  	s9 =	rddreg [dreg:$0x16];
	[sflag:s12] =	ssyncadd.s32 $0xFFFFEC00  }
0x60: {  	[tilespmem:s11], [sflag:$0xD] =	stream.linear.gather [spmem:s9], $0x1400, $0x38;
	[tilespmem:$0x1E300] =	vst v63  }
0x61: {  	_ =	swait.ge [sflag:s12], $0x1400  }
0x62: {  	[sflag:s12] =	ssyncset.done $0x0  }
0x63: {  	s10 =	rddreg [dreg:$0x6];
	[sflag:s12] =	ssyncadd.s32 $0xFFFFEC00  }
0x64: {  	[hbm4b:s10+s1] =	stream.linear.scatter [tilespmem:s11], [sflag:$0xD], $0x1400, $0x38;
	[tilespmem:$0x1E300] =	vst v63  }
0x65: {  	_ =	swait.ge [sflag:s12], $0x1400  }
0x66: {  	[sflag:s12] =	ssyncset.done $0x0  }
0x67: {  	s15 =	rddreg [dreg:$0x17];
	[sflag:s12] =	ssyncadd.s32 $0xFFFFEC00  }
0x68: {  	[tilespmem:s11], [sflag:$0xD] =	stream.linear.gather [spmem:s15], $0x1400, $0x38;
	[tilespmem:$0x1E300] =	vst v63  }
0x69: {  	_ =	swait.ge [sflag:s12], $0x1400  }
0x6a: {  	[sflag:s12] =	ssyncset.done $0x0  }
0x6b: {  	s28 =	rddreg [dreg:$0x7];
	[sflag:s12] =	ssyncadd.s32 $0xFFFFEC00  }
0x6c: {  	[hbm4b:s28+s1] =	stream.linear.scatter [tilespmem:s11], [sflag:$0xD], $0x1400, $0x38;
	[tilespmem:$0x1E300] =	vst v63  }
0x6d: {  	_ =	swait.ge [sflag:s12], $0x1400  }
0x6e: {  	[sflag:s12] =	ssyncset.done $0x0  }
0x6f: {  	s9 =	rddreg [dreg:$0x18];
	[sflag:s12] =	ssyncadd.s32 $0xFFFFEC00  }
0x70: {  	[tilespmem:s11], [sflag:$0xD] =	stream.linear.gather [spmem:s9], $0x1400, $0x38;
	[tilespmem:$0x1E300] =	vst v63  }
0x71: {  	_ =	swait.ge [sflag:s12], $0x1400  }
0x72: {  	[sflag:s12] =	ssyncset.done $0x0  }
0x73: {  	s10 =	rddreg [dreg:$0x8];
	[sflag:s12] =	ssyncadd.s32 $0xFFFFEC00  }
0x74: {  	[hbm4b:s10+s1] =	stream.linear.scatter [tilespmem:s11], [sflag:$0xD], $0x1400, $0x38;
	[tilespmem:$0x1E300] =	vst v63  }
0x75: {  	_ =	swait.ge [sflag:s12], $0x1400  }
0x76: {  	[sflag:s12] =	ssyncset.done $0x0  }
0x77: {  	s15 =	rddreg [dreg:$0x19];
	[sflag:s12] =	ssyncadd.s32 $0xFFFFEC00  }
0x78: {  	[tilespmem:s11], [sflag:$0xD] =	stream.linear.gather [spmem:s15], $0x1400, $0x38;
	[tilespmem:$0x1E300] =	vst v63  }
0x79: {  	_ =	swait.ge [sflag:s12], $0x1400  }
0x7a: {  	[sflag:s12] =	ssyncset.done $0x0  }
0x7b: {  	s28 =	rddreg [dreg:$0x9];
	[sflag:s12] =	ssyncadd.s32 $0xFFFFEC00  }
0x7c: {  	[hbm4b:s28+s1] =	stream.linear.scatter [tilespmem:s11], [sflag:$0xD], $0x1400, $0x38;
	[tilespmem:$0x1E300] =	vst v63  }
0x7d: {  	_ =	swait.ge [sflag:s12], $0x1400  }
0x7e: {  	[sflag:s12] =	ssyncset.done $0x0  }
0x7f: {  	s10 =	rddreg [dreg:$0x1a];
	[sflag:s12] =	ssyncadd.s32 $0xFFFFEC00  }
0x80: {  	[tilespmem:s11], [sflag:$0xD] =	stream.linear.gather [spmem:s10], $0x1400, $0x38;
	[tilespmem:$0x1E300] =	vst v63  }
0x81: {  	_ =	swait.ge [sflag:s12], $0x1400  }
0x82: {  	[sflag:s12] =	ssyncset.done $0x0  }
0x83: {  	s9 =	rddreg [dreg:$0xa];
	[sflag:s12] =	ssyncadd.s32 $0xFFFFEC00  }
0x84: {  	[hbm4b:s9+s1] =	stream.linear.scatter [tilespmem:s11], [sflag:$0xD], $0x1400, $0x38;
	[tilespmem:$0x1E300] =	vst v63  }
0x85: {  	_ =	swait.ge [sflag:s12], $0x1400  }
0x86: {  	[sflag:s12] =	ssyncset.done $0x0  }
0x87: {  	s15 =	rddreg [dreg:$0x1b];
	[sflag:s12] =	ssyncadd.s32 $0xFFFFEC00  }
0x88: {  	[tilespmem:s11], [sflag:$0xD] =	stream.linear.gather [spmem:s15], $0x1400, $0x38;
	[tilespmem:$0x1E300] =	vst v63  }
0x89: {  	_ =	swait.ge [sflag:s12], $0x1400  }
0x8a: {  	[sflag:s12] =	ssyncset.done $0x0  }
0x8b: {  	s28 =	rddreg [dreg:$0xb];
	[sflag:s12] =	ssyncadd.s32 $0xFFFFEC00  }
0x8c: {  	[hbm4b:s28+s1] =	stream.linear.scatter [tilespmem:s11], [sflag:$0xD], $0x1400, $0x38;
	[tilespmem:$0x1E300] =	vst v63  }
0x8d: {  	_ =	swait.ge [sflag:s12], $0x1400  }
0x8e: {  	[sflag:s12] =	ssyncset.done $0x0  }
0x8f: {  	s9 =	rddreg [dreg:$0x1c];
	[sflag:s12] =	ssyncadd.s32 $0xFFFFEC00  }
0x90: {  	[tilespmem:s11], [sflag:$0xD] =	stream.linear.gather [spmem:s9], $0x1400, $0x38;
	[tilespmem:$0x1E300] =	vst v63  }
0x91: {  	_ =	swait.ge [sflag:s12], $0x1400  }
0x92: {  	[sflag:s12] =	ssyncset.done $0x0  }
0x93: {  	s15 =	rddreg [dreg:$0xc];
	[sflag:s12] =	ssyncadd.s32 $0xFFFFEC00  }
0x94: {  	[hbm4b:s15+s1] =	stream.linear.scatter [tilespmem:s11], [sflag:$0xD], $0x1400, $0x38;
	[tilespmem:$0x1E300] =	vst v63  }
0x95: {  	_ =	swait.ge [sflag:s12], $0x1400  }
0x96: {  	[sflag:s12] =	ssyncset.done $0x0  }
0x97: {  	s28 =	rddreg [dreg:$0x1d];
	[sflag:s12] =	ssyncadd.s32 $0xFFFFEC00  }
0x98: {  	[tilespmem:s11], [sflag:$0xD] =	stream.linear.gather [spmem:s28], $0x1400, $0x38;
	[tilespmem:$0x1E300] =	vst v63  }
0x99: {  	_ =	swait.ge [sflag:s12], $0x1400  }
0x9a: {  	[sflag:s12] =	ssyncset.done $0x0  }
0x9b: {  	s9 =	rddreg [dreg:$0xd];
	[sflag:s12] =	ssyncadd.s32 $0xFFFFEC00  }
0x9c: {  	[hbm4b:s9+s1] =	stream.linear.scatter [tilespmem:s11], [sflag:$0xD], $0x1400, $0x38;
	[tilespmem:$0x1E300] =	vst v63  }
0x9d: {  	_ =	swait.ge [sflag:s12], $0x1400  }
0x9e: {  	[sflag:s12] =	ssyncset.done $0x0  }
0x9f: {  	s15 =	rddreg [dreg:$0x1e];
	[sflag:s12] =	ssyncadd.s32 $0xFFFFEC00  }
0xa0: {  	[tilespmem:s11], [sflag:$0xD] =	stream.linear.gather [spmem:s15], $0x1400, $0x38;
	[tilespmem:$0x1E300] =	vst v63  }
0xa1: {  	_ =	swait.ge [sflag:s12], $0x1400  }
0xa2: {  	[sflag:s12] =	ssyncset.done $0x0  }
0xa3: {  	s28 =	rddreg [dreg:$0xe];
	[sflag:s12] =	ssyncadd.s32 $0xFFFFEC00  }
0xa4: {  	[hbm4b:s28+s1] =	stream.linear.scatter [tilespmem:s11], [sflag:$0xD], $0x1400, $0x38;
	[tilespmem:$0x1E300] =	vst v63  }
0xa5: {  	_ =	swait.ge [sflag:s12], $0x1400  }
0xa6: {  	[sflag:s12] =	ssyncset.done $0x0  }
0xa7: {  	s9 =	rddreg [dreg:$0x1f];
	[sflag:s12] =	ssyncadd.s32 $0xFFFFEC00  }
0xa8: {  	[tilespmem:s11], [sflag:$0xD] =	stream.linear.gather [spmem:s9], $0x1400, $0x38;
	[tilespmem:$0x1E300] =	vst v63  }
0xa9: {  	_ =	swait.ge [sflag:s12], $0x1400  }
0xaa: {  	[sflag:s12] =	ssyncset.done $0x0  }
0xab: {  	s15 =	rddreg [dreg:$0xf];
	[sflag:s12] =	ssyncadd.s32 $0xFFFFEC00  }
0xac: {  	[hbm4b:s15+s1] =	stream.linear.scatter [tilespmem:s11], [sflag:$0xD], $0x1400, $0x38;
	[tilespmem:$0x1E300] =	vst v63  }
0xad: {  	_ =	swait.ge [sflag:s12], $0x1400  }
0xae: {  	s28 =	sld [smem:$0x7F4]  }
0xaf: {  	[sflag:s12] =	ssyncset.done $0x0  }
0xb0: {  	[sflag:s12] =	ssyncadd.s32 $0xFFFFEC00  }
0xb1: {  	[tilespmem:s11], [sflag:$0xD] =	stream.linear.gather [spmem:s28], $0x1400, $0x38;
	[tilespmem:$0x1E300] =	vst v63  }
0xb2: {  	_ =	swait.ge [sflag:s12], $0x1400  }
0xb3: {  	[sflag:s12] =	ssyncset.done $0x0  }
0xb4: {  	s9 =	rddreg [dreg:$0x10];
	[sflag:s12] =	ssyncadd.s32 $0xFFFFEC00  }
0xb5: {  	[hbm4b:s9+s1] =	stream.linear.scatter [tilespmem:s11], [sflag:$0xD], $0x1400, $0x38;
	[tilespmem:$0x1E300] =	vst v63  }
0xb6: {  	_ =	swait.ge [sflag:s12], $0x1400  }
0xb7: {  	s15 =	sld [smem:$0x7F5]  }
0xb8: {  	[sflag:s12] =	ssyncset.done $0x0  }
0xb9: {  	[sflag:s12] =	ssyncadd.s32 $0xFFFFEC00  }
0xba: {  	[tilespmem:s11], [sflag:$0xD] =	stream.linear.gather [spmem:s15], $0x1400, $0x38;
	[tilespmem:$0x1E300] =	vst v63  }
0xbb: {  	_ =	swait.ge [sflag:s12], $0x1400  }
0xbc: {  	[sflag:s12] =	ssyncset.done $0x0  }
0xbd: {  	s28 =	rddreg [dreg:$0x11];
	[sflag:s12] =	ssyncadd.s32 $0xFFFFEC00  }
0xbe: {  	[hbm4b:s28+s1] =	stream.linear.scatter [tilespmem:s11], [sflag:$0xD], $0x1400, $0x38;
	[tilespmem:$0x1E300] =	vst v63  }
0xbf: {  	_ =	swait.ge [sflag:s12], $0x1400  }
0xc0: {  	s9 =	sld [smem:$0x7F6]  }
0xc1: {  	[sflag:s12] =	ssyncset.done $0x0  }
0xc2: {  	[sflag:s12] =	ssyncadd.s32 $0xFFFFEC00  }
0xc3: {  	[tilespmem:s11], [sflag:$0xD] =	stream.linear.gather [spmem:s9], $0x1400, $0x38;
	[tilespmem:$0x1E300] =	vst v63  }
0xc4: {  	_ =	swait.ge [sflag:s12], $0x1400  }
0xc5: {  	[sflag:s12] =	ssyncset.done $0x0  }
0xc6: {  	s15 =	rddreg [dreg:$0x12];
	[sflag:s12] =	ssyncadd.s32 $0xFFFFEC00  }
0xc7: {  	[hbm4b:s15+s1] =	stream.linear.scatter [tilespmem:s11], [sflag:$0xD], $0x1400, $0x38;
	[tilespmem:$0x1E300] =	vst v63  }
0xc8: {  	_ =	swait.ge [sflag:s12], $0x1400  }
0xc9: {  	s9 =	sld [smem:$0x7F3]  }
0xca: {  	s28 =	sld [smem:$0x7FD];
	_ =	sdelay $0x1  }
0xcb: {  	s9 =	sadd.s32 $0x1, s9  }
0xcc: {  	p0 =	sne.s32 s9, s28  }
.Ltmp1:
0xcd: {  	_ = 	snop;
	(pc) =	sbr.rel @!p0 .LBB2_14-.Ltmp1, $3  }
0xce: {  	_ =	sdelay $0x1  }
0xcf: {  	[sflag:s12] =	ssyncset.done $0x0  }
0xd0: {  	[sflag:s12] =	ssyncadd.s32 $0xFFFFEC00  }
.LBB2_1:
0xd1: {  	[smem:$0x7F3] =	sst s9;
	s8 =	simm.s32 $0x0;
	s9 =	simm.s32 $0x200  }
.LBB2_2:
0xd2: {  	p0 =	sne.s32 s9, $0x4E00;
	[tilespmem:s8+$0x7A70] =	vst v0  }
0xd3: {  	[tilespmem:s8+$0x7A00] =	vst v0  }
0xd4: {  	[tilespmem:s8+$0x7A10] =	vst v0  }
.Ltmp2:
0xd5: {  	[tilespmem:s8+$0x7A20] =	vst v0;
	(pc) =	sbr.rel @p0 .LBB2_2-.Ltmp2, $4  }
0xd6: {  	[tilespmem:s8+$0x7A30] =	vst v0  }
0xd7: {  	[tilespmem:s8+$0x7A40] =	vst v0  }
0xd8: {  	[tilespmem:s8+$0x7A50] =	vst v0  }
0xd9: {  	[tilespmem:s8+$0x7A60] =	vst v0;
	s8 =	sshra.s32 s9, $0x2;
	s9 =	sadd.s32 $0x200, s9  }
0xda: {  	[tilespmem:s8+$0x7A70] =	vst v0  }
0xdb: {  	[tilespmem:s8+$0x7A00] =	vst v0  }
0xdc: {  	[tilespmem:s8+$0x7A10] =	vst v0  }
0xdd: {  	[tilespmem:s8+$0x7A20] =	vst v0  }
0xde: {  	[tilespmem:s8+$0x7A30] =	vst v0  }
0xdf: {  	[tilespmem:s8+$0x7A40] =	vst v0  }
0xe0: {  	[tilespmem:s8+$0x7A50] =	vst v0  }
0xe1: {  	[tilespmem:s8+$0x7A60] =	vst v0  }
0xe2: {  	[spmem:s25] =	stream.linear.scatter [tilespmem:s11], [sflag:$0xD], $0x1400, $0x38;
	[tilespmem:$0x1E300] =	vst v63  }
0xe3: {  	_ =	swait.ge [sflag:s12], $0x1400  }
0xe4: {  	[sflag:s12] =	ssyncset.done $0x0  }
0xe5: {  	[sflag:s12] =	ssyncadd.s32 $0xFFFFEC00  }
0xe6: {  	[spmem:s26] =	stream.linear.scatter [tilespmem:s11], [sflag:$0xD], $0x1400, $0x38;
	[tilespmem:$0x1E300] =	vst v63  }
0xe7: {  	_ =	swait.ge [sflag:s12], $0x1400  }
0xe8: {  	[sflag:s12] =	ssyncset.done $0x0  }
0xe9: {  	s28 =	rddreg [dreg:$0x15];
	[sflag:s12] =	ssyncadd.s32 $0xFFFFEC00  }
0xea: {  	[spmem:s28] =	stream.linear.scatter [tilespmem:s11], [sflag:$0xD], $0x1400, $0x38;
	[tilespmem:$0x1E300] =	vst v63  }
0xeb: {  	_ =	swait.ge [sflag:s12], $0x1400  }
0xec: {  	[sflag:s12] =	ssyncset.done $0x0  }
0xed: {  	s9 =	rddreg [dreg:$0x16];
	[sflag:s12] =	ssyncadd.s32 $0xFFFFEC00  }
0xee: {  	[spmem:s9] =	stream.linear.scatter [tilespmem:s11], [sflag:$0xD], $0x1400, $0x38;
	[tilespmem:$0x1E300] =	vst v63  }
0xef: {  	_ =	swait.ge [sflag:s12], $0x1400  }
0xf0: {  	[sflag:s12] =	ssyncset.done $0x0  }
0xf1: {  	s15 =	rddreg [dreg:$0x17];
	[sflag:s12] =	ssyncadd.s32 $0xFFFFEC00  }
0xf2: {  	[spmem:s15] =	stream.linear.scatter [tilespmem:s11], [sflag:$0xD], $0x1400, $0x38;
	[tilespmem:$0x1E300] =	vst v63  }
0xf3: {  	_ =	swait.ge [sflag:s12], $0x1400  }
0xf4: {  	[sflag:s12] =	ssyncset.done $0x0  }
0xf5: {  	s25 =	rddreg [dreg:$0x18];
	[sflag:s12] =	ssyncadd.s32 $0xFFFFEC00  }
0xf6: {  	[spmem:s25] =	stream.linear.scatter [tilespmem:s11], [sflag:$0xD], $0x1400, $0x38;
	[tilespmem:$0x1E300] =	vst v63  }
0xf7: {  	_ =	swait.ge [sflag:s12], $0x1400  }
0xf8: {  	[sflag:s12] =	ssyncset.done $0x0  }
0xf9: {  	s26 =	rddreg [dreg:$0x19];
	[sflag:s12] =	ssyncadd.s32 $0xFFFFEC00  }
0xfa: {  	[spmem:s26] =	stream.linear.scatter [tilespmem:s11], [sflag:$0xD], $0x1400, $0x38;
	[tilespmem:$0x1E300] =	vst v63  }
0xfb: {  	_ =	swait.ge [sflag:s12], $0x1400  }
0xfc: {  	[sflag:s12] =	ssyncset.done $0x0  }
0xfd: {  	[sflag:s12] =	ssyncadd.s32 $0xFFFFEC00  }
0xfe: {  	[spmem:s10] =	stream.linear.scatter [tilespmem:s11], [sflag:$0xD], $0x1400, $0x38;
	[tilespmem:$0x1E300] =	vst v63  }
0xff: {  	_ =	swait.ge [sflag:s12], $0x1400  }
0x100: {  	[sflag:s12] =	ssyncset.done $0x0  }
0x101: {  	s28 =	rddreg [dreg:$0x1b];
	[sflag:s12] =	ssyncadd.s32 $0xFFFFEC00  }
0x102: {  	[spmem:s28] =	stream.linear.scatter [tilespmem:s11], [sflag:$0xD], $0x1400, $0x38;
	[tilespmem:$0x1E300] =	vst v63  }
0x103: {  	_ =	swait.ge [sflag:s12], $0x1400  }
0x104: {  	[sflag:s12] =	ssyncset.done $0x0  }
0x105: {  	s9 =	rddreg [dreg:$0x1c];
	[sflag:s12] =	ssyncadd.s32 $0xFFFFEC00  }
0x106: {  	[spmem:s9] =	stream.linear.scatter [tilespmem:s11], [sflag:$0xD], $0x1400, $0x38;
	[tilespmem:$0x1E300] =	vst v63  }
0x107: {  	_ =	swait.ge [sflag:s12], $0x1400  }
0x108: {  	[sflag:s12] =	ssyncset.done $0x0  }
0x109: {  	s10 =	rddreg [dreg:$0x1d];
	[sflag:s12] =	ssyncadd.s32 $0xFFFFEC00  }
0x10a: {  	[spmem:s10] =	stream.linear.scatter [tilespmem:s11], [sflag:$0xD], $0x1400, $0x38;
	[tilespmem:$0x1E300] =	vst v63  }
0x10b: {  	_ =	swait.ge [sflag:s12], $0x1400  }
0x10c: {  	[sflag:s12] =	ssyncset.done $0x0  }
0x10d: {  	s15 =	rddreg [dreg:$0x1e];
	[sflag:s12] =	ssyncadd.s32 $0xFFFFEC00  }
0x10e: {  	[spmem:s15] =	stream.linear.scatter [tilespmem:s11], [sflag:$0xD], $0x1400, $0x38;
	[tilespmem:$0x1E300] =	vst v63  }
0x10f: {  	_ =	swait.ge [sflag:s12], $0x1400  }
0x110: {  	[sflag:s12] =	ssyncset.done $0x0  }
0x111: {  	s25 =	rddreg [dreg:$0x1f];
	[sflag:s12] =	ssyncadd.s32 $0xFFFFEC00  }
0x112: {  	[spmem:s25] =	stream.linear.scatter [tilespmem:s11], [sflag:$0xD], $0x1400, $0x38;
	[tilespmem:$0x1E300] =	vst v63  }
0x113: {  	_ =	swait.ge [sflag:s12], $0x1400  }
0x114: {  	s26 =	sld [smem:$0x7F4]  }
0x115: {  	[sflag:s12] =	ssyncset.done $0x0  }
0x116: {  	[sflag:s12] =	ssyncadd.s32 $0xFFFFEC00  }
0x117: {  	[spmem:s26] =	stream.linear.scatter [tilespmem:s11], [sflag:$0xD], $0x1400, $0x38;
	[tilespmem:$0x1E300] =	vst v63  }
0x118: {  	_ =	swait.ge [sflag:s12], $0x1400  }
0x119: {  	s28 =	sld [smem:$0x7F5]  }
0x11a: {  	[sflag:s12] =	ssyncset.done $0x0  }
0x11b: {  	[sflag:s12] =	ssyncadd.s32 $0xFFFFEC00  }
0x11c: {  	[spmem:s28] =	stream.linear.scatter [tilespmem:s11], [sflag:$0xD], $0x1400, $0x38;
	[tilespmem:$0x1E300] =	vst v63  }
0x11d: {  	_ =	swait.ge [sflag:s12], $0x1400  }
0x11e: {  	s9 =	sld [smem:$0x7F6]  }
0x11f: {  	[sflag:s12] =	ssyncset.done $0x0  }
0x120: {  	[sflag:s12] =	ssyncadd.s32 $0xFFFFEC00  }
0x121: {  	[spmem:s9] =	stream.linear.scatter [tilespmem:s11], [sflag:$0xD], $0x1400, $0x38;
	[tilespmem:$0x1E300] =	vst v63  }
0x122: {  	_ =	swait.ge [sflag:s12], $0x1400  }
0x123: {  	[sflag:s12] =	ssyncset.done $0x0  }
0x124: {  	[sflag:s12] =	ssyncadd.s32 $0xFFFFEC00  }
0x125: {  	[bflag:$0x0] =	sbarrier.arrive $0xFFFF  }
0x126: {  	s10 =	sld [smem:$0x7F7];
	_ =	sdelay $0x1  }
0x127: {  	s9 =	simm.s32 $0x0;
	s15 =	sld [smem:$0x7F8]  }
0x128: {  	[tilespmem:s9], [sflag:$0x7] =	stream.linear.gather [hbm4b:s10+s9], $0x28, $0x38;
	[tilespmem:$0x1E300] =	vst v63  }
0x129: {  	s25 =	simm.s32 $0x7;
	s10 =	simm.s32 $0x80  }
0x12a: {  	[tilespmem:s10], [sflag:$0x9] =	stream.linear.gather [hbm4b:s15+s9], $0x28, $0x38;
	[tilespmem:$0x1E300] =	vst v63  }
0x12b: {  	_ =	swait.ge [sflag:s25], $0x28  }
0x12c: {  	[sflag:s25] =	ssyncset.done $0x0  }
0x12d: {  	s26 =	simm.s32 $0x9;
	[sflag:s25] =	ssyncadd.s32 $0xFFFFFFD8  }
0x12e: {  	_ =	swait.ge [sflag:s26], $0x28  }
0x12f: {  	[sflag:s26] =	ssyncset.done $0x0  }
0x130: {  	[sflag:s26] =	ssyncadd.s32 $0xFFFFFFD8  }
0x131: {  	v1 =	vld [tilespmem:$0x0]  }
0x132: {  	v2 =	vld [tilespmem:$0x10]  }
0x133: {  	v3 =	vld [tilespmem:$0x18];
	_ =	sdelay $0x2  }
0x134: {  	[tilespmem:$0xA200] =	vst v1  }
0x135: {  	[tilespmem:$0xA210] =	vst v2  }
0x136: {  	s28 =	simm.s32 $0x100;
	[tilespmem:$0xA218] =	vst v3  }
0x137: {  	[tilespmem:s28], [sflag:$0x1] =	stream.indirect.gather [hbm4b:s20+s16], $0x80, s9, s16, $0xb8;
	[tilespmem:$0x1E300] =	vst v63  }
0x138: {  	s15 =	simm.s32 $0x1500;
	s25 =	sld [smem:$0x7F9]  }
0x139: {  	[tilespmem:s15], [sflag:$0x2] =	stream.indirect.gather [hbm4b:s21+s16], $0x80, s10, s16, $0xb8;
	[tilespmem:$0x1E300] =	vst v63  }
0x13a: {  	s26 =	simm.s32 $0x2900;
	s28 =	sld [smem:$0x7FA]  }
0x13b: {  	[tilespmem:s26], [sflag:$0x3] =	stream.linear.gather [hbm4b:s25+s9], $0x1400, $0x38;
	[tilespmem:$0x1E300] =	vst v63  }
0x13c: {  	s10 =	sld [smem:$0x7FB]  }
0x13d: {  	[tilespmem:s18], [sflag:$0x8] =	stream.linear.gather [hbm4b:s28+s9], $0x28, $0x38;
	[tilespmem:$0x1E300] =	vst v63  }
0x13e: {  	_ = 	snop  }
0x13f: {  	[tilespmem:s19], [sflag:$0xA] =	stream.linear.gather [hbm4b:s10+s9], $0x28, $0x38;
	[tilespmem:$0x1E300] =	vst v63  }
0x140: {  	_ =	swait.ge [sflag:s13], $0x28  }
0x141: {  	[sflag:s13] =	ssyncset.done $0x0  }
0x142: {  	[sflag:s13] =	ssyncadd.s32 $0xFFFFFFD8  }
0x143: {  	_ =	swait.ge [sflag:s14], $0x28  }
0x144: {  	[sflag:s14] =	ssyncset.done $0x0  }
0x145: {  	[sflag:s14] =	ssyncadd.s32 $0xFFFFFFD8  }
0x146: {  	v1 =	vld [tilespmem:$0x3D00]  }
0x147: {  	v2 =	vld [tilespmem:$0x3D10]  }
0x148: {  	v3 =	vld [tilespmem:$0x3D18];
	_ =	sdelay $0x2  }
0x149: {  	[tilespmem:$0xA280] =	vst v1  }
0x14a: {  	[tilespmem:$0xA290] =	vst v2  }
0x14b: {  	s15 =	simm.s32 $0x3E00;
	[tilespmem:$0xA298] =	vst v3  }
0x14c: {  	[tilespmem:s15], [sflag:$0x4] =	stream.indirect.gather [hbm4b:s20+s16], $0x80, s18, s16, $0xb8;
	[tilespmem:$0x1E300] =	vst v63  }
0x14d: {  	s25 =	simm.s32 $0x5200;
	s26 =	sld [smem:$0x7FC]  }
0x14e: {  	[tilespmem:s25], [sflag:$0x5] =	stream.indirect.gather [hbm4b:s21+s16], $0x80, s19, s16, $0xb8;
	[tilespmem:$0x1E300] =	vst v63  }
0x14f: {  	s28 =	simm.s32 $0x6600  }
0x150: {  	[tilespmem:s28], [sflag:$0x6] =	stream.linear.gather [hbm4b:s26+s9], $0x1400, $0x38;
	[tilespmem:$0x1E300] =	vst v63  }
.LBB2_4:
0x151: {  	_ =	swait.ge [sflag:s29], $0x1400  }
0x152: {  	[sflag:s29] =	ssyncset.done $0x0  }
0x153: {  	s10 =	sshll.u32 s9, $0x1;
	[sflag:s29] =	ssyncadd.s32 $0xFFFFEC00  }
0x154: {  	p0 =	seq.s32 s9, $0x7C;
	s8 =	sadd.s32 $0x2, s10;
	_ =	swait.ge [sflag:s30], $0x1400  }
0x155: {  	s8 =	smul.u32 @!p0 $0x28, s8;
	[sflag:s30] =	ssyncset.done $0x0  }
0x156: {  	p1 =	seq.s32 @!p0 s9, $0x0;
	[sflag:s30] =	ssyncadd.s32 $0xFFFFEC00  }
0x157: {  	p1 =	por p0, !p1;
	s8 =	sadd.s32 @!p0 s6, s8;
	_ =	swait.ge [sflag:s31], $0x1400  }
.Ltmp3:
0x158: {  	s25 =	sshrl.u32 @!p0 s8, $0x3;
	[sflag:s31] =	ssyncset.done $0x0;
	(pc) =	sbr.rel @!p1 .LBB2_5-.Ltmp3, $4  }
0x159: {  	s28 =	simm.s32 @!p0 $0x0;
	s26 =	sadd.s32 @!p0 s23, s25;
	[sflag:s31] =	ssyncadd.s32 $0xFFFFEC00  }
0x15a: {  	[tilespmem:s28], [sflag:$0x7] =	stream.linear.gather @!p0 [hbm4b:s26+s28], $0x28, $0x38;
	[tilespmem:$0x1E300] =	vst v63  }
0x15b: {  	s25 =	sadd.s32 @!p0 s24, s25;
	s26 =	simm.s32 @!p0 $0x80  }
0x15c: {  	[tilespmem:s26], [sflag:$0x9] =	stream.linear.gather @!p0 [hbm4b:s25+s28], $0x28, $0x38;
	[tilespmem:$0x1E300] =	vst v63  }
.Ltmp4:
0x15d: {  	(pc) =	sbr.rel .LBB2_7-.Ltmp4, $4  }
0x15e: {  	_ = 	snop  }
0x15f: {  	_ =	swait.ge [sflag:s7], $0x1400  }
0x160: {  	[sflag:s7] =	ssyncset.done $0x0  }
0x161: {  	p1 =	por $0x0, $0x0;
	[sflag:s7] =	ssyncadd.s32 $0xFFFFEC00  }
.LBB2_5:
0x162: {  	p1 =	por @!p0 $0x1, $0x1  }
.LBB2_7:
0x163: {  	s25 =	simm.s32 $0x0  }
0x164: {  	v1 =	vld [tilespmem:s25+$0x170]  }
0x165: {  	v2 =	vld [tilespmem:s25+$0x1570]  }
0x166: {  	v3 =	vld [tilespmem:s25+$0x100]  }
0x167: {  	v4 =	vld [tilespmem:s25+$0x2970]  }
0x168: {  	v5 =	vld [tilespmem:s25+$0x1500]  }
0x169: {  	v6 =	vld [tilespmem:s25+$0x110]  }
0x16a: {  	v7 =	vld [tilespmem:s25+$0x1510]  }
0x16b: {  	v8 =	vld [tilespmem:s25+$0x1520]  }
0x16c: {  	v10 =	vld [tilespmem:s25+$0x1530]  }
0x16d: {  	v11 =	vld [tilespmem:s25+$0x140]  }
0x16e: {  	v12 =	vld [tilespmem:s25+$0x150]  }
0x16f: {  	v13 =	vld [tilespmem:s25+$0x1550]  }
0x170: {  	v14 =	vld [tilespmem:s25+$0x160];
	v1 =	vadd.f32 v2, v1  }
0x171: {  	v15 =	vld [tilespmem:s25+$0x1560]  }
0x172: {  	v16 =	vld [tilespmem:s25+$0x2900];
	v1 =	vadd.f32 v4, v1  }
0x173: {  	v2 =	vld [tilespmem:s25+$0x120]  }
0x174: {  	v4 =	vld [tilespmem:s25+$0x130];
	v1 =	vmax.f32 v1, $0.0e+00  }
0x175: {  	[tilespmem:s25+$0x7A70] =	vst v1;
	v1 =	vld [tilespmem:s25+$0x1540]  }
0x176: {  	v17 =	vld [tilespmem:s25+$0x2910]  }
0x177: {  	v18 =	vld [tilespmem:s25+$0x2920]  }
0x178: {  	v9 =	vld [tilespmem:s25+$0x2930];
	v3 =	vadd.f32 v5, v3;
	v19 =	vadd.f32 v7, v6  }
0x179: {  	v20 =	vadd.f32 v8, v2;
	v8 =	vld [tilespmem:s25+$0x2940];
	v5 =	vadd.f32 v10, v4  }
0x17a: {  	v7 =	vld [tilespmem:s25+$0x2950];
	v4 =	vadd.f32 v1, v11;
	v11 =	vadd.f32 v16, v3  }
0x17b: {  	s26 =	simm.s32 $0x80;
	v6 =	vld [tilespmem:s25+$0x2960];
	v10 =	vadd.f32 v17, v19;
	v3 =	vadd.f32 v13, v12  }
0x17c: {  	s28 =	simm.s32 $0x400;
	v2 =	vld [tilespmem:s26+$0x170];
	v1 =	vadd.f32 v15, v14;
	v12 =	vmax.f32 v11, $0.0e+00;
	v11 =	vadd.f32 v18, v20  }
.LBB2_8:
0x17d: {  	p2 =	sne.s32 s28, $0x4E00;
	v13 =	vld [tilespmem:s26+$0x1570];
	[tilespmem:s25+$0x7A00] =	vst v12;
	v10 =	vmax.f32 v10, $0.0e+00;
	v5 =	vadd.f32 v9, v5  }
0x17e: {  	v9 =	vld [tilespmem:s26+$0x100];
	[tilespmem:s25+$0x7A10] =	vst v10;
	v10 =	vmax.f32 v11, $0.0e+00;
	v4 =	vadd.f32 v8, v4  }
0x17f: {  	v8 =	vld [tilespmem:s26+$0x2970];
	[tilespmem:s25+$0x7A20] =	vst v10;
	v5 =	vmax.f32 v5, $0.0e+00;
	v3 =	vadd.f32 v7, v3  }
0x180: {  	v7 =	vld [tilespmem:s26+$0x1500];
	[tilespmem:s25+$0x7A30] =	vst v5;
	v4 =	vmax.f32 v4, $0.0e+00;
	v1 =	vadd.f32 v6, v1  }
0x181: {  	v5 =	vld [tilespmem:s26+$0x110];
	[tilespmem:s25+$0x7A40] =	vst v4;
	v3 =	vmax.f32 v3, $0.0e+00  }
0x182: {  	v4 =	vld [tilespmem:s26+$0x1510];
	v2 =	vadd.f32 v13, v2;
	[tilespmem:s25+$0x7A50] =	vst v3;
	v1 =	vmax.f32 v1, $0.0e+00  }
0x183: {  	v3 =	vld [tilespmem:s26+$0x120];
	[tilespmem:s25+$0x7A60] =	vst v1;
	s25 =	smov.u32 s26  }
0x184: {  	v1 =	vld [tilespmem:s25+$0x1520];
	v2 =	vadd.f32 v8, v2  }
0x185: {  	v6 =	vadd.f32 v7, v9;
	v7 =	vld [tilespmem:s25+$0x130]  }
0x186: {  	v8 =	vld [tilespmem:s25+$0x1530];
	v2 =	vmax.f32 v2, $0.0e+00  }
0x187: {  	v10 =	vadd.f32 v4, v5;
	v4 =	vld [tilespmem:s25+$0x140];
	[tilespmem:s25+$0x7A70] =	vst v2  }
0x188: {  	v2 =	vld [tilespmem:s25+$0x1540]  }
0x189: {  	v11 =	vadd.f32 v1, v3;
	v1 =	vld [tilespmem:s25+$0x150]  }
0x18a: {  	v3 =	vld [tilespmem:s25+$0x1550]  }
0x18b: {  	v5 =	vadd.f32 v8, v7;
	v7 =	vld [tilespmem:s25+$0x160]  }
0x18c: {  	v12 =	vld [tilespmem:s25+$0x1560]  }
0x18d: {  	v13 =	vld [tilespmem:s25+$0x2900];
	v4 =	vadd.f32 v2, v4  }
0x18e: {  	v2 =	vld [tilespmem:s25+$0x2910]  }
0x18f: {  	v14 =	vld [tilespmem:s25+$0x2920];
	v3 =	vadd.f32 v3, v1  }
.Ltmp5:
0x190: {  	v9 =	vld [tilespmem:s25+$0x2930];
	(pc) =	sbr.rel @p2 .LBB2_8-.Ltmp5, $4  }
0x191: {  	v8 =	vld [tilespmem:s25+$0x2940];
	v1 =	vadd.f32 v12, v7  }
0x192: {  	v12 =	vadd.f32 v13, v6;
	v7 =	vld [tilespmem:s25+$0x2950]  }
0x193: {  	s26 =	sshra.s32 s28, $0x2;
	v10 =	vadd.f32 v2, v10;
	v6 =	vld [tilespmem:s25+$0x2960]  }
0x194: {  	s28 =	sadd.s32 $0x200, s28;
	v2 =	vld [tilespmem:s26+$0x170];
	v12 =	vmax.f32 v12, $0.0e+00;
	v11 =	vadd.f32 v14, v11  }
0x195: {  	v13 =	vld [tilespmem:s26+$0x1570];
	[tilespmem:s25+$0x7A00] =	vst v12;
	v10 =	vmax.f32 v10, $0.0e+00;
	v5 =	vadd.f32 v9, v5  }
0x196: {  	v12 =	vld [tilespmem:s26+$0x100];
	[tilespmem:s25+$0x7A10] =	vst v10;
	v9 =	vmax.f32 v11, $0.0e+00;
	v4 =	vadd.f32 v8, v4  }
0x197: {  	v10 =	vld [tilespmem:s26+$0x2970];
	[tilespmem:s25+$0x7A20] =	vst v9;
	v5 =	vmax.f32 v5, $0.0e+00;
	v3 =	vadd.f32 v7, v3  }
0x198: {  	v8 =	vld [tilespmem:s26+$0x1500];
	[tilespmem:s25+$0x7A30] =	vst v5;
	v4 =	vmax.f32 v4, $0.0e+00;
	v1 =	vadd.f32 v6, v1  }
0x199: {  	v5 =	vld [tilespmem:s26+$0x110];
	[tilespmem:s25+$0x7A40] =	vst v4;
	v3 =	vmax.f32 v3, $0.0e+00  }
0x19a: {  	v4 =	vld [tilespmem:s26+$0x1510];
	[tilespmem:s25+$0x7A50] =	vst v3;
	v1 =	vmax.f32 v1, $0.0e+00  }
0x19b: {  	v3 =	vld [tilespmem:s26+$0x120];
	[tilespmem:s25+$0x7A60] =	vst v1  }
0x19c: {  	v1 =	vld [tilespmem:s26+$0x1520]  }
0x19d: {  	v6 =	vld [tilespmem:s26+$0x130]  }
0x19e: {  	v2 =	vadd.f32 v13, v2;
	v7 =	vld [tilespmem:s26+$0x1530]  }
0x19f: {  	v9 =	vld [tilespmem:s26+$0x140]  }
0x1a0: {  	v2 =	vadd.f32 v10, v2;
	v10 =	vld [tilespmem:s26+$0x150]  }
0x1a1: {  	v11 =	vld [tilespmem:s26+$0x1550]  }
0x1a2: {  	v13 =	vld [tilespmem:s26+$0x160]  }
0x1a3: {  	v14 =	vld [tilespmem:s26+$0x1560]  }
0x1a4: {  	v15 =	vld [tilespmem:s26+$0x2900]  }
0x1a5: {  	v16 =	vld [tilespmem:s26+$0x2910]  }
0x1a6: {  	v17 =	vld [tilespmem:s26+$0x2920];
	v2 =	vmax.f32 v2, $0.0e+00  }
0x1a7: {  	[tilespmem:s26+$0x7A70] =	vst v2;
	v2 =	vld [tilespmem:s26+$0x1540]  }
0x1a8: {  	v8 =	vadd.f32 v8, v12;
	v12 =	vld [tilespmem:s26+$0x2930]  }
0x1a9: {  	v4 =	vadd.f32 v4, v5;
	v5 =	vld [tilespmem:s26+$0x2940]  }
0x1aa: {  	v1 =	vadd.f32 v1, v3;
	v3 =	vadd.f32 v15, v8;
	v8 =	vld [tilespmem:s26+$0x2950]  }
0x1ab: {  	v6 =	vadd.f32 v7, v6;
	v4 =	vadd.f32 v16, v4;
	v7 =	vld [tilespmem:s26+$0x2960]  }
0x1ac: {  	v3 =	vmax.f32 v3, $0.0e+00;
	v1 =	vadd.f32 v17, v1;
	v2 =	vadd.f32 v2, v9  }
0x1ad: {  	v9 =	vadd.f32 v11, v10;
	[tilespmem:s26+$0x7A00] =	vst v3;
	v3 =	vmax.f32 v4, $0.0e+00;
	v4 =	vadd.f32 v12, v6  }
0x1ae: {  	v6 =	vadd.f32 v14, v13;
	[tilespmem:s26+$0x7A10] =	vst v3;
	v1 =	vmax.f32 v1, $0.0e+00;
	v2 =	vadd.f32 v5, v2  }
0x1af: {  	[tilespmem:s26+$0x7A20] =	vst v1;
	v1 =	vmax.f32 v4, $0.0e+00;
	v3 =	vadd.f32 v8, v9  }
0x1b0: {  	[tilespmem:s26+$0x7A30] =	vst v1;
	v1 =	vmax.f32 v2, $0.0e+00;
	v2 =	vadd.f32 v7, v6  }
0x1b1: {  	[tilespmem:s26+$0x7A40] =	vst v1;
	v1 =	vmax.f32 v3, $0.0e+00  }
0x1b2: {  	[tilespmem:s26+$0x7A50] =	vst v1;
	v1 =	vmax.f32 v2, $0.0e+00  }
0x1b3: {  	s15 =	simm.s32 $0xA200;
	s25 =	simm.s32 @!p0 $0x7;
	[tilespmem:s26+$0x7A60] =	vst v1  }
0x1b4: {  	[spmem:s17] =	stream.indirect.scatter.add.f32 [tilespmem:s11], [sflag:$0xB], $0x80, s15, s16, $0xb8;
	[tilespmem:$0x1E300] =	vst v63  }
0x1b5: {  	_ =	swait.ge @!p0 [sflag:s25], $0x28  }
0x1b6: {  	[sflag:s25] =	ssyncset.done @!p0 $0x0  }
0x1b7: {  	[sflag:s25] =	ssyncadd.s32 @!p0 $0xFFFFFFD8;
	s25 =	simm.s32 @!p0 $0x9  }
0x1b8: {  	_ =	swait.ge @!p0 [sflag:s25], $0x28  }
0x1b9: {  	[sflag:s25] =	ssyncset.done @!p0 $0x0  }
0x1ba: {  	[sflag:s25] =	ssyncadd.s32 @!p0 $0xFFFFFFD8  }
0x1bb: {  	v1 =	vld @!p0 [tilespmem:$0x0]  }
0x1bc: {  	v2 =	vld @!p0 [tilespmem:$0x10]  }
0x1bd: {  	v3 =	vld @!p0 [tilespmem:$0x18];
	_ =	sdelay $0x2  }
0x1be: {  	[tilespmem:$0xA200] =	vst @!p0 v1  }
0x1bf: {  	[tilespmem:$0xA210] =	vst @!p0 v2  }
0x1c0: {  	s28 =	simm.s32 @!p0 $0x100;
	s26 =	simm.s32 @!p0 $0x0;
	s25 =	simm.s32 @!p0 $0x28;
	[tilespmem:$0xA218] =	vst @!p0 v3  }
0x1c1: {  	[tilespmem:s28], [sflag:$0x1] =	stream.indirect.gather @!p0 [hbm4b:s20+s25], $0x80, s26, s25, $0xb8;
	[tilespmem:$0x1E300] =	vst v63  }
0x1c2: {  	s8 =	sshll.u32 @!p0 s8, $0x4;
	s15 =	simm.s32 @!p0 $0x1500;
	s28 =	simm.s32 @!p0 $0x80  }
0x1c3: {  	[tilespmem:s15], [sflag:$0x2] =	stream.indirect.gather @!p0 [hbm4b:s21+s25], $0x80, s28, s25, $0xb8;
	[tilespmem:$0x1E300] =	vst v63  }
0x1c4: {  	s8 =	sadd.s32 @!p0 s22, s8;
	s15 =	simm.s32 @!p0 $0x2900  }
0x1c5: {  	[tilespmem:s15], [sflag:$0x3] =	stream.linear.gather @!p0 [hbm4b:s8+s26], $0x1400, $0x38;
	[tilespmem:$0x1E300] =	vst v63  }
0x1c6: {  	_ =	swait.ge [sflag:s0], $0x1400  }
0x1c7: {  	[sflag:s0] =	ssyncset.done $0x0  }
0x1c8: {  	[sflag:s0] =	ssyncadd.s32 $0xFFFFEC00  }
0x1c9: {  	s8 =	sadd.s32 $0x3, s10;
	_ =	swait.ge [sflag:s2], $0x1400  }
0x1ca: {  	s10 =	smul.u32 @!p0 $0x28, s8;
	[sflag:s2] =	ssyncset.done $0x0  }
0x1cb: {  	[sflag:s2] =	ssyncadd.s32 $0xFFFFEC00  }
0x1cc: {  	s10 =	sadd.s32 @!p0 s6, s10;
	_ =	swait.ge [sflag:s3], $0x1400  }
0x1cd: {  	s10 =	sshrl.u32 @!p0 s10, $0x3;
	[sflag:s3] =	ssyncset.done $0x0  }
0x1ce: {  	s25 =	simm.s32 @!p0 $0x3D00;
	s15 =	sadd.s32 @!p0 s23, s10;
	[sflag:s3] =	ssyncadd.s32 $0xFFFFEC00  }
0x1cf: {  	[tilespmem:s25], [sflag:$0x8] =	stream.linear.gather @!p0 [hbm4b:s15+s26], $0x28, $0x38;
	[tilespmem:$0x1E300] =	vst v63  }
0x1d0: {  	s10 =	sadd.s32 @!p0 s24, s10;
	s15 =	simm.s32 @!p0 $0x3D80  }
0x1d1: {  	[tilespmem:s15], [sflag:$0xA] =	stream.linear.gather @!p0 [hbm4b:s10+s26], $0x28, $0x38;
	[tilespmem:$0x1E300] =	vst v63  }
0x1d2: {  	s10 =	simm.s32 @!p1 $0xC  }
0x1d3: {  	_ =	swait.ge @!p1 [sflag:s10], $0x1400  }
0x1d4: {  	[sflag:s10] =	ssyncset.done @!p1 $0x0  }
0x1d5: {  	[sflag:s10] =	ssyncadd.s32 @!p1 $0xFFFFEC00;
	s10 =	simm.s32 $0x0  }
0x1d6: {  	v1 =	vld [tilespmem:s10+$0x3E70]  }
0x1d7: {  	v2 =	vld [tilespmem:s10+$0x5270]  }
0x1d8: {  	v3 =	vld [tilespmem:s10+$0x3E00]  }
0x1d9: {  	v4 =	vld [tilespmem:s10+$0x6670]  }
0x1da: {  	v5 =	vld [tilespmem:s10+$0x5200]  }
0x1db: {  	v6 =	vld [tilespmem:s10+$0x3E10]  }
0x1dc: {  	v7 =	vld [tilespmem:s10+$0x5210]  }
0x1dd: {  	v8 =	vld [tilespmem:s10+$0x5220]  }
0x1de: {  	v10 =	vld [tilespmem:s10+$0x5230]  }
0x1df: {  	v11 =	vld [tilespmem:s10+$0x3E40]  }
0x1e0: {  	v12 =	vld [tilespmem:s10+$0x3E50]  }
0x1e1: {  	v13 =	vld [tilespmem:s10+$0x5250]  }
0x1e2: {  	v14 =	vld [tilespmem:s10+$0x3E60];
	v1 =	vadd.f32 v2, v1  }
0x1e3: {  	v15 =	vld [tilespmem:s10+$0x5260]  }
0x1e4: {  	v62 =	vld [tilespmem:s10+$0x6600];
	v1 =	vadd.f32 v4, v1  }
0x1e5: {  	v2 =	vld [tilespmem:s10+$0x3E20]  }
0x1e6: {  	v4 =	vld [tilespmem:s10+$0x3E30];
	v1 =	vmax.f32 v1, $0.0e+00  }
0x1e7: {  	[tilespmem:s10+$0x8E70] =	vst v1;
	v1 =	vld [tilespmem:s10+$0x5240]  }
0x1e8: {  	v63 =	vld [tilespmem:s10+$0x6610]  }
0x1e9: {  	v18 =	vld [tilespmem:s10+$0x6620]  }
0x1ea: {  	v9 =	vld [tilespmem:s10+$0x6630];
	v3 =	vadd.f32 v5, v3;
	v19 =	vadd.f32 v7, v6  }
0x1eb: {  	v20 =	vadd.f32 v8, v2;
	v8 =	vld [tilespmem:s10+$0x6640];
	v5 =	vadd.f32 v10, v4  }
0x1ec: {  	v7 =	vld [tilespmem:s10+$0x6650];
	v4 =	vadd.f32 v1, v11;
	v11 =	vadd.f32 v62, v3  }
0x1ed: {  	s25 =	simm.s32 $0x80;
	v6 =	vld [tilespmem:s10+$0x6660];
	v10 =	vadd.f32 v63, v19;
	v3 =	vadd.f32 v13, v12  }
0x1ee: {  	s26 =	simm.s32 $0x400;
	v2 =	vld [tilespmem:s25+$0x3E70];
	v1 =	vadd.f32 v15, v14;
	v12 =	vmax.f32 v11, $0.0e+00;
	v11 =	vadd.f32 v18, v20  }
.LBB2_10:
0x1ef: {  	p1 =	sne.s32 s26, $0x4E00;
	v13 =	vld [tilespmem:s25+$0x5270];
	[tilespmem:s10+$0x8E00] =	vst v12;
	v10 =	vmax.f32 v10, $0.0e+00;
	v5 =	vadd.f32 v9, v5  }
0x1f0: {  	v9 =	vld [tilespmem:s25+$0x3E00];
	[tilespmem:s10+$0x8E10] =	vst v10;
	v10 =	vmax.f32 v11, $0.0e+00;
	v4 =	vadd.f32 v8, v4  }
0x1f1: {  	v8 =	vld [tilespmem:s25+$0x6670];
	[tilespmem:s10+$0x8E20] =	vst v10;
	v5 =	vmax.f32 v5, $0.0e+00;
	v3 =	vadd.f32 v7, v3  }
0x1f2: {  	v7 =	vld [tilespmem:s25+$0x5200];
	[tilespmem:s10+$0x8E30] =	vst v5;
	v4 =	vmax.f32 v4, $0.0e+00;
	v1 =	vadd.f32 v6, v1  }
0x1f3: {  	v5 =	vld [tilespmem:s25+$0x3E10];
	[tilespmem:s10+$0x8E40] =	vst v4;
	v3 =	vmax.f32 v3, $0.0e+00  }
0x1f4: {  	v4 =	vld [tilespmem:s25+$0x5210];
	v2 =	vadd.f32 v13, v2;
	[tilespmem:s10+$0x8E50] =	vst v3;
	v1 =	vmax.f32 v1, $0.0e+00  }
0x1f5: {  	v3 =	vld [tilespmem:s25+$0x3E20];
	[tilespmem:s10+$0x8E60] =	vst v1;
	s10 =	smov.u32 s25  }
0x1f6: {  	v1 =	vld [tilespmem:s10+$0x5220];
	v2 =	vadd.f32 v8, v2  }
0x1f7: {  	v6 =	vadd.f32 v7, v9;
	v7 =	vld [tilespmem:s10+$0x3E30]  }
0x1f8: {  	v8 =	vld [tilespmem:s10+$0x5230];
	v2 =	vmax.f32 v2, $0.0e+00  }
0x1f9: {  	v10 =	vadd.f32 v4, v5;
	v4 =	vld [tilespmem:s10+$0x3E40];
	[tilespmem:s10+$0x8E70] =	vst v2  }
0x1fa: {  	v2 =	vld [tilespmem:s10+$0x5240]  }
0x1fb: {  	v11 =	vadd.f32 v1, v3;
	v1 =	vld [tilespmem:s10+$0x3E50]  }
0x1fc: {  	v3 =	vld [tilespmem:s10+$0x5250]  }
0x1fd: {  	v5 =	vadd.f32 v8, v7;
	v7 =	vld [tilespmem:s10+$0x3E60]  }
0x1fe: {  	v12 =	vld [tilespmem:s10+$0x5260]  }
0x1ff: {  	v13 =	vld [tilespmem:s10+$0x6600];
	v4 =	vadd.f32 v2, v4  }
0x200: {  	v2 =	vld [tilespmem:s10+$0x6610]  }
0x201: {  	v14 =	vld [tilespmem:s10+$0x6620];
	v3 =	vadd.f32 v3, v1  }
.Ltmp6:
0x202: {  	v9 =	vld [tilespmem:s10+$0x6630];
	(pc) =	sbr.rel @p1 .LBB2_10-.Ltmp6, $4  }
0x203: {  	v8 =	vld [tilespmem:s10+$0x6640];
	v1 =	vadd.f32 v12, v7  }
0x204: {  	v12 =	vadd.f32 v13, v6;
	v7 =	vld [tilespmem:s10+$0x6650]  }
0x205: {  	s25 =	sshra.s32 s26, $0x2;
	v10 =	vadd.f32 v2, v10;
	v6 =	vld [tilespmem:s10+$0x6660]  }
0x206: {  	s26 =	sadd.s32 $0x200, s26;
	v2 =	vld [tilespmem:s25+$0x3E70];
	v12 =	vmax.f32 v12, $0.0e+00;
	v11 =	vadd.f32 v14, v11  }
0x207: {  	v13 =	vld [tilespmem:s25+$0x5270];
	[tilespmem:s10+$0x8E00] =	vst v12;
	v10 =	vmax.f32 v10, $0.0e+00;
	v5 =	vadd.f32 v9, v5  }
0x208: {  	v12 =	vld [tilespmem:s25+$0x3E00];
	[tilespmem:s10+$0x8E10] =	vst v10;
	v50 =	vmax.f32 v11, $0.0e+00;
	v4 =	vadd.f32 v8, v4  }
0x209: {  	v10 =	vld [tilespmem:s25+$0x6670];
	[tilespmem:s10+$0x8E20] =	vst v50;
	v5 =	vmax.f32 v5, $0.0e+00;
	v3 =	vadd.f32 v7, v3  }
0x20a: {  	v51 =	vld [tilespmem:s25+$0x5200];
	[tilespmem:s10+$0x8E30] =	vst v5;
	v4 =	vmax.f32 v4, $0.0e+00;
	v1 =	vadd.f32 v6, v1  }
0x20b: {  	v5 =	vld [tilespmem:s25+$0x3E10];
	[tilespmem:s10+$0x8E40] =	vst v4;
	v3 =	vmax.f32 v3, $0.0e+00  }
0x20c: {  	v4 =	vld [tilespmem:s25+$0x5210];
	[tilespmem:s10+$0x8E50] =	vst v3;
	v1 =	vmax.f32 v1, $0.0e+00  }
0x20d: {  	v3 =	vld [tilespmem:s25+$0x3E20];
	[tilespmem:s10+$0x8E60] =	vst v1  }
0x20e: {  	v1 =	vld [tilespmem:s25+$0x5220]  }
0x20f: {  	v52 =	vld [tilespmem:s25+$0x3E30]  }
0x210: {  	v53 =	vld [tilespmem:s25+$0x5230]  }
0x211: {  	v9 =	vld [tilespmem:s25+$0x3E40]  }
0x212: {  	v54 =	vld [tilespmem:s25+$0x3E50]  }
0x213: {  	v55 =	vld [tilespmem:s25+$0x5250]  }
0x214: {  	v2 =	vadd.f32 v13, v2;
	v56 =	vld [tilespmem:s25+$0x3E60]  }
0x215: {  	v14 =	vld [tilespmem:s25+$0x5260]  }
0x216: {  	v2 =	vadd.f32 v10, v2;
	v15 =	vld [tilespmem:s25+$0x6600]  }
0x217: {  	v16 =	vld [tilespmem:s25+$0x6610]  }
0x218: {  	v17 =	vld [tilespmem:s25+$0x6620];
	v2 =	vmax.f32 v2, $0.0e+00  }
0x219: {  	[tilespmem:s25+$0x8E70] =	vst v2;
	v2 =	vld [tilespmem:s25+$0x5240]  }
0x21a: {  	v57 =	vld [tilespmem:s25+$0x6630];
	v8 =	vadd.f32 v51, v12  }
0x21b: {  	v58 =	vld [tilespmem:s25+$0x6640];
	v4 =	vadd.f32 v4, v5  }
0x21c: {  	v59 =	vld [tilespmem:s25+$0x6650];
	v1 =	vadd.f32 v1, v3;
	v3 =	vadd.f32 v15, v8  }
0x21d: {  	v60 =	vld [tilespmem:s25+$0x6660];
	v6 =	vadd.f32 v53, v52;
	v4 =	vadd.f32 v16, v4  }
0x21e: {  	v1 =	vadd.f32 v17, v1;
	v3 =	vmax.f32 v3, $0.0e+00;
	v2 =	vadd.f32 v2, v9  }
0x21f: {  	v61 =	vadd.f32 v55, v54;
	v62 =	vadd.f32 v57, v6;
	[tilespmem:s25+$0x8E00] =	vst v3;
	v3 =	vmax.f32 v4, $0.0e+00  }
0x220: {  	v63 =	vadd.f32 v14, v56;
	[tilespmem:s25+$0x8E10] =	vst v3;
	v1 =	vmax.f32 v1, $0.0e+00;
	v2 =	vadd.f32 v58, v2  }
0x221: {  	v3 =	vadd.f32 v59, v61;
	[tilespmem:s25+$0x8E20] =	vst v1;
	v1 =	vmax.f32 v62, $0.0e+00  }
.Ltmp7:
0x222: {  	[tilespmem:s25+$0x8E30] =	vst v1;
	v1 =	vmax.f32 v2, $0.0e+00;
	v2 =	vadd.f32 v60, v63;
	(pc) =	sbr.rel @p0 .LBB2_13-.Ltmp7, $4  }
0x223: {  	[tilespmem:s25+$0x8E40] =	vst v1;
	v1 =	vmax.f32 v3, $0.0e+00  }
0x224: {  	[tilespmem:s25+$0x8E50] =	vst v1;
	v1 =	vmax.f32 v2, $0.0e+00  }
0x225: {  	[tilespmem:s25+$0x8E60] =	vst v1  }
0x226: {  	[spmem:s17] =	stream.indirect.scatter.add.f32 [tilespmem:s5], [sflag:$0xC], $0x80, s4, s16, $0xb8;
	[tilespmem:$0x1E300] =	vst v63  }
0x227: {  	_ =	swait.ge [sflag:s13], $0x28  }
0x228: {  	[sflag:s13] =	ssyncset.done $0x0  }
0x229: {  	[sflag:s13] =	ssyncadd.s32 $0xFFFFFFD8  }
0x22a: {  	_ =	swait.ge [sflag:s14], $0x28  }
0x22b: {  	[sflag:s14] =	ssyncset.done $0x0  }
0x22c: {  	[sflag:s14] =	ssyncadd.s32 $0xFFFFFFD8  }
0x22d: {  	v1 =	vld [tilespmem:$0x3D00]  }
0x22e: {  	v2 =	vld [tilespmem:$0x3D10]  }
0x22f: {  	v3 =	vld [tilespmem:$0x3D18];
	_ =	sdelay $0x2  }
0x230: {  	[tilespmem:$0xA280] =	vst v1  }
0x231: {  	[tilespmem:$0xA290] =	vst v2  }
0x232: {  	s10 =	simm.s32 $0x3E00;
	s8 =	smul.u32 $0x28, s8;
	[tilespmem:$0xA298] =	vst v3  }
0x233: {  	[tilespmem:s10], [sflag:$0x4] =	stream.indirect.gather [hbm4b:s20+s16], $0x80, s18, s16, $0xb8;
	[tilespmem:$0x1E300] =	vst v63  }
.Ltmp8:
0x234: {  	s8 =	sadd.s32 s6, s8;
	(pc) =	sbr.rel .LBB2_4-.Ltmp8, $4  }
0x235: {  	s26 =	simm.s32 $0x5200;
	s8 =	sshll.u32 s8, $0x4  }
0x236: {  	[tilespmem:s26], [sflag:$0x5] =	stream.indirect.gather [hbm4b:s21+s16], $0x80, s19, s16, $0xb8;
	[tilespmem:$0x1E300] =	vst v63  }
0x237: {  	s28 =	simm.s32 $0x6600;
	s9 =	sadd.s32 $0x1, s9;
	s8 =	sadd.s32 s22, s8  }
0x238: {  	[tilespmem:s28], [sflag:$0x6] =	stream.linear.gather [hbm4b:s8+s1], $0x1400, $0x38;
	[tilespmem:$0x1E300] =	vst v63  }
.LBB2_14:
0x239: {  	_ =	sfence.sel $0x180000  }
0x23a: {  	[bflag:$0x0] =	sbarrier.arrive $0xFFFF  }
0x23b: {  	_ =	strace $0x9000004D  }
0x23c: {  	s0 =	stileid.u32;
	[bflag:$0x2] =	sbarrier.arrive $0xFFFF  }
0x23d: {  	p0 =	sne.s32 s0, $0x0;
	s0 =	rddreg [dreg:$0x2]  }
0x23e: {  	s0 =	sadd.s32 @!p0 $0x100000, s0  }
0x23f: {  	[sflag:s0] =	ssyncadd.tile.s32 @!p0 $0x1;
	_ =	shalt  }
.Lfunc_end2:
_tile_overlayer_lowered:
.L_overlay_start_2:
0x240: {  	(tag) =	ssettag $0x2  }
0x241: {  	s0 =	rddreg [dreg:$0x0];
	s2 =	stileid.u32  }
0x242: {  	s1 =	rddreg [dreg:$0x1];
	p0 =	sne.s32 s2, $0x0  }
0x243: {  	s3 =	rddreg [dreg:$0x2];
	[bflag:$0x3] =	sbarrier.arrive $0xFFFF;
	s2 =	simm.s32 @!p0 $0x1C0D  }
0x244: {  	[timem:s3], [sflag:s2] =	dma.local @!p0 [hbm:s0], s1  }
0x245: {  	s0 =	simm.s32 @!p0 $0xD  }
0x246: {  	_ =	swait.ge @!p0 [sflag:s0], s1  }
0x247: {  	s1 =	ssub.s32 @!p0 $0x0, s1;
	[sflag:s0] =	ssyncset.done @!p0 $0x0  }
0x248: {  	[sflag:s0] =	ssyncadd.s32 @!p0 s1  }
0x249: {  	[bflag:$0x3] =	sbarrier.arrive $0xFFFF  }
0x24a: {  	_ =	shalt  }

</sc_bundles>
